<compile_context>
chip_gen: v7x
topology: tpu7x:2x2x1
jax: 0.10.2.dev20260603
libtpu: 0.0.44.dev20260713+nightly
codegen_flags: <defaults>
</compile_context>

<pallas_src>
import dataclasses
import functools

import jax
import jax.numpy as jnp
from jax.experimental import pallas as pl
from jax.experimental.pallas import tpu as pltpu
from jax.experimental.pallas import tpu_sc as plsc

P_TGT = 64
K_SEL = 8
N_SEL = P_TGT * K_SEL
LANES = 16
ROWS_PER_BLOCK = 8


def _sc_gather(y2, idx_flat):
    n_rows, d = y2.shape
    mesh = plsc.VectorSubcoreMesh(
        core_axis_name="c", subcore_axis_name="s", num_cores=2, num_subcores=16
    )

    cp = pltpu.CompilerParams(use_tc_tiling_on_sc=True)
    if "needs_layout_passes" in pltpu.CompilerParams.__dataclass_fields__:
        cp = dataclasses.replace(cp, needs_layout_passes=False)

    @functools.partial(
        pl.kernel,
        out_type=jax.ShapeDtypeStruct((n_rows, N_SEL), jnp.float32),
        mesh=mesh,
        scratch_types=[pltpu.VMEM((N_SEL,), jnp.int32)],
        compiler_params=cp,
    )
    def k(y_hbm, idx_hbm, out_hbm, idx_v):
        pltpu.sync_copy(idx_hbm, idx_v)

        def body(in_v, out_v):
            for j in range(N_SEL // LANES):
                idx_j = idx_v[pl.ds(j * LANES, LANES)]
                for r in range(ROWS_PER_BLOCK):
                    row_sel = plsc.load_gather(
                        in_v, [jnp.full((LANES,), r, jnp.int32), idx_j]
                    )
                    out_v[r, pl.ds(j * LANES, LANES)] = row_sel

        pltpu.emit_pipeline(
            body,
            grid=(n_rows // ROWS_PER_BLOCK,),
            in_specs=[pl.BlockSpec((ROWS_PER_BLOCK, d), lambda i: (i, 0))],
            out_specs=[pl.BlockSpec((ROWS_PER_BLOCK, N_SEL), lambda i: (i, 0))],
            core_axis_name=("c", "s"),
            dimension_semantics=(pltpu.PARALLEL,),
        )(y_hbm, out_hbm)

    return k(y2, idx_flat)


def kernel(y, src_idx):
    B, T, D = y.shape
    y2 = y.reshape(B * T, D)
    idx_flat = src_idx.reshape(-1).astype(jnp.int32)
    out = _sc_gather(y2, idx_flat)
    return out.reshape(B, T, P_TGT, K_SEL)

# --- scband reference (transcript-rebuilt; emitter-appended) ---
"""Pipeline reference for scband-synapse-graph-26843545600401 (READ-ONLY COPY).

The authoritative reference and input builder live on the scoring server;
editing this copy changes nothing except your own understanding.
"""

import jax, jax.numpy as jnp
import numpy as np

P_TARGET = 64
K = 8
D_MODEL = 2048

def _make_src_idx():
    # Deterministic pattern matching init_kwargs: src_idx[p, k] = 32*p + 4*k
    p = jnp.arange(P_TARGET, dtype=jnp.int32)[:, None]
    k = jnp.arange(K, dtype=jnp.int32)[None, :]
    return p * 32 + k * 4

def setup_inputs(seed: int = 0) -> dict:
    key = jax.random.key(seed)
    y = jax.random.normal(key, (4, 2048, D_MODEL), dtype=jnp.float32)
    src_idx = _make_src_idx()
    return {"y": y, "src_idx": src_idx}

def reference(y, src_idx):
    B, T, D = y.shape
    y_flat = y.reshape(B * T, D)
    idx = src_idx.reshape(-1)
    gathered = jnp.take(y_flat, idx, axis=1)
    return gathered.reshape(B, T, P_TARGET, K)

if __name__ == "__main__":
    import jax
    _d = setup_inputs()
    print(jax.jit(kernel)(*tuple(_d.values())))

</pallas_src>

<mosaic_0001>
#map = affine_map<(d0, d1) -> (0, 0)>
#map1 = affine_map<(d0, d1) -> (0)>
module attributes {stable_mosaic.version = 14 : i64} {
  func.func @k(%arg0: i32, %arg1: i32, %arg2: memref<8192x2048xf32, #tpu.memory_space<hbm>>, %arg3: memref<512xi32, #tpu.memory_space<hbm>>, %arg4: memref<8192x512xf32, #tpu.memory_space<hbm>>, %arg5: memref<512xi32, #tpu.memory_space<vmem>>) attributes {dimension_semantics = [#tpu.dimension_semantics<core_parallel>, #tpu.dimension_semantics<subcore_parallel>], iteration_bounds = array<i64: 2, 16>, scalar_prefetch = 0 : i64, scratch_operands = 1 : i64, tpu.core_type = #tpu.core_type<sc_vector_subcore>, window_params = [{transform_indices = #map}, {transform_indices = #map1}, {transform_indices = #map}]} {
    "tpu.region"() ({
      %run_scoped3A = tpu.sem_alloc : memref<!tpu.dma_semaphore, #tpu.memory_space<semaphore_mem>>
      tpu.enqueue_dma source(%arg3 : memref<512xi32, #tpu.memory_space<hbm>>) target(%arg5 : memref<512xi32, #tpu.memory_space<vmem>>) target_semaphore(%run_scoped3A : memref<!tpu.dma_semaphore, #tpu.memory_space<semaphore_mem>>)
      tpu.wait_dma2 semaphore(%run_scoped3A : memref<!tpu.dma_semaphore, #tpu.memory_space<semaphore_mem>>) src(%arg3 : memref<512xi32, #tpu.memory_space<hbm>>) dst(%arg5 : memref<512xi32, #tpu.memory_space<vmem>>)
      tpu.yield
    }) : () -> ()
    %mul3A = arith.constant 1 : i32
    %mul3A_0 = arith.muli %arg1, %mul3A : i32
    %add3A = arith.constant 0 : i32
    %add3A_1 = arith.addi %add3A, %mul3A_0 : i32
    %mul3A_2 = arith.constant 16 : i32
    %mul3A_3 = arith.muli %arg0, %mul3A_2 : i32
    %add3A_4 = arith.addi %add3A_1, %mul3A_3 : i32
    %mul3A_5 = arith.constant 32 : i32
    %mul3A_6 = arith.muli %add3A_4, %mul3A_5 : i32
    "tpu.region"() ({
      %run_scoped3A = memref.alloca() : memref<2x8x2048xf32, #tpu.memory_space<vmem>>
      %run_scoped3A_7 = tpu.sem_alloc : memref<2x!tpu.dma_semaphore, #tpu.memory_space<semaphore_mem>>
      %run_scoped3A_8 = memref.alloca() : memref<2x8x512xf32, #tpu.memory_space<vmem>>
      %run_scoped3A_9 = tpu.sem_alloc : memref<2x!tpu.dma_semaphore, #tpu.memory_space<semaphore_mem>>
      %add3A_10 = arith.constant 0 : i32
      %add3A_11 = arith.addi %add3A_10, %mul3A_6 : i32
      %select_n3A = arith.constant true
      %select_n3A_12 = arith.constant 0 : i32
      %select_n3A_13 = arith.constant -1 : i32
      %select_n3A_14 = arith.select %select_n3A, %select_n3A_13, %select_n3A_12 : i32
      %eq3A = arith.constant -1 : i32
      %eq3A_15 = arith.cmpi eq, %select_n3A_14, %eq3A : i32
      %select_n3A_16 = arith.constant 31 : i32
      %select_n3A_17 = arith.select %eq3A_15, %select_n3A_16, %select_n3A_14 : i32
      %add3A_18 = arith.addi %select_n3A_17, %mul3A_6 : i32
      %select_n3A_19 = arith.constant true
      %select_n3A_20 = arith.constant 0 : i32
      %select_n3A_21 = arith.constant 1 : i32
      %select_n3A_22 = arith.select %select_n3A_19, %select_n3A_21, %select_n3A_20 : i32
      %eq3A_23 = arith.constant 32 : i32
      %eq3A_24 = arith.cmpi eq, %select_n3A_22, %eq3A_23 : i32
      %select_n3A_25 = arith.constant 0 : i32
      %select_n3A_26 = arith.select %eq3A_24, %select_n3A_25, %select_n3A_22 : i32
      %add3A_27 = arith.addi %select_n3A_26, %mul3A_6 : i32
      %add3A_28 = arith.constant 1 : i32
      %add3A_29 = arith.addi %select_n3A_26, %add3A_28 : i32
      %select_n3A_30 = arith.constant true
      %select_n3A_31 = arith.select %select_n3A_30, %add3A_29, %select_n3A_26 : i32
      %eq3A_32 = arith.constant 32 : i32
      %eq3A_33 = arith.cmpi eq, %select_n3A_31, %eq3A_32 : i32
      %select_n3A_34 = arith.constant 0 : i32
      %select_n3A_35 = arith.select %eq3A_33, %select_n3A_34, %select_n3A_31 : i32
      %add3A_36 = arith.addi %select_n3A_35, %mul3A_6 : i32
      "tpu.trace_start"() <{level = 10 : i32, message = "ep_initialize_0"}> : () -> ()
      %rem3A = arith.constant 0 : i32
      %rem3A_37 = arith.constant 2 : i32
      %rem3A_38 = arith.remui %rem3A, %rem3A_37 : i32
      %mul3A_39 = arith.constant 8 : i32
      %mul3A_40 = arith.muli %mul3A_39, %add3A_11 : i32
      %dma_start3A = arith.constant 0 : i32
      %dma_start3A_41 = arith.constant 0 : i32
      %dma_start3A_42 = tpu.memref_slice %run_scoped3A[%rem3A_38, %dma_start3A, %dma_start3A_41] : memref<2x8x2048xf32, #tpu.memory_space<vmem>> -> memref<1x8x2048xf32, #tpu.memory_space<vmem>>
      %dma_start3A_43 = tpu.memref_squeeze %dma_start3A_42 : memref<1x8x2048xf32, #tpu.memory_space<vmem>> -> memref<8x2048xf32, #tpu.memory_space<vmem>>
      %dma_start3A_44 = arith.constant 0 : i32
      %dma_start3A_45 = tpu.memref_slice %arg2[%mul3A_40, %dma_start3A_44] : memref<8192x2048xf32, #tpu.memory_space<hbm>> -> memref<8x2048xf32, #tpu.memory_space<hbm>>
      %dma_start3A_46 = tpu.memref_slice %run_scoped3A_7[%rem3A_38] : memref<2x!tpu.dma_semaphore, #tpu.memory_space<semaphore_mem>> -> memref<1x!tpu.dma_semaphore, #tpu.memory_space<semaphore_mem>>
      %dma_start3A_47 = tpu.memref_squeeze %dma_start3A_46 : memref<1x!tpu.dma_semaphore, #tpu.memory_space<semaphore_mem>> -> memref<!tpu.dma_semaphore, #tpu.memory_space<semaphore_mem>>
      %dma_start3A_48 = arith.constant 0 : i32
      %dma_start3A_49 = arith.constant 0 : i32
      %dma_start3A_50 = tpu.memref_slice %run_scoped3A[%rem3A_38, %dma_start3A_48, %dma_start3A_49] : memref<2x8x2048xf32, #tpu.memory_space<vmem>> -> memref<1x8x2048xf32, #tpu.memory_space<vmem>>
      %dma_start3A_51 = tpu.memref_squeeze %dma_start3A_50 : memref<1x8x2048xf32, #tpu.memory_space<vmem>> -> memref<8x2048xf32, #tpu.memory_space<vmem>>
      %dma_start3A_52 = arith.constant 0 : i32
      %dma_start3A_53 = tpu.memref_slice %arg2[%mul3A_40, %dma_start3A_52] : memref<8192x2048xf32, #tpu.memory_space<hbm>> -> memref<8x2048xf32, #tpu.memory_space<hbm>>
      tpu.enqueue_dma source(%dma_start3A_53 : memref<8x2048xf32, #tpu.memory_space<hbm>>) target(%dma_start3A_51 : memref<8x2048xf32, #tpu.memory_space<vmem>>) target_semaphore(%dma_start3A_47 : memref<!tpu.dma_semaphore, #tpu.memory_space<semaphore_mem>>)
      %add3A_54 = arith.constant 0 : i32
      %add3A_55 = arith.constant 1 : i32
      %add3A_56 = arith.addi %add3A_54, %add3A_55 : i32
      %select_n3A_57 = arith.constant true
      %select_n3A_58 = arith.constant 0 : i32
      %select_n3A_59 = arith.select %select_n3A_57, %add3A_56, %select_n3A_58 : i32
      "tpu.trace_stop"() : () -> ()
      %scan3A = arith.constant 0 : i32
      %scan3A_60 = arith.constant 0 : i32
      %scan3A_61 = arith.constant 0 : i32
      %scan3A_62 = arith.constant 0 : i32
      %scan3A_63 = arith.constant 0 : i32
      %scan3A_64 = arith.constant 32 : i32
      %scan3A_65 = arith.addi %scan3A_63, %scan3A_64 : i32
      %scan3A_66 = arith.constant 1 : i32
      %scan3A_67:5 = scf.for %scan3A_121 = %scan3A_63 to %scan3A_65 step %scan3A_66 iter_args(%scan3A_122 = %select_n3A_59, %scan3A_123 = %scan3A, %scan3A_124 = %scan3A_60, %scan3A_125 = %scan3A_61, %scan3A_126 = %scan3A_62) -> (i32, i32, i32, i32, i32)  : i32 {
        %eq3A_127 = arith.constant 0 : i32
        %eq3A_128 = arith.cmpi eq, %scan3A_121, %eq3A_127 : i32
        %eq3A_129 = arith.constant 31 : i32
        %eq3A_130 = arith.cmpi eq, %scan3A_121, %eq3A_129 : i32
        %add3A_131 = arith.addi %scan3A_126, %mul3A_6 : i32
        %sub3A_132 = arith.constant 1 : i32
        %sub3A_133 = arith.subi %scan3A_126, %sub3A_132 : i32
        %select_n3A_134 = arith.constant true
        %select_n3A_135 = arith.select %select_n3A_134, %sub3A_133, %scan3A_126 : i32
        %eq3A_136 = arith.constant -1 : i32
        %eq3A_137 = arith.cmpi eq, %select_n3A_135, %eq3A_136 : i32
        %select_n3A_138 = arith.constant 31 : i32
        %select_n3A_139 = arith.select %eq3A_137, %select_n3A_138, %select_n3A_135 : i32
        %add3A_140 = arith.addi %select_n3A_139, %mul3A_6 : i32
        %add3A_141 = arith.constant 1 : i32
        %add3A_142 = arith.addi %scan3A_126, %add3A_141 : i32
        %select_n3A_143 = arith.constant true
        %select_n3A_144 = arith.select %select_n3A_143, %add3A_142, %scan3A_126 : i32
        %eq3A_145 = arith.constant 32 : i32
        %eq3A_146 = arith.cmpi eq, %select_n3A_144, %eq3A_145 : i32
        %select_n3A_147 = arith.constant 0 : i32
        %select_n3A_148 = arith.select %eq3A_146, %select_n3A_147, %select_n3A_144 : i32
        %add3A_149 = arith.addi %select_n3A_148, %mul3A_6 : i32
        %add3A_150 = arith.constant 1 : i32
        %add3A_151 = arith.addi %select_n3A_148, %add3A_150 : i32
        %select_n3A_152 = arith.constant true
        %select_n3A_153 = arith.select %select_n3A_152, %add3A_151, %select_n3A_148 : i32
        %eq3A_154 = arith.constant 32 : i32
        %eq3A_155 = arith.cmpi eq, %select_n3A_153, %eq3A_154 : i32
        %select_n3A_156 = arith.constant 0 : i32
        %select_n3A_157 = arith.select %eq3A_155, %select_n3A_156, %select_n3A_153 : i32
        %add3A_158 = arith.addi %select_n3A_157, %mul3A_6 : i32
        %ne3A = arith.cmpi ne, %add3A_131, %add3A_149 : i32
        %or3A = arith.constant false
        %or3A_159 = arith.ori %or3A, %ne3A : i1
        %or3A_160 = arith.constant false
        %or3A_161 = arith.ori %or3A_159, %or3A_160 : i1
        %ge3A = arith.constant 31 : i32
        %ge3A_162 = arith.cmpi sge, %scan3A_121, %ge3A : i32
        %not3A = arith.constant true
        %not3A_163 = arith.xori %ge3A_162, %not3A : i1
        %and3A = arith.andi %or3A_161, %not3A_163 : i1
        %convert_element_type3A = arith.extui %and3A : i1 to i32
        %cond3A = arith.constant 0 : i32
        %cond3A_164 = arith.cmpi ne, %convert_element_type3A, %cond3A : i32
        scf.if %cond3A_164 {
          "tpu.trace_start"() <{level = 10 : i32, message = "ep_copy_in"}> : () -> ()
          %rem3A_4173 = arith.constant 2 : i32
          %rem3A_4174 = arith.remui %scan3A_122, %rem3A_4173 : i32
          %mul3A_4175 = arith.constant 8 : i32
          %mul3A_4176 = arith.muli %mul3A_4175, %add3A_149 : i32
          %dma_start3A_4177 = arith.constant 0 : i32
          %dma_start3A_4178 = arith.constant 0 : i32
          %dma_start3A_4179 = tpu.memref_slice %run_scoped3A[%rem3A_4174, %dma_start3A_4177, %dma_start3A_4178] : memref<2x8x2048xf32, #tpu.memory_space<vmem>> -> memref<1x8x2048xf32, #tpu.memory_space<vmem>>
          %dma_start3A_4180 = tpu.memref_squeeze %dma_start3A_4179 : memref<1x8x2048xf32, #tpu.memory_space<vmem>> -> memref<8x2048xf32, #tpu.memory_space<vmem>>
          %dma_start3A_4181 = arith.constant 0 : i32
          %dma_start3A_4182 = tpu.memref_slice %arg2[%mul3A_4176, %dma_start3A_4181] : memref<8192x2048xf32, #tpu.memory_space<hbm>> -> memref<8x2048xf32, #tpu.memory_space<hbm>>
          %dma_start3A_4183 = tpu.memref_slice %run_scoped3A_7[%rem3A_4174] : memref<2x!tpu.dma_semaphore, #tpu.memory_space<semaphore_mem>> -> memref<1x!tpu.dma_semaphore, #tpu.memory_space<semaphore_mem>>
          %dma_start3A_4184 = tpu.memref_squeeze %dma_start3A_4183 : memref<1x!tpu.dma_semaphore, #tpu.memory_space<semaphore_mem>> -> memref<!tpu.dma_semaphore, #tpu.memory_space<semaphore_mem>>
          %dma_start3A_4185 = arith.constant 0 : i32
          %dma_start3A_4186 = arith.constant 0 : i32
          %dma_start3A_4187 = tpu.memref_slice %run_scoped3A[%rem3A_4174, %dma_start3A_4185, %dma_start3A_4186] : memref<2x8x2048xf32, #tpu.memory_space<vmem>> -> memref<1x8x2048xf32, #tpu.memory_space<vmem>>
          %dma_start3A_4188 = tpu.memref_squeeze %dma_start3A_4187 : memref<1x8x2048xf32, #tpu.memory_space<vmem>> -> memref<8x2048xf32, #tpu.memory_space<vmem>>
          %dma_start3A_4189 = arith.constant 0 : i32
          %dma_start3A_4190 = tpu.memref_slice %arg2[%mul3A_4176, %dma_start3A_4189] : memref<8192x2048xf32, #tpu.memory_space<hbm>> -> memref<8x2048xf32, #tpu.memory_space<hbm>>
          tpu.enqueue_dma source(%dma_start3A_4190 : memref<8x2048xf32, #tpu.memory_space<hbm>>) target(%dma_start3A_4188 : memref<8x2048xf32, #tpu.memory_space<vmem>>) target_semaphore(%dma_start3A_4184 : memref<!tpu.dma_semaphore, #tpu.memory_space<semaphore_mem>>)
          "tpu.trace_stop"() : () -> ()
        } else {
        }
        %and3A_165 = arith.constant true
        %and3A_166 = arith.andi %and3A, %and3A_165 : i1
        %add3A_167 = arith.constant 1 : i32
        %add3A_168 = arith.addi %scan3A_122, %add3A_167 : i32
        %select_n3A_169 = arith.select %and3A_166, %add3A_168, %scan3A_122 : i32
        %ne3A_170 = arith.cmpi ne, %add3A_131, %add3A_149 : i32
        %or3A_171 = arith.constant false
        %or3A_172 = arith.ori %or3A_171, %ne3A_170 : i1
        %or3A_173 = arith.constant false
        %or3A_174 = arith.ori %or3A_172, %or3A_173 : i1
        %ge3A_175 = arith.constant 31 : i32
        %ge3A_176 = arith.cmpi sge, %scan3A_121, %ge3A_175 : i32
        %not3A_177 = arith.constant true
        %not3A_178 = arith.xori %ge3A_176, %not3A_177 : i1
        %and3A_179 = arith.andi %or3A_174, %not3A_178 : i1
        %ne3A_180 = arith.cmpi ne, %add3A_131, %add3A_140 : i32
        %or3A_181 = arith.constant false
        %or3A_182 = arith.ori %or3A_181, %ne3A_180 : i1
        %or3A_183 = arith.constant false
        %or3A_184 = arith.ori %or3A_182, %or3A_183 : i1
        %or3A_185 = arith.ori %or3A_184, %eq3A_128 : i1
        %convert_element_type3A_186 = arith.extui %or3A_185 : i1 to i32
        %cond3A_187 = arith.constant 0 : i32
        %cond3A_188 = arith.cmpi ne, %convert_element_type3A_186, %cond3A_187 : i32
        scf.if %cond3A_188 {
          "tpu.trace_start"() <{level = 10 : i32, message = "ep_wait_in"}> : () -> ()
          %mul3A_4173 = arith.constant 8 : i32
          %mul3A_4174 = arith.muli %mul3A_4173, %add3A_131 : i32
          %rem3A_4175 = arith.constant 2 : i32
          %rem3A_4176 = arith.remui %scan3A_123, %rem3A_4175 : i32
          %dma_wait3A_4177 = arith.constant 0 : i32
          %dma_wait3A_4178 = arith.constant 0 : i32
          %dma_wait3A_4179 = tpu.memref_slice %run_scoped3A[%rem3A_4176, %dma_wait3A_4177, %dma_wait3A_4178] : memref<2x8x2048xf32, #tpu.memory_space<vmem>> -> memref<1x8x2048xf32, #tpu.memory_space<vmem>>
          %dma_wait3A_4180 = tpu.memref_squeeze %dma_wait3A_4179 : memref<1x8x2048xf32, #tpu.memory_space<vmem>> -> memref<8x2048xf32, #tpu.memory_space<vmem>>
          %dma_wait3A_4181 = arith.constant 0 : i32
          %dma_wait3A_4182 = tpu.memref_slice %arg2[%mul3A_4174, %dma_wait3A_4181] : memref<8192x2048xf32, #tpu.memory_space<hbm>> -> memref<8x2048xf32, #tpu.memory_space<hbm>>
          %dma_wait3A_4183 = tpu.memref_slice %run_scoped3A_7[%rem3A_4176] : memref<2x!tpu.dma_semaphore, #tpu.memory_space<semaphore_mem>> -> memref<1x!tpu.dma_semaphore, #tpu.memory_space<semaphore_mem>>
          %dma_wait3A_4184 = tpu.memref_squeeze %dma_wait3A_4183 : memref<1x!tpu.dma_semaphore, #tpu.memory_space<semaphore_mem>> -> memref<!tpu.dma_semaphore, #tpu.memory_space<semaphore_mem>>
          %dma_wait3A_4185 = arith.constant 0 : i32
          %dma_wait3A_4186 = arith.constant 0 : i32
          %dma_wait3A_4187 = tpu.memref_slice %run_scoped3A[%rem3A_4176, %dma_wait3A_4185, %dma_wait3A_4186] : memref<2x8x2048xf32, #tpu.memory_space<vmem>> -> memref<1x8x2048xf32, #tpu.memory_space<vmem>>
          %dma_wait3A_4188 = tpu.memref_squeeze %dma_wait3A_4187 : memref<1x8x2048xf32, #tpu.memory_space<vmem>> -> memref<8x2048xf32, #tpu.memory_space<vmem>>
          %dma_wait3A_4189 = arith.constant 0 : i32
          %dma_wait3A_4190 = tpu.memref_slice %arg2[%mul3A_4174, %dma_wait3A_4189] : memref<8192x2048xf32, #tpu.memory_space<hbm>> -> memref<8x2048xf32, #tpu.memory_space<hbm>>
          tpu.wait_dma2 semaphore(%dma_wait3A_4184 : memref<!tpu.dma_semaphore, #tpu.memory_space<semaphore_mem>>) src(%dma_wait3A_4190 : memref<8x2048xf32, #tpu.memory_space<hbm>>) dst(%dma_wait3A_4188 : memref<8x2048xf32, #tpu.memory_space<vmem>>)
          "tpu.trace_stop"() : () -> ()
        } else {
        }
        %ne3A_189 = arith.cmpi ne, %add3A_131, %add3A_140 : i32
        %or3A_190 = arith.constant false
        %or3A_191 = arith.ori %or3A_190, %ne3A_189 : i1
        %or3A_192 = arith.constant false
        %or3A_193 = arith.ori %or3A_191, %or3A_192 : i1
        %or3A_194 = arith.ori %or3A_193, %eq3A_128 : i1
        %convert_element_type3A_195 = arith.extui %or3A_194 : i1 to i32
        %cond3A_196 = arith.constant 0 : i32
        %cond3A_197 = arith.cmpi ne, %convert_element_type3A_195, %cond3A_196 : i32
        scf.if %cond3A_197 {
        } else {
        }
        %rem3A_198 = arith.constant 2 : i32
        %rem3A_199 = arith.remui %scan3A_123, %rem3A_198 : i32
        %rem3A_200 = arith.constant 2 : i32
        %rem3A_201 = arith.remui %scan3A_124, %rem3A_200 : i32
        "tpu.trace_start"() <{level = 10 : i32, message = "ep_run_kernel"}> : () -> ()
        %get3A = arith.constant 0 : index
        %get3A_202 = tpu.vector_load %arg5[%get3A] {strides = array<i32>} : memref<512xi32, #tpu.memory_space<vmem>>, vector<16xi32>,
        %broadcast_in_dim3A = arith.constant 0 : i32
        %broadcast_in_dim3A_203 = vector.broadcast %broadcast_in_dim3A : i32 to vector<16xi32>
        %gather3A = arith.constant 0 : i32
        %gather3A_204 = arith.constant 0 : i32
        %gather3A_205 = tpu.memref_slice %run_scoped3A[%rem3A_199, %gather3A, %gather3A_204] : memref<2x8x2048xf32, #tpu.memory_space<vmem>> -> memref<1x8x2048xf32, #tpu.memory_space<vmem>>
        %gather3A_206 = tpu.memref_squeeze %gather3A_205 : memref<1x8x2048xf32, #tpu.memory_space<vmem>> -> memref<8x2048xf32, #tpu.memory_space<vmem>>
        %gather3A_207 = tpu.vector_load_idx %gather3A_206[%broadcast_in_dim3A_203, %get3A_202] : memref<8x2048xf32, #tpu.memory_space<vmem>>[vector<16xi32>, vector<16xi32>], vector<16xf32>,
        %swap3A = arith.constant 0 : i32
        %swap3A_208 = arith.constant 0 : i32
        %swap3A_209 = arith.constant 0 : i32
        %swap3A_210 = tpu.memref_slice %run_scoped3A_8[%rem3A_201, %swap3A_208, %swap3A_209] : memref<2x8x512xf32, #tpu.memory_space<vmem>> -> memref<1x8x512xf32, #tpu.memory_space<vmem>>
        %swap3A_211 = tpu.memref_squeeze %swap3A_210 : memref<1x8x512xf32, #tpu.memory_space<vmem>> -> memref<8x512xf32, #tpu.memory_space<vmem>>
        %swap3A_212 = arith.index_cast %swap3A : i32 to index
        %swap3A_213 = arith.constant 0 : index
        %swap3A_214 = tpu.vector_load %swap3A_211[%swap3A_212, %swap3A_213] {strides = array<i32>} : memref<8x512xf32, #tpu.memory_space<vmem>>, vector<16xf32>,
        tpu.vector_store %swap3A_211[%swap3A_212, %swap3A_213], %gather3A_207 {strides = array<i32>} : memref<8x512xf32, #tpu.memory_space<vmem>>, vector<16xf32>,
        %broadcast_in_dim3A_215 = arith.constant 1 : i32
        %broadcast_in_dim3A_216 = vector.broadcast %broadcast_in_dim3A_215 : i32 to vector<16xi32>
        %gather3A_217 = arith.constant 0 : i32
        %gather3A_218 = arith.constant 0 : i32
        %gather3A_219 = tpu.memref_slice %run_scoped3A[%rem3A_199, %gather3A_217, %gather3A_218] : memref<2x8x2048xf32, #tpu.memory_space<vmem>> -> memref<1x8x2048xf32, #tpu.memory_space<vmem>>
        %gather3A_220 = tpu.memref_squeeze %gather3A_219 : memref<1x8x2048xf32, #tpu.memory_space<vmem>> -> memref<8x2048xf32, #tpu.memory_space<vmem>>
        %gather3A_221 = tpu.vector_load_idx %gather3A_220[%broadcast_in_dim3A_216, %get3A_202] : memref<8x2048xf32, #tpu.memory_space<vmem>>[vector<16xi32>, vector<16xi32>], vector<16xf32>,
        %swap3A_222 = arith.constant 1 : i32
        %swap3A_223 = arith.constant 0 : i32
        %swap3A_224 = arith.constant 0 : i32
        %swap3A_225 = tpu.memref_slice %run_scoped3A_8[%rem3A_201, %swap3A_223, %swap3A_224] : memref<2x8x512xf32, #tpu.memory_space<vmem>> -> memref<1x8x512xf32, #tpu.memory_space<vmem>>
        %swap3A_226 = tpu.memref_squeeze %swap3A_225 : memref<1x8x512xf32, #tpu.memory_space<vmem>> -> memref<8x512xf32, #tpu.memory_space<vmem>>
        %swap3A_227 = arith.index_cast %swap3A_222 : i32 to index
        %swap3A_228 = arith.constant 0 : index
        %swap3A_229 = tpu.vector_load %swap3A_226[%swap3A_227, %swap3A_228] {strides = array<i32>} : memref<8x512xf32, #tpu.memory_space<vmem>>, vector<16xf32>,
        tpu.vector_store %swap3A_226[%swap3A_227, %swap3A_228], %gather3A_221 {strides = array<i32>} : memref<8x512xf32, #tpu.memory_space<vmem>>, vector<16xf32>,
        %broadcast_in_dim3A_230 = arith.constant 2 : i32
        %broadcast_in_dim3A_231 = vector.broadcast %broadcast_in_dim3A_230 : i32 to vector<16xi32>
        %gather3A_232 = arith.constant 0 : i32
        %gather3A_233 = arith.constant 0 : i32
        %gather3A_234 = tpu.memref_slice %run_scoped3A[%rem3A_199, %gather3A_232, %gather3A_233] : memref<2x8x2048xf32, #tpu.memory_space<vmem>> -> memref<1x8x2048xf32, #tpu.memory_space<vmem>>
        %gather3A_235 = tpu.memref_squeeze %gather3A_234 : memref<1x8x2048xf32, #tpu.memory_space<vmem>> -> memref<8x2048xf32, #tpu.memory_space<vmem>>
        %gather3A_236 = tpu.vector_load_idx %gather3A_235[%broadcast_in_dim3A_231, %get3A_202] : memref<8x2048xf32, #tpu.memory_space<vmem>>[vector<16xi32>, vector<16xi32>], vector<16xf32>,
        %swap3A_237 = arith.constant 2 : i32
        %swap3A_238 = arith.constant 0 : i32
        %swap3A_239 = arith.constant 0 : i32
        %swap3A_240 = tpu.memref_slice %run_scoped3A_8[%rem3A_201, %swap3A_238, %swap3A_239] : memref<2x8x512xf32, #tpu.memory_space<vmem>> -> memref<1x8x512xf32, #tpu.memory_space<vmem>>
        %swap3A_241 = tpu.memref_squeeze %swap3A_240 : memref<1x8x512xf32, #tpu.memory_space<vmem>> -> memref<8x512xf32, #tpu.memory_space<vmem>>
        %swap3A_242 = arith.index_cast %swap3A_237 : i32 to index
        %swap3A_243 = arith.constant 0 : index
        %swap3A_244 = tpu.vector_load %swap3A_241[%swap3A_242, %swap3A_243] {strides = array<i32>} : memref<8x512xf32, #tpu.memory_space<vmem>>, vector<16xf32>,
        tpu.vector_store %swap3A_241[%swap3A_242, %swap3A_243], %gather3A_236 {strides = array<i32>} : memref<8x512xf32, #tpu.memory_space<vmem>>, vector<16xf32>,
        %broadcast_in_dim3A_245 = arith.constant 3 : i32
        %broadcast_in_dim3A_246 = vector.broadcast %broadcast_in_dim3A_245 : i32 to vector<16xi32>
        %gather3A_247 = arith.constant 0 : i32
        %gather3A_248 = arith.constant 0 : i32
        %gather3A_249 = tpu.memref_slice %run_scoped3A[%rem3A_199, %gather3A_247, %gather3A_248] : memref<2x8x2048xf32, #tpu.memory_space<vmem>> -> memref<1x8x2048xf32, #tpu.memory_space<vmem>>
        %gather3A_250 = tpu.memref_squeeze %gather3A_249 : memref<1x8x2048xf32, #tpu.memory_space<vmem>> -> memref<8x2048xf32, #tpu.memory_space<vmem>>
        %gather3A_251 = tpu.vector_load_idx %gather3A_250[%broadcast_in_dim3A_246, %get3A_202] : memref<8x2048xf32, #tpu.memory_space<vmem>>[vector<16xi32>, vector<16xi32>], vector<16xf32>,
        %swap3A_252 = arith.constant 3 : i32
        %swap3A_253 = arith.constant 0 : i32
        %swap3A_254 = arith.constant 0 : i32
        %swap3A_255 = tpu.memref_slice %run_scoped3A_8[%rem3A_201, %swap3A_253, %swap3A_254] : memref<2x8x512xf32, #tpu.memory_space<vmem>> -> memref<1x8x512xf32, #tpu.memory_space<vmem>>
        %swap3A_256 = tpu.memref_squeeze %swap3A_255 : memref<1x8x512xf32, #tpu.memory_space<vmem>> -> memref<8x512xf32, #tpu.memory_space<vmem>>
        %swap3A_257 = arith.index_cast %swap3A_252 : i32 to index
        %swap3A_258 = arith.constant 0 : index
        %swap3A_259 = tpu.vector_load %swap3A_256[%swap3A_257, %swap3A_258] {strides = array<i32>} : memref<8x512xf32, #tpu.memory_space<vmem>>, vector<16xf32>,
        tpu.vector_store %swap3A_256[%swap3A_257, %swap3A_258], %gather3A_251 {strides = array<i32>} : memref<8x512xf32, #tpu.memory_space<vmem>>, vector<16xf32>,
        %broadcast_in_dim3A_260 = arith.constant 4 : i32
        %broadcast_in_dim3A_261 = vector.broadcast %broadcast_in_dim3A_260 : i32 to vector<16xi32>
        %gather3A_262 = arith.constant 0 : i32
        %gather3A_263 = arith.constant 0 : i32
        %gather3A_264 = tpu.memref_slice %run_scoped3A[%rem3A_199, %gather3A_262, %gather3A_263] : memref<2x8x2048xf32, #tpu.memory_space<vmem>> -> memref<1x8x2048xf32, #tpu.memory_space<vmem>>
        %gather3A_265 = tpu.memref_squeeze %gather3A_264 : memref<1x8x2048xf32, #tpu.memory_space<vmem>> -> memref<8x2048xf32, #tpu.memory_space<vmem>>
        %gather3A_266 = tpu.vector_load_idx %gather3A_265[%broadcast_in_dim3A_261, %get3A_202] : memref<8x2048xf32, #tpu.memory_space<vmem>>[vector<16xi32>, vector<16xi32>], vector<16xf32>,
        %swap3A_267 = arith.constant 4 : i32
        %swap3A_268 = arith.constant 0 : i32
        %swap3A_269 = arith.constant 0 : i32
        %swap3A_270 = tpu.memref_slice %run_scoped3A_8[%rem3A_201, %swap3A_268, %swap3A_269] : memref<2x8x512xf32, #tpu.memory_space<vmem>> -> memref<1x8x512xf32, #tpu.memory_space<vmem>>
        %swap3A_271 = tpu.memref_squeeze %swap3A_270 : memref<1x8x512xf32, #tpu.memory_space<vmem>> -> memref<8x512xf32, #tpu.memory_space<vmem>>
        %swap3A_272 = arith.index_cast %swap3A_267 : i32 to index
        %swap3A_273 = arith.constant 0 : index
        %swap3A_274 = tpu.vector_load %swap3A_271[%swap3A_272, %swap3A_273] {strides = array<i32>} : memref<8x512xf32, #tpu.memory_space<vmem>>, vector<16xf32>,
        tpu.vector_store %swap3A_271[%swap3A_272, %swap3A_273], %gather3A_266 {strides = array<i32>} : memref<8x512xf32, #tpu.memory_space<vmem>>, vector<16xf32>,
        %broadcast_in_dim3A_275 = arith.constant 5 : i32
        %broadcast_in_dim3A_276 = vector.broadcast %broadcast_in_dim3A_275 : i32 to vector<16xi32>
        %gather3A_277 = arith.constant 0 : i32
        %gather3A_278 = arith.constant 0 : i32
        %gather3A_279 = tpu.memref_slice %run_scoped3A[%rem3A_199, %gather3A_277, %gather3A_278] : memref<2x8x2048xf32, #tpu.memory_space<vmem>> -> memref<1x8x2048xf32, #tpu.memory_space<vmem>>
        %gather3A_280 = tpu.memref_squeeze %gather3A_279 : memref<1x8x2048xf32, #tpu.memory_space<vmem>> -> memref<8x2048xf32, #tpu.memory_space<vmem>>
        %gather3A_281 = tpu.vector_load_idx %gather3A_280[%broadcast_in_dim3A_276, %get3A_202] : memref<8x2048xf32, #tpu.memory_space<vmem>>[vector<16xi32>, vector<16xi32>], vector<16xf32>,
        %swap3A_282 = arith.constant 5 : i32
        %swap3A_283 = arith.constant 0 : i32
        %swap3A_284 = arith.constant 0 : i32
        %swap3A_285 = tpu.memref_slice %run_scoped3A_8[%rem3A_201, %swap3A_283, %swap3A_284] : memref<2x8x512xf32, #tpu.memory_space<vmem>> -> memref<1x8x512xf32, #tpu.memory_space<vmem>>
        %swap3A_286 = tpu.memref_squeeze %swap3A_285 : memref<1x8x512xf32, #tpu.memory_space<vmem>> -> memref<8x512xf32, #tpu.memory_space<vmem>>
        %swap3A_287 = arith.index_cast %swap3A_282 : i32 to index
        %swap3A_288 = arith.constant 0 : index
        %swap3A_289 = tpu.vector_load %swap3A_286[%swap3A_287, %swap3A_288] {strides = array<i32>} : memref<8x512xf32, #tpu.memory_space<vmem>>, vector<16xf32>,
        tpu.vector_store %swap3A_286[%swap3A_287, %swap3A_288], %gather3A_281 {strides = array<i32>} : memref<8x512xf32, #tpu.memory_space<vmem>>, vector<16xf32>,
        %broadcast_in_dim3A_290 = arith.constant 6 : i32
        %broadcast_in_dim3A_291 = vector.broadcast %broadcast_in_dim3A_290 : i32 to vector<16xi32>
        %gather3A_292 = arith.constant 0 : i32
        %gather3A_293 = arith.constant 0 : i32
        %gather3A_294 = tpu.memref_slice %run_scoped3A[%rem3A_199, %gather3A_292, %gather3A_293] : memref<2x8x2048xf32, #tpu.memory_space<vmem>> -> memref<1x8x2048xf32, #tpu.memory_space<vmem>>
        %gather3A_295 = tpu.memref_squeeze %gather3A_294 : memref<1x8x2048xf32, #tpu.memory_space<vmem>> -> memref<8x2048xf32, #tpu.memory_space<vmem>>
        %gather3A_296 = tpu.vector_load_idx %gather3A_295[%broadcast_in_dim3A_291, %get3A_202] : memref<8x2048xf32, #tpu.memory_space<vmem>>[vector<16xi32>, vector<16xi32>], vector<16xf32>,
        %swap3A_297 = arith.constant 6 : i32
        %swap3A_298 = arith.constant 0 : i32
        %swap3A_299 = arith.constant 0 : i32
        %swap3A_300 = tpu.memref_slice %run_scoped3A_8[%rem3A_201, %swap3A_298, %swap3A_299] : memref<2x8x512xf32, #tpu.memory_space<vmem>> -> memref<1x8x512xf32, #tpu.memory_space<vmem>>
        %swap3A_301 = tpu.memref_squeeze %swap3A_300 : memref<1x8x512xf32, #tpu.memory_space<vmem>> -> memref<8x512xf32, #tpu.memory_space<vmem>>
        %swap3A_302 = arith.index_cast %swap3A_297 : i32 to index
        %swap3A_303 = arith.constant 0 : index
        %swap3A_304 = tpu.vector_load %swap3A_301[%swap3A_302, %swap3A_303] {strides = array<i32>} : memref<8x512xf32, #tpu.memory_space<vmem>>, vector<16xf32>,
        tpu.vector_store %swap3A_301[%swap3A_302, %swap3A_303], %gather3A_296 {strides = array<i32>} : memref<8x512xf32, #tpu.memory_space<vmem>>, vector<16xf32>,
        %broadcast_in_dim3A_305 = arith.constant 7 : i32
        %broadcast_in_dim3A_306 = vector.broadcast %broadcast_in_dim3A_305 : i32 to vector<16xi32>
        %gather3A_307 = arith.constant 0 : i32
        %gather3A_308 = arith.constant 0 : i32
        %gather3A_309 = tpu.memref_slice %run_scoped3A[%rem3A_199, %gather3A_307, %gather3A_308] : memref<2x8x2048xf32, #tpu.memory_space<vmem>> -> memref<1x8x2048xf32, #tpu.memory_space<vmem>>
        %gather3A_310 = tpu.memref_squeeze %gather3A_309 : memref<1x8x2048xf32, #tpu.memory_space<vmem>> -> memref<8x2048xf32, #tpu.memory_space<vmem>>
        %gather3A_311 = tpu.vector_load_idx %gather3A_310[%broadcast_in_dim3A_306, %get3A_202] : memref<8x2048xf32, #tpu.memory_space<vmem>>[vector<16xi32>, vector<16xi32>], vector<16xf32>,
        %swap3A_312 = arith.constant 7 : i32
        %swap3A_313 = arith.constant 0 : i32
        %swap3A_314 = arith.constant 0 : i32
        %swap3A_315 = tpu.memref_slice %run_scoped3A_8[%rem3A_201, %swap3A_313, %swap3A_314] : memref<2x8x512xf32, #tpu.memory_space<vmem>> -> memref<1x8x512xf32, #tpu.memory_space<vmem>>
        %swap3A_316 = tpu.memref_squeeze %swap3A_315 : memref<1x8x512xf32, #tpu.memory_space<vmem>> -> memref<8x512xf32, #tpu.memory_space<vmem>>
        %swap3A_317 = arith.index_cast %swap3A_312 : i32 to index
        %swap3A_318 = arith.constant 0 : index
        %swap3A_319 = tpu.vector_load %swap3A_316[%swap3A_317, %swap3A_318] {strides = array<i32>} : memref<8x512xf32, #tpu.memory_space<vmem>>, vector<16xf32>,
        tpu.vector_store %swap3A_316[%swap3A_317, %swap3A_318], %gather3A_311 {strides = array<i32>} : memref<8x512xf32, #tpu.memory_space<vmem>>, vector<16xf32>,
        %get3A_320 = arith.constant 16 : index
        %get3A_321 = tpu.vector_load %arg5[%get3A_320] {strides = array<i32>} : memref<512xi32, #tpu.memory_space<vmem>>, vector<16xi32>,
        %broadcast_in_dim3A_322 = arith.constant 0 : i32
        %broadcast_in_dim3A_323 = vector.broadcast %broadcast_in_dim3A_322 : i32 to vector<16xi32>
        %gather3A_324 = arith.constant 0 : i32
        %gather3A_325 = arith.constant 0 : i32
        %gather3A_326 = tpu.memref_slice %run_scoped3A[%rem3A_199, %gather3A_324, %gather3A_325] : memref<2x8x2048xf32, #tpu.memory_space<vmem>> -> memref<1x8x2048xf32, #tpu.memory_space<vmem>>
        %gather3A_327 = tpu.memref_squeeze %gather3A_326 : memref<1x8x2048xf32, #tpu.memory_space<vmem>> -> memref<8x2048xf32, #tpu.memory_space<vmem>>
        %gather3A_328 = tpu.vector_load_idx %gather3A_327[%broadcast_in_dim3A_323, %get3A_321] : memref<8x2048xf32, #tpu.memory_space<vmem>>[vector<16xi32>, vector<16xi32>], vector<16xf32>,
        %swap3A_329 = arith.constant 0 : i32
        %swap3A_330 = arith.constant 0 : i32
        %swap3A_331 = arith.constant 0 : i32
        %swap3A_332 = tpu.memref_slice %run_scoped3A_8[%rem3A_201, %swap3A_330, %swap3A_331] : memref<2x8x512xf32, #tpu.memory_space<vmem>> -> memref<1x8x512xf32, #tpu.memory_space<vmem>>
        %swap3A_333 = tpu.memref_squeeze %swap3A_332 : memref<1x8x512xf32, #tpu.memory_space<vmem>> -> memref<8x512xf32, #tpu.memory_space<vmem>>
        %swap3A_334 = arith.index_cast %swap3A_329 : i32 to index
        %swap3A_335 = arith.constant 16 : index
        %swap3A_336 = tpu.vector_load %swap3A_333[%swap3A_334, %swap3A_335] {strides = array<i32>} : memref<8x512xf32, #tpu.memory_space<vmem>>, vector<16xf32>,
        tpu.vector_store %swap3A_333[%swap3A_334, %swap3A_335], %gather3A_328 {strides = array<i32>} : memref<8x512xf32, #tpu.memory_space<vmem>>, vector<16xf32>,
        %broadcast_in_dim3A_337 = arith.constant 1 : i32
        %broadcast_in_dim3A_338 = vector.broadcast %broadcast_in_dim3A_337 : i32 to vector<16xi32>
        %gather3A_339 = arith.constant 0 : i32
        %gather3A_340 = arith.constant 0 : i32
        %gather3A_341 = tpu.memref_slice %run_scoped3A[%rem3A_199, %gather3A_339, %gather3A_340] : memref<2x8x2048xf32, #tpu.memory_space<vmem>> -> memref<1x8x2048xf32, #tpu.memory_space<vmem>>
        %gather3A_342 = tpu.memref_squeeze %gather3A_341 : memref<1x8x2048xf32, #tpu.memory_space<vmem>> -> memref<8x2048xf32, #tpu.memory_space<vmem>>
        %gather3A_343 = tpu.vector_load_idx %gather3A_342[%broadcast_in_dim3A_338, %get3A_321] : memref<8x2048xf32, #tpu.memory_space<vmem>>[vector<16xi32>, vector<16xi32>], vector<16xf32>,
        %swap3A_344 = arith.constant 1 : i32
        %swap3A_345 = arith.constant 0 : i32
        %swap3A_346 = arith.constant 0 : i32
        %swap3A_347 = tpu.memref_slice %run_scoped3A_8[%rem3A_201, %swap3A_345, %swap3A_346] : memref<2x8x512xf32, #tpu.memory_space<vmem>> -> memref<1x8x512xf32, #tpu.memory_space<vmem>>
        %swap3A_348 = tpu.memref_squeeze %swap3A_347 : memref<1x8x512xf32, #tpu.memory_space<vmem>> -> memref<8x512xf32, #tpu.memory_space<vmem>>
        %swap3A_349 = arith.index_cast %swap3A_344 : i32 to index
        %swap3A_350 = arith.constant 16 : index
        %swap3A_351 = tpu.vector_load %swap3A_348[%swap3A_349, %swap3A_350] {strides = array<i32>} : memref<8x512xf32, #tpu.memory_space<vmem>>, vector<16xf32>,
        tpu.vector_store %swap3A_348[%swap3A_349, %swap3A_350], %gather3A_343 {strides = array<i32>} : memref<8x512xf32, #tpu.memory_space<vmem>>, vector<16xf32>,
        %broadcast_in_dim3A_352 = arith.constant 2 : i32
        %broadcast_in_dim3A_353 = vector.broadcast %broadcast_in_dim3A_352 : i32 to vector<16xi32>
        %gather3A_354 = arith.constant 0 : i32
        %gather3A_355 = arith.constant 0 : i32
        %gather3A_356 = tpu.memref_slice %run_scoped3A[%rem3A_199, %gather3A_354, %gather3A_355] : memref<2x8x2048xf32, #tpu.memory_space<vmem>> -> memref<1x8x2048xf32, #tpu.memory_space<vmem>>
        %gather3A_357 = tpu.memref_squeeze %gather3A_356 : memref<1x8x2048xf32, #tpu.memory_space<vmem>> -> memref<8x2048xf32, #tpu.memory_space<vmem>>
        %gather3A_358 = tpu.vector_load_idx %gather3A_357[%broadcast_in_dim3A_353, %get3A_321] : memref<8x2048xf32, #tpu.memory_space<vmem>>[vector<16xi32>, vector<16xi32>], vector<16xf32>,
        %swap3A_359 = arith.constant 2 : i32
        %swap3A_360 = arith.constant 0 : i32
        %swap3A_361 = arith.constant 0 : i32
        %swap3A_362 = tpu.memref_slice %run_scoped3A_8[%rem3A_201, %swap3A_360, %swap3A_361] : memref<2x8x512xf32, #tpu.memory_space<vmem>> -> memref<1x8x512xf32, #tpu.memory_space<vmem>>
        %swap3A_363 = tpu.memref_squeeze %swap3A_362 : memref<1x8x512xf32, #tpu.memory_space<vmem>> -> memref<8x512xf32, #tpu.memory_space<vmem>>
        %swap3A_364 = arith.index_cast %swap3A_359 : i32 to index
        %swap3A_365 = arith.constant 16 : index
        %swap3A_366 = tpu.vector_load %swap3A_363[%swap3A_364, %swap3A_365] {strides = array<i32>} : memref<8x512xf32, #tpu.memory_space<vmem>>, vector<16xf32>,
        tpu.vector_store %swap3A_363[%swap3A_364, %swap3A_365], %gather3A_358 {strides = array<i32>} : memref<8x512xf32, #tpu.memory_space<vmem>>, vector<16xf32>,
        %broadcast_in_dim3A_367 = arith.constant 3 : i32
        %broadcast_in_dim3A_368 = vector.broadcast %broadcast_in_dim3A_367 : i32 to vector<16xi32>
        %gather3A_369 = arith.constant 0 : i32
        %gather3A_370 = arith.constant 0 : i32
        %gather3A_371 = tpu.memref_slice %run_scoped3A[%rem3A_199, %gather3A_369, %gather3A_370] : memref<2x8x2048xf32, #tpu.memory_space<vmem>> -> memref<1x8x2048xf32, #tpu.memory_space<vmem>>
        %gather3A_372 = tpu.memref_squeeze %gather3A_371 : memref<1x8x2048xf32, #tpu.memory_space<vmem>> -> memref<8x2048xf32, #tpu.memory_space<vmem>>
        %gather3A_373 = tpu.vector_load_idx %gather3A_372[%broadcast_in_dim3A_368, %get3A_321] : memref<8x2048xf32, #tpu.memory_space<vmem>>[vector<16xi32>, vector<16xi32>], vector<16xf32>,
        %swap3A_374 = arith.constant 3 : i32
        %swap3A_375 = arith.constant 0 : i32
        %swap3A_376 = arith.constant 0 : i32
        %swap3A_377 = tpu.memref_slice %run_scoped3A_8[%rem3A_201, %swap3A_375, %swap3A_376] : memref<2x8x512xf32, #tpu.memory_space<vmem>> -> memref<1x8x512xf32, #tpu.memory_space<vmem>>
        %swap3A_378 = tpu.memref_squeeze %swap3A_377 : memref<1x8x512xf32, #tpu.memory_space<vmem>> -> memref<8x512xf32, #tpu.memory_space<vmem>>
        %swap3A_379 = arith.index_cast %swap3A_374 : i32 to index
        %swap3A_380 = arith.constant 16 : index
        %swap3A_381 = tpu.vector_load %swap3A_378[%swap3A_379, %swap3A_380] {strides = array<i32>} : memref<8x512xf32, #tpu.memory_space<vmem>>, vector<16xf32>,
        tpu.vector_store %swap3A_378[%swap3A_379, %swap3A_380], %gather3A_373 {strides = array<i32>} : memref<8x512xf32, #tpu.memory_space<vmem>>, vector<16xf32>,
        %broadcast_in_dim3A_382 = arith.constant 4 : i32
        %broadcast_in_dim3A_383 = vector.broadcast %broadcast_in_dim3A_382 : i32 to vector<16xi32>
        %gather3A_384 = arith.constant 0 : i32
        %gather3A_385 = arith.constant 0 : i32
        %gather3A_386 = tpu.memref_slice %run_scoped3A[%rem3A_199, %gather3A_384, %gather3A_385] : memref<2x8x2048xf32, #tpu.memory_space<vmem>> -> memref<1x8x2048xf32, #tpu.memory_space<vmem>>
        %gather3A_387 = tpu.memref_squeeze %gather3A_386 : memref<1x8x2048xf32, #tpu.memory_space<vmem>> -> memref<8x2048xf32, #tpu.memory_space<vmem>>
        %gather3A_388 = tpu.vector_load_idx %gather3A_387[%broadcast_in_dim3A_383, %get3A_321] : memref<8x2048xf32, #tpu.memory_space<vmem>>[vector<16xi32>, vector<16xi32>], vector<16xf32>,
        %swap3A_389 = arith.constant 4 : i32
        %swap3A_390 = arith.constant 0 : i32
        %swap3A_391 = arith.constant 0 : i32
        %swap3A_392 = tpu.memref_slice %run_scoped3A_8[%rem3A_201, %swap3A_390, %swap3A_391] : memref<2x8x512xf32, #tpu.memory_space<vmem>> -> memref<1x8x512xf32, #tpu.memory_space<vmem>>
        %swap3A_393 = tpu.memref_squeeze %swap3A_392 : memref<1x8x512xf32, #tpu.memory_space<vmem>> -> memref<8x512xf32, #tpu.memory_space<vmem>>
        %swap3A_394 = arith.index_cast %swap3A_389 : i32 to index
        %swap3A_395 = arith.constant 16 : index
        %swap3A_396 = tpu.vector_load %swap3A_393[%swap3A_394, %swap3A_395] {strides = array<i32>} : memref<8x512xf32, #tpu.memory_space<vmem>>, vector<16xf32>,
        tpu.vector_store %swap3A_393[%swap3A_394, %swap3A_395], %gather3A_388 {strides = array<i32>} : memref<8x512xf32, #tpu.memory_space<vmem>>, vector<16xf32>,
        %broadcast_in_dim3A_397 = arith.constant 5 : i32
        %broadcast_in_dim3A_398 = vector.broadcast %broadcast_in_dim3A_397 : i32 to vector<16xi32>
        %gather3A_399 = arith.constant 0 : i32
        %gather3A_400 = arith.constant 0 : i32
        %gather3A_401 = tpu.memref_slice %run_scoped3A[%rem3A_199, %gather3A_399, %gather3A_400] : memref<2x8x2048xf32, #tpu.memory_space<vmem>> -> memref<1x8x2048xf32, #tpu.memory_space<vmem>>
        %gather3A_402 = tpu.memref_squeeze %gather3A_401 : memref<1x8x2048xf32, #tpu.memory_space<vmem>> -> memref<8x2048xf32, #tpu.memory_space<vmem>>
        %gather3A_403 = tpu.vector_load_idx %gather3A_402[%broadcast_in_dim3A_398, %get3A_321] : memref<8x2048xf32, #tpu.memory_space<vmem>>[vector<16xi32>, vector<16xi32>], vector<16xf32>,
        %swap3A_404 = arith.constant 5 : i32
        %swap3A_405 = arith.constant 0 : i32
        %swap3A_406 = arith.constant 0 : i32
        %swap3A_407 = tpu.memref_slice %run_scoped3A_8[%rem3A_201, %swap3A_405, %swap3A_406] : memref<2x8x512xf32, #tpu.memory_space<vmem>> -> memref<1x8x512xf32, #tpu.memory_space<vmem>>
        %swap3A_408 = tpu.memref_squeeze %swap3A_407 : memref<1x8x512xf32, #tpu.memory_space<vmem>> -> memref<8x512xf32, #tpu.memory_space<vmem>>
        %swap3A_409 = arith.index_cast %swap3A_404 : i32 to index
        %swap3A_410 = arith.constant 16 : index
        %swap3A_411 = tpu.vector_load %swap3A_408[%swap3A_409, %swap3A_410] {strides = array<i32>} : memref<8x512xf32, #tpu.memory_space<vmem>>, vector<16xf32>,
        tpu.vector_store %swap3A_408[%swap3A_409, %swap3A_410], %gather3A_403 {strides = array<i32>} : memref<8x512xf32, #tpu.memory_space<vmem>>, vector<16xf32>,
        %broadcast_in_dim3A_412 = arith.constant 6 : i32
        %broadcast_in_dim3A_413 = vector.broadcast %broadcast_in_dim3A_412 : i32 to vector<16xi32>
        %gather3A_414 = arith.constant 0 : i32
        %gather3A_415 = arith.constant 0 : i32
        %gather3A_416 = tpu.memref_slice %run_scoped3A[%rem3A_199, %gather3A_414, %gather3A_415] : memref<2x8x2048xf32, #tpu.memory_space<vmem>> -> memref<1x8x2048xf32, #tpu.memory_space<vmem>>
        %gather3A_417 = tpu.memref_squeeze %gather3A_416 : memref<1x8x2048xf32, #tpu.memory_space<vmem>> -> memref<8x2048xf32, #tpu.memory_space<vmem>>
        %gather3A_418 = tpu.vector_load_idx %gather3A_417[%broadcast_in_dim3A_413, %get3A_321] : memref<8x2048xf32, #tpu.memory_space<vmem>>[vector<16xi32>, vector<16xi32>], vector<16xf32>,
        %swap3A_419 = arith.constant 6 : i32
        %swap3A_420 = arith.constant 0 : i32
        %swap3A_421 = arith.constant 0 : i32
        %swap3A_422 = tpu.memref_slice %run_scoped3A_8[%rem3A_201, %swap3A_420, %swap3A_421] : memref<2x8x512xf32, #tpu.memory_space<vmem>> -> memref<1x8x512xf32, #tpu.memory_space<vmem>>
        %swap3A_423 = tpu.memref_squeeze %swap3A_422 : memref<1x8x512xf32, #tpu.memory_space<vmem>> -> memref<8x512xf32, #tpu.memory_space<vmem>>
        %swap3A_424 = arith.index_cast %swap3A_419 : i32 to index
        %swap3A_425 = arith.constant 16 : index
        %swap3A_426 = tpu.vector_load %swap3A_423[%swap3A_424, %swap3A_425] {strides = array<i32>} : memref<8x512xf32, #tpu.memory_space<vmem>>, vector<16xf32>,
        tpu.vector_store %swap3A_423[%swap3A_424, %swap3A_425], %gather3A_418 {strides = array<i32>} : memref<8x512xf32, #tpu.memory_space<vmem>>, vector<16xf32>,
        %broadcast_in_dim3A_427 = arith.constant 7 : i32
        %broadcast_in_dim3A_428 = vector.broadcast %broadcast_in_dim3A_427 : i32 to vector<16xi32>
        %gather3A_429 = arith.constant 0 : i32
        %gather3A_430 = arith.constant 0 : i32
        %gather3A_431 = tpu.memref_slice %run_scoped3A[%rem3A_199, %gather3A_429, %gather3A_430] : memref<2x8x2048xf32, #tpu.memory_space<vmem>> -> memref<1x8x2048xf32, #tpu.memory_space<vmem>>
        %gather3A_432 = tpu.memref_squeeze %gather3A_431 : memref<1x8x2048xf32, #tpu.memory_space<vmem>> -> memref<8x2048xf32, #tpu.memory_space<vmem>>
        %gather3A_433 = tpu.vector_load_idx %gather3A_432[%broadcast_in_dim3A_428, %get3A_321] : memref<8x2048xf32, #tpu.memory_space<vmem>>[vector<16xi32>, vector<16xi32>], vector<16xf32>,
        %swap3A_434 = arith.constant 7 : i32
        %swap3A_435 = arith.constant 0 : i32
        %swap3A_436 = arith.constant 0 : i32
        %swap3A_437 = tpu.memref_slice %run_scoped3A_8[%rem3A_201, %swap3A_435, %swap3A_436] : memref<2x8x512xf32, #tpu.memory_space<vmem>> -> memref<1x8x512xf32, #tpu.memory_space<vmem>>
        %swap3A_438 = tpu.memref_squeeze %swap3A_437 : memref<1x8x512xf32, #tpu.memory_space<vmem>> -> memref<8x512xf32, #tpu.memory_space<vmem>>
        %swap3A_439 = arith.index_cast %swap3A_434 : i32 to index
        %swap3A_440 = arith.constant 16 : index
        %swap3A_441 = tpu.vector_load %swap3A_438[%swap3A_439, %swap3A_440] {strides = array<i32>} : memref<8x512xf32, #tpu.memory_space<vmem>>, vector<16xf32>,
        tpu.vector_store %swap3A_438[%swap3A_439, %swap3A_440], %gather3A_433 {strides = array<i32>} : memref<8x512xf32, #tpu.memory_space<vmem>>, vector<16xf32>,
        %get3A_442 = arith.constant 32 : index
        %get3A_443 = tpu.vector_load %arg5[%get3A_442] {strides = array<i32>} : memref<512xi32, #tpu.memory_space<vmem>>, vector<16xi32>,
        %broadcast_in_dim3A_444 = arith.constant 0 : i32
        %broadcast_in_dim3A_445 = vector.broadcast %broadcast_in_dim3A_444 : i32 to vector<16xi32>
        %gather3A_446 = arith.constant 0 : i32
        %gather3A_447 = arith.constant 0 : i32
        %gather3A_448 = tpu.memref_slice %run_scoped3A[%rem3A_199, %gather3A_446, %gather3A_447] : memref<2x8x2048xf32, #tpu.memory_space<vmem>> -> memref<1x8x2048xf32, #tpu.memory_space<vmem>>
        %gather3A_449 = tpu.memref_squeeze %gather3A_448 : memref<1x8x2048xf32, #tpu.memory_space<vmem>> -> memref<8x2048xf32, #tpu.memory_space<vmem>>
        %gather3A_450 = tpu.vector_load_idx %gather3A_449[%broadcast_in_dim3A_445, %get3A_443] : memref<8x2048xf32, #tpu.memory_space<vmem>>[vector<16xi32>, vector<16xi32>], vector<16xf32>,
        %swap3A_451 = arith.constant 0 : i32
        %swap3A_452 = arith.constant 0 : i32
        %swap3A_453 = arith.constant 0 : i32
        %swap3A_454 = tpu.memref_slice %run_scoped3A_8[%rem3A_201, %swap3A_452, %swap3A_453] : memref<2x8x512xf32, #tpu.memory_space<vmem>> -> memref<1x8x512xf32, #tpu.memory_space<vmem>>
        %swap3A_455 = tpu.memref_squeeze %swap3A_454 : memref<1x8x512xf32, #tpu.memory_space<vmem>> -> memref<8x512xf32, #tpu.memory_space<vmem>>
        %swap3A_456 = arith.index_cast %swap3A_451 : i32 to index
        %swap3A_457 = arith.constant 32 : index
        %swap3A_458 = tpu.vector_load %swap3A_455[%swap3A_456, %swap3A_457] {strides = array<i32>} : memref<8x512xf32, #tpu.memory_space<vmem>>, vector<16xf32>,
        tpu.vector_store %swap3A_455[%swap3A_456, %swap3A_457], %gather3A_450 {strides = array<i32>} : memref<8x512xf32, #tpu.memory_space<vmem>>, vector<16xf32>,
        %broadcast_in_dim3A_459 = arith.constant 1 : i32
        %broadcast_in_dim3A_460 = vector.broadcast %broadcast_in_dim3A_459 : i32 to vector<16xi32>
        %gather3A_461 = arith.constant 0 : i32
        %gather3A_462 = arith.constant 0 : i32
        %gather3A_463 = tpu.memref_slice %run_scoped3A[%rem3A_199, %gather3A_461, %gather3A_462] : memref<2x8x2048xf32, #tpu.memory_space<vmem>> -> memref<1x8x2048xf32, #tpu.memory_space<vmem>>
        %gather3A_464 = tpu.memref_squeeze %gather3A_463 : memref<1x8x2048xf32, #tpu.memory_space<vmem>> -> memref<8x2048xf32, #tpu.memory_space<vmem>>
        %gather3A_465 = tpu.vector_load_idx %gather3A_464[%broadcast_in_dim3A_460, %get3A_443] : memref<8x2048xf32, #tpu.memory_space<vmem>>[vector<16xi32>, vector<16xi32>], vector<16xf32>,
        %swap3A_466 = arith.constant 1 : i32
        %swap3A_467 = arith.constant 0 : i32
        %swap3A_468 = arith.constant 0 : i32
        %swap3A_469 = tpu.memref_slice %run_scoped3A_8[%rem3A_201, %swap3A_467, %swap3A_468] : memref<2x8x512xf32, #tpu.memory_space<vmem>> -> memref<1x8x512xf32, #tpu.memory_space<vmem>>
        %swap3A_470 = tpu.memref_squeeze %swap3A_469 : memref<1x8x512xf32, #tpu.memory_space<vmem>> -> memref<8x512xf32, #tpu.memory_space<vmem>>
        %swap3A_471 = arith.index_cast %swap3A_466 : i32 to index
        %swap3A_472 = arith.constant 32 : index
        %swap3A_473 = tpu.vector_load %swap3A_470[%swap3A_471, %swap3A_472] {strides = array<i32>} : memref<8x512xf32, #tpu.memory_space<vmem>>, vector<16xf32>,
        tpu.vector_store %swap3A_470[%swap3A_471, %swap3A_472], %gather3A_465 {strides = array<i32>} : memref<8x512xf32, #tpu.memory_space<vmem>>, vector<16xf32>,
        %broadcast_in_dim3A_474 = arith.constant 2 : i32
        %broadcast_in_dim3A_475 = vector.broadcast %broadcast_in_dim3A_474 : i32 to vector<16xi32>
        %gather3A_476 = arith.constant 0 : i32
        %gather3A_477 = arith.constant 0 : i32
        %gather3A_478 = tpu.memref_slice %run_scoped3A[%rem3A_199, %gather3A_476, %gather3A_477] : memref<2x8x2048xf32, #tpu.memory_space<vmem>> -> memref<1x8x2048xf32, #tpu.memory_space<vmem>>
        %gather3A_479 = tpu.memref_squeeze %gather3A_478 : memref<1x8x2048xf32, #tpu.memory_space<vmem>> -> memref<8x2048xf32, #tpu.memory_space<vmem>>
        %gather3A_480 = tpu.vector_load_idx %gather3A_479[%broadcast_in_dim3A_475, %get3A_443] : memref<8x2048xf32, #tpu.memory_space<vmem>>[vector<16xi32>, vector<16xi32>], vector<16xf32>,
        %swap3A_481 = arith.constant 2 : i32
        %swap3A_482 = arith.constant 0 : i32
        %swap3A_483 = arith.constant 0 : i32
        %swap3A_484 = tpu.memref_slice %run_scoped3A_8[%rem3A_201, %swap3A_482, %swap3A_483] : memref<2x8x512xf32, #tpu.memory_space<vmem>> -> memref<1x8x512xf32, #tpu.memory_space<vmem>>
        %swap3A_485 = tpu.memref_squeeze %swap3A_484 : memref<1x8x512xf32, #tpu.memory_space<vmem>> -> memref<8x512xf32, #tpu.memory_space<vmem>>
        %swap3A_486 = arith.index_cast %swap3A_481 : i32 to index
        %swap3A_487 = arith.constant 32 : index
        %swap3A_488 = tpu.vector_load %swap3A_485[%swap3A_486, %swap3A_487] {strides = array<i32>} : memref<8x512xf32, #tpu.memory_space<vmem>>, vector<16xf32>,
        tpu.vector_store %swap3A_485[%swap3A_486, %swap3A_487], %gather3A_480 {strides = array<i32>} : memref<8x512xf32, #tpu.memory_space<vmem>>, vector<16xf32>,
        %broadcast_in_dim3A_489 = arith.constant 3 : i32
        %broadcast_in_dim3A_490 = vector.broadcast %broadcast_in_dim3A_489 : i32 to vector<16xi32>
        %gather3A_491 = arith.constant 0 : i32
        %gather3A_492 = arith.constant 0 : i32
        %gather3A_493 = tpu.memref_slice %run_scoped3A[%rem3A_199, %gather3A_491, %gather3A_492] : memref<2x8x2048xf32, #tpu.memory_space<vmem>> -> memref<1x8x2048xf32, #tpu.memory_space<vmem>>
        %gather3A_494 = tpu.memref_squeeze %gather3A_493 : memref<1x8x2048xf32, #tpu.memory_space<vmem>> -> memref<8x2048xf32, #tpu.memory_space<vmem>>
        %gather3A_495 = tpu.vector_load_idx %gather3A_494[%broadcast_in_dim3A_490, %get3A_443] : memref<8x2048xf32, #tpu.memory_space<vmem>>[vector<16xi32>, vector<16xi32>], vector<16xf32>,
        %swap3A_496 = arith.constant 3 : i32
        %swap3A_497 = arith.constant 0 : i32
        %swap3A_498 = arith.constant 0 : i32
        %swap3A_499 = tpu.memref_slice %run_scoped3A_8[%rem3A_201, %swap3A_497, %swap3A_498] : memref<2x8x512xf32, #tpu.memory_space<vmem>> -> memref<1x8x512xf32, #tpu.memory_space<vmem>>
        %swap3A_500 = tpu.memref_squeeze %swap3A_499 : memref<1x8x512xf32, #tpu.memory_space<vmem>> -> memref<8x512xf32, #tpu.memory_space<vmem>>
        %swap3A_501 = arith.index_cast %swap3A_496 : i32 to index
        %swap3A_502 = arith.constant 32 : index
        %swap3A_503 = tpu.vector_load %swap3A_500[%swap3A_501, %swap3A_502] {strides = array<i32>} : memref<8x512xf32, #tpu.memory_space<vmem>>, vector<16xf32>,
        tpu.vector_store %swap3A_500[%swap3A_501, %swap3A_502], %gather3A_495 {strides = array<i32>} : memref<8x512xf32, #tpu.memory_space<vmem>>, vector<16xf32>,
        %broadcast_in_dim3A_504 = arith.constant 4 : i32
        %broadcast_in_dim3A_505 = vector.broadcast %broadcast_in_dim3A_504 : i32 to vector<16xi32>
        %gather3A_506 = arith.constant 0 : i32
        %gather3A_507 = arith.constant 0 : i32
        %gather3A_508 = tpu.memref_slice %run_scoped3A[%rem3A_199, %gather3A_506, %gather3A_507] : memref<2x8x2048xf32, #tpu.memory_space<vmem>> -> memref<1x8x2048xf32, #tpu.memory_space<vmem>>
        %gather3A_509 = tpu.memref_squeeze %gather3A_508 : memref<1x8x2048xf32, #tpu.memory_space<vmem>> -> memref<8x2048xf32, #tpu.memory_space<vmem>>
        %gather3A_510 = tpu.vector_load_idx %gather3A_509[%broadcast_in_dim3A_505, %get3A_443] : memref<8x2048xf32, #tpu.memory_space<vmem>>[vector<16xi32>, vector<16xi32>], vector<16xf32>,
        %swap3A_511 = arith.constant 4 : i32
        %swap3A_512 = arith.constant 0 : i32
        %swap3A_513 = arith.constant 0 : i32
        %swap3A_514 = tpu.memref_slice %run_scoped3A_8[%rem3A_201, %swap3A_512, %swap3A_513] : memref<2x8x512xf32, #tpu.memory_space<vmem>> -> memref<1x8x512xf32, #tpu.memory_space<vmem>>
        %swap3A_515 = tpu.memref_squeeze %swap3A_514 : memref<1x8x512xf32, #tpu.memory_space<vmem>> -> memref<8x512xf32, #tpu.memory_space<vmem>>
        %swap3A_516 = arith.index_cast %swap3A_511 : i32 to index
        %swap3A_517 = arith.constant 32 : index
        %swap3A_518 = tpu.vector_load %swap3A_515[%swap3A_516, %swap3A_517] {strides = array<i32>} : memref<8x512xf32, #tpu.memory_space<vmem>>, vector<16xf32>,
        tpu.vector_store %swap3A_515[%swap3A_516, %swap3A_517], %gather3A_510 {strides = array<i32>} : memref<8x512xf32, #tpu.memory_space<vmem>>, vector<16xf32>,
        %broadcast_in_dim3A_519 = arith.constant 5 : i32
        %broadcast_in_dim3A_520 = vector.broadcast %broadcast_in_dim3A_519 : i32 to vector<16xi32>
        %gather3A_521 = arith.constant 0 : i32
        %gather3A_522 = arith.constant 0 : i32
        %gather3A_523 = tpu.memref_slice %run_scoped3A[%rem3A_199, %gather3A_521, %gather3A_522] : memref<2x8x2048xf32, #tpu.memory_space<vmem>> -> memref<1x8x2048xf32, #tpu.memory_space<vmem>>
        %gather3A_524 = tpu.memref_squeeze %gather3A_523 : memref<1x8x2048xf32, #tpu.memory_space<vmem>> -> memref<8x2048xf32, #tpu.memory_space<vmem>>
        %gather3A_525 = tpu.vector_load_idx %gather3A_524[%broadcast_in_dim3A_520, %get3A_443] : memref<8x2048xf32, #tpu.memory_space<vmem>>[vector<16xi32>, vector<16xi32>], vector<16xf32>,
        %swap3A_526 = arith.constant 5 : i32
        %swap3A_527 = arith.constant 0 : i32
        %swap3A_528 = arith.constant 0 : i32
        %swap3A_529 = tpu.memref_slice %run_scoped3A_8[%rem3A_201, %swap3A_527, %swap3A_528] : memref<2x8x512xf32, #tpu.memory_space<vmem>> -> memref<1x8x512xf32, #tpu.memory_space<vmem>>
        %swap3A_530 = tpu.memref_squeeze %swap3A_529 : memref<1x8x512xf32, #tpu.memory_space<vmem>> -> memref<8x512xf32, #tpu.memory_space<vmem>>
        %swap3A_531 = arith.index_cast %swap3A_526 : i32 to index
        %swap3A_532 = arith.constant 32 : index
        %swap3A_533 = tpu.vector_load %swap3A_530[%swap3A_531, %swap3A_532] {strides = array<i32>} : memref<8x512xf32, #tpu.memory_space<vmem>>, vector<16xf32>,
        tpu.vector_store %swap3A_530[%swap3A_531, %swap3A_532], %gather3A_525 {strides = array<i32>} : memref<8x512xf32, #tpu.memory_space<vmem>>, vector<16xf32>,
        %broadcast_in_dim3A_534 = arith.constant 6 : i32
        %broadcast_in_dim3A_535 = vector.broadcast %broadcast_in_dim3A_534 : i32 to vector<16xi32>
        %gather3A_536 = arith.constant 0 : i32
        %gather3A_537 = arith.constant 0 : i32
        %gather3A_538 = tpu.memref_slice %run_scoped3A[%rem3A_199, %gather3A_536, %gather3A_537] : memref<2x8x2048xf32, #tpu.memory_space<vmem>> -> memref<1x8x2048xf32, #tpu.memory_space<vmem>>
        %gather3A_539 = tpu.memref_squeeze %gather3A_538 : memref<1x8x2048xf32, #tpu.memory_space<vmem>> -> memref<8x2048xf32, #tpu.memory_space<vmem>>
        %gather3A_540 = tpu.vector_load_idx %gather3A_539[%broadcast_in_dim3A_535, %get3A_443] : memref<8x2048xf32, #tpu.memory_space<vmem>>[vector<16xi32>, vector<16xi32>], vector<16xf32>,
        %swap3A_541 = arith.constant 6 : i32
        %swap3A_542 = arith.constant 0 : i32
        %swap3A_543 = arith.constant 0 : i32
        %swap3A_544 = tpu.memref_slice %run_scoped3A_8[%rem3A_201, %swap3A_542, %swap3A_543] : memref<2x8x512xf32, #tpu.memory_space<vmem>> -> memref<1x8x512xf32, #tpu.memory_space<vmem>>
        %swap3A_545 = tpu.memref_squeeze %swap3A_544 : memref<1x8x512xf32, #tpu.memory_space<vmem>> -> memref<8x512xf32, #tpu.memory_space<vmem>>
        %swap3A_546 = arith.index_cast %swap3A_541 : i32 to index
        %swap3A_547 = arith.constant 32 : index
        %swap3A_548 = tpu.vector_load %swap3A_545[%swap3A_546, %swap3A_547] {strides = array<i32>} : memref<8x512xf32, #tpu.memory_space<vmem>>, vector<16xf32>,
        tpu.vector_store %swap3A_545[%swap3A_546, %swap3A_547], %gather3A_540 {strides = array<i32>} : memref<8x512xf32, #tpu.memory_space<vmem>>, vector<16xf32>,
        %broadcast_in_dim3A_549 = arith.constant 7 : i32
        %broadcast_in_dim3A_550 = vector.broadcast %broadcast_in_dim3A_549 : i32 to vector<16xi32>
        %gather3A_551 = arith.constant 0 : i32
        %gather3A_552 = arith.constant 0 : i32
        %gather3A_553 = tpu.memref_slice %run_scoped3A[%rem3A_199, %gather3A_551, %gather3A_552] : memref<2x8x2048xf32, #tpu.memory_space<vmem>> -> memref<1x8x2048xf32, #tpu.memory_space<vmem>>
        %gather3A_554 = tpu.memref_squeeze %gather3A_553 : memref<1x8x2048xf32, #tpu.memory_space<vmem>> -> memref<8x2048xf32, #tpu.memory_space<vmem>>
        %gather3A_555 = tpu.vector_load_idx %gather3A_554[%broadcast_in_dim3A_550, %get3A_443] : memref<8x2048xf32, #tpu.memory_space<vmem>>[vector<16xi32>, vector<16xi32>], vector<16xf32>,
        %swap3A_556 = arith.constant 7 : i32
        %swap3A_557 = arith.constant 0 : i32
        %swap3A_558 = arith.constant 0 : i32
        %swap3A_559 = tpu.memref_slice %run_scoped3A_8[%rem3A_201, %swap3A_557, %swap3A_558] : memref<2x8x512xf32, #tpu.memory_space<vmem>> -> memref<1x8x512xf32, #tpu.memory_space<vmem>>
        %swap3A_560 = tpu.memref_squeeze %swap3A_559 : memref<1x8x512xf32, #tpu.memory_space<vmem>> -> memref<8x512xf32, #tpu.memory_space<vmem>>
        %swap3A_561 = arith.index_cast %swap3A_556 : i32 to index
        %swap3A_562 = arith.constant 32 : index
        %swap3A_563 = tpu.vector_load %swap3A_560[%swap3A_561, %swap3A_562] {strides = array<i32>} : memref<8x512xf32, #tpu.memory_space<vmem>>, vector<16xf32>,
        tpu.vector_store %swap3A_560[%swap3A_561, %swap3A_562], %gather3A_555 {strides = array<i32>} : memref<8x512xf32, #tpu.memory_space<vmem>>, vector<16xf32>,
        %get3A_564 = arith.constant 48 : index
        %get3A_565 = tpu.vector_load %arg5[%get3A_564] {strides = array<i32>} : memref<512xi32, #tpu.memory_space<vmem>>, vector<16xi32>,
        %broadcast_in_dim3A_566 = arith.constant 0 : i32
        %broadcast_in_dim3A_567 = vector.broadcast %broadcast_in_dim3A_566 : i32 to vector<16xi32>
        %gather3A_568 = arith.constant 0 : i32
        %gather3A_569 = arith.constant 0 : i32
        %gather3A_570 = tpu.memref_slice %run_scoped3A[%rem3A_199, %gather3A_568, %gather3A_569] : memref<2x8x2048xf32, #tpu.memory_space<vmem>> -> memref<1x8x2048xf32, #tpu.memory_space<vmem>>
        %gather3A_571 = tpu.memref_squeeze %gather3A_570 : memref<1x8x2048xf32, #tpu.memory_space<vmem>> -> memref<8x2048xf32, #tpu.memory_space<vmem>>
        %gather3A_572 = tpu.vector_load_idx %gather3A_571[%broadcast_in_dim3A_567, %get3A_565] : memref<8x2048xf32, #tpu.memory_space<vmem>>[vector<16xi32>, vector<16xi32>], vector<16xf32>,
        %swap3A_573 = arith.constant 0 : i32
        %swap3A_574 = arith.constant 0 : i32
        %swap3A_575 = arith.constant 0 : i32
        %swap3A_576 = tpu.memref_slice %run_scoped3A_8[%rem3A_201, %swap3A_574, %swap3A_575] : memref<2x8x512xf32, #tpu.memory_space<vmem>> -> memref<1x8x512xf32, #tpu.memory_space<vmem>>
        %swap3A_577 = tpu.memref_squeeze %swap3A_576 : memref<1x8x512xf32, #tpu.memory_space<vmem>> -> memref<8x512xf32, #tpu.memory_space<vmem>>
        %swap3A_578 = arith.index_cast %swap3A_573 : i32 to index
        %swap3A_579 = arith.constant 48 : index
        %swap3A_580 = tpu.vector_load %swap3A_577[%swap3A_578, %swap3A_579] {strides = array<i32>} : memref<8x512xf32, #tpu.memory_space<vmem>>, vector<16xf32>,
        tpu.vector_store %swap3A_577[%swap3A_578, %swap3A_579], %gather3A_572 {strides = array<i32>} : memref<8x512xf32, #tpu.memory_space<vmem>>, vector<16xf32>,
        %broadcast_in_dim3A_581 = arith.constant 1 : i32
        %broadcast_in_dim3A_582 = vector.broadcast %broadcast_in_dim3A_581 : i32 to vector<16xi32>
        %gather3A_583 = arith.constant 0 : i32
        %gather3A_584 = arith.constant 0 : i32
        %gather3A_585 = tpu.memref_slice %run_scoped3A[%rem3A_199, %gather3A_583, %gather3A_584] : memref<2x8x2048xf32, #tpu.memory_space<vmem>> -> memref<1x8x2048xf32, #tpu.memory_space<vmem>>
        %gather3A_586 = tpu.memref_squeeze %gather3A_585 : memref<1x8x2048xf32, #tpu.memory_space<vmem>> -> memref<8x2048xf32, #tpu.memory_space<vmem>>
        %gather3A_587 = tpu.vector_load_idx %gather3A_586[%broadcast_in_dim3A_582, %get3A_565] : memref<8x2048xf32, #tpu.memory_space<vmem>>[vector<16xi32>, vector<16xi32>], vector<16xf32>,
        %swap3A_588 = arith.constant 1 : i32
        %swap3A_589 = arith.constant 0 : i32
        %swap3A_590 = arith.constant 0 : i32
        %swap3A_591 = tpu.memref_slice %run_scoped3A_8[%rem3A_201, %swap3A_589, %swap3A_590] : memref<2x8x512xf32, #tpu.memory_space<vmem>> -> memref<1x8x512xf32, #tpu.memory_space<vmem>>
        %swap3A_592 = tpu.memref_squeeze %swap3A_591 : memref<1x8x512xf32, #tpu.memory_space<vmem>> -> memref<8x512xf32, #tpu.memory_space<vmem>>
        %swap3A_593 = arith.index_cast %swap3A_588 : i32 to index
        %swap3A_594 = arith.constant 48 : index
        %swap3A_595 = tpu.vector_load %swap3A_592[%swap3A_593, %swap3A_594] {strides = array<i32>} : memref<8x512xf32, #tpu.memory_space<vmem>>, vector<16xf32>,
        tpu.vector_store %swap3A_592[%swap3A_593, %swap3A_594], %gather3A_587 {strides = array<i32>} : memref<8x512xf32, #tpu.memory_space<vmem>>, vector<16xf32>,
        %broadcast_in_dim3A_596 = arith.constant 2 : i32
        %broadcast_in_dim3A_597 = vector.broadcast %broadcast_in_dim3A_596 : i32 to vector<16xi32>
        %gather3A_598 = arith.constant 0 : i32
        %gather3A_599 = arith.constant 0 : i32
        %gather3A_600 = tpu.memref_slice %run_scoped3A[%rem3A_199, %gather3A_598, %gather3A_599] : memref<2x8x2048xf32, #tpu.memory_space<vmem>> -> memref<1x8x2048xf32, #tpu.memory_space<vmem>>
        %gather3A_601 = tpu.memref_squeeze %gather3A_600 : memref<1x8x2048xf32, #tpu.memory_space<vmem>> -> memref<8x2048xf32, #tpu.memory_space<vmem>>
        %gather3A_602 = tpu.vector_load_idx %gather3A_601[%broadcast_in_dim3A_597, %get3A_565] : memref<8x2048xf32, #tpu.memory_space<vmem>>[vector<16xi32>, vector<16xi32>], vector<16xf32>,
        %swap3A_603 = arith.constant 2 : i32
        %swap3A_604 = arith.constant 0 : i32
        %swap3A_605 = arith.constant 0 : i32
        %swap3A_606 = tpu.memref_slice %run_scoped3A_8[%rem3A_201, %swap3A_604, %swap3A_605] : memref<2x8x512xf32, #tpu.memory_space<vmem>> -> memref<1x8x512xf32, #tpu.memory_space<vmem>>
        %swap3A_607 = tpu.memref_squeeze %swap3A_606 : memref<1x8x512xf32, #tpu.memory_space<vmem>> -> memref<8x512xf32, #tpu.memory_space<vmem>>
        %swap3A_608 = arith.index_cast %swap3A_603 : i32 to index
        %swap3A_609 = arith.constant 48 : index
        %swap3A_610 = tpu.vector_load %swap3A_607[%swap3A_608, %swap3A_609] {strides = array<i32>} : memref<8x512xf32, #tpu.memory_space<vmem>>, vector<16xf32>,
        tpu.vector_store %swap3A_607[%swap3A_608, %swap3A_609], %gather3A_602 {strides = array<i32>} : memref<8x512xf32, #tpu.memory_space<vmem>>, vector<16xf32>,
        %broadcast_in_dim3A_611 = arith.constant 3 : i32
        %broadcast_in_dim3A_612 = vector.broadcast %broadcast_in_dim3A_611 : i32 to vector<16xi32>
        %gather3A_613 = arith.constant 0 : i32
        %gather3A_614 = arith.constant 0 : i32
        %gather3A_615 = tpu.memref_slice %run_scoped3A[%rem3A_199, %gather3A_613, %gather3A_614] : memref<2x8x2048xf32, #tpu.memory_space<vmem>> -> memref<1x8x2048xf32, #tpu.memory_space<vmem>>
        %gather3A_616 = tpu.memref_squeeze %gather3A_615 : memref<1x8x2048xf32, #tpu.memory_space<vmem>> -> memref<8x2048xf32, #tpu.memory_space<vmem>>
        %gather3A_617 = tpu.vector_load_idx %gather3A_616[%broadcast_in_dim3A_612, %get3A_565] : memref<8x2048xf32, #tpu.memory_space<vmem>>[vector<16xi32>, vector<16xi32>], vector<16xf32>,
        %swap3A_618 = arith.constant 3 : i32
        %swap3A_619 = arith.constant 0 : i32
        %swap3A_620 = arith.constant 0 : i32
        %swap3A_621 = tpu.memref_slice %run_scoped3A_8[%rem3A_201, %swap3A_619, %swap3A_620] : memref<2x8x512xf32, #tpu.memory_space<vmem>> -> memref<1x8x512xf32, #tpu.memory_space<vmem>>
        %swap3A_622 = tpu.memref_squeeze %swap3A_621 : memref<1x8x512xf32, #tpu.memory_space<vmem>> -> memref<8x512xf32, #tpu.memory_space<vmem>>
        %swap3A_623 = arith.index_cast %swap3A_618 : i32 to index
        %swap3A_624 = arith.constant 48 : index
        %swap3A_625 = tpu.vector_load %swap3A_622[%swap3A_623, %swap3A_624] {strides = array<i32>} : memref<8x512xf32, #tpu.memory_space<vmem>>, vector<16xf32>,
        tpu.vector_store %swap3A_622[%swap3A_623, %swap3A_624], %gather3A_617 {strides = array<i32>} : memref<8x512xf32, #tpu.memory_space<vmem>>, vector<16xf32>,
        %broadcast_in_dim3A_626 = arith.constant 4 : i32
        %broadcast_in_dim3A_627 = vector.broadcast %broadcast_in_dim3A_626 : i32 to vector<16xi32>
        %gather3A_628 = arith.constant 0 : i32
        %gather3A_629 = arith.constant 0 : i32
        %gather3A_630 = tpu.memref_slice %run_scoped3A[%rem3A_199, %gather3A_628, %gather3A_629] : memref<2x8x2048xf32, #tpu.memory_space<vmem>> -> memref<1x8x2048xf32, #tpu.memory_space<vmem>>
        %gather3A_631 = tpu.memref_squeeze %gather3A_630 : memref<1x8x2048xf32, #tpu.memory_space<vmem>> -> memref<8x2048xf32, #tpu.memory_space<vmem>>
        %gather3A_632 = tpu.vector_load_idx %gather3A_631[%broadcast_in_dim3A_627, %get3A_565] : memref<8x2048xf32, #tpu.memory_space<vmem>>[vector<16xi32>, vector<16xi32>], vector<16xf32>,
        %swap3A_633 = arith.constant 4 : i32
        %swap3A_634 = arith.constant 0 : i32
        %swap3A_635 = arith.constant 0 : i32
        %swap3A_636 = tpu.memref_slice %run_scoped3A_8[%rem3A_201, %swap3A_634, %swap3A_635] : memref<2x8x512xf32, #tpu.memory_space<vmem>> -> memref<1x8x512xf32, #tpu.memory_space<vmem>>
        %swap3A_637 = tpu.memref_squeeze %swap3A_636 : memref<1x8x512xf32, #tpu.memory_space<vmem>> -> memref<8x512xf32, #tpu.memory_space<vmem>>
        %swap3A_638 = arith.index_cast %swap3A_633 : i32 to index
        %swap3A_639 = arith.constant 48 : index
        %swap3A_640 = tpu.vector_load %swap3A_637[%swap3A_638, %swap3A_639] {strides = array<i32>} : memref<8x512xf32, #tpu.memory_space<vmem>>, vector<16xf32>,
        tpu.vector_store %swap3A_637[%swap3A_638, %swap3A_639], %gather3A_632 {strides = array<i32>} : memref<8x512xf32, #tpu.memory_space<vmem>>, vector<16xf32>,
        %broadcast_in_dim3A_641 = arith.constant 5 : i32
        %broadcast_in_dim3A_642 = vector.broadcast %broadcast_in_dim3A_641 : i32 to vector<16xi32>
        %gather3A_643 = arith.constant 0 : i32
        %gather3A_644 = arith.constant 0 : i32
        %gather3A_645 = tpu.memref_slice %run_scoped3A[%rem3A_199, %gather3A_643, %gather3A_644] : memref<2x8x2048xf32, #tpu.memory_space<vmem>> -> memref<1x8x2048xf32, #tpu.memory_space<vmem>>
        %gather3A_646 = tpu.memref_squeeze %gather3A_645 : memref<1x8x2048xf32, #tpu.memory_space<vmem>> -> memref<8x2048xf32, #tpu.memory_space<vmem>>
        %gather3A_647 = tpu.vector_load_idx %gather3A_646[%broadcast_in_dim3A_642, %get3A_565] : memref<8x2048xf32, #tpu.memory_space<vmem>>[vector<16xi32>, vector<16xi32>], vector<16xf32>,
        %swap3A_648 = arith.constant 5 : i32
        %swap3A_649 = arith.constant 0 : i32
        %swap3A_650 = arith.constant 0 : i32
        %swap3A_651 = tpu.memref_slice %run_scoped3A_8[%rem3A_201, %swap3A_649, %swap3A_650] : memref<2x8x512xf32, #tpu.memory_space<vmem>> -> memref<1x8x512xf32, #tpu.memory_space<vmem>>
        %swap3A_652 = tpu.memref_squeeze %swap3A_651 : memref<1x8x512xf32, #tpu.memory_space<vmem>> -> memref<8x512xf32, #tpu.memory_space<vmem>>
        %swap3A_653 = arith.index_cast %swap3A_648 : i32 to index
        %swap3A_654 = arith.constant 48 : index
        %swap3A_655 = tpu.vector_load %swap3A_652[%swap3A_653, %swap3A_654] {strides = array<i32>} : memref<8x512xf32, #tpu.memory_space<vmem>>, vector<16xf32>,
        tpu.vector_store %swap3A_652[%swap3A_653, %swap3A_654], %gather3A_647 {strides = array<i32>} : memref<8x512xf32, #tpu.memory_space<vmem>>, vector<16xf32>,
        %broadcast_in_dim3A_656 = arith.constant 6 : i32
        %broadcast_in_dim3A_657 = vector.broadcast %broadcast_in_dim3A_656 : i32 to vector<16xi32>
        %gather3A_658 = arith.constant 0 : i32
        %gather3A_659 = arith.constant 0 : i32
        %gather3A_660 = tpu.memref_slice %run_scoped3A[%rem3A_199, %gather3A_658, %gather3A_659] : memref<2x8x2048xf32, #tpu.memory_space<vmem>> -> memref<1x8x2048xf32, #tpu.memory_space<vmem>>
        %gather3A_661 = tpu.memref_squeeze %gather3A_660 : memref<1x8x2048xf32, #tpu.memory_space<vmem>> -> memref<8x2048xf32, #tpu.memory_space<vmem>>
        %gather3A_662 = tpu.vector_load_idx %gather3A_661[%broadcast_in_dim3A_657, %get3A_565] : memref<8x2048xf32, #tpu.memory_space<vmem>>[vector<16xi32>, vector<16xi32>], vector<16xf32>,
        %swap3A_663 = arith.constant 6 : i32
        %swap3A_664 = arith.constant 0 : i32
        %swap3A_665 = arith.constant 0 : i32
        %swap3A_666 = tpu.memref_slice %run_scoped3A_8[%rem3A_201, %swap3A_664, %swap3A_665] : memref<2x8x512xf32, #tpu.memory_space<vmem>> -> memref<1x8x512xf32, #tpu.memory_space<vmem>>
        %swap3A_667 = tpu.memref_squeeze %swap3A_666 : memref<1x8x512xf32, #tpu.memory_space<vmem>> -> memref<8x512xf32, #tpu.memory_space<vmem>>
        %swap3A_668 = arith.index_cast %swap3A_663 : i32 to index
        %swap3A_669 = arith.constant 48 : index
        %swap3A_670 = tpu.vector_load %swap3A_667[%swap3A_668, %swap3A_669] {strides = array<i32>} : memref<8x512xf32, #tpu.memory_space<vmem>>, vector<16xf32>,
        tpu.vector_store %swap3A_667[%swap3A_668, %swap3A_669], %gather3A_662 {strides = array<i32>} : memref<8x512xf32, #tpu.memory_space<vmem>>, vector<16xf32>,
        %broadcast_in_dim3A_671 = arith.constant 7 : i32
        %broadcast_in_dim3A_672 = vector.broadcast %broadcast_in_dim3A_671 : i32 to vector<16xi32>
        %gather3A_673 = arith.constant 0 : i32
        %gather3A_674 = arith.constant 0 : i32
        %gather3A_675 = tpu.memref_slice %run_scoped3A[%rem3A_199, %gather3A_673, %gather3A_674] : memref<2x8x2048xf32, #tpu.memory_space<vmem>> -> memref<1x8x2048xf32, #tpu.memory_space<vmem>>
        %gather3A_676 = tpu.memref_squeeze %gather3A_675 : memref<1x8x2048xf32, #tpu.memory_space<vmem>> -> memref<8x2048xf32, #tpu.memory_space<vmem>>
        %gather3A_677 = tpu.vector_load_idx %gather3A_676[%broadcast_in_dim3A_672, %get3A_565] : memref<8x2048xf32, #tpu.memory_space<vmem>>[vector<16xi32>, vector<16xi32>], vector<16xf32>,
        %swap3A_678 = arith.constant 7 : i32
        %swap3A_679 = arith.constant 0 : i32
        %swap3A_680 = arith.constant 0 : i32
        %swap3A_681 = tpu.memref_slice %run_scoped3A_8[%rem3A_201, %swap3A_679, %swap3A_680] : memref<2x8x512xf32, #tpu.memory_space<vmem>> -> memref<1x8x512xf32, #tpu.memory_space<vmem>>
        %swap3A_682 = tpu.memref_squeeze %swap3A_681 : memref<1x8x512xf32, #tpu.memory_space<vmem>> -> memref<8x512xf32, #tpu.memory_space<vmem>>
        %swap3A_683 = arith.index_cast %swap3A_678 : i32 to index
        %swap3A_684 = arith.constant 48 : index
        %swap3A_685 = tpu.vector_load %swap3A_682[%swap3A_683, %swap3A_684] {strides = array<i32>} : memref<8x512xf32, #tpu.memory_space<vmem>>, vector<16xf32>,
        tpu.vector_store %swap3A_682[%swap3A_683, %swap3A_684], %gather3A_677 {strides = array<i32>} : memref<8x512xf32, #tpu.memory_space<vmem>>, vector<16xf32>,
        %get3A_686 = arith.constant 64 : index
        %get3A_687 = tpu.vector_load %arg5[%get3A_686] {strides = array<i32>} : memref<512xi32, #tpu.memory_space<vmem>>, vector<16xi32>,
        %broadcast_in_dim3A_688 = arith.constant 0 : i32
        %broadcast_in_dim3A_689 = vector.broadcast %broadcast_in_dim3A_688 : i32 to vector<16xi32>
        %gather3A_690 = arith.constant 0 : i32
        %gather3A_691 = arith.constant 0 : i32
        %gather3A_692 = tpu.memref_slice %run_scoped3A[%rem3A_199, %gather3A_690, %gather3A_691] : memref<2x8x2048xf32, #tpu.memory_space<vmem>> -> memref<1x8x2048xf32, #tpu.memory_space<vmem>>
        %gather3A_693 = tpu.memref_squeeze %gather3A_692 : memref<1x8x2048xf32, #tpu.memory_space<vmem>> -> memref<8x2048xf32, #tpu.memory_space<vmem>>
        %gather3A_694 = tpu.vector_load_idx %gather3A_693[%broadcast_in_dim3A_689, %get3A_687] : memref<8x2048xf32, #tpu.memory_space<vmem>>[vector<16xi32>, vector<16xi32>], vector<16xf32>,
        %swap3A_695 = arith.constant 0 : i32
        %swap3A_696 = arith.constant 0 : i32
        %swap3A_697 = arith.constant 0 : i32
        %swap3A_698 = tpu.memref_slice %run_scoped3A_8[%rem3A_201, %swap3A_696, %swap3A_697] : memref<2x8x512xf32, #tpu.memory_space<vmem>> -> memref<1x8x512xf32, #tpu.memory_space<vmem>>
        %swap3A_699 = tpu.memref_squeeze %swap3A_698 : memref<1x8x512xf32, #tpu.memory_space<vmem>> -> memref<8x512xf32, #tpu.memory_space<vmem>>
        %swap3A_700 = arith.index_cast %swap3A_695 : i32 to index
        %swap3A_701 = arith.constant 64 : index
        %swap3A_702 = tpu.vector_load %swap3A_699[%swap3A_700, %swap3A_701] {strides = array<i32>} : memref<8x512xf32, #tpu.memory_space<vmem>>, vector<16xf32>,
        tpu.vector_store %swap3A_699[%swap3A_700, %swap3A_701], %gather3A_694 {strides = array<i32>} : memref<8x512xf32, #tpu.memory_space<vmem>>, vector<16xf32>,
        %broadcast_in_dim3A_703 = arith.constant 1 : i32
        %broadcast_in_dim3A_704 = vector.broadcast %broadcast_in_dim3A_703 : i32 to vector<16xi32>
        %gather3A_705 = arith.constant 0 : i32
        %gather3A_706 = arith.constant 0 : i32
        %gather3A_707 = tpu.memref_slice %run_scoped3A[%rem3A_199, %gather3A_705, %gather3A_706] : memref<2x8x2048xf32, #tpu.memory_space<vmem>> -> memref<1x8x2048xf32, #tpu.memory_space<vmem>>
        %gather3A_708 = tpu.memref_squeeze %gather3A_707 : memref<1x8x2048xf32, #tpu.memory_space<vmem>> -> memref<8x2048xf32, #tpu.memory_space<vmem>>
        %gather3A_709 = tpu.vector_load_idx %gather3A_708[%broadcast_in_dim3A_704, %get3A_687] : memref<8x2048xf32, #tpu.memory_space<vmem>>[vector<16xi32>, vector<16xi32>], vector<16xf32>,
        %swap3A_710 = arith.constant 1 : i32
        %swap3A_711 = arith.constant 0 : i32
        %swap3A_712 = arith.constant 0 : i32
        %swap3A_713 = tpu.memref_slice %run_scoped3A_8[%rem3A_201, %swap3A_711, %swap3A_712] : memref<2x8x512xf32, #tpu.memory_space<vmem>> -> memref<1x8x512xf32, #tpu.memory_space<vmem>>
        %swap3A_714 = tpu.memref_squeeze %swap3A_713 : memref<1x8x512xf32, #tpu.memory_space<vmem>> -> memref<8x512xf32, #tpu.memory_space<vmem>>
        %swap3A_715 = arith.index_cast %swap3A_710 : i32 to index
        %swap3A_716 = arith.constant 64 : index
        %swap3A_717 = tpu.vector_load %swap3A_714[%swap3A_715, %swap3A_716] {strides = array<i32>} : memref<8x512xf32, #tpu.memory_space<vmem>>, vector<16xf32>,
        tpu.vector_store %swap3A_714[%swap3A_715, %swap3A_716], %gather3A_709 {strides = array<i32>} : memref<8x512xf32, #tpu.memory_space<vmem>>, vector<16xf32>,
        %broadcast_in_dim3A_718 = arith.constant 2 : i32
        %broadcast_in_dim3A_719 = vector.broadcast %broadcast_in_dim3A_718 : i32 to vector<16xi32>
        %gather3A_720 = arith.constant 0 : i32
        %gather3A_721 = arith.constant 0 : i32
        %gather3A_722 = tpu.memref_slice %run_scoped3A[%rem3A_199, %gather3A_720, %gather3A_721] : memref<2x8x2048xf32, #tpu.memory_space<vmem>> -> memref<1x8x2048xf32, #tpu.memory_space<vmem>>
        %gather3A_723 = tpu.memref_squeeze %gather3A_722 : memref<1x8x2048xf32, #tpu.memory_space<vmem>> -> memref<8x2048xf32, #tpu.memory_space<vmem>>
        %gather3A_724 = tpu.vector_load_idx %gather3A_723[%broadcast_in_dim3A_719, %get3A_687] : memref<8x2048xf32, #tpu.memory_space<vmem>>[vector<16xi32>, vector<16xi32>], vector<16xf32>,
        %swap3A_725 = arith.constant 2 : i32
        %swap3A_726 = arith.constant 0 : i32
        %swap3A_727 = arith.constant 0 : i32
        %swap3A_728 = tpu.memref_slice %run_scoped3A_8[%rem3A_201, %swap3A_726, %swap3A_727] : memref<2x8x512xf32, #tpu.memory_space<vmem>> -> memref<1x8x512xf32, #tpu.memory_space<vmem>>
        %swap3A_729 = tpu.memref_squeeze %swap3A_728 : memref<1x8x512xf32, #tpu.memory_space<vmem>> -> memref<8x512xf32, #tpu.memory_space<vmem>>
        %swap3A_730 = arith.index_cast %swap3A_725 : i32 to index
        %swap3A_731 = arith.constant 64 : index
        %swap3A_732 = tpu.vector_load %swap3A_729[%swap3A_730, %swap3A_731] {strides = array<i32>} : memref<8x512xf32, #tpu.memory_space<vmem>>, vector<16xf32>,
        tpu.vector_store %swap3A_729[%swap3A_730, %swap3A_731], %gather3A_724 {strides = array<i32>} : memref<8x512xf32, #tpu.memory_space<vmem>>, vector<16xf32>,
        %broadcast_in_dim3A_733 = arith.constant 3 : i32
        %broadcast_in_dim3A_734 = vector.broadcast %broadcast_in_dim3A_733 : i32 to vector<16xi32>
        %gather3A_735 = arith.constant 0 : i32
        %gather3A_736 = arith.constant 0 : i32
        %gather3A_737 = tpu.memref_slice %run_scoped3A[%rem3A_199, %gather3A_735, %gather3A_736] : memref<2x8x2048xf32, #tpu.memory_space<vmem>> -> memref<1x8x2048xf32, #tpu.memory_space<vmem>>
        %gather3A_738 = tpu.memref_squeeze %gather3A_737 : memref<1x8x2048xf32, #tpu.memory_space<vmem>> -> memref<8x2048xf32, #tpu.memory_space<vmem>>
        %gather3A_739 = tpu.vector_load_idx %gather3A_738[%broadcast_in_dim3A_734, %get3A_687] : memref<8x2048xf32, #tpu.memory_space<vmem>>[vector<16xi32>, vector<16xi32>], vector<16xf32>,
        %swap3A_740 = arith.constant 3 : i32
        %swap3A_741 = arith.constant 0 : i32
        %swap3A_742 = arith.constant 0 : i32
        %swap3A_743 = tpu.memref_slice %run_scoped3A_8[%rem3A_201, %swap3A_741, %swap3A_742] : memref<2x8x512xf32, #tpu.memory_space<vmem>> -> memref<1x8x512xf32, #tpu.memory_space<vmem>>
        %swap3A_744 = tpu.memref_squeeze %swap3A_743 : memref<1x8x512xf32, #tpu.memory_space<vmem>> -> memref<8x512xf32, #tpu.memory_space<vmem>>
        %swap3A_745 = arith.index_cast %swap3A_740 : i32 to index
        %swap3A_746 = arith.constant 64 : index
        %swap3A_747 = tpu.vector_load %swap3A_744[%swap3A_745, %swap3A_746] {strides = array<i32>} : memref<8x512xf32, #tpu.memory_space<vmem>>, vector<16xf32>,
        tpu.vector_store %swap3A_744[%swap3A_745, %swap3A_746], %gather3A_739 {strides = array<i32>} : memref<8x512xf32, #tpu.memory_space<vmem>>, vector<16xf32>,
        %broadcast_in_dim3A_748 = arith.constant 4 : i32
        %broadcast_in_dim3A_749 = vector.broadcast %broadcast_in_dim3A_748 : i32 to vector<16xi32>
        %gather3A_750 = arith.constant 0 : i32
        %gather3A_751 = arith.constant 0 : i32
        %gather3A_752 = tpu.memref_slice %run_scoped3A[%rem3A_199, %gather3A_750, %gather3A_751] : memref<2x8x2048xf32, #tpu.memory_space<vmem>> -> memref<1x8x2048xf32, #tpu.memory_space<vmem>>
        %gather3A_753 = tpu.memref_squeeze %gather3A_752 : memref<1x8x2048xf32, #tpu.memory_space<vmem>> -> memref<8x2048xf32, #tpu.memory_space<vmem>>
        %gather3A_754 = tpu.vector_load_idx %gather3A_753[%broadcast_in_dim3A_749, %get3A_687] : memref<8x2048xf32, #tpu.memory_space<vmem>>[vector<16xi32>, vector<16xi32>], vector<16xf32>,
        %swap3A_755 = arith.constant 4 : i32
        %swap3A_756 = arith.constant 0 : i32
        %swap3A_757 = arith.constant 0 : i32
        %swap3A_758 = tpu.memref_slice %run_scoped3A_8[%rem3A_201, %swap3A_756, %swap3A_757] : memref<2x8x512xf32, #tpu.memory_space<vmem>> -> memref<1x8x512xf32, #tpu.memory_space<vmem>>
        %swap3A_759 = tpu.memref_squeeze %swap3A_758 : memref<1x8x512xf32, #tpu.memory_space<vmem>> -> memref<8x512xf32, #tpu.memory_space<vmem>>
        %swap3A_760 = arith.index_cast %swap3A_755 : i32 to index
        %swap3A_761 = arith.constant 64 : index
        %swap3A_762 = tpu.vector_load %swap3A_759[%swap3A_760, %swap3A_761] {strides = array<i32>} : memref<8x512xf32, #tpu.memory_space<vmem>>, vector<16xf32>,
        tpu.vector_store %swap3A_759[%swap3A_760, %swap3A_761], %gather3A_754 {strides = array<i32>} : memref<8x512xf32, #tpu.memory_space<vmem>>, vector<16xf32>,
        %broadcast_in_dim3A_763 = arith.constant 5 : i32
        %broadcast_in_dim3A_764 = vector.broadcast %broadcast_in_dim3A_763 : i32 to vector<16xi32>
        %gather3A_765 = arith.constant 0 : i32
        %gather3A_766 = arith.constant 0 : i32
        %gather3A_767 = tpu.memref_slice %run_scoped3A[%rem3A_199, %gather3A_765, %gather3A_766] : memref<2x8x2048xf32, #tpu.memory_space<vmem>> -> memref<1x8x2048xf32, #tpu.memory_space<vmem>>
        %gather3A_768 = tpu.memref_squeeze %gather3A_767 : memref<1x8x2048xf32, #tpu.memory_space<vmem>> -> memref<8x2048xf32, #tpu.memory_space<vmem>>
        %gather3A_769 = tpu.vector_load_idx %gather3A_768[%broadcast_in_dim3A_764, %get3A_687] : memref<8x2048xf32, #tpu.memory_space<vmem>>[vector<16xi32>, vector<16xi32>], vector<16xf32>,
        %swap3A_770 = arith.constant 5 : i32
        %swap3A_771 = arith.constant 0 : i32
        %swap3A_772 = arith.constant 0 : i32
        %swap3A_773 = tpu.memref_slice %run_scoped3A_8[%rem3A_201, %swap3A_771, %swap3A_772] : memref<2x8x512xf32, #tpu.memory_space<vmem>> -> memref<1x8x512xf32, #tpu.memory_space<vmem>>
        %swap3A_774 = tpu.memref_squeeze %swap3A_773 : memref<1x8x512xf32, #tpu.memory_space<vmem>> -> memref<8x512xf32, #tpu.memory_space<vmem>>
        %swap3A_775 = arith.index_cast %swap3A_770 : i32 to index
        %swap3A_776 = arith.constant 64 : index
        %swap3A_777 = tpu.vector_load %swap3A_774[%swap3A_775, %swap3A_776] {strides = array<i32>} : memref<8x512xf32, #tpu.memory_space<vmem>>, vector<16xf32>,
        tpu.vector_store %swap3A_774[%swap3A_775, %swap3A_776], %gather3A_769 {strides = array<i32>} : memref<8x512xf32, #tpu.memory_space<vmem>>, vector<16xf32>,
        %broadcast_in_dim3A_778 = arith.constant 6 : i32
        %broadcast_in_dim3A_779 = vector.broadcast %broadcast_in_dim3A_778 : i32 to vector<16xi32>
        %gather3A_780 = arith.constant 0 : i32
        %gather3A_781 = arith.constant 0 : i32
        %gather3A_782 = tpu.memref_slice %run_scoped3A[%rem3A_199, %gather3A_780, %gather3A_781] : memref<2x8x2048xf32, #tpu.memory_space<vmem>> -> memref<1x8x2048xf32, #tpu.memory_space<vmem>>
        %gather3A_783 = tpu.memref_squeeze %gather3A_782 : memref<1x8x2048xf32, #tpu.memory_space<vmem>> -> memref<8x2048xf32, #tpu.memory_space<vmem>>
        %gather3A_784 = tpu.vector_load_idx %gather3A_783[%broadcast_in_dim3A_779, %get3A_687] : memref<8x2048xf32, #tpu.memory_space<vmem>>[vector<16xi32>, vector<16xi32>], vector<16xf32>,
        %swap3A_785 = arith.constant 6 : i32
        %swap3A_786 = arith.constant 0 : i32
        %swap3A_787 = arith.constant 0 : i32
        %swap3A_788 = tpu.memref_slice %run_scoped3A_8[%rem3A_201, %swap3A_786, %swap3A_787] : memref<2x8x512xf32, #tpu.memory_space<vmem>> -> memref<1x8x512xf32, #tpu.memory_space<vmem>>
        %swap3A_789 = tpu.memref_squeeze %swap3A_788 : memref<1x8x512xf32, #tpu.memory_space<vmem>> -> memref<8x512xf32, #tpu.memory_space<vmem>>
        %swap3A_790 = arith.index_cast %swap3A_785 : i32 to index
        %swap3A_791 = arith.constant 64 : index
        %swap3A_792 = tpu.vector_load %swap3A_789[%swap3A_790, %swap3A_791] {strides = array<i32>} : memref<8x512xf32, #tpu.memory_space<vmem>>, vector<16xf32>,
        tpu.vector_store %swap3A_789[%swap3A_790, %swap3A_791], %gather3A_784 {strides = array<i32>} : memref<8x512xf32, #tpu.memory_space<vmem>>, vector<16xf32>,
        %broadcast_in_dim3A_793 = arith.constant 7 : i32
        %broadcast_in_dim3A_794 = vector.broadcast %broadcast_in_dim3A_793 : i32 to vector<16xi32>
        %gather3A_795 = arith.constant 0 : i32
        %gather3A_796 = arith.constant 0 : i32
        %gather3A_797 = tpu.memref_slice %run_scoped3A[%rem3A_199, %gather3A_795, %gather3A_796] : memref<2x8x2048xf32, #tpu.memory_space<vmem>> -> memref<1x8x2048xf32, #tpu.memory_space<vmem>>
        %gather3A_798 = tpu.memref_squeeze %gather3A_797 : memref<1x8x2048xf32, #tpu.memory_space<vmem>> -> memref<8x2048xf32, #tpu.memory_space<vmem>>
        %gather3A_799 = tpu.vector_load_idx %gather3A_798[%broadcast_in_dim3A_794, %get3A_687] : memref<8x2048xf32, #tpu.memory_space<vmem>>[vector<16xi32>, vector<16xi32>], vector<16xf32>,
        %swap3A_800 = arith.constant 7 : i32
        %swap3A_801 = arith.constant 0 : i32
        %swap3A_802 = arith.constant 0 : i32
        %swap3A_803 = tpu.memref_slice %run_scoped3A_8[%rem3A_201, %swap3A_801, %swap3A_802] : memref<2x8x512xf32, #tpu.memory_space<vmem>> -> memref<1x8x512xf32, #tpu.memory_space<vmem>>
        %swap3A_804 = tpu.memref_squeeze %swap3A_803 : memref<1x8x512xf32, #tpu.memory_space<vmem>> -> memref<8x512xf32, #tpu.memory_space<vmem>>
        %swap3A_805 = arith.index_cast %swap3A_800 : i32 to index
        %swap3A_806 = arith.constant 64 : index
        %swap3A_807 = tpu.vector_load %swap3A_804[%swap3A_805, %swap3A_806] {strides = array<i32>} : memref<8x512xf32, #tpu.memory_space<vmem>>, vector<16xf32>,
        tpu.vector_store %swap3A_804[%swap3A_805, %swap3A_806], %gather3A_799 {strides = array<i32>} : memref<8x512xf32, #tpu.memory_space<vmem>>, vector<16xf32>,
        %get3A_808 = arith.constant 80 : index
        %get3A_809 = tpu.vector_load %arg5[%get3A_808] {strides = array<i32>} : memref<512xi32, #tpu.memory_space<vmem>>, vector<16xi32>,
        %broadcast_in_dim3A_810 = arith.constant 0 : i32
        %broadcast_in_dim3A_811 = vector.broadcast %broadcast_in_dim3A_810 : i32 to vector<16xi32>
        %gather3A_812 = arith.constant 0 : i32
        %gather3A_813 = arith.constant 0 : i32
        %gather3A_814 = tpu.memref_slice %run_scoped3A[%rem3A_199, %gather3A_812, %gather3A_813] : memref<2x8x2048xf32, #tpu.memory_space<vmem>> -> memref<1x8x2048xf32, #tpu.memory_space<vmem>>
        %gather3A_815 = tpu.memref_squeeze %gather3A_814 : memref<1x8x2048xf32, #tpu.memory_space<vmem>> -> memref<8x2048xf32, #tpu.memory_space<vmem>>
        %gather3A_816 = tpu.vector_load_idx %gather3A_815[%broadcast_in_dim3A_811, %get3A_809] : memref<8x2048xf32, #tpu.memory_space<vmem>>[vector<16xi32>, vector<16xi32>], vector<16xf32>,
        %swap3A_817 = arith.constant 0 : i32
        %swap3A_818 = arith.constant 0 : i32
        %swap3A_819 = arith.constant 0 : i32
        %swap3A_820 = tpu.memref_slice %run_scoped3A_8[%rem3A_201, %swap3A_818, %swap3A_819] : memref<2x8x512xf32, #tpu.memory_space<vmem>> -> memref<1x8x512xf32, #tpu.memory_space<vmem>>
        %swap3A_821 = tpu.memref_squeeze %swap3A_820 : memref<1x8x512xf32, #tpu.memory_space<vmem>> -> memref<8x512xf32, #tpu.memory_space<vmem>>
        %swap3A_822 = arith.index_cast %swap3A_817 : i32 to index
        %swap3A_823 = arith.constant 80 : index
        %swap3A_824 = tpu.vector_load %swap3A_821[%swap3A_822, %swap3A_823] {strides = array<i32>} : memref<8x512xf32, #tpu.memory_space<vmem>>, vector<16xf32>,
        tpu.vector_store %swap3A_821[%swap3A_822, %swap3A_823], %gather3A_816 {strides = array<i32>} : memref<8x512xf32, #tpu.memory_space<vmem>>, vector<16xf32>,
        %broadcast_in_dim3A_825 = arith.constant 1 : i32
        %broadcast_in_dim3A_826 = vector.broadcast %broadcast_in_dim3A_825 : i32 to vector<16xi32>
        %gather3A_827 = arith.constant 0 : i32
        %gather3A_828 = arith.constant 0 : i32
        %gather3A_829 = tpu.memref_slice %run_scoped3A[%rem3A_199, %gather3A_827, %gather3A_828] : memref<2x8x2048xf32, #tpu.memory_space<vmem>> -> memref<1x8x2048xf32, #tpu.memory_space<vmem>>
        %gather3A_830 = tpu.memref_squeeze %gather3A_829 : memref<1x8x2048xf32, #tpu.memory_space<vmem>> -> memref<8x2048xf32, #tpu.memory_space<vmem>>
        %gather3A_831 = tpu.vector_load_idx %gather3A_830[%broadcast_in_dim3A_826, %get3A_809] : memref<8x2048xf32, #tpu.memory_space<vmem>>[vector<16xi32>, vector<16xi32>], vector<16xf32>,
        %swap3A_832 = arith.constant 1 : i32
        %swap3A_833 = arith.constant 0 : i32
        %swap3A_834 = arith.constant 0 : i32
        %swap3A_835 = tpu.memref_slice %run_scoped3A_8[%rem3A_201, %swap3A_833, %swap3A_834] : memref<2x8x512xf32, #tpu.memory_space<vmem>> -> memref<1x8x512xf32, #tpu.memory_space<vmem>>
        %swap3A_836 = tpu.memref_squeeze %swap3A_835 : memref<1x8x512xf32, #tpu.memory_space<vmem>> -> memref<8x512xf32, #tpu.memory_space<vmem>>
        %swap3A_837 = arith.index_cast %swap3A_832 : i32 to index
        %swap3A_838 = arith.constant 80 : index
        %swap3A_839 = tpu.vector_load %swap3A_836[%swap3A_837, %swap3A_838] {strides = array<i32>} : memref<8x512xf32, #tpu.memory_space<vmem>>, vector<16xf32>,
        tpu.vector_store %swap3A_836[%swap3A_837, %swap3A_838], %gather3A_831 {strides = array<i32>} : memref<8x512xf32, #tpu.memory_space<vmem>>, vector<16xf32>,
        %broadcast_in_dim3A_840 = arith.constant 2 : i32
        %broadcast_in_dim3A_841 = vector.broadcast %broadcast_in_dim3A_840 : i32 to vector<16xi32>
        %gather3A_842 = arith.constant 0 : i32
        %gather3A_843 = arith.constant 0 : i32
        %gather3A_844 = tpu.memref_slice %run_scoped3A[%rem3A_199, %gather3A_842, %gather3A_843] : memref<2x8x2048xf32, #tpu.memory_space<vmem>> -> memref<1x8x2048xf32, #tpu.memory_space<vmem>>
        %gather3A_845 = tpu.memref_squeeze %gather3A_844 : memref<1x8x2048xf32, #tpu.memory_space<vmem>> -> memref<8x2048xf32, #tpu.memory_space<vmem>>
        %gather3A_846 = tpu.vector_load_idx %gather3A_845[%broadcast_in_dim3A_841, %get3A_809] : memref<8x2048xf32, #tpu.memory_space<vmem>>[vector<16xi32>, vector<16xi32>], vector<16xf32>,
        %swap3A_847 = arith.constant 2 : i32
        %swap3A_848 = arith.constant 0 : i32
        %swap3A_849 = arith.constant 0 : i32
        %swap3A_850 = tpu.memref_slice %run_scoped3A_8[%rem3A_201, %swap3A_848, %swap3A_849] : memref<2x8x512xf32, #tpu.memory_space<vmem>> -> memref<1x8x512xf32, #tpu.memory_space<vmem>>
        %swap3A_851 = tpu.memref_squeeze %swap3A_850 : memref<1x8x512xf32, #tpu.memory_space<vmem>> -> memref<8x512xf32, #tpu.memory_space<vmem>>
        %swap3A_852 = arith.index_cast %swap3A_847 : i32 to index
        %swap3A_853 = arith.constant 80 : index
        %swap3A_854 = tpu.vector_load %swap3A_851[%swap3A_852, %swap3A_853] {strides = array<i32>} : memref<8x512xf32, #tpu.memory_space<vmem>>, vector<16xf32>,
        tpu.vector_store %swap3A_851[%swap3A_852, %swap3A_853], %gather3A_846 {strides = array<i32>} : memref<8x512xf32, #tpu.memory_space<vmem>>, vector<16xf32>,
        %broadcast_in_dim3A_855 = arith.constant 3 : i32
        %broadcast_in_dim3A_856 = vector.broadcast %broadcast_in_dim3A_855 : i32 to vector<16xi32>
        %gather3A_857 = arith.constant 0 : i32
        %gather3A_858 = arith.constant 0 : i32
        %gather3A_859 = tpu.memref_slice %run_scoped3A[%rem3A_199, %gather3A_857, %gather3A_858] : memref<2x8x2048xf32, #tpu.memory_space<vmem>> -> memref<1x8x2048xf32, #tpu.memory_space<vmem>>
        %gather3A_860 = tpu.memref_squeeze %gather3A_859 : memref<1x8x2048xf32, #tpu.memory_space<vmem>> -> memref<8x2048xf32, #tpu.memory_space<vmem>>
        %gather3A_861 = tpu.vector_load_idx %gather3A_860[%broadcast_in_dim3A_856, %get3A_809] : memref<8x2048xf32, #tpu.memory_space<vmem>>[vector<16xi32>, vector<16xi32>], vector<16xf32>,
        %swap3A_862 = arith.constant 3 : i32
        %swap3A_863 = arith.constant 0 : i32
        %swap3A_864 = arith.constant 0 : i32
        %swap3A_865 = tpu.memref_slice %run_scoped3A_8[%rem3A_201, %swap3A_863, %swap3A_864] : memref<2x8x512xf32, #tpu.memory_space<vmem>> -> memref<1x8x512xf32, #tpu.memory_space<vmem>>
        %swap3A_866 = tpu.memref_squeeze %swap3A_865 : memref<1x8x512xf32, #tpu.memory_space<vmem>> -> memref<8x512xf32, #tpu.memory_space<vmem>>
        %swap3A_867 = arith.index_cast %swap3A_862 : i32 to index
        %swap3A_868 = arith.constant 80 : index
        %swap3A_869 = tpu.vector_load %swap3A_866[%swap3A_867, %swap3A_868] {strides = array<i32>} : memref<8x512xf32, #tpu.memory_space<vmem>>, vector<16xf32>,
        tpu.vector_store %swap3A_866[%swap3A_867, %swap3A_868], %gather3A_861 {strides = array<i32>} : memref<8x512xf32, #tpu.memory_space<vmem>>, vector<16xf32>,
        %broadcast_in_dim3A_870 = arith.constant 4 : i32
        %broadcast_in_dim3A_871 = vector.broadcast %broadcast_in_dim3A_870 : i32 to vector<16xi32>
        %gather3A_872 = arith.constant 0 : i32
        %gather3A_873 = arith.constant 0 : i32
        %gather3A_874 = tpu.memref_slice %run_scoped3A[%rem3A_199, %gather3A_872, %gather3A_873] : memref<2x8x2048xf32, #tpu.memory_space<vmem>> -> memref<1x8x2048xf32, #tpu.memory_space<vmem>>
        %gather3A_875 = tpu.memref_squeeze %gather3A_874 : memref<1x8x2048xf32, #tpu.memory_space<vmem>> -> memref<8x2048xf32, #tpu.memory_space<vmem>>
        %gather3A_876 = tpu.vector_load_idx %gather3A_875[%broadcast_in_dim3A_871, %get3A_809] : memref<8x2048xf32, #tpu.memory_space<vmem>>[vector<16xi32>, vector<16xi32>], vector<16xf32>,
        %swap3A_877 = arith.constant 4 : i32
        %swap3A_878 = arith.constant 0 : i32
        %swap3A_879 = arith.constant 0 : i32
        %swap3A_880 = tpu.memref_slice %run_scoped3A_8[%rem3A_201, %swap3A_878, %swap3A_879] : memref<2x8x512xf32, #tpu.memory_space<vmem>> -> memref<1x8x512xf32, #tpu.memory_space<vmem>>
        %swap3A_881 = tpu.memref_squeeze %swap3A_880 : memref<1x8x512xf32, #tpu.memory_space<vmem>> -> memref<8x512xf32, #tpu.memory_space<vmem>>
        %swap3A_882 = arith.index_cast %swap3A_877 : i32 to index
        %swap3A_883 = arith.constant 80 : index
        %swap3A_884 = tpu.vector_load %swap3A_881[%swap3A_882, %swap3A_883] {strides = array<i32>} : memref<8x512xf32, #tpu.memory_space<vmem>>, vector<16xf32>,
        tpu.vector_store %swap3A_881[%swap3A_882, %swap3A_883], %gather3A_876 {strides = array<i32>} : memref<8x512xf32, #tpu.memory_space<vmem>>, vector<16xf32>,
        %broadcast_in_dim3A_885 = arith.constant 5 : i32
        %broadcast_in_dim3A_886 = vector.broadcast %broadcast_in_dim3A_885 : i32 to vector<16xi32>
        %gather3A_887 = arith.constant 0 : i32
        %gather3A_888 = arith.constant 0 : i32
        %gather3A_889 = tpu.memref_slice %run_scoped3A[%rem3A_199, %gather3A_887, %gather3A_888] : memref<2x8x2048xf32, #tpu.memory_space<vmem>> -> memref<1x8x2048xf32, #tpu.memory_space<vmem>>
        %gather3A_890 = tpu.memref_squeeze %gather3A_889 : memref<1x8x2048xf32, #tpu.memory_space<vmem>> -> memref<8x2048xf32, #tpu.memory_space<vmem>>
        %gather3A_891 = tpu.vector_load_idx %gather3A_890[%broadcast_in_dim3A_886, %get3A_809] : memref<8x2048xf32, #tpu.memory_space<vmem>>[vector<16xi32>, vector<16xi32>], vector<16xf32>,
        %swap3A_892 = arith.constant 5 : i32
        %swap3A_893 = arith.constant 0 : i32
        %swap3A_894 = arith.constant 0 : i32
        %swap3A_895 = tpu.memref_slice %run_scoped3A_8[%rem3A_201, %swap3A_893, %swap3A_894] : memref<2x8x512xf32, #tpu.memory_space<vmem>> -> memref<1x8x512xf32, #tpu.memory_space<vmem>>
        %swap3A_896 = tpu.memref_squeeze %swap3A_895 : memref<1x8x512xf32, #tpu.memory_space<vmem>> -> memref<8x512xf32, #tpu.memory_space<vmem>>
        %swap3A_897 = arith.index_cast %swap3A_892 : i32 to index
        %swap3A_898 = arith.constant 80 : index
        %swap3A_899 = tpu.vector_load %swap3A_896[%swap3A_897, %swap3A_898] {strides = array<i32>} : memref<8x512xf32, #tpu.memory_space<vmem>>, vector<16xf32>,
        tpu.vector_store %swap3A_896[%swap3A_897, %swap3A_898], %gather3A_891 {strides = array<i32>} : memref<8x512xf32, #tpu.memory_space<vmem>>, vector<16xf32>,
        %broadcast_in_dim3A_900 = arith.constant 6 : i32
        %broadcast_in_dim3A_901 = vector.broadcast %broadcast_in_dim3A_900 : i32 to vector<16xi32>
        %gather3A_902 = arith.constant 0 : i32
        %gather3A_903 = arith.constant 0 : i32
        %gather3A_904 = tpu.memref_slice %run_scoped3A[%rem3A_199, %gather3A_902, %gather3A_903] : memref<2x8x2048xf32, #tpu.memory_space<vmem>> -> memref<1x8x2048xf32, #tpu.memory_space<vmem>>
        %gather3A_905 = tpu.memref_squeeze %gather3A_904 : memref<1x8x2048xf32, #tpu.memory_space<vmem>> -> memref<8x2048xf32, #tpu.memory_space<vmem>>
        %gather3A_906 = tpu.vector_load_idx %gather3A_905[%broadcast_in_dim3A_901, %get3A_809] : memref<8x2048xf32, #tpu.memory_space<vmem>>[vector<16xi32>, vector<16xi32>], vector<16xf32>,
        %swap3A_907 = arith.constant 6 : i32
        %swap3A_908 = arith.constant 0 : i32
        %swap3A_909 = arith.constant 0 : i32
        %swap3A_910 = tpu.memref_slice %run_scoped3A_8[%rem3A_201, %swap3A_908, %swap3A_909] : memref<2x8x512xf32, #tpu.memory_space<vmem>> -> memref<1x8x512xf32, #tpu.memory_space<vmem>>
        %swap3A_911 = tpu.memref_squeeze %swap3A_910 : memref<1x8x512xf32, #tpu.memory_space<vmem>> -> memref<8x512xf32, #tpu.memory_space<vmem>>
        %swap3A_912 = arith.index_cast %swap3A_907 : i32 to index
        %swap3A_913 = arith.constant 80 : index
        %swap3A_914 = tpu.vector_load %swap3A_911[%swap3A_912, %swap3A_913] {strides = array<i32>} : memref<8x512xf32, #tpu.memory_space<vmem>>, vector<16xf32>,
        tpu.vector_store %swap3A_911[%swap3A_912, %swap3A_913], %gather3A_906 {strides = array<i32>} : memref<8x512xf32, #tpu.memory_space<vmem>>, vector<16xf32>,
        %broadcast_in_dim3A_915 = arith.constant 7 : i32
        %broadcast_in_dim3A_916 = vector.broadcast %broadcast_in_dim3A_915 : i32 to vector<16xi32>
        %gather3A_917 = arith.constant 0 : i32
        %gather3A_918 = arith.constant 0 : i32
        %gather3A_919 = tpu.memref_slice %run_scoped3A[%rem3A_199, %gather3A_917, %gather3A_918] : memref<2x8x2048xf32, #tpu.memory_space<vmem>> -> memref<1x8x2048xf32, #tpu.memory_space<vmem>>
        %gather3A_920 = tpu.memref_squeeze %gather3A_919 : memref<1x8x2048xf32, #tpu.memory_space<vmem>> -> memref<8x2048xf32, #tpu.memory_space<vmem>>
        %gather3A_921 = tpu.vector_load_idx %gather3A_920[%broadcast_in_dim3A_916, %get3A_809] : memref<8x2048xf32, #tpu.memory_space<vmem>>[vector<16xi32>, vector<16xi32>], vector<16xf32>,
        %swap3A_922 = arith.constant 7 : i32
        %swap3A_923 = arith.constant 0 : i32
        %swap3A_924 = arith.constant 0 : i32
        %swap3A_925 = tpu.memref_slice %run_scoped3A_8[%rem3A_201, %swap3A_923, %swap3A_924] : memref<2x8x512xf32, #tpu.memory_space<vmem>> -> memref<1x8x512xf32, #tpu.memory_space<vmem>>
        %swap3A_926 = tpu.memref_squeeze %swap3A_925 : memref<1x8x512xf32, #tpu.memory_space<vmem>> -> memref<8x512xf32, #tpu.memory_space<vmem>>
        %swap3A_927 = arith.index_cast %swap3A_922 : i32 to index
        %swap3A_928 = arith.constant 80 : index
        %swap3A_929 = tpu.vector_load %swap3A_926[%swap3A_927, %swap3A_928] {strides = array<i32>} : memref<8x512xf32, #tpu.memory_space<vmem>>, vector<16xf32>,
        tpu.vector_store %swap3A_926[%swap3A_927, %swap3A_928], %gather3A_921 {strides = array<i32>} : memref<8x512xf32, #tpu.memory_space<vmem>>, vector<16xf32>,
        %get3A_930 = arith.constant 96 : index
        %get3A_931 = tpu.vector_load %arg5[%get3A_930] {strides = array<i32>} : memref<512xi32, #tpu.memory_space<vmem>>, vector<16xi32>,
        %broadcast_in_dim3A_932 = arith.constant 0 : i32
        %broadcast_in_dim3A_933 = vector.broadcast %broadcast_in_dim3A_932 : i32 to vector<16xi32>
        %gather3A_934 = arith.constant 0 : i32
        %gather3A_935 = arith.constant 0 : i32
        %gather3A_936 = tpu.memref_slice %run_scoped3A[%rem3A_199, %gather3A_934, %gather3A_935] : memref<2x8x2048xf32, #tpu.memory_space<vmem>> -> memref<1x8x2048xf32, #tpu.memory_space<vmem>>
        %gather3A_937 = tpu.memref_squeeze %gather3A_936 : memref<1x8x2048xf32, #tpu.memory_space<vmem>> -> memref<8x2048xf32, #tpu.memory_space<vmem>>
        %gather3A_938 = tpu.vector_load_idx %gather3A_937[%broadcast_in_dim3A_933, %get3A_931] : memref<8x2048xf32, #tpu.memory_space<vmem>>[vector<16xi32>, vector<16xi32>], vector<16xf32>,
        %swap3A_939 = arith.constant 0 : i32
        %swap3A_940 = arith.constant 0 : i32
        %swap3A_941 = arith.constant 0 : i32
        %swap3A_942 = tpu.memref_slice %run_scoped3A_8[%rem3A_201, %swap3A_940, %swap3A_941] : memref<2x8x512xf32, #tpu.memory_space<vmem>> -> memref<1x8x512xf32, #tpu.memory_space<vmem>>
        %swap3A_943 = tpu.memref_squeeze %swap3A_942 : memref<1x8x512xf32, #tpu.memory_space<vmem>> -> memref<8x512xf32, #tpu.memory_space<vmem>>
        %swap3A_944 = arith.index_cast %swap3A_939 : i32 to index
        %swap3A_945 = arith.constant 96 : index
        %swap3A_946 = tpu.vector_load %swap3A_943[%swap3A_944, %swap3A_945] {strides = array<i32>} : memref<8x512xf32, #tpu.memory_space<vmem>>, vector<16xf32>,
        tpu.vector_store %swap3A_943[%swap3A_944, %swap3A_945], %gather3A_938 {strides = array<i32>} : memref<8x512xf32, #tpu.memory_space<vmem>>, vector<16xf32>,
        %broadcast_in_dim3A_947 = arith.constant 1 : i32
        %broadcast_in_dim3A_948 = vector.broadcast %broadcast_in_dim3A_947 : i32 to vector<16xi32>
        %gather3A_949 = arith.constant 0 : i32
        %gather3A_950 = arith.constant 0 : i32
        %gather3A_951 = tpu.memref_slice %run_scoped3A[%rem3A_199, %gather3A_949, %gather3A_950] : memref<2x8x2048xf32, #tpu.memory_space<vmem>> -> memref<1x8x2048xf32, #tpu.memory_space<vmem>>
        %gather3A_952 = tpu.memref_squeeze %gather3A_951 : memref<1x8x2048xf32, #tpu.memory_space<vmem>> -> memref<8x2048xf32, #tpu.memory_space<vmem>>
        %gather3A_953 = tpu.vector_load_idx %gather3A_952[%broadcast_in_dim3A_948, %get3A_931] : memref<8x2048xf32, #tpu.memory_space<vmem>>[vector<16xi32>, vector<16xi32>], vector<16xf32>,
        %swap3A_954 = arith.constant 1 : i32
        %swap3A_955 = arith.constant 0 : i32
        %swap3A_956 = arith.constant 0 : i32
        %swap3A_957 = tpu.memref_slice %run_scoped3A_8[%rem3A_201, %swap3A_955, %swap3A_956] : memref<2x8x512xf32, #tpu.memory_space<vmem>> -> memref<1x8x512xf32, #tpu.memory_space<vmem>>
        %swap3A_958 = tpu.memref_squeeze %swap3A_957 : memref<1x8x512xf32, #tpu.memory_space<vmem>> -> memref<8x512xf32, #tpu.memory_space<vmem>>
        %swap3A_959 = arith.index_cast %swap3A_954 : i32 to index
        %swap3A_960 = arith.constant 96 : index
        %swap3A_961 = tpu.vector_load %swap3A_958[%swap3A_959, %swap3A_960] {strides = array<i32>} : memref<8x512xf32, #tpu.memory_space<vmem>>, vector<16xf32>,
        tpu.vector_store %swap3A_958[%swap3A_959, %swap3A_960], %gather3A_953 {strides = array<i32>} : memref<8x512xf32, #tpu.memory_space<vmem>>, vector<16xf32>,
        %broadcast_in_dim3A_962 = arith.constant 2 : i32
        %broadcast_in_dim3A_963 = vector.broadcast %broadcast_in_dim3A_962 : i32 to vector<16xi32>
        %gather3A_964 = arith.constant 0 : i32
        %gather3A_965 = arith.constant 0 : i32
        %gather3A_966 = tpu.memref_slice %run_scoped3A[%rem3A_199, %gather3A_964, %gather3A_965] : memref<2x8x2048xf32, #tpu.memory_space<vmem>> -> memref<1x8x2048xf32, #tpu.memory_space<vmem>>
        %gather3A_967 = tpu.memref_squeeze %gather3A_966 : memref<1x8x2048xf32, #tpu.memory_space<vmem>> -> memref<8x2048xf32, #tpu.memory_space<vmem>>
        %gather3A_968 = tpu.vector_load_idx %gather3A_967[%broadcast_in_dim3A_963, %get3A_931] : memref<8x2048xf32, #tpu.memory_space<vmem>>[vector<16xi32>, vector<16xi32>], vector<16xf32>,
        %swap3A_969 = arith.constant 2 : i32
        %swap3A_970 = arith.constant 0 : i32
        %swap3A_971 = arith.constant 0 : i32
        %swap3A_972 = tpu.memref_slice %run_scoped3A_8[%rem3A_201, %swap3A_970, %swap3A_971] : memref<2x8x512xf32, #tpu.memory_space<vmem>> -> memref<1x8x512xf32, #tpu.memory_space<vmem>>
        %swap3A_973 = tpu.memref_squeeze %swap3A_972 : memref<1x8x512xf32, #tpu.memory_space<vmem>> -> memref<8x512xf32, #tpu.memory_space<vmem>>
        %swap3A_974 = arith.index_cast %swap3A_969 : i32 to index
        %swap3A_975 = arith.constant 96 : index
        %swap3A_976 = tpu.vector_load %swap3A_973[%swap3A_974, %swap3A_975] {strides = array<i32>} : memref<8x512xf32, #tpu.memory_space<vmem>>, vector<16xf32>,
        tpu.vector_store %swap3A_973[%swap3A_974, %swap3A_975], %gather3A_968 {strides = array<i32>} : memref<8x512xf32, #tpu.memory_space<vmem>>, vector<16xf32>,
        %broadcast_in_dim3A_977 = arith.constant 3 : i32
        %broadcast_in_dim3A_978 = vector.broadcast %broadcast_in_dim3A_977 : i32 to vector<16xi32>
        %gather3A_979 = arith.constant 0 : i32
        %gather3A_980 = arith.constant 0 : i32
        %gather3A_981 = tpu.memref_slice %run_scoped3A[%rem3A_199, %gather3A_979, %gather3A_980] : memref<2x8x2048xf32, #tpu.memory_space<vmem>> -> memref<1x8x2048xf32, #tpu.memory_space<vmem>>
        %gather3A_982 = tpu.memref_squeeze %gather3A_981 : memref<1x8x2048xf32, #tpu.memory_space<vmem>> -> memref<8x2048xf32, #tpu.memory_space<vmem>>
        %gather3A_983 = tpu.vector_load_idx %gather3A_982[%broadcast_in_dim3A_978, %get3A_931] : memref<8x2048xf32, #tpu.memory_space<vmem>>[vector<16xi32>, vector<16xi32>], vector<16xf32>,
        %swap3A_984 = arith.constant 3 : i32
        %swap3A_985 = arith.constant 0 : i32
        %swap3A_986 = arith.constant 0 : i32
        %swap3A_987 = tpu.memref_slice %run_scoped3A_8[%rem3A_201, %swap3A_985, %swap3A_986] : memref<2x8x512xf32, #tpu.memory_space<vmem>> -> memref<1x8x512xf32, #tpu.memory_space<vmem>>
        %swap3A_988 = tpu.memref_squeeze %swap3A_987 : memref<1x8x512xf32, #tpu.memory_space<vmem>> -> memref<8x512xf32, #tpu.memory_space<vmem>>
        %swap3A_989 = arith.index_cast %swap3A_984 : i32 to index
        %swap3A_990 = arith.constant 96 : index
        %swap3A_991 = tpu.vector_load %swap3A_988[%swap3A_989, %swap3A_990] {strides = array<i32>} : memref<8x512xf32, #tpu.memory_space<vmem>>, vector<16xf32>,
        tpu.vector_store %swap3A_988[%swap3A_989, %swap3A_990], %gather3A_983 {strides = array<i32>} : memref<8x512xf32, #tpu.memory_space<vmem>>, vector<16xf32>,
        %broadcast_in_dim3A_992 = arith.constant 4 : i32
        %broadcast_in_dim3A_993 = vector.broadcast %broadcast_in_dim3A_992 : i32 to vector<16xi32>
        %gather3A_994 = arith.constant 0 : i32
        %gather3A_995 = arith.constant 0 : i32
        %gather3A_996 = tpu.memref_slice %run_scoped3A[%rem3A_199, %gather3A_994, %gather3A_995] : memref<2x8x2048xf32, #tpu.memory_space<vmem>> -> memref<1x8x2048xf32, #tpu.memory_space<vmem>>
        %gather3A_997 = tpu.memref_squeeze %gather3A_996 : memref<1x8x2048xf32, #tpu.memory_space<vmem>> -> memref<8x2048xf32, #tpu.memory_space<vmem>>
        %gather3A_998 = tpu.vector_load_idx %gather3A_997[%broadcast_in_dim3A_993, %get3A_931] : memref<8x2048xf32, #tpu.memory_space<vmem>>[vector<16xi32>, vector<16xi32>], vector<16xf32>,
        %swap3A_999 = arith.constant 4 : i32
        %swap3A_1000 = arith.constant 0 : i32
        %swap3A_1001 = arith.constant 0 : i32
        %swap3A_1002 = tpu.memref_slice %run_scoped3A_8[%rem3A_201, %swap3A_1000, %swap3A_1001] : memref<2x8x512xf32, #tpu.memory_space<vmem>> -> memref<1x8x512xf32, #tpu.memory_space<vmem>>
        %swap3A_1003 = tpu.memref_squeeze %swap3A_1002 : memref<1x8x512xf32, #tpu.memory_space<vmem>> -> memref<8x512xf32, #tpu.memory_space<vmem>>
        %swap3A_1004 = arith.index_cast %swap3A_999 : i32 to index
        %swap3A_1005 = arith.constant 96 : index
        %swap3A_1006 = tpu.vector_load %swap3A_1003[%swap3A_1004, %swap3A_1005] {strides = array<i32>} : memref<8x512xf32, #tpu.memory_space<vmem>>, vector<16xf32>,
        tpu.vector_store %swap3A_1003[%swap3A_1004, %swap3A_1005], %gather3A_998 {strides = array<i32>} : memref<8x512xf32, #tpu.memory_space<vmem>>, vector<16xf32>,
        %broadcast_in_dim3A_1007 = arith.constant 5 : i32
        %broadcast_in_dim3A_1008 = vector.broadcast %broadcast_in_dim3A_1007 : i32 to vector<16xi32>
        %gather3A_1009 = arith.constant 0 : i32
        %gather3A_1010 = arith.constant 0 : i32
        %gather3A_1011 = tpu.memref_slice %run_scoped3A[%rem3A_199, %gather3A_1009, %gather3A_1010] : memref<2x8x2048xf32, #tpu.memory_space<vmem>> -> memref<1x8x2048xf32, #tpu.memory_space<vmem>>
        %gather3A_1012 = tpu.memref_squeeze %gather3A_1011 : memref<1x8x2048xf32, #tpu.memory_space<vmem>> -> memref<8x2048xf32, #tpu.memory_space<vmem>>
        %gather3A_1013 = tpu.vector_load_idx %gather3A_1012[%broadcast_in_dim3A_1008, %get3A_931] : memref<8x2048xf32, #tpu.memory_space<vmem>>[vector<16xi32>, vector<16xi32>], vector<16xf32>,
        %swap3A_1014 = arith.constant 5 : i32
        %swap3A_1015 = arith.constant 0 : i32
        %swap3A_1016 = arith.constant 0 : i32
        %swap3A_1017 = tpu.memref_slice %run_scoped3A_8[%rem3A_201, %swap3A_1015, %swap3A_1016] : memref<2x8x512xf32, #tpu.memory_space<vmem>> -> memref<1x8x512xf32, #tpu.memory_space<vmem>>
        %swap3A_1018 = tpu.memref_squeeze %swap3A_1017 : memref<1x8x512xf32, #tpu.memory_space<vmem>> -> memref<8x512xf32, #tpu.memory_space<vmem>>
        %swap3A_1019 = arith.index_cast %swap3A_1014 : i32 to index
        %swap3A_1020 = arith.constant 96 : index
        %swap3A_1021 = tpu.vector_load %swap3A_1018[%swap3A_1019, %swap3A_1020] {strides = array<i32>} : memref<8x512xf32, #tpu.memory_space<vmem>>, vector<16xf32>,
        tpu.vector_store %swap3A_1018[%swap3A_1019, %swap3A_1020], %gather3A_1013 {strides = array<i32>} : memref<8x512xf32, #tpu.memory_space<vmem>>, vector<16xf32>,
        %broadcast_in_dim3A_1022 = arith.constant 6 : i32
        %broadcast_in_dim3A_1023 = vector.broadcast %broadcast_in_dim3A_1022 : i32 to vector<16xi32>
        %gather3A_1024 = arith.constant 0 : i32
        %gather3A_1025 = arith.constant 0 : i32
        %gather3A_1026 = tpu.memref_slice %run_scoped3A[%rem3A_199, %gather3A_1024, %gather3A_1025] : memref<2x8x2048xf32, #tpu.memory_space<vmem>> -> memref<1x8x2048xf32, #tpu.memory_space<vmem>>
        %gather3A_1027 = tpu.memref_squeeze %gather3A_1026 : memref<1x8x2048xf32, #tpu.memory_space<vmem>> -> memref<8x2048xf32, #tpu.memory_space<vmem>>
        %gather3A_1028 = tpu.vector_load_idx %gather3A_1027[%broadcast_in_dim3A_1023, %get3A_931] : memref<8x2048xf32, #tpu.memory_space<vmem>>[vector<16xi32>, vector<16xi32>], vector<16xf32>,
        %swap3A_1029 = arith.constant 6 : i32
        %swap3A_1030 = arith.constant 0 : i32
        %swap3A_1031 = arith.constant 0 : i32
        %swap3A_1032 = tpu.memref_slice %run_scoped3A_8[%rem3A_201, %swap3A_1030, %swap3A_1031] : memref<2x8x512xf32, #tpu.memory_space<vmem>> -> memref<1x8x512xf32, #tpu.memory_space<vmem>>
        %swap3A_1033 = tpu.memref_squeeze %swap3A_1032 : memref<1x8x512xf32, #tpu.memory_space<vmem>> -> memref<8x512xf32, #tpu.memory_space<vmem>>
        %swap3A_1034 = arith.index_cast %swap3A_1029 : i32 to index
        %swap3A_1035 = arith.constant 96 : index
        %swap3A_1036 = tpu.vector_load %swap3A_1033[%swap3A_1034, %swap3A_1035] {strides = array<i32>} : memref<8x512xf32, #tpu.memory_space<vmem>>, vector<16xf32>,
        tpu.vector_store %swap3A_1033[%swap3A_1034, %swap3A_1035], %gather3A_1028 {strides = array<i32>} : memref<8x512xf32, #tpu.memory_space<vmem>>, vector<16xf32>,
        %broadcast_in_dim3A_1037 = arith.constant 7 : i32
        %broadcast_in_dim3A_1038 = vector.broadcast %broadcast_in_dim3A_1037 : i32 to vector<16xi32>
        %gather3A_1039 = arith.constant 0 : i32
        %gather3A_1040 = arith.constant 0 : i32
        %gather3A_1041 = tpu.memref_slice %run_scoped3A[%rem3A_199, %gather3A_1039, %gather3A_1040] : memref<2x8x2048xf32, #tpu.memory_space<vmem>> -> memref<1x8x2048xf32, #tpu.memory_space<vmem>>
        %gather3A_1042 = tpu.memref_squeeze %gather3A_1041 : memref<1x8x2048xf32, #tpu.memory_space<vmem>> -> memref<8x2048xf32, #tpu.memory_space<vmem>>
        %gather3A_1043 = tpu.vector_load_idx %gather3A_1042[%broadcast_in_dim3A_1038, %get3A_931] : memref<8x2048xf32, #tpu.memory_space<vmem>>[vector<16xi32>, vector<16xi32>], vector<16xf32>,
        %swap3A_1044 = arith.constant 7 : i32
        %swap3A_1045 = arith.constant 0 : i32
        %swap3A_1046 = arith.constant 0 : i32
        %swap3A_1047 = tpu.memref_slice %run_scoped3A_8[%rem3A_201, %swap3A_1045, %swap3A_1046] : memref<2x8x512xf32, #tpu.memory_space<vmem>> -> memref<1x8x512xf32, #tpu.memory_space<vmem>>
        %swap3A_1048 = tpu.memref_squeeze %swap3A_1047 : memref<1x8x512xf32, #tpu.memory_space<vmem>> -> memref<8x512xf32, #tpu.memory_space<vmem>>
        %swap3A_1049 = arith.index_cast %swap3A_1044 : i32 to index
        %swap3A_1050 = arith.constant 96 : index
        %swap3A_1051 = tpu.vector_load %swap3A_1048[%swap3A_1049, %swap3A_1050] {strides = array<i32>} : memref<8x512xf32, #tpu.memory_space<vmem>>, vector<16xf32>,
        tpu.vector_store %swap3A_1048[%swap3A_1049, %swap3A_1050], %gather3A_1043 {strides = array<i32>} : memref<8x512xf32, #tpu.memory_space<vmem>>, vector<16xf32>,
        %get3A_1052 = arith.constant 112 : index
        %get3A_1053 = tpu.vector_load %arg5[%get3A_1052] {strides = array<i32>} : memref<512xi32, #tpu.memory_space<vmem>>, vector<16xi32>,
        %broadcast_in_dim3A_1054 = arith.constant 0 : i32
        %broadcast_in_dim3A_1055 = vector.broadcast %broadcast_in_dim3A_1054 : i32 to vector<16xi32>
        %gather3A_1056 = arith.constant 0 : i32
        %gather3A_1057 = arith.constant 0 : i32
        %gather3A_1058 = tpu.memref_slice %run_scoped3A[%rem3A_199, %gather3A_1056, %gather3A_1057] : memref<2x8x2048xf32, #tpu.memory_space<vmem>> -> memref<1x8x2048xf32, #tpu.memory_space<vmem>>
        %gather3A_1059 = tpu.memref_squeeze %gather3A_1058 : memref<1x8x2048xf32, #tpu.memory_space<vmem>> -> memref<8x2048xf32, #tpu.memory_space<vmem>>
        %gather3A_1060 = tpu.vector_load_idx %gather3A_1059[%broadcast_in_dim3A_1055, %get3A_1053] : memref<8x2048xf32, #tpu.memory_space<vmem>>[vector<16xi32>, vector<16xi32>], vector<16xf32>,
        %swap3A_1061 = arith.constant 0 : i32
        %swap3A_1062 = arith.constant 0 : i32
        %swap3A_1063 = arith.constant 0 : i32
        %swap3A_1064 = tpu.memref_slice %run_scoped3A_8[%rem3A_201, %swap3A_1062, %swap3A_1063] : memref<2x8x512xf32, #tpu.memory_space<vmem>> -> memref<1x8x512xf32, #tpu.memory_space<vmem>>
        %swap3A_1065 = tpu.memref_squeeze %swap3A_1064 : memref<1x8x512xf32, #tpu.memory_space<vmem>> -> memref<8x512xf32, #tpu.memory_space<vmem>>
        %swap3A_1066 = arith.index_cast %swap3A_1061 : i32 to index
        %swap3A_1067 = arith.constant 112 : index
        %swap3A_1068 = tpu.vector_load %swap3A_1065[%swap3A_1066, %swap3A_1067] {strides = array<i32>} : memref<8x512xf32, #tpu.memory_space<vmem>>, vector<16xf32>,
        tpu.vector_store %swap3A_1065[%swap3A_1066, %swap3A_1067], %gather3A_1060 {strides = array<i32>} : memref<8x512xf32, #tpu.memory_space<vmem>>, vector<16xf32>,
        %broadcast_in_dim3A_1069 = arith.constant 1 : i32
        %broadcast_in_dim3A_1070 = vector.broadcast %broadcast_in_dim3A_1069 : i32 to vector<16xi32>
        %gather3A_1071 = arith.constant 0 : i32
        %gather3A_1072 = arith.constant 0 : i32
        %gather3A_1073 = tpu.memref_slice %run_scoped3A[%rem3A_199, %gather3A_1071, %gather3A_1072] : memref<2x8x2048xf32, #tpu.memory_space<vmem>> -> memref<1x8x2048xf32, #tpu.memory_space<vmem>>
        %gather3A_1074 = tpu.memref_squeeze %gather3A_1073 : memref<1x8x2048xf32, #tpu.memory_space<vmem>> -> memref<8x2048xf32, #tpu.memory_space<vmem>>
        %gather3A_1075 = tpu.vector_load_idx %gather3A_1074[%broadcast_in_dim3A_1070, %get3A_1053] : memref<8x2048xf32, #tpu.memory_space<vmem>>[vector<16xi32>, vector<16xi32>], vector<16xf32>,
        %swap3A_1076 = arith.constant 1 : i32
        %swap3A_1077 = arith.constant 0 : i32
        %swap3A_1078 = arith.constant 0 : i32
        %swap3A_1079 = tpu.memref_slice %run_scoped3A_8[%rem3A_201, %swap3A_1077, %swap3A_1078] : memref<2x8x512xf32, #tpu.memory_space<vmem>> -> memref<1x8x512xf32, #tpu.memory_space<vmem>>
        %swap3A_1080 = tpu.memref_squeeze %swap3A_1079 : memref<1x8x512xf32, #tpu.memory_space<vmem>> -> memref<8x512xf32, #tpu.memory_space<vmem>>
        %swap3A_1081 = arith.index_cast %swap3A_1076 : i32 to index
        %swap3A_1082 = arith.constant 112 : index
        %swap3A_1083 = tpu.vector_load %swap3A_1080[%swap3A_1081, %swap3A_1082] {strides = array<i32>} : memref<8x512xf32, #tpu.memory_space<vmem>>, vector<16xf32>,
        tpu.vector_store %swap3A_1080[%swap3A_1081, %swap3A_1082], %gather3A_1075 {strides = array<i32>} : memref<8x512xf32, #tpu.memory_space<vmem>>, vector<16xf32>,
        %broadcast_in_dim3A_1084 = arith.constant 2 : i32
        %broadcast_in_dim3A_1085 = vector.broadcast %broadcast_in_dim3A_1084 : i32 to vector<16xi32>
        %gather3A_1086 = arith.constant 0 : i32
        %gather3A_1087 = arith.constant 0 : i32
        %gather3A_1088 = tpu.memref_slice %run_scoped3A[%rem3A_199, %gather3A_1086, %gather3A_1087] : memref<2x8x2048xf32, #tpu.memory_space<vmem>> -> memref<1x8x2048xf32, #tpu.memory_space<vmem>>
        %gather3A_1089 = tpu.memref_squeeze %gather3A_1088 : memref<1x8x2048xf32, #tpu.memory_space<vmem>> -> memref<8x2048xf32, #tpu.memory_space<vmem>>
        %gather3A_1090 = tpu.vector_load_idx %gather3A_1089[%broadcast_in_dim3A_1085, %get3A_1053] : memref<8x2048xf32, #tpu.memory_space<vmem>>[vector<16xi32>, vector<16xi32>], vector<16xf32>,
        %swap3A_1091 = arith.constant 2 : i32
        %swap3A_1092 = arith.constant 0 : i32
        %swap3A_1093 = arith.constant 0 : i32
        %swap3A_1094 = tpu.memref_slice %run_scoped3A_8[%rem3A_201, %swap3A_1092, %swap3A_1093] : memref<2x8x512xf32, #tpu.memory_space<vmem>> -> memref<1x8x512xf32, #tpu.memory_space<vmem>>
        %swap3A_1095 = tpu.memref_squeeze %swap3A_1094 : memref<1x8x512xf32, #tpu.memory_space<vmem>> -> memref<8x512xf32, #tpu.memory_space<vmem>>
        %swap3A_1096 = arith.index_cast %swap3A_1091 : i32 to index
        %swap3A_1097 = arith.constant 112 : index
        %swap3A_1098 = tpu.vector_load %swap3A_1095[%swap3A_1096, %swap3A_1097] {strides = array<i32>} : memref<8x512xf32, #tpu.memory_space<vmem>>, vector<16xf32>,
        tpu.vector_store %swap3A_1095[%swap3A_1096, %swap3A_1097], %gather3A_1090 {strides = array<i32>} : memref<8x512xf32, #tpu.memory_space<vmem>>, vector<16xf32>,
        %broadcast_in_dim3A_1099 = arith.constant 3 : i32
        %broadcast_in_dim3A_1100 = vector.broadcast %broadcast_in_dim3A_1099 : i32 to vector<16xi32>
        %gather3A_1101 = arith.constant 0 : i32
        %gather3A_1102 = arith.constant 0 : i32
        %gather3A_1103 = tpu.memref_slice %run_scoped3A[%rem3A_199, %gather3A_1101, %gather3A_1102] : memref<2x8x2048xf32, #tpu.memory_space<vmem>> -> memref<1x8x2048xf32, #tpu.memory_space<vmem>>
        %gather3A_1104 = tpu.memref_squeeze %gather3A_1103 : memref<1x8x2048xf32, #tpu.memory_space<vmem>> -> memref<8x2048xf32, #tpu.memory_space<vmem>>
        %gather3A_1105 = tpu.vector_load_idx %gather3A_1104[%broadcast_in_dim3A_1100, %get3A_1053] : memref<8x2048xf32, #tpu.memory_space<vmem>>[vector<16xi32>, vector<16xi32>], vector<16xf32>,
        %swap3A_1106 = arith.constant 3 : i32
        %swap3A_1107 = arith.constant 0 : i32
        %swap3A_1108 = arith.constant 0 : i32
        %swap3A_1109 = tpu.memref_slice %run_scoped3A_8[%rem3A_201, %swap3A_1107, %swap3A_1108] : memref<2x8x512xf32, #tpu.memory_space<vmem>> -> memref<1x8x512xf32, #tpu.memory_space<vmem>>
        %swap3A_1110 = tpu.memref_squeeze %swap3A_1109 : memref<1x8x512xf32, #tpu.memory_space<vmem>> -> memref<8x512xf32, #tpu.memory_space<vmem>>
        %swap3A_1111 = arith.index_cast %swap3A_1106 : i32 to index
        %swap3A_1112 = arith.constant 112 : index
        %swap3A_1113 = tpu.vector_load %swap3A_1110[%swap3A_1111, %swap3A_1112] {strides = array<i32>} : memref<8x512xf32, #tpu.memory_space<vmem>>, vector<16xf32>,
        tpu.vector_store %swap3A_1110[%swap3A_1111, %swap3A_1112], %gather3A_1105 {strides = array<i32>} : memref<8x512xf32, #tpu.memory_space<vmem>>, vector<16xf32>,
        %broadcast_in_dim3A_1114 = arith.constant 4 : i32
        %broadcast_in_dim3A_1115 = vector.broadcast %broadcast_in_dim3A_1114 : i32 to vector<16xi32>
        %gather3A_1116 = arith.constant 0 : i32
        %gather3A_1117 = arith.constant 0 : i32
        %gather3A_1118 = tpu.memref_slice %run_scoped3A[%rem3A_199, %gather3A_1116, %gather3A_1117] : memref<2x8x2048xf32, #tpu.memory_space<vmem>> -> memref<1x8x2048xf32, #tpu.memory_space<vmem>>
        %gather3A_1119 = tpu.memref_squeeze %gather3A_1118 : memref<1x8x2048xf32, #tpu.memory_space<vmem>> -> memref<8x2048xf32, #tpu.memory_space<vmem>>
        %gather3A_1120 = tpu.vector_load_idx %gather3A_1119[%broadcast_in_dim3A_1115, %get3A_1053] : memref<8x2048xf32, #tpu.memory_space<vmem>>[vector<16xi32>, vector<16xi32>], vector<16xf32>,
        %swap3A_1121 = arith.constant 4 : i32
        %swap3A_1122 = arith.constant 0 : i32
        %swap3A_1123 = arith.constant 0 : i32
        %swap3A_1124 = tpu.memref_slice %run_scoped3A_8[%rem3A_201, %swap3A_1122, %swap3A_1123] : memref<2x8x512xf32, #tpu.memory_space<vmem>> -> memref<1x8x512xf32, #tpu.memory_space<vmem>>
        %swap3A_1125 = tpu.memref_squeeze %swap3A_1124 : memref<1x8x512xf32, #tpu.memory_space<vmem>> -> memref<8x512xf32, #tpu.memory_space<vmem>>
        %swap3A_1126 = arith.index_cast %swap3A_1121 : i32 to index
        %swap3A_1127 = arith.constant 112 : index
        %swap3A_1128 = tpu.vector_load %swap3A_1125[%swap3A_1126, %swap3A_1127] {strides = array<i32>} : memref<8x512xf32, #tpu.memory_space<vmem>>, vector<16xf32>,
        tpu.vector_store %swap3A_1125[%swap3A_1126, %swap3A_1127], %gather3A_1120 {strides = array<i32>} : memref<8x512xf32, #tpu.memory_space<vmem>>, vector<16xf32>,
        %broadcast_in_dim3A_1129 = arith.constant 5 : i32
        %broadcast_in_dim3A_1130 = vector.broadcast %broadcast_in_dim3A_1129 : i32 to vector<16xi32>
        %gather3A_1131 = arith.constant 0 : i32
        %gather3A_1132 = arith.constant 0 : i32
        %gather3A_1133 = tpu.memref_slice %run_scoped3A[%rem3A_199, %gather3A_1131, %gather3A_1132] : memref<2x8x2048xf32, #tpu.memory_space<vmem>> -> memref<1x8x2048xf32, #tpu.memory_space<vmem>>
        %gather3A_1134 = tpu.memref_squeeze %gather3A_1133 : memref<1x8x2048xf32, #tpu.memory_space<vmem>> -> memref<8x2048xf32, #tpu.memory_space<vmem>>
        %gather3A_1135 = tpu.vector_load_idx %gather3A_1134[%broadcast_in_dim3A_1130, %get3A_1053] : memref<8x2048xf32, #tpu.memory_space<vmem>>[vector<16xi32>, vector<16xi32>], vector<16xf32>,
        %swap3A_1136 = arith.constant 5 : i32
        %swap3A_1137 = arith.constant 0 : i32
        %swap3A_1138 = arith.constant 0 : i32
        %swap3A_1139 = tpu.memref_slice %run_scoped3A_8[%rem3A_201, %swap3A_1137, %swap3A_1138] : memref<2x8x512xf32, #tpu.memory_space<vmem>> -> memref<1x8x512xf32, #tpu.memory_space<vmem>>
        %swap3A_1140 = tpu.memref_squeeze %swap3A_1139 : memref<1x8x512xf32, #tpu.memory_space<vmem>> -> memref<8x512xf32, #tpu.memory_space<vmem>>
        %swap3A_1141 = arith.index_cast %swap3A_1136 : i32 to index
        %swap3A_1142 = arith.constant 112 : index
        %swap3A_1143 = tpu.vector_load %swap3A_1140[%swap3A_1141, %swap3A_1142] {strides = array<i32>} : memref<8x512xf32, #tpu.memory_space<vmem>>, vector<16xf32>,
        tpu.vector_store %swap3A_1140[%swap3A_1141, %swap3A_1142], %gather3A_1135 {strides = array<i32>} : memref<8x512xf32, #tpu.memory_space<vmem>>, vector<16xf32>,
        %broadcast_in_dim3A_1144 = arith.constant 6 : i32
        %broadcast_in_dim3A_1145 = vector.broadcast %broadcast_in_dim3A_1144 : i32 to vector<16xi32>
        %gather3A_1146 = arith.constant 0 : i32
        %gather3A_1147 = arith.constant 0 : i32
        %gather3A_1148 = tpu.memref_slice %run_scoped3A[%rem3A_199, %gather3A_1146, %gather3A_1147] : memref<2x8x2048xf32, #tpu.memory_space<vmem>> -> memref<1x8x2048xf32, #tpu.memory_space<vmem>>
        %gather3A_1149 = tpu.memref_squeeze %gather3A_1148 : memref<1x8x2048xf32, #tpu.memory_space<vmem>> -> memref<8x2048xf32, #tpu.memory_space<vmem>>
        %gather3A_1150 = tpu.vector_load_idx %gather3A_1149[%broadcast_in_dim3A_1145, %get3A_1053] : memref<8x2048xf32, #tpu.memory_space<vmem>>[vector<16xi32>, vector<16xi32>], vector<16xf32>,
        %swap3A_1151 = arith.constant 6 : i32
        %swap3A_1152 = arith.constant 0 : i32
        %swap3A_1153 = arith.constant 0 : i32
        %swap3A_1154 = tpu.memref_slice %run_scoped3A_8[%rem3A_201, %swap3A_1152, %swap3A_1153] : memref<2x8x512xf32, #tpu.memory_space<vmem>> -> memref<1x8x512xf32, #tpu.memory_space<vmem>>
        %swap3A_1155 = tpu.memref_squeeze %swap3A_1154 : memref<1x8x512xf32, #tpu.memory_space<vmem>> -> memref<8x512xf32, #tpu.memory_space<vmem>>
        %swap3A_1156 = arith.index_cast %swap3A_1151 : i32 to index
        %swap3A_1157 = arith.constant 112 : index
        %swap3A_1158 = tpu.vector_load %swap3A_1155[%swap3A_1156, %swap3A_1157] {strides = array<i32>} : memref<8x512xf32, #tpu.memory_space<vmem>>, vector<16xf32>,
        tpu.vector_store %swap3A_1155[%swap3A_1156, %swap3A_1157], %gather3A_1150 {strides = array<i32>} : memref<8x512xf32, #tpu.memory_space<vmem>>, vector<16xf32>,
        %broadcast_in_dim3A_1159 = arith.constant 7 : i32
        %broadcast_in_dim3A_1160 = vector.broadcast %broadcast_in_dim3A_1159 : i32 to vector<16xi32>
        %gather3A_1161 = arith.constant 0 : i32
        %gather3A_1162 = arith.constant 0 : i32
        %gather3A_1163 = tpu.memref_slice %run_scoped3A[%rem3A_199, %gather3A_1161, %gather3A_1162] : memref<2x8x2048xf32, #tpu.memory_space<vmem>> -> memref<1x8x2048xf32, #tpu.memory_space<vmem>>
        %gather3A_1164 = tpu.memref_squeeze %gather3A_1163 : memref<1x8x2048xf32, #tpu.memory_space<vmem>> -> memref<8x2048xf32, #tpu.memory_space<vmem>>
        %gather3A_1165 = tpu.vector_load_idx %gather3A_1164[%broadcast_in_dim3A_1160, %get3A_1053] : memref<8x2048xf32, #tpu.memory_space<vmem>>[vector<16xi32>, vector<16xi32>], vector<16xf32>,
        %swap3A_1166 = arith.constant 7 : i32
        %swap3A_1167 = arith.constant 0 : i32
        %swap3A_1168 = arith.constant 0 : i32
        %swap3A_1169 = tpu.memref_slice %run_scoped3A_8[%rem3A_201, %swap3A_1167, %swap3A_1168] : memref<2x8x512xf32, #tpu.memory_space<vmem>> -> memref<1x8x512xf32, #tpu.memory_space<vmem>>
        %swap3A_1170 = tpu.memref_squeeze %swap3A_1169 : memref<1x8x512xf32, #tpu.memory_space<vmem>> -> memref<8x512xf32, #tpu.memory_space<vmem>>
        %swap3A_1171 = arith.index_cast %swap3A_1166 : i32 to index
        %swap3A_1172 = arith.constant 112 : index
        %swap3A_1173 = tpu.vector_load %swap3A_1170[%swap3A_1171, %swap3A_1172] {strides = array<i32>} : memref<8x512xf32, #tpu.memory_space<vmem>>, vector<16xf32>,
        tpu.vector_store %swap3A_1170[%swap3A_1171, %swap3A_1172], %gather3A_1165 {strides = array<i32>} : memref<8x512xf32, #tpu.memory_space<vmem>>, vector<16xf32>,
        %get3A_1174 = arith.constant 128 : index
        %get3A_1175 = tpu.vector_load %arg5[%get3A_1174] {strides = array<i32>} : memref<512xi32, #tpu.memory_space<vmem>>, vector<16xi32>,
        %broadcast_in_dim3A_1176 = arith.constant 0 : i32
        %broadcast_in_dim3A_1177 = vector.broadcast %broadcast_in_dim3A_1176 : i32 to vector<16xi32>
        %gather3A_1178 = arith.constant 0 : i32
        %gather3A_1179 = arith.constant 0 : i32
        %gather3A_1180 = tpu.memref_slice %run_scoped3A[%rem3A_199, %gather3A_1178, %gather3A_1179] : memref<2x8x2048xf32, #tpu.memory_space<vmem>> -> memref<1x8x2048xf32, #tpu.memory_space<vmem>>
        %gather3A_1181 = tpu.memref_squeeze %gather3A_1180 : memref<1x8x2048xf32, #tpu.memory_space<vmem>> -> memref<8x2048xf32, #tpu.memory_space<vmem>>
        %gather3A_1182 = tpu.vector_load_idx %gather3A_1181[%broadcast_in_dim3A_1177, %get3A_1175] : memref<8x2048xf32, #tpu.memory_space<vmem>>[vector<16xi32>, vector<16xi32>], vector<16xf32>,
        %swap3A_1183 = arith.constant 0 : i32
        %swap3A_1184 = arith.constant 0 : i32
        %swap3A_1185 = arith.constant 0 : i32
        %swap3A_1186 = tpu.memref_slice %run_scoped3A_8[%rem3A_201, %swap3A_1184, %swap3A_1185] : memref<2x8x512xf32, #tpu.memory_space<vmem>> -> memref<1x8x512xf32, #tpu.memory_space<vmem>>
        %swap3A_1187 = tpu.memref_squeeze %swap3A_1186 : memref<1x8x512xf32, #tpu.memory_space<vmem>> -> memref<8x512xf32, #tpu.memory_space<vmem>>
        %swap3A_1188 = arith.index_cast %swap3A_1183 : i32 to index
        %swap3A_1189 = arith.constant 128 : index
        %swap3A_1190 = tpu.vector_load %swap3A_1187[%swap3A_1188, %swap3A_1189] {strides = array<i32>} : memref<8x512xf32, #tpu.memory_space<vmem>>, vector<16xf32>,
        tpu.vector_store %swap3A_1187[%swap3A_1188, %swap3A_1189], %gather3A_1182 {strides = array<i32>} : memref<8x512xf32, #tpu.memory_space<vmem>>, vector<16xf32>,
        %broadcast_in_dim3A_1191 = arith.constant 1 : i32
        %broadcast_in_dim3A_1192 = vector.broadcast %broadcast_in_dim3A_1191 : i32 to vector<16xi32>
        %gather3A_1193 = arith.constant 0 : i32
        %gather3A_1194 = arith.constant 0 : i32
        %gather3A_1195 = tpu.memref_slice %run_scoped3A[%rem3A_199, %gather3A_1193, %gather3A_1194] : memref<2x8x2048xf32, #tpu.memory_space<vmem>> -> memref<1x8x2048xf32, #tpu.memory_space<vmem>>
        %gather3A_1196 = tpu.memref_squeeze %gather3A_1195 : memref<1x8x2048xf32, #tpu.memory_space<vmem>> -> memref<8x2048xf32, #tpu.memory_space<vmem>>
        %gather3A_1197 = tpu.vector_load_idx %gather3A_1196[%broadcast_in_dim3A_1192, %get3A_1175] : memref<8x2048xf32, #tpu.memory_space<vmem>>[vector<16xi32>, vector<16xi32>], vector<16xf32>,
        %swap3A_1198 = arith.constant 1 : i32
        %swap3A_1199 = arith.constant 0 : i32
        %swap3A_1200 = arith.constant 0 : i32
        %swap3A_1201 = tpu.memref_slice %run_scoped3A_8[%rem3A_201, %swap3A_1199, %swap3A_1200] : memref<2x8x512xf32, #tpu.memory_space<vmem>> -> memref<1x8x512xf32, #tpu.memory_space<vmem>>
        %swap3A_1202 = tpu.memref_squeeze %swap3A_1201 : memref<1x8x512xf32, #tpu.memory_space<vmem>> -> memref<8x512xf32, #tpu.memory_space<vmem>>
        %swap3A_1203 = arith.index_cast %swap3A_1198 : i32 to index
        %swap3A_1204 = arith.constant 128 : index
        %swap3A_1205 = tpu.vector_load %swap3A_1202[%swap3A_1203, %swap3A_1204] {strides = array<i32>} : memref<8x512xf32, #tpu.memory_space<vmem>>, vector<16xf32>,
        tpu.vector_store %swap3A_1202[%swap3A_1203, %swap3A_1204], %gather3A_1197 {strides = array<i32>} : memref<8x512xf32, #tpu.memory_space<vmem>>, vector<16xf32>,
        %broadcast_in_dim3A_1206 = arith.constant 2 : i32
        %broadcast_in_dim3A_1207 = vector.broadcast %broadcast_in_dim3A_1206 : i32 to vector<16xi32>
        %gather3A_1208 = arith.constant 0 : i32
        %gather3A_1209 = arith.constant 0 : i32
        %gather3A_1210 = tpu.memref_slice %run_scoped3A[%rem3A_199, %gather3A_1208, %gather3A_1209] : memref<2x8x2048xf32, #tpu.memory_space<vmem>> -> memref<1x8x2048xf32, #tpu.memory_space<vmem>>
        %gather3A_1211 = tpu.memref_squeeze %gather3A_1210 : memref<1x8x2048xf32, #tpu.memory_space<vmem>> -> memref<8x2048xf32, #tpu.memory_space<vmem>>
        %gather3A_1212 = tpu.vector_load_idx %gather3A_1211[%broadcast_in_dim3A_1207, %get3A_1175] : memref<8x2048xf32, #tpu.memory_space<vmem>>[vector<16xi32>, vector<16xi32>], vector<16xf32>,
        %swap3A_1213 = arith.constant 2 : i32
        %swap3A_1214 = arith.constant 0 : i32
        %swap3A_1215 = arith.constant 0 : i32
        %swap3A_1216 = tpu.memref_slice %run_scoped3A_8[%rem3A_201, %swap3A_1214, %swap3A_1215] : memref<2x8x512xf32, #tpu.memory_space<vmem>> -> memref<1x8x512xf32, #tpu.memory_space<vmem>>
        %swap3A_1217 = tpu.memref_squeeze %swap3A_1216 : memref<1x8x512xf32, #tpu.memory_space<vmem>> -> memref<8x512xf32, #tpu.memory_space<vmem>>
        %swap3A_1218 = arith.index_cast %swap3A_1213 : i32 to index
        %swap3A_1219 = arith.constant 128 : index
        %swap3A_1220 = tpu.vector_load %swap3A_1217[%swap3A_1218, %swap3A_1219] {strides = array<i32>} : memref<8x512xf32, #tpu.memory_space<vmem>>, vector<16xf32>,
        tpu.vector_store %swap3A_1217[%swap3A_1218, %swap3A_1219], %gather3A_1212 {strides = array<i32>} : memref<8x512xf32, #tpu.memory_space<vmem>>, vector<16xf32>,
        %broadcast_in_dim3A_1221 = arith.constant 3 : i32
        %broadcast_in_dim3A_1222 = vector.broadcast %broadcast_in_dim3A_1221 : i32 to vector<16xi32>
        %gather3A_1223 = arith.constant 0 : i32
        %gather3A_1224 = arith.constant 0 : i32
        %gather3A_1225 = tpu.memref_slice %run_scoped3A[%rem3A_199, %gather3A_1223, %gather3A_1224] : memref<2x8x2048xf32, #tpu.memory_space<vmem>> -> memref<1x8x2048xf32, #tpu.memory_space<vmem>>
        %gather3A_1226 = tpu.memref_squeeze %gather3A_1225 : memref<1x8x2048xf32, #tpu.memory_space<vmem>> -> memref<8x2048xf32, #tpu.memory_space<vmem>>
        %gather3A_1227 = tpu.vector_load_idx %gather3A_1226[%broadcast_in_dim3A_1222, %get3A_1175] : memref<8x2048xf32, #tpu.memory_space<vmem>>[vector<16xi32>, vector<16xi32>], vector<16xf32>,
        %swap3A_1228 = arith.constant 3 : i32
        %swap3A_1229 = arith.constant 0 : i32
        %swap3A_1230 = arith.constant 0 : i32
        %swap3A_1231 = tpu.memref_slice %run_scoped3A_8[%rem3A_201, %swap3A_1229, %swap3A_1230] : memref<2x8x512xf32, #tpu.memory_space<vmem>> -> memref<1x8x512xf32, #tpu.memory_space<vmem>>
        %swap3A_1232 = tpu.memref_squeeze %swap3A_1231 : memref<1x8x512xf32, #tpu.memory_space<vmem>> -> memref<8x512xf32, #tpu.memory_space<vmem>>
        %swap3A_1233 = arith.index_cast %swap3A_1228 : i32 to index
        %swap3A_1234 = arith.constant 128 : index
        %swap3A_1235 = tpu.vector_load %swap3A_1232[%swap3A_1233, %swap3A_1234] {strides = array<i32>} : memref<8x512xf32, #tpu.memory_space<vmem>>, vector<16xf32>,
        tpu.vector_store %swap3A_1232[%swap3A_1233, %swap3A_1234], %gather3A_1227 {strides = array<i32>} : memref<8x512xf32, #tpu.memory_space<vmem>>, vector<16xf32>,
        %broadcast_in_dim3A_1236 = arith.constant 4 : i32
        %broadcast_in_dim3A_1237 = vector.broadcast %broadcast_in_dim3A_1236 : i32 to vector<16xi32>
        %gather3A_1238 = arith.constant 0 : i32
        %gather3A_1239 = arith.constant 0 : i32
        %gather3A_1240 = tpu.memref_slice %run_scoped3A[%rem3A_199, %gather3A_1238, %gather3A_1239] : memref<2x8x2048xf32, #tpu.memory_space<vmem>> -> memref<1x8x2048xf32, #tpu.memory_space<vmem>>
        %gather3A_1241 = tpu.memref_squeeze %gather3A_1240 : memref<1x8x2048xf32, #tpu.memory_space<vmem>> -> memref<8x2048xf32, #tpu.memory_space<vmem>>
        %gather3A_1242 = tpu.vector_load_idx %gather3A_1241[%broadcast_in_dim3A_1237, %get3A_1175] : memref<8x2048xf32, #tpu.memory_space<vmem>>[vector<16xi32>, vector<16xi32>], vector<16xf32>,
        %swap3A_1243 = arith.constant 4 : i32
        %swap3A_1244 = arith.constant 0 : i32
        %swap3A_1245 = arith.constant 0 : i32
        %swap3A_1246 = tpu.memref_slice %run_scoped3A_8[%rem3A_201, %swap3A_1244, %swap3A_1245] : memref<2x8x512xf32, #tpu.memory_space<vmem>> -> memref<1x8x512xf32, #tpu.memory_space<vmem>>
        %swap3A_1247 = tpu.memref_squeeze %swap3A_1246 : memref<1x8x512xf32, #tpu.memory_space<vmem>> -> memref<8x512xf32, #tpu.memory_space<vmem>>
        %swap3A_1248 = arith.index_cast %swap3A_1243 : i32 to index
        %swap3A_1249 = arith.constant 128 : index
        %swap3A_1250 = tpu.vector_load %swap3A_1247[%swap3A_1248, %swap3A_1249] {strides = array<i32>} : memref<8x512xf32, #tpu.memory_space<vmem>>, vector<16xf32>,
        tpu.vector_store %swap3A_1247[%swap3A_1248, %swap3A_1249], %gather3A_1242 {strides = array<i32>} : memref<8x512xf32, #tpu.memory_space<vmem>>, vector<16xf32>,
        %broadcast_in_dim3A_1251 = arith.constant 5 : i32
        %broadcast_in_dim3A_1252 = vector.broadcast %broadcast_in_dim3A_1251 : i32 to vector<16xi32>
        %gather3A_1253 = arith.constant 0 : i32
        %gather3A_1254 = arith.constant 0 : i32
        %gather3A_1255 = tpu.memref_slice %run_scoped3A[%rem3A_199, %gather3A_1253, %gather3A_1254] : memref<2x8x2048xf32, #tpu.memory_space<vmem>> -> memref<1x8x2048xf32, #tpu.memory_space<vmem>>
        %gather3A_1256 = tpu.memref_squeeze %gather3A_1255 : memref<1x8x2048xf32, #tpu.memory_space<vmem>> -> memref<8x2048xf32, #tpu.memory_space<vmem>>
        %gather3A_1257 = tpu.vector_load_idx %gather3A_1256[%broadcast_in_dim3A_1252, %get3A_1175] : memref<8x2048xf32, #tpu.memory_space<vmem>>[vector<16xi32>, vector<16xi32>], vector<16xf32>,
        %swap3A_1258 = arith.constant 5 : i32
        %swap3A_1259 = arith.constant 0 : i32
        %swap3A_1260 = arith.constant 0 : i32
        %swap3A_1261 = tpu.memref_slice %run_scoped3A_8[%rem3A_201, %swap3A_1259, %swap3A_1260] : memref<2x8x512xf32, #tpu.memory_space<vmem>> -> memref<1x8x512xf32, #tpu.memory_space<vmem>>
        %swap3A_1262 = tpu.memref_squeeze %swap3A_1261 : memref<1x8x512xf32, #tpu.memory_space<vmem>> -> memref<8x512xf32, #tpu.memory_space<vmem>>
        %swap3A_1263 = arith.index_cast %swap3A_1258 : i32 to index
        %swap3A_1264 = arith.constant 128 : index
        %swap3A_1265 = tpu.vector_load %swap3A_1262[%swap3A_1263, %swap3A_1264] {strides = array<i32>} : memref<8x512xf32, #tpu.memory_space<vmem>>, vector<16xf32>,
        tpu.vector_store %swap3A_1262[%swap3A_1263, %swap3A_1264], %gather3A_1257 {strides = array<i32>} : memref<8x512xf32, #tpu.memory_space<vmem>>, vector<16xf32>,
        %broadcast_in_dim3A_1266 = arith.constant 6 : i32
        %broadcast_in_dim3A_1267 = vector.broadcast %broadcast_in_dim3A_1266 : i32 to vector<16xi32>
        %gather3A_1268 = arith.constant 0 : i32
        %gather3A_1269 = arith.constant 0 : i32
        %gather3A_1270 = tpu.memref_slice %run_scoped3A[%rem3A_199, %gather3A_1268, %gather3A_1269] : memref<2x8x2048xf32, #tpu.memory_space<vmem>> -> memref<1x8x2048xf32, #tpu.memory_space<vmem>>
        %gather3A_1271 = tpu.memref_squeeze %gather3A_1270 : memref<1x8x2048xf32, #tpu.memory_space<vmem>> -> memref<8x2048xf32, #tpu.memory_space<vmem>>
        %gather3A_1272 = tpu.vector_load_idx %gather3A_1271[%broadcast_in_dim3A_1267, %get3A_1175] : memref<8x2048xf32, #tpu.memory_space<vmem>>[vector<16xi32>, vector<16xi32>], vector<16xf32>,
        %swap3A_1273 = arith.constant 6 : i32
        %swap3A_1274 = arith.constant 0 : i32
        %swap3A_1275 = arith.constant 0 : i32
        %swap3A_1276 = tpu.memref_slice %run_scoped3A_8[%rem3A_201, %swap3A_1274, %swap3A_1275] : memref<2x8x512xf32, #tpu.memory_space<vmem>> -> memref<1x8x512xf32, #tpu.memory_space<vmem>>
        %swap3A_1277 = tpu.memref_squeeze %swap3A_1276 : memref<1x8x512xf32, #tpu.memory_space<vmem>> -> memref<8x512xf32, #tpu.memory_space<vmem>>
        %swap3A_1278 = arith.index_cast %swap3A_1273 : i32 to index
        %swap3A_1279 = arith.constant 128 : index
        %swap3A_1280 = tpu.vector_load %swap3A_1277[%swap3A_1278, %swap3A_1279] {strides = array<i32>} : memref<8x512xf32, #tpu.memory_space<vmem>>, vector<16xf32>,
        tpu.vector_store %swap3A_1277[%swap3A_1278, %swap3A_1279], %gather3A_1272 {strides = array<i32>} : memref<8x512xf32, #tpu.memory_space<vmem>>, vector<16xf32>,
        %broadcast_in_dim3A_1281 = arith.constant 7 : i32
        %broadcast_in_dim3A_1282 = vector.broadcast %broadcast_in_dim3A_1281 : i32 to vector<16xi32>
        %gather3A_1283 = arith.constant 0 : i32
        %gather3A_1284 = arith.constant 0 : i32
        %gather3A_1285 = tpu.memref_slice %run_scoped3A[%rem3A_199, %gather3A_1283, %gather3A_1284] : memref<2x8x2048xf32, #tpu.memory_space<vmem>> -> memref<1x8x2048xf32, #tpu.memory_space<vmem>>
        %gather3A_1286 = tpu.memref_squeeze %gather3A_1285 : memref<1x8x2048xf32, #tpu.memory_space<vmem>> -> memref<8x2048xf32, #tpu.memory_space<vmem>>
        %gather3A_1287 = tpu.vector_load_idx %gather3A_1286[%broadcast_in_dim3A_1282, %get3A_1175] : memref<8x2048xf32, #tpu.memory_space<vmem>>[vector<16xi32>, vector<16xi32>], vector<16xf32>,
        %swap3A_1288 = arith.constant 7 : i32
        %swap3A_1289 = arith.constant 0 : i32
        %swap3A_1290 = arith.constant 0 : i32
        %swap3A_1291 = tpu.memref_slice %run_scoped3A_8[%rem3A_201, %swap3A_1289, %swap3A_1290] : memref<2x8x512xf32, #tpu.memory_space<vmem>> -> memref<1x8x512xf32, #tpu.memory_space<vmem>>
        %swap3A_1292 = tpu.memref_squeeze %swap3A_1291 : memref<1x8x512xf32, #tpu.memory_space<vmem>> -> memref<8x512xf32, #tpu.memory_space<vmem>>
        %swap3A_1293 = arith.index_cast %swap3A_1288 : i32 to index
        %swap3A_1294 = arith.constant 128 : index
        %swap3A_1295 = tpu.vector_load %swap3A_1292[%swap3A_1293, %swap3A_1294] {strides = array<i32>} : memref<8x512xf32, #tpu.memory_space<vmem>>, vector<16xf32>,
        tpu.vector_store %swap3A_1292[%swap3A_1293, %swap3A_1294], %gather3A_1287 {strides = array<i32>} : memref<8x512xf32, #tpu.memory_space<vmem>>, vector<16xf32>,
        %get3A_1296 = arith.constant 144 : index
        %get3A_1297 = tpu.vector_load %arg5[%get3A_1296] {strides = array<i32>} : memref<512xi32, #tpu.memory_space<vmem>>, vector<16xi32>,
        %broadcast_in_dim3A_1298 = arith.constant 0 : i32
        %broadcast_in_dim3A_1299 = vector.broadcast %broadcast_in_dim3A_1298 : i32 to vector<16xi32>
        %gather3A_1300 = arith.constant 0 : i32
        %gather3A_1301 = arith.constant 0 : i32
        %gather3A_1302 = tpu.memref_slice %run_scoped3A[%rem3A_199, %gather3A_1300, %gather3A_1301] : memref<2x8x2048xf32, #tpu.memory_space<vmem>> -> memref<1x8x2048xf32, #tpu.memory_space<vmem>>
        %gather3A_1303 = tpu.memref_squeeze %gather3A_1302 : memref<1x8x2048xf32, #tpu.memory_space<vmem>> -> memref<8x2048xf32, #tpu.memory_space<vmem>>
        %gather3A_1304 = tpu.vector_load_idx %gather3A_1303[%broadcast_in_dim3A_1299, %get3A_1297] : memref<8x2048xf32, #tpu.memory_space<vmem>>[vector<16xi32>, vector<16xi32>], vector<16xf32>,
        %swap3A_1305 = arith.constant 0 : i32
        %swap3A_1306 = arith.constant 0 : i32
        %swap3A_1307 = arith.constant 0 : i32
        %swap3A_1308 = tpu.memref_slice %run_scoped3A_8[%rem3A_201, %swap3A_1306, %swap3A_1307] : memref<2x8x512xf32, #tpu.memory_space<vmem>> -> memref<1x8x512xf32, #tpu.memory_space<vmem>>
        %swap3A_1309 = tpu.memref_squeeze %swap3A_1308 : memref<1x8x512xf32, #tpu.memory_space<vmem>> -> memref<8x512xf32, #tpu.memory_space<vmem>>
        %swap3A_1310 = arith.index_cast %swap3A_1305 : i32 to index
        %swap3A_1311 = arith.constant 144 : index
        %swap3A_1312 = tpu.vector_load %swap3A_1309[%swap3A_1310, %swap3A_1311] {strides = array<i32>} : memref<8x512xf32, #tpu.memory_space<vmem>>, vector<16xf32>,
        tpu.vector_store %swap3A_1309[%swap3A_1310, %swap3A_1311], %gather3A_1304 {strides = array<i32>} : memref<8x512xf32, #tpu.memory_space<vmem>>, vector<16xf32>,
        %broadcast_in_dim3A_1313 = arith.constant 1 : i32
        %broadcast_in_dim3A_1314 = vector.broadcast %broadcast_in_dim3A_1313 : i32 to vector<16xi32>
        %gather3A_1315 = arith.constant 0 : i32
        %gather3A_1316 = arith.constant 0 : i32
        %gather3A_1317 = tpu.memref_slice %run_scoped3A[%rem3A_199, %gather3A_1315, %gather3A_1316] : memref<2x8x2048xf32, #tpu.memory_space<vmem>> -> memref<1x8x2048xf32, #tpu.memory_space<vmem>>
        %gather3A_1318 = tpu.memref_squeeze %gather3A_1317 : memref<1x8x2048xf32, #tpu.memory_space<vmem>> -> memref<8x2048xf32, #tpu.memory_space<vmem>>
        %gather3A_1319 = tpu.vector_load_idx %gather3A_1318[%broadcast_in_dim3A_1314, %get3A_1297] : memref<8x2048xf32, #tpu.memory_space<vmem>>[vector<16xi32>, vector<16xi32>], vector<16xf32>,
        %swap3A_1320 = arith.constant 1 : i32
        %swap3A_1321 = arith.constant 0 : i32
        %swap3A_1322 = arith.constant 0 : i32
        %swap3A_1323 = tpu.memref_slice %run_scoped3A_8[%rem3A_201, %swap3A_1321, %swap3A_1322] : memref<2x8x512xf32, #tpu.memory_space<vmem>> -> memref<1x8x512xf32, #tpu.memory_space<vmem>>
        %swap3A_1324 = tpu.memref_squeeze %swap3A_1323 : memref<1x8x512xf32, #tpu.memory_space<vmem>> -> memref<8x512xf32, #tpu.memory_space<vmem>>
        %swap3A_1325 = arith.index_cast %swap3A_1320 : i32 to index
        %swap3A_1326 = arith.constant 144 : index
        %swap3A_1327 = tpu.vector_load %swap3A_1324[%swap3A_1325, %swap3A_1326] {strides = array<i32>} : memref<8x512xf32, #tpu.memory_space<vmem>>, vector<16xf32>,
        tpu.vector_store %swap3A_1324[%swap3A_1325, %swap3A_1326], %gather3A_1319 {strides = array<i32>} : memref<8x512xf32, #tpu.memory_space<vmem>>, vector<16xf32>,
        %broadcast_in_dim3A_1328 = arith.constant 2 : i32
        %broadcast_in_dim3A_1329 = vector.broadcast %broadcast_in_dim3A_1328 : i32 to vector<16xi32>
        %gather3A_1330 = arith.constant 0 : i32
        %gather3A_1331 = arith.constant 0 : i32
        %gather3A_1332 = tpu.memref_slice %run_scoped3A[%rem3A_199, %gather3A_1330, %gather3A_1331] : memref<2x8x2048xf32, #tpu.memory_space<vmem>> -> memref<1x8x2048xf32, #tpu.memory_space<vmem>>
        %gather3A_1333 = tpu.memref_squeeze %gather3A_1332 : memref<1x8x2048xf32, #tpu.memory_space<vmem>> -> memref<8x2048xf32, #tpu.memory_space<vmem>>
        %gather3A_1334 = tpu.vector_load_idx %gather3A_1333[%broadcast_in_dim3A_1329, %get3A_1297] : memref<8x2048xf32, #tpu.memory_space<vmem>>[vector<16xi32>, vector<16xi32>], vector<16xf32>,
        %swap3A_1335 = arith.constant 2 : i32
        %swap3A_1336 = arith.constant 0 : i32
        %swap3A_1337 = arith.constant 0 : i32
        %swap3A_1338 = tpu.memref_slice %run_scoped3A_8[%rem3A_201, %swap3A_1336, %swap3A_1337] : memref<2x8x512xf32, #tpu.memory_space<vmem>> -> memref<1x8x512xf32, #tpu.memory_space<vmem>>
        %swap3A_1339 = tpu.memref_squeeze %swap3A_1338 : memref<1x8x512xf32, #tpu.memory_space<vmem>> -> memref<8x512xf32, #tpu.memory_space<vmem>>
        %swap3A_1340 = arith.index_cast %swap3A_1335 : i32 to index
        %swap3A_1341 = arith.constant 144 : index
        %swap3A_1342 = tpu.vector_load %swap3A_1339[%swap3A_1340, %swap3A_1341] {strides = array<i32>} : memref<8x512xf32, #tpu.memory_space<vmem>>, vector<16xf32>,
        tpu.vector_store %swap3A_1339[%swap3A_1340, %swap3A_1341], %gather3A_1334 {strides = array<i32>} : memref<8x512xf32, #tpu.memory_space<vmem>>, vector<16xf32>,
        %broadcast_in_dim3A_1343 = arith.constant 3 : i32
        %broadcast_in_dim3A_1344 = vector.broadcast %broadcast_in_dim3A_1343 : i32 to vector<16xi32>
        %gather3A_1345 = arith.constant 0 : i32
        %gather3A_1346 = arith.constant 0 : i32
        %gather3A_1347 = tpu.memref_slice %run_scoped3A[%rem3A_199, %gather3A_1345, %gather3A_1346] : memref<2x8x2048xf32, #tpu.memory_space<vmem>> -> memref<1x8x2048xf32, #tpu.memory_space<vmem>>
        %gather3A_1348 = tpu.memref_squeeze %gather3A_1347 : memref<1x8x2048xf32, #tpu.memory_space<vmem>> -> memref<8x2048xf32, #tpu.memory_space<vmem>>
        %gather3A_1349 = tpu.vector_load_idx %gather3A_1348[%broadcast_in_dim3A_1344, %get3A_1297] : memref<8x2048xf32, #tpu.memory_space<vmem>>[vector<16xi32>, vector<16xi32>], vector<16xf32>,
        %swap3A_1350 = arith.constant 3 : i32
        %swap3A_1351 = arith.constant 0 : i32
        %swap3A_1352 = arith.constant 0 : i32
        %swap3A_1353 = tpu.memref_slice %run_scoped3A_8[%rem3A_201, %swap3A_1351, %swap3A_1352] : memref<2x8x512xf32, #tpu.memory_space<vmem>> -> memref<1x8x512xf32, #tpu.memory_space<vmem>>
        %swap3A_1354 = tpu.memref_squeeze %swap3A_1353 : memref<1x8x512xf32, #tpu.memory_space<vmem>> -> memref<8x512xf32, #tpu.memory_space<vmem>>
        %swap3A_1355 = arith.index_cast %swap3A_1350 : i32 to index
        %swap3A_1356 = arith.constant 144 : index
        %swap3A_1357 = tpu.vector_load %swap3A_1354[%swap3A_1355, %swap3A_1356] {strides = array<i32>} : memref<8x512xf32, #tpu.memory_space<vmem>>, vector<16xf32>,
        tpu.vector_store %swap3A_1354[%swap3A_1355, %swap3A_1356], %gather3A_1349 {strides = array<i32>} : memref<8x512xf32, #tpu.memory_space<vmem>>, vector<16xf32>,
        %broadcast_in_dim3A_1358 = arith.constant 4 : i32
        %broadcast_in_dim3A_1359 = vector.broadcast %broadcast_in_dim3A_1358 : i32 to vector<16xi32>
        %gather3A_1360 = arith.constant 0 : i32
        %gather3A_1361 = arith.constant 0 : i32
        %gather3A_1362 = tpu.memref_slice %run_scoped3A[%rem3A_199, %gather3A_1360, %gather3A_1361] : memref<2x8x2048xf32, #tpu.memory_space<vmem>> -> memref<1x8x2048xf32, #tpu.memory_space<vmem>>
        %gather3A_1363 = tpu.memref_squeeze %gather3A_1362 : memref<1x8x2048xf32, #tpu.memory_space<vmem>> -> memref<8x2048xf32, #tpu.memory_space<vmem>>
        %gather3A_1364 = tpu.vector_load_idx %gather3A_1363[%broadcast_in_dim3A_1359, %get3A_1297] : memref<8x2048xf32, #tpu.memory_space<vmem>>[vector<16xi32>, vector<16xi32>], vector<16xf32>,
        %swap3A_1365 = arith.constant 4 : i32
        %swap3A_1366 = arith.constant 0 : i32
        %swap3A_1367 = arith.constant 0 : i32
        %swap3A_1368 = tpu.memref_slice %run_scoped3A_8[%rem3A_201, %swap3A_1366, %swap3A_1367] : memref<2x8x512xf32, #tpu.memory_space<vmem>> -> memref<1x8x512xf32, #tpu.memory_space<vmem>>
        %swap3A_1369 = tpu.memref_squeeze %swap3A_1368 : memref<1x8x512xf32, #tpu.memory_space<vmem>> -> memref<8x512xf32, #tpu.memory_space<vmem>>
        %swap3A_1370 = arith.index_cast %swap3A_1365 : i32 to index
        %swap3A_1371 = arith.constant 144 : index
        %swap3A_1372 = tpu.vector_load %swap3A_1369[%swap3A_1370, %swap3A_1371] {strides = array<i32>} : memref<8x512xf32, #tpu.memory_space<vmem>>, vector<16xf32>,
        tpu.vector_store %swap3A_1369[%swap3A_1370, %swap3A_1371], %gather3A_1364 {strides = array<i32>} : memref<8x512xf32, #tpu.memory_space<vmem>>, vector<16xf32>,
        %broadcast_in_dim3A_1373 = arith.constant 5 : i32
        %broadcast_in_dim3A_1374 = vector.broadcast %broadcast_in_dim3A_1373 : i32 to vector<16xi32>
        %gather3A_1375 = arith.constant 0 : i32
        %gather3A_1376 = arith.constant 0 : i32
        %gather3A_1377 = tpu.memref_slice %run_scoped3A[%rem3A_199, %gather3A_1375, %gather3A_1376] : memref<2x8x2048xf32, #tpu.memory_space<vmem>> -> memref<1x8x2048xf32, #tpu.memory_space<vmem>>
        %gather3A_1378 = tpu.memref_squeeze %gather3A_1377 : memref<1x8x2048xf32, #tpu.memory_space<vmem>> -> memref<8x2048xf32, #tpu.memory_space<vmem>>
        %gather3A_1379 = tpu.vector_load_idx %gather3A_1378[%broadcast_in_dim3A_1374, %get3A_1297] : memref<8x2048xf32, #tpu.memory_space<vmem>>[vector<16xi32>, vector<16xi32>], vector<16xf32>,
        %swap3A_1380 = arith.constant 5 : i32
        %swap3A_1381 = arith.constant 0 : i32
        %swap3A_1382 = arith.constant 0 : i32
        %swap3A_1383 = tpu.memref_slice %run_scoped3A_8[%rem3A_201, %swap3A_1381, %swap3A_1382] : memref<2x8x512xf32, #tpu.memory_space<vmem>> -> memref<1x8x512xf32, #tpu.memory_space<vmem>>
        %swap3A_1384 = tpu.memref_squeeze %swap3A_1383 : memref<1x8x512xf32, #tpu.memory_space<vmem>> -> memref<8x512xf32, #tpu.memory_space<vmem>>
        %swap3A_1385 = arith.index_cast %swap3A_1380 : i32 to index
        %swap3A_1386 = arith.constant 144 : index
        %swap3A_1387 = tpu.vector_load %swap3A_1384[%swap3A_1385, %swap3A_1386] {strides = array<i32>} : memref<8x512xf32, #tpu.memory_space<vmem>>, vector<16xf32>,
        tpu.vector_store %swap3A_1384[%swap3A_1385, %swap3A_1386], %gather3A_1379 {strides = array<i32>} : memref<8x512xf32, #tpu.memory_space<vmem>>, vector<16xf32>,
        %broadcast_in_dim3A_1388 = arith.constant 6 : i32
        %broadcast_in_dim3A_1389 = vector.broadcast %broadcast_in_dim3A_1388 : i32 to vector<16xi32>
        %gather3A_1390 = arith.constant 0 : i32
        %gather3A_1391 = arith.constant 0 : i32
        %gather3A_1392 = tpu.memref_slice %run_scoped3A[%rem3A_199, %gather3A_1390, %gather3A_1391] : memref<2x8x2048xf32, #tpu.memory_space<vmem>> -> memref<1x8x2048xf32, #tpu.memory_space<vmem>>
        %gather3A_1393 = tpu.memref_squeeze %gather3A_1392 : memref<1x8x2048xf32, #tpu.memory_space<vmem>> -> memref<8x2048xf32, #tpu.memory_space<vmem>>
        %gather3A_1394 = tpu.vector_load_idx %gather3A_1393[%broadcast_in_dim3A_1389, %get3A_1297] : memref<8x2048xf32, #tpu.memory_space<vmem>>[vector<16xi32>, vector<16xi32>], vector<16xf32>,
        %swap3A_1395 = arith.constant 6 : i32
        %swap3A_1396 = arith.constant 0 : i32
        %swap3A_1397 = arith.constant 0 : i32
        %swap3A_1398 = tpu.memref_slice %run_scoped3A_8[%rem3A_201, %swap3A_1396, %swap3A_1397] : memref<2x8x512xf32, #tpu.memory_space<vmem>> -> memref<1x8x512xf32, #tpu.memory_space<vmem>>
        %swap3A_1399 = tpu.memref_squeeze %swap3A_1398 : memref<1x8x512xf32, #tpu.memory_space<vmem>> -> memref<8x512xf32, #tpu.memory_space<vmem>>
        %swap3A_1400 = arith.index_cast %swap3A_1395 : i32 to index
        %swap3A_1401 = arith.constant 144 : index
        %swap3A_1402 = tpu.vector_load %swap3A_1399[%swap3A_1400, %swap3A_1401] {strides = array<i32>} : memref<8x512xf32, #tpu.memory_space<vmem>>, vector<16xf32>,
        tpu.vector_store %swap3A_1399[%swap3A_1400, %swap3A_1401], %gather3A_1394 {strides = array<i32>} : memref<8x512xf32, #tpu.memory_space<vmem>>, vector<16xf32>,
        %broadcast_in_dim3A_1403 = arith.constant 7 : i32
        %broadcast_in_dim3A_1404 = vector.broadcast %broadcast_in_dim3A_1403 : i32 to vector<16xi32>
        %gather3A_1405 = arith.constant 0 : i32
        %gather3A_1406 = arith.constant 0 : i32
        %gather3A_1407 = tpu.memref_slice %run_scoped3A[%rem3A_199, %gather3A_1405, %gather3A_1406] : memref<2x8x2048xf32, #tpu.memory_space<vmem>> -> memref<1x8x2048xf32, #tpu.memory_space<vmem>>
        %gather3A_1408 = tpu.memref_squeeze %gather3A_1407 : memref<1x8x2048xf32, #tpu.memory_space<vmem>> -> memref<8x2048xf32, #tpu.memory_space<vmem>>
        %gather3A_1409 = tpu.vector_load_idx %gather3A_1408[%broadcast_in_dim3A_1404, %get3A_1297] : memref<8x2048xf32, #tpu.memory_space<vmem>>[vector<16xi32>, vector<16xi32>], vector<16xf32>,
        %swap3A_1410 = arith.constant 7 : i32
        %swap3A_1411 = arith.constant 0 : i32
        %swap3A_1412 = arith.constant 0 : i32
        %swap3A_1413 = tpu.memref_slice %run_scoped3A_8[%rem3A_201, %swap3A_1411, %swap3A_1412] : memref<2x8x512xf32, #tpu.memory_space<vmem>> -> memref<1x8x512xf32, #tpu.memory_space<vmem>>
        %swap3A_1414 = tpu.memref_squeeze %swap3A_1413 : memref<1x8x512xf32, #tpu.memory_space<vmem>> -> memref<8x512xf32, #tpu.memory_space<vmem>>
        %swap3A_1415 = arith.index_cast %swap3A_1410 : i32 to index
        %swap3A_1416 = arith.constant 144 : index
        %swap3A_1417 = tpu.vector_load %swap3A_1414[%swap3A_1415, %swap3A_1416] {strides = array<i32>} : memref<8x512xf32, #tpu.memory_space<vmem>>, vector<16xf32>,
        tpu.vector_store %swap3A_1414[%swap3A_1415, %swap3A_1416], %gather3A_1409 {strides = array<i32>} : memref<8x512xf32, #tpu.memory_space<vmem>>, vector<16xf32>,
        %get3A_1418 = arith.constant 160 : index
        %get3A_1419 = tpu.vector_load %arg5[%get3A_1418] {strides = array<i32>} : memref<512xi32, #tpu.memory_space<vmem>>, vector<16xi32>,
        %broadcast_in_dim3A_1420 = arith.constant 0 : i32
        %broadcast_in_dim3A_1421 = vector.broadcast %broadcast_in_dim3A_1420 : i32 to vector<16xi32>
        %gather3A_1422 = arith.constant 0 : i32
        %gather3A_1423 = arith.constant 0 : i32
        %gather3A_1424 = tpu.memref_slice %run_scoped3A[%rem3A_199, %gather3A_1422, %gather3A_1423] : memref<2x8x2048xf32, #tpu.memory_space<vmem>> -> memref<1x8x2048xf32, #tpu.memory_space<vmem>>
        %gather3A_1425 = tpu.memref_squeeze %gather3A_1424 : memref<1x8x2048xf32, #tpu.memory_space<vmem>> -> memref<8x2048xf32, #tpu.memory_space<vmem>>
        %gather3A_1426 = tpu.vector_load_idx %gather3A_1425[%broadcast_in_dim3A_1421, %get3A_1419] : memref<8x2048xf32, #tpu.memory_space<vmem>>[vector<16xi32>, vector<16xi32>], vector<16xf32>,
        %swap3A_1427 = arith.constant 0 : i32
        %swap3A_1428 = arith.constant 0 : i32
        %swap3A_1429 = arith.constant 0 : i32
        %swap3A_1430 = tpu.memref_slice %run_scoped3A_8[%rem3A_201, %swap3A_1428, %swap3A_1429] : memref<2x8x512xf32, #tpu.memory_space<vmem>> -> memref<1x8x512xf32, #tpu.memory_space<vmem>>
        %swap3A_1431 = tpu.memref_squeeze %swap3A_1430 : memref<1x8x512xf32, #tpu.memory_space<vmem>> -> memref<8x512xf32, #tpu.memory_space<vmem>>
        %swap3A_1432 = arith.index_cast %swap3A_1427 : i32 to index
        %swap3A_1433 = arith.constant 160 : index
        %swap3A_1434 = tpu.vector_load %swap3A_1431[%swap3A_1432, %swap3A_1433] {strides = array<i32>} : memref<8x512xf32, #tpu.memory_space<vmem>>, vector<16xf32>,
        tpu.vector_store %swap3A_1431[%swap3A_1432, %swap3A_1433], %gather3A_1426 {strides = array<i32>} : memref<8x512xf32, #tpu.memory_space<vmem>>, vector<16xf32>,
        %broadcast_in_dim3A_1435 = arith.constant 1 : i32
        %broadcast_in_dim3A_1436 = vector.broadcast %broadcast_in_dim3A_1435 : i32 to vector<16xi32>
        %gather3A_1437 = arith.constant 0 : i32
        %gather3A_1438 = arith.constant 0 : i32
        %gather3A_1439 = tpu.memref_slice %run_scoped3A[%rem3A_199, %gather3A_1437, %gather3A_1438] : memref<2x8x2048xf32, #tpu.memory_space<vmem>> -> memref<1x8x2048xf32, #tpu.memory_space<vmem>>
        %gather3A_1440 = tpu.memref_squeeze %gather3A_1439 : memref<1x8x2048xf32, #tpu.memory_space<vmem>> -> memref<8x2048xf32, #tpu.memory_space<vmem>>
        %gather3A_1441 = tpu.vector_load_idx %gather3A_1440[%broadcast_in_dim3A_1436, %get3A_1419] : memref<8x2048xf32, #tpu.memory_space<vmem>>[vector<16xi32>, vector<16xi32>], vector<16xf32>,
        %swap3A_1442 = arith.constant 1 : i32
        %swap3A_1443 = arith.constant 0 : i32
        %swap3A_1444 = arith.constant 0 : i32
        %swap3A_1445 = tpu.memref_slice %run_scoped3A_8[%rem3A_201, %swap3A_1443, %swap3A_1444] : memref<2x8x512xf32, #tpu.memory_space<vmem>> -> memref<1x8x512xf32, #tpu.memory_space<vmem>>
        %swap3A_1446 = tpu.memref_squeeze %swap3A_1445 : memref<1x8x512xf32, #tpu.memory_space<vmem>> -> memref<8x512xf32, #tpu.memory_space<vmem>>
        %swap3A_1447 = arith.index_cast %swap3A_1442 : i32 to index
        %swap3A_1448 = arith.constant 160 : index
        %swap3A_1449 = tpu.vector_load %swap3A_1446[%swap3A_1447, %swap3A_1448] {strides = array<i32>} : memref<8x512xf32, #tpu.memory_space<vmem>>, vector<16xf32>,
        tpu.vector_store %swap3A_1446[%swap3A_1447, %swap3A_1448], %gather3A_1441 {strides = array<i32>} : memref<8x512xf32, #tpu.memory_space<vmem>>, vector<16xf32>,
        %broadcast_in_dim3A_1450 = arith.constant 2 : i32
        %broadcast_in_dim3A_1451 = vector.broadcast %broadcast_in_dim3A_1450 : i32 to vector<16xi32>
        %gather3A_1452 = arith.constant 0 : i32
        %gather3A_1453 = arith.constant 0 : i32
        %gather3A_1454 = tpu.memref_slice %run_scoped3A[%rem3A_199, %gather3A_1452, %gather3A_1453] : memref<2x8x2048xf32, #tpu.memory_space<vmem>> -> memref<1x8x2048xf32, #tpu.memory_space<vmem>>
        %gather3A_1455 = tpu.memref_squeeze %gather3A_1454 : memref<1x8x2048xf32, #tpu.memory_space<vmem>> -> memref<8x2048xf32, #tpu.memory_space<vmem>>
        %gather3A_1456 = tpu.vector_load_idx %gather3A_1455[%broadcast_in_dim3A_1451, %get3A_1419] : memref<8x2048xf32, #tpu.memory_space<vmem>>[vector<16xi32>, vector<16xi32>], vector<16xf32>,
        %swap3A_1457 = arith.constant 2 : i32
        %swap3A_1458 = arith.constant 0 : i32
        %swap3A_1459 = arith.constant 0 : i32
        %swap3A_1460 = tpu.memref_slice %run_scoped3A_8[%rem3A_201, %swap3A_1458, %swap3A_1459] : memref<2x8x512xf32, #tpu.memory_space<vmem>> -> memref<1x8x512xf32, #tpu.memory_space<vmem>>
        %swap3A_1461 = tpu.memref_squeeze %swap3A_1460 : memref<1x8x512xf32, #tpu.memory_space<vmem>> -> memref<8x512xf32, #tpu.memory_space<vmem>>
        %swap3A_1462 = arith.index_cast %swap3A_1457 : i32 to index
        %swap3A_1463 = arith.constant 160 : index
        %swap3A_1464 = tpu.vector_load %swap3A_1461[%swap3A_1462, %swap3A_1463] {strides = array<i32>} : memref<8x512xf32, #tpu.memory_space<vmem>>, vector<16xf32>,
        tpu.vector_store %swap3A_1461[%swap3A_1462, %swap3A_1463], %gather3A_1456 {strides = array<i32>} : memref<8x512xf32, #tpu.memory_space<vmem>>, vector<16xf32>,
        %broadcast_in_dim3A_1465 = arith.constant 3 : i32
        %broadcast_in_dim3A_1466 = vector.broadcast %broadcast_in_dim3A_1465 : i32 to vector<16xi32>
        %gather3A_1467 = arith.constant 0 : i32
        %gather3A_1468 = arith.constant 0 : i32
        %gather3A_1469 = tpu.memref_slice %run_scoped3A[%rem3A_199, %gather3A_1467, %gather3A_1468] : memref<2x8x2048xf32, #tpu.memory_space<vmem>> -> memref<1x8x2048xf32, #tpu.memory_space<vmem>>
        %gather3A_1470 = tpu.memref_squeeze %gather3A_1469 : memref<1x8x2048xf32, #tpu.memory_space<vmem>> -> memref<8x2048xf32, #tpu.memory_space<vmem>>
        %gather3A_1471 = tpu.vector_load_idx %gather3A_1470[%broadcast_in_dim3A_1466, %get3A_1419] : memref<8x2048xf32, #tpu.memory_space<vmem>>[vector<16xi32>, vector<16xi32>], vector<16xf32>,
        %swap3A_1472 = arith.constant 3 : i32
        %swap3A_1473 = arith.constant 0 : i32
        %swap3A_1474 = arith.constant 0 : i32
        %swap3A_1475 = tpu.memref_slice %run_scoped3A_8[%rem3A_201, %swap3A_1473, %swap3A_1474] : memref<2x8x512xf32, #tpu.memory_space<vmem>> -> memref<1x8x512xf32, #tpu.memory_space<vmem>>
        %swap3A_1476 = tpu.memref_squeeze %swap3A_1475 : memref<1x8x512xf32, #tpu.memory_space<vmem>> -> memref<8x512xf32, #tpu.memory_space<vmem>>
        %swap3A_1477 = arith.index_cast %swap3A_1472 : i32 to index
        %swap3A_1478 = arith.constant 160 : index
        %swap3A_1479 = tpu.vector_load %swap3A_1476[%swap3A_1477, %swap3A_1478] {strides = array<i32>} : memref<8x512xf32, #tpu.memory_space<vmem>>, vector<16xf32>,
        tpu.vector_store %swap3A_1476[%swap3A_1477, %swap3A_1478], %gather3A_1471 {strides = array<i32>} : memref<8x512xf32, #tpu.memory_space<vmem>>, vector<16xf32>,
        %broadcast_in_dim3A_1480 = arith.constant 4 : i32
        %broadcast_in_dim3A_1481 = vector.broadcast %broadcast_in_dim3A_1480 : i32 to vector<16xi32>
        %gather3A_1482 = arith.constant 0 : i32
        %gather3A_1483 = arith.constant 0 : i32
        %gather3A_1484 = tpu.memref_slice %run_scoped3A[%rem3A_199, %gather3A_1482, %gather3A_1483] : memref<2x8x2048xf32, #tpu.memory_space<vmem>> -> memref<1x8x2048xf32, #tpu.memory_space<vmem>>
        %gather3A_1485 = tpu.memref_squeeze %gather3A_1484 : memref<1x8x2048xf32, #tpu.memory_space<vmem>> -> memref<8x2048xf32, #tpu.memory_space<vmem>>
        %gather3A_1486 = tpu.vector_load_idx %gather3A_1485[%broadcast_in_dim3A_1481, %get3A_1419] : memref<8x2048xf32, #tpu.memory_space<vmem>>[vector<16xi32>, vector<16xi32>], vector<16xf32>,
        %swap3A_1487 = arith.constant 4 : i32
        %swap3A_1488 = arith.constant 0 : i32
        %swap3A_1489 = arith.constant 0 : i32
        %swap3A_1490 = tpu.memref_slice %run_scoped3A_8[%rem3A_201, %swap3A_1488, %swap3A_1489] : memref<2x8x512xf32, #tpu.memory_space<vmem>> -> memref<1x8x512xf32, #tpu.memory_space<vmem>>
        %swap3A_1491 = tpu.memref_squeeze %swap3A_1490 : memref<1x8x512xf32, #tpu.memory_space<vmem>> -> memref<8x512xf32, #tpu.memory_space<vmem>>
        %swap3A_1492 = arith.index_cast %swap3A_1487 : i32 to index
        %swap3A_1493 = arith.constant 160 : index
        %swap3A_1494 = tpu.vector_load %swap3A_1491[%swap3A_1492, %swap3A_1493] {strides = array<i32>} : memref<8x512xf32, #tpu.memory_space<vmem>>, vector<16xf32>,
        tpu.vector_store %swap3A_1491[%swap3A_1492, %swap3A_1493], %gather3A_1486 {strides = array<i32>} : memref<8x512xf32, #tpu.memory_space<vmem>>, vector<16xf32>,
        %broadcast_in_dim3A_1495 = arith.constant 5 : i32
        %broadcast_in_dim3A_1496 = vector.broadcast %broadcast_in_dim3A_1495 : i32 to vector<16xi32>
        %gather3A_1497 = arith.constant 0 : i32
        %gather3A_1498 = arith.constant 0 : i32
        %gather3A_1499 = tpu.memref_slice %run_scoped3A[%rem3A_199, %gather3A_1497, %gather3A_1498] : memref<2x8x2048xf32, #tpu.memory_space<vmem>> -> memref<1x8x2048xf32, #tpu.memory_space<vmem>>
        %gather3A_1500 = tpu.memref_squeeze %gather3A_1499 : memref<1x8x2048xf32, #tpu.memory_space<vmem>> -> memref<8x2048xf32, #tpu.memory_space<vmem>>
        %gather3A_1501 = tpu.vector_load_idx %gather3A_1500[%broadcast_in_dim3A_1496, %get3A_1419] : memref<8x2048xf32, #tpu.memory_space<vmem>>[vector<16xi32>, vector<16xi32>], vector<16xf32>,
        %swap3A_1502 = arith.constant 5 : i32
        %swap3A_1503 = arith.constant 0 : i32
        %swap3A_1504 = arith.constant 0 : i32
        %swap3A_1505 = tpu.memref_slice %run_scoped3A_8[%rem3A_201, %swap3A_1503, %swap3A_1504] : memref<2x8x512xf32, #tpu.memory_space<vmem>> -> memref<1x8x512xf32, #tpu.memory_space<vmem>>
        %swap3A_1506 = tpu.memref_squeeze %swap3A_1505 : memref<1x8x512xf32, #tpu.memory_space<vmem>> -> memref<8x512xf32, #tpu.memory_space<vmem>>
        %swap3A_1507 = arith.index_cast %swap3A_1502 : i32 to index
        %swap3A_1508 = arith.constant 160 : index
        %swap3A_1509 = tpu.vector_load %swap3A_1506[%swap3A_1507, %swap3A_1508] {strides = array<i32>} : memref<8x512xf32, #tpu.memory_space<vmem>>, vector<16xf32>,
        tpu.vector_store %swap3A_1506[%swap3A_1507, %swap3A_1508], %gather3A_1501 {strides = array<i32>} : memref<8x512xf32, #tpu.memory_space<vmem>>, vector<16xf32>,
        %broadcast_in_dim3A_1510 = arith.constant 6 : i32
        %broadcast_in_dim3A_1511 = vector.broadcast %broadcast_in_dim3A_1510 : i32 to vector<16xi32>
        %gather3A_1512 = arith.constant 0 : i32
        %gather3A_1513 = arith.constant 0 : i32
        %gather3A_1514 = tpu.memref_slice %run_scoped3A[%rem3A_199, %gather3A_1512, %gather3A_1513] : memref<2x8x2048xf32, #tpu.memory_space<vmem>> -> memref<1x8x2048xf32, #tpu.memory_space<vmem>>
        %gather3A_1515 = tpu.memref_squeeze %gather3A_1514 : memref<1x8x2048xf32, #tpu.memory_space<vmem>> -> memref<8x2048xf32, #tpu.memory_space<vmem>>
        %gather3A_1516 = tpu.vector_load_idx %gather3A_1515[%broadcast_in_dim3A_1511, %get3A_1419] : memref<8x2048xf32, #tpu.memory_space<vmem>>[vector<16xi32>, vector<16xi32>], vector<16xf32>,
        %swap3A_1517 = arith.constant 6 : i32
        %swap3A_1518 = arith.constant 0 : i32
        %swap3A_1519 = arith.constant 0 : i32
        %swap3A_1520 = tpu.memref_slice %run_scoped3A_8[%rem3A_201, %swap3A_1518, %swap3A_1519] : memref<2x8x512xf32, #tpu.memory_space<vmem>> -> memref<1x8x512xf32, #tpu.memory_space<vmem>>
        %swap3A_1521 = tpu.memref_squeeze %swap3A_1520 : memref<1x8x512xf32, #tpu.memory_space<vmem>> -> memref<8x512xf32, #tpu.memory_space<vmem>>
        %swap3A_1522 = arith.index_cast %swap3A_1517 : i32 to index
        %swap3A_1523 = arith.constant 160 : index
        %swap3A_1524 = tpu.vector_load %swap3A_1521[%swap3A_1522, %swap3A_1523] {strides = array<i32>} : memref<8x512xf32, #tpu.memory_space<vmem>>, vector<16xf32>,
        tpu.vector_store %swap3A_1521[%swap3A_1522, %swap3A_1523], %gather3A_1516 {strides = array<i32>} : memref<8x512xf32, #tpu.memory_space<vmem>>, vector<16xf32>,
        %broadcast_in_dim3A_1525 = arith.constant 7 : i32
        %broadcast_in_dim3A_1526 = vector.broadcast %broadcast_in_dim3A_1525 : i32 to vector<16xi32>
        %gather3A_1527 = arith.constant 0 : i32
        %gather3A_1528 = arith.constant 0 : i32
        %gather3A_1529 = tpu.memref_slice %run_scoped3A[%rem3A_199, %gather3A_1527, %gather3A_1528] : memref<2x8x2048xf32, #tpu.memory_space<vmem>> -> memref<1x8x2048xf32, #tpu.memory_space<vmem>>
        %gather3A_1530 = tpu.memref_squeeze %gather3A_1529 : memref<1x8x2048xf32, #tpu.memory_space<vmem>> -> memref<8x2048xf32, #tpu.memory_space<vmem>>
        %gather3A_1531 = tpu.vector_load_idx %gather3A_1530[%broadcast_in_dim3A_1526, %get3A_1419] : memref<8x2048xf32, #tpu.memory_space<vmem>>[vector<16xi32>, vector<16xi32>], vector<16xf32>,
        %swap3A_1532 = arith.constant 7 : i32
        %swap3A_1533 = arith.constant 0 : i32
        %swap3A_1534 = arith.constant 0 : i32
        %swap3A_1535 = tpu.memref_slice %run_scoped3A_8[%rem3A_201, %swap3A_1533, %swap3A_1534] : memref<2x8x512xf32, #tpu.memory_space<vmem>> -> memref<1x8x512xf32, #tpu.memory_space<vmem>>
        %swap3A_1536 = tpu.memref_squeeze %swap3A_1535 : memref<1x8x512xf32, #tpu.memory_space<vmem>> -> memref<8x512xf32, #tpu.memory_space<vmem>>
        %swap3A_1537 = arith.index_cast %swap3A_1532 : i32 to index
        %swap3A_1538 = arith.constant 160 : index
        %swap3A_1539 = tpu.vector_load %swap3A_1536[%swap3A_1537, %swap3A_1538] {strides = array<i32>} : memref<8x512xf32, #tpu.memory_space<vmem>>, vector<16xf32>,
        tpu.vector_store %swap3A_1536[%swap3A_1537, %swap3A_1538], %gather3A_1531 {strides = array<i32>} : memref<8x512xf32, #tpu.memory_space<vmem>>, vector<16xf32>,
        %get3A_1540 = arith.constant 176 : index
        %get3A_1541 = tpu.vector_load %arg5[%get3A_1540] {strides = array<i32>} : memref<512xi32, #tpu.memory_space<vmem>>, vector<16xi32>,
        %broadcast_in_dim3A_1542 = arith.constant 0 : i32
        %broadcast_in_dim3A_1543 = vector.broadcast %broadcast_in_dim3A_1542 : i32 to vector<16xi32>
        %gather3A_1544 = arith.constant 0 : i32
        %gather3A_1545 = arith.constant 0 : i32
        %gather3A_1546 = tpu.memref_slice %run_scoped3A[%rem3A_199, %gather3A_1544, %gather3A_1545] : memref<2x8x2048xf32, #tpu.memory_space<vmem>> -> memref<1x8x2048xf32, #tpu.memory_space<vmem>>
        %gather3A_1547 = tpu.memref_squeeze %gather3A_1546 : memref<1x8x2048xf32, #tpu.memory_space<vmem>> -> memref<8x2048xf32, #tpu.memory_space<vmem>>
        %gather3A_1548 = tpu.vector_load_idx %gather3A_1547[%broadcast_in_dim3A_1543, %get3A_1541] : memref<8x2048xf32, #tpu.memory_space<vmem>>[vector<16xi32>, vector<16xi32>], vector<16xf32>,
        %swap3A_1549 = arith.constant 0 : i32
        %swap3A_1550 = arith.constant 0 : i32
        %swap3A_1551 = arith.constant 0 : i32
        %swap3A_1552 = tpu.memref_slice %run_scoped3A_8[%rem3A_201, %swap3A_1550, %swap3A_1551] : memref<2x8x512xf32, #tpu.memory_space<vmem>> -> memref<1x8x512xf32, #tpu.memory_space<vmem>>
        %swap3A_1553 = tpu.memref_squeeze %swap3A_1552 : memref<1x8x512xf32, #tpu.memory_space<vmem>> -> memref<8x512xf32, #tpu.memory_space<vmem>>
        %swap3A_1554 = arith.index_cast %swap3A_1549 : i32 to index
        %swap3A_1555 = arith.constant 176 : index
        %swap3A_1556 = tpu.vector_load %swap3A_1553[%swap3A_1554, %swap3A_1555] {strides = array<i32>} : memref<8x512xf32, #tpu.memory_space<vmem>>, vector<16xf32>,
        tpu.vector_store %swap3A_1553[%swap3A_1554, %swap3A_1555], %gather3A_1548 {strides = array<i32>} : memref<8x512xf32, #tpu.memory_space<vmem>>, vector<16xf32>,
        %broadcast_in_dim3A_1557 = arith.constant 1 : i32
        %broadcast_in_dim3A_1558 = vector.broadcast %broadcast_in_dim3A_1557 : i32 to vector<16xi32>
        %gather3A_1559 = arith.constant 0 : i32
        %gather3A_1560 = arith.constant 0 : i32
        %gather3A_1561 = tpu.memref_slice %run_scoped3A[%rem3A_199, %gather3A_1559, %gather3A_1560] : memref<2x8x2048xf32, #tpu.memory_space<vmem>> -> memref<1x8x2048xf32, #tpu.memory_space<vmem>>
        %gather3A_1562 = tpu.memref_squeeze %gather3A_1561 : memref<1x8x2048xf32, #tpu.memory_space<vmem>> -> memref<8x2048xf32, #tpu.memory_space<vmem>>
        %gather3A_1563 = tpu.vector_load_idx %gather3A_1562[%broadcast_in_dim3A_1558, %get3A_1541] : memref<8x2048xf32, #tpu.memory_space<vmem>>[vector<16xi32>, vector<16xi32>], vector<16xf32>,
        %swap3A_1564 = arith.constant 1 : i32
        %swap3A_1565 = arith.constant 0 : i32
        %swap3A_1566 = arith.constant 0 : i32
        %swap3A_1567 = tpu.memref_slice %run_scoped3A_8[%rem3A_201, %swap3A_1565, %swap3A_1566] : memref<2x8x512xf32, #tpu.memory_space<vmem>> -> memref<1x8x512xf32, #tpu.memory_space<vmem>>
        %swap3A_1568 = tpu.memref_squeeze %swap3A_1567 : memref<1x8x512xf32, #tpu.memory_space<vmem>> -> memref<8x512xf32, #tpu.memory_space<vmem>>
        %swap3A_1569 = arith.index_cast %swap3A_1564 : i32 to index
        %swap3A_1570 = arith.constant 176 : index
        %swap3A_1571 = tpu.vector_load %swap3A_1568[%swap3A_1569, %swap3A_1570] {strides = array<i32>} : memref<8x512xf32, #tpu.memory_space<vmem>>, vector<16xf32>,
        tpu.vector_store %swap3A_1568[%swap3A_1569, %swap3A_1570], %gather3A_1563 {strides = array<i32>} : memref<8x512xf32, #tpu.memory_space<vmem>>, vector<16xf32>,
        %broadcast_in_dim3A_1572 = arith.constant 2 : i32
        %broadcast_in_dim3A_1573 = vector.broadcast %broadcast_in_dim3A_1572 : i32 to vector<16xi32>
        %gather3A_1574 = arith.constant 0 : i32
        %gather3A_1575 = arith.constant 0 : i32
        %gather3A_1576 = tpu.memref_slice %run_scoped3A[%rem3A_199, %gather3A_1574, %gather3A_1575] : memref<2x8x2048xf32, #tpu.memory_space<vmem>> -> memref<1x8x2048xf32, #tpu.memory_space<vmem>>
        %gather3A_1577 = tpu.memref_squeeze %gather3A_1576 : memref<1x8x2048xf32, #tpu.memory_space<vmem>> -> memref<8x2048xf32, #tpu.memory_space<vmem>>
        %gather3A_1578 = tpu.vector_load_idx %gather3A_1577[%broadcast_in_dim3A_1573, %get3A_1541] : memref<8x2048xf32, #tpu.memory_space<vmem>>[vector<16xi32>, vector<16xi32>], vector<16xf32>,
        %swap3A_1579 = arith.constant 2 : i32
        %swap3A_1580 = arith.constant 0 : i32
        %swap3A_1581 = arith.constant 0 : i32
        %swap3A_1582 = tpu.memref_slice %run_scoped3A_8[%rem3A_201, %swap3A_1580, %swap3A_1581] : memref<2x8x512xf32, #tpu.memory_space<vmem>> -> memref<1x8x512xf32, #tpu.memory_space<vmem>>
        %swap3A_1583 = tpu.memref_squeeze %swap3A_1582 : memref<1x8x512xf32, #tpu.memory_space<vmem>> -> memref<8x512xf32, #tpu.memory_space<vmem>>
        %swap3A_1584 = arith.index_cast %swap3A_1579 : i32 to index
        %swap3A_1585 = arith.constant 176 : index
        %swap3A_1586 = tpu.vector_load %swap3A_1583[%swap3A_1584, %swap3A_1585] {strides = array<i32>} : memref<8x512xf32, #tpu.memory_space<vmem>>, vector<16xf32>,
        tpu.vector_store %swap3A_1583[%swap3A_1584, %swap3A_1585], %gather3A_1578 {strides = array<i32>} : memref<8x512xf32, #tpu.memory_space<vmem>>, vector<16xf32>,
        %broadcast_in_dim3A_1587 = arith.constant 3 : i32
        %broadcast_in_dim3A_1588 = vector.broadcast %broadcast_in_dim3A_1587 : i32 to vector<16xi32>
        %gather3A_1589 = arith.constant 0 : i32
        %gather3A_1590 = arith.constant 0 : i32
        %gather3A_1591 = tpu.memref_slice %run_scoped3A[%rem3A_199, %gather3A_1589, %gather3A_1590] : memref<2x8x2048xf32, #tpu.memory_space<vmem>> -> memref<1x8x2048xf32, #tpu.memory_space<vmem>>
        %gather3A_1592 = tpu.memref_squeeze %gather3A_1591 : memref<1x8x2048xf32, #tpu.memory_space<vmem>> -> memref<8x2048xf32, #tpu.memory_space<vmem>>
        %gather3A_1593 = tpu.vector_load_idx %gather3A_1592[%broadcast_in_dim3A_1588, %get3A_1541] : memref<8x2048xf32, #tpu.memory_space<vmem>>[vector<16xi32>, vector<16xi32>], vector<16xf32>,
        %swap3A_1594 = arith.constant 3 : i32
        %swap3A_1595 = arith.constant 0 : i32
        %swap3A_1596 = arith.constant 0 : i32
        %swap3A_1597 = tpu.memref_slice %run_scoped3A_8[%rem3A_201, %swap3A_1595, %swap3A_1596] : memref<2x8x512xf32, #tpu.memory_space<vmem>> -> memref<1x8x512xf32, #tpu.memory_space<vmem>>
        %swap3A_1598 = tpu.memref_squeeze %swap3A_1597 : memref<1x8x512xf32, #tpu.memory_space<vmem>> -> memref<8x512xf32, #tpu.memory_space<vmem>>
        %swap3A_1599 = arith.index_cast %swap3A_1594 : i32 to index
        %swap3A_1600 = arith.constant 176 : index
        %swap3A_1601 = tpu.vector_load %swap3A_1598[%swap3A_1599, %swap3A_1600] {strides = array<i32>} : memref<8x512xf32, #tpu.memory_space<vmem>>, vector<16xf32>,
        tpu.vector_store %swap3A_1598[%swap3A_1599, %swap3A_1600], %gather3A_1593 {strides = array<i32>} : memref<8x512xf32, #tpu.memory_space<vmem>>, vector<16xf32>,
        %broadcast_in_dim3A_1602 = arith.constant 4 : i32
        %broadcast_in_dim3A_1603 = vector.broadcast %broadcast_in_dim3A_1602 : i32 to vector<16xi32>
        %gather3A_1604 = arith.constant 0 : i32
        %gather3A_1605 = arith.constant 0 : i32
        %gather3A_1606 = tpu.memref_slice %run_scoped3A[%rem3A_199, %gather3A_1604, %gather3A_1605] : memref<2x8x2048xf32, #tpu.memory_space<vmem>> -> memref<1x8x2048xf32, #tpu.memory_space<vmem>>
        %gather3A_1607 = tpu.memref_squeeze %gather3A_1606 : memref<1x8x2048xf32, #tpu.memory_space<vmem>> -> memref<8x2048xf32, #tpu.memory_space<vmem>>
        %gather3A_1608 = tpu.vector_load_idx %gather3A_1607[%broadcast_in_dim3A_1603, %get3A_1541] : memref<8x2048xf32, #tpu.memory_space<vmem>>[vector<16xi32>, vector<16xi32>], vector<16xf32>,
        %swap3A_1609 = arith.constant 4 : i32
        %swap3A_1610 = arith.constant 0 : i32
        %swap3A_1611 = arith.constant 0 : i32
        %swap3A_1612 = tpu.memref_slice %run_scoped3A_8[%rem3A_201, %swap3A_1610, %swap3A_1611] : memref<2x8x512xf32, #tpu.memory_space<vmem>> -> memref<1x8x512xf32, #tpu.memory_space<vmem>>
        %swap3A_1613 = tpu.memref_squeeze %swap3A_1612 : memref<1x8x512xf32, #tpu.memory_space<vmem>> -> memref<8x512xf32, #tpu.memory_space<vmem>>
        %swap3A_1614 = arith.index_cast %swap3A_1609 : i32 to index
        %swap3A_1615 = arith.constant 176 : index
        %swap3A_1616 = tpu.vector_load %swap3A_1613[%swap3A_1614, %swap3A_1615] {strides = array<i32>} : memref<8x512xf32, #tpu.memory_space<vmem>>, vector<16xf32>,
        tpu.vector_store %swap3A_1613[%swap3A_1614, %swap3A_1615], %gather3A_1608 {strides = array<i32>} : memref<8x512xf32, #tpu.memory_space<vmem>>, vector<16xf32>,
        %broadcast_in_dim3A_1617 = arith.constant 5 : i32
        %broadcast_in_dim3A_1618 = vector.broadcast %broadcast_in_dim3A_1617 : i32 to vector<16xi32>
        %gather3A_1619 = arith.constant 0 : i32
        %gather3A_1620 = arith.constant 0 : i32
        %gather3A_1621 = tpu.memref_slice %run_scoped3A[%rem3A_199, %gather3A_1619, %gather3A_1620] : memref<2x8x2048xf32, #tpu.memory_space<vmem>> -> memref<1x8x2048xf32, #tpu.memory_space<vmem>>
        %gather3A_1622 = tpu.memref_squeeze %gather3A_1621 : memref<1x8x2048xf32, #tpu.memory_space<vmem>> -> memref<8x2048xf32, #tpu.memory_space<vmem>>
        %gather3A_1623 = tpu.vector_load_idx %gather3A_1622[%broadcast_in_dim3A_1618, %get3A_1541] : memref<8x2048xf32, #tpu.memory_space<vmem>>[vector<16xi32>, vector<16xi32>], vector<16xf32>,
        %swap3A_1624 = arith.constant 5 : i32
        %swap3A_1625 = arith.constant 0 : i32
        %swap3A_1626 = arith.constant 0 : i32
        %swap3A_1627 = tpu.memref_slice %run_scoped3A_8[%rem3A_201, %swap3A_1625, %swap3A_1626] : memref<2x8x512xf32, #tpu.memory_space<vmem>> -> memref<1x8x512xf32, #tpu.memory_space<vmem>>
        %swap3A_1628 = tpu.memref_squeeze %swap3A_1627 : memref<1x8x512xf32, #tpu.memory_space<vmem>> -> memref<8x512xf32, #tpu.memory_space<vmem>>
        %swap3A_1629 = arith.index_cast %swap3A_1624 : i32 to index
        %swap3A_1630 = arith.constant 176 : index
        %swap3A_1631 = tpu.vector_load %swap3A_1628[%swap3A_1629, %swap3A_1630] {strides = array<i32>} : memref<8x512xf32, #tpu.memory_space<vmem>>, vector<16xf32>,
        tpu.vector_store %swap3A_1628[%swap3A_1629, %swap3A_1630], %gather3A_1623 {strides = array<i32>} : memref<8x512xf32, #tpu.memory_space<vmem>>, vector<16xf32>,
        %broadcast_in_dim3A_1632 = arith.constant 6 : i32
        %broadcast_in_dim3A_1633 = vector.broadcast %broadcast_in_dim3A_1632 : i32 to vector<16xi32>
        %gather3A_1634 = arith.constant 0 : i32
        %gather3A_1635 = arith.constant 0 : i32
        %gather3A_1636 = tpu.memref_slice %run_scoped3A[%rem3A_199, %gather3A_1634, %gather3A_1635] : memref<2x8x2048xf32, #tpu.memory_space<vmem>> -> memref<1x8x2048xf32, #tpu.memory_space<vmem>>
        %gather3A_1637 = tpu.memref_squeeze %gather3A_1636 : memref<1x8x2048xf32, #tpu.memory_space<vmem>> -> memref<8x2048xf32, #tpu.memory_space<vmem>>
        %gather3A_1638 = tpu.vector_load_idx %gather3A_1637[%broadcast_in_dim3A_1633, %get3A_1541] : memref<8x2048xf32, #tpu.memory_space<vmem>>[vector<16xi32>, vector<16xi32>], vector<16xf32>,
        %swap3A_1639 = arith.constant 6 : i32
        %swap3A_1640 = arith.constant 0 : i32
        %swap3A_1641 = arith.constant 0 : i32
        %swap3A_1642 = tpu.memref_slice %run_scoped3A_8[%rem3A_201, %swap3A_1640, %swap3A_1641] : memref<2x8x512xf32, #tpu.memory_space<vmem>> -> memref<1x8x512xf32, #tpu.memory_space<vmem>>
        %swap3A_1643 = tpu.memref_squeeze %swap3A_1642 : memref<1x8x512xf32, #tpu.memory_space<vmem>> -> memref<8x512xf32, #tpu.memory_space<vmem>>
        %swap3A_1644 = arith.index_cast %swap3A_1639 : i32 to index
        %swap3A_1645 = arith.constant 176 : index
        %swap3A_1646 = tpu.vector_load %swap3A_1643[%swap3A_1644, %swap3A_1645] {strides = array<i32>} : memref<8x512xf32, #tpu.memory_space<vmem>>, vector<16xf32>,
        tpu.vector_store %swap3A_1643[%swap3A_1644, %swap3A_1645], %gather3A_1638 {strides = array<i32>} : memref<8x512xf32, #tpu.memory_space<vmem>>, vector<16xf32>,
        %broadcast_in_dim3A_1647 = arith.constant 7 : i32
        %broadcast_in_dim3A_1648 = vector.broadcast %broadcast_in_dim3A_1647 : i32 to vector<16xi32>
        %gather3A_1649 = arith.constant 0 : i32
        %gather3A_1650 = arith.constant 0 : i32
        %gather3A_1651 = tpu.memref_slice %run_scoped3A[%rem3A_199, %gather3A_1649, %gather3A_1650] : memref<2x8x2048xf32, #tpu.memory_space<vmem>> -> memref<1x8x2048xf32, #tpu.memory_space<vmem>>
        %gather3A_1652 = tpu.memref_squeeze %gather3A_1651 : memref<1x8x2048xf32, #tpu.memory_space<vmem>> -> memref<8x2048xf32, #tpu.memory_space<vmem>>
        %gather3A_1653 = tpu.vector_load_idx %gather3A_1652[%broadcast_in_dim3A_1648, %get3A_1541] : memref<8x2048xf32, #tpu.memory_space<vmem>>[vector<16xi32>, vector<16xi32>], vector<16xf32>,
        %swap3A_1654 = arith.constant 7 : i32
        %swap3A_1655 = arith.constant 0 : i32
        %swap3A_1656 = arith.constant 0 : i32
        %swap3A_1657 = tpu.memref_slice %run_scoped3A_8[%rem3A_201, %swap3A_1655, %swap3A_1656] : memref<2x8x512xf32, #tpu.memory_space<vmem>> -> memref<1x8x512xf32, #tpu.memory_space<vmem>>
        %swap3A_1658 = tpu.memref_squeeze %swap3A_1657 : memref<1x8x512xf32, #tpu.memory_space<vmem>> -> memref<8x512xf32, #tpu.memory_space<vmem>>
        %swap3A_1659 = arith.index_cast %swap3A_1654 : i32 to index
        %swap3A_1660 = arith.constant 176 : index
        %swap3A_1661 = tpu.vector_load %swap3A_1658[%swap3A_1659, %swap3A_1660] {strides = array<i32>} : memref<8x512xf32, #tpu.memory_space<vmem>>, vector<16xf32>,
        tpu.vector_store %swap3A_1658[%swap3A_1659, %swap3A_1660], %gather3A_1653 {strides = array<i32>} : memref<8x512xf32, #tpu.memory_space<vmem>>, vector<16xf32>,
        %get3A_1662 = arith.constant 192 : index
        %get3A_1663 = tpu.vector_load %arg5[%get3A_1662] {strides = array<i32>} : memref<512xi32, #tpu.memory_space<vmem>>, vector<16xi32>,
        %broadcast_in_dim3A_1664 = arith.constant 0 : i32
        %broadcast_in_dim3A_1665 = vector.broadcast %broadcast_in_dim3A_1664 : i32 to vector<16xi32>
        %gather3A_1666 = arith.constant 0 : i32
        %gather3A_1667 = arith.constant 0 : i32
        %gather3A_1668 = tpu.memref_slice %run_scoped3A[%rem3A_199, %gather3A_1666, %gather3A_1667] : memref<2x8x2048xf32, #tpu.memory_space<vmem>> -> memref<1x8x2048xf32, #tpu.memory_space<vmem>>
        %gather3A_1669 = tpu.memref_squeeze %gather3A_1668 : memref<1x8x2048xf32, #tpu.memory_space<vmem>> -> memref<8x2048xf32, #tpu.memory_space<vmem>>
        %gather3A_1670 = tpu.vector_load_idx %gather3A_1669[%broadcast_in_dim3A_1665, %get3A_1663] : memref<8x2048xf32, #tpu.memory_space<vmem>>[vector<16xi32>, vector<16xi32>], vector<16xf32>,
        %swap3A_1671 = arith.constant 0 : i32
        %swap3A_1672 = arith.constant 0 : i32
        %swap3A_1673 = arith.constant 0 : i32
        %swap3A_1674 = tpu.memref_slice %run_scoped3A_8[%rem3A_201, %swap3A_1672, %swap3A_1673] : memref<2x8x512xf32, #tpu.memory_space<vmem>> -> memref<1x8x512xf32, #tpu.memory_space<vmem>>
        %swap3A_1675 = tpu.memref_squeeze %swap3A_1674 : memref<1x8x512xf32, #tpu.memory_space<vmem>> -> memref<8x512xf32, #tpu.memory_space<vmem>>
        %swap3A_1676 = arith.index_cast %swap3A_1671 : i32 to index
        %swap3A_1677 = arith.constant 192 : index
        %swap3A_1678 = tpu.vector_load %swap3A_1675[%swap3A_1676, %swap3A_1677] {strides = array<i32>} : memref<8x512xf32, #tpu.memory_space<vmem>>, vector<16xf32>,
        tpu.vector_store %swap3A_1675[%swap3A_1676, %swap3A_1677], %gather3A_1670 {strides = array<i32>} : memref<8x512xf32, #tpu.memory_space<vmem>>, vector<16xf32>,
        %broadcast_in_dim3A_1679 = arith.constant 1 : i32
        %broadcast_in_dim3A_1680 = vector.broadcast %broadcast_in_dim3A_1679 : i32 to vector<16xi32>
        %gather3A_1681 = arith.constant 0 : i32
        %gather3A_1682 = arith.constant 0 : i32
        %gather3A_1683 = tpu.memref_slice %run_scoped3A[%rem3A_199, %gather3A_1681, %gather3A_1682] : memref<2x8x2048xf32, #tpu.memory_space<vmem>> -> memref<1x8x2048xf32, #tpu.memory_space<vmem>>
        %gather3A_1684 = tpu.memref_squeeze %gather3A_1683 : memref<1x8x2048xf32, #tpu.memory_space<vmem>> -> memref<8x2048xf32, #tpu.memory_space<vmem>>
        %gather3A_1685 = tpu.vector_load_idx %gather3A_1684[%broadcast_in_dim3A_1680, %get3A_1663] : memref<8x2048xf32, #tpu.memory_space<vmem>>[vector<16xi32>, vector<16xi32>], vector<16xf32>,
        %swap3A_1686 = arith.constant 1 : i32
        %swap3A_1687 = arith.constant 0 : i32
        %swap3A_1688 = arith.constant 0 : i32
        %swap3A_1689 = tpu.memref_slice %run_scoped3A_8[%rem3A_201, %swap3A_1687, %swap3A_1688] : memref<2x8x512xf32, #tpu.memory_space<vmem>> -> memref<1x8x512xf32, #tpu.memory_space<vmem>>
        %swap3A_1690 = tpu.memref_squeeze %swap3A_1689 : memref<1x8x512xf32, #tpu.memory_space<vmem>> -> memref<8x512xf32, #tpu.memory_space<vmem>>
        %swap3A_1691 = arith.index_cast %swap3A_1686 : i32 to index
        %swap3A_1692 = arith.constant 192 : index
        %swap3A_1693 = tpu.vector_load %swap3A_1690[%swap3A_1691, %swap3A_1692] {strides = array<i32>} : memref<8x512xf32, #tpu.memory_space<vmem>>, vector<16xf32>,
        tpu.vector_store %swap3A_1690[%swap3A_1691, %swap3A_1692], %gather3A_1685 {strides = array<i32>} : memref<8x512xf32, #tpu.memory_space<vmem>>, vector<16xf32>,
        %broadcast_in_dim3A_1694 = arith.constant 2 : i32
        %broadcast_in_dim3A_1695 = vector.broadcast %broadcast_in_dim3A_1694 : i32 to vector<16xi32>
        %gather3A_1696 = arith.constant 0 : i32
        %gather3A_1697 = arith.constant 0 : i32
        %gather3A_1698 = tpu.memref_slice %run_scoped3A[%rem3A_199, %gather3A_1696, %gather3A_1697] : memref<2x8x2048xf32, #tpu.memory_space<vmem>> -> memref<1x8x2048xf32, #tpu.memory_space<vmem>>
        %gather3A_1699 = tpu.memref_squeeze %gather3A_1698 : memref<1x8x2048xf32, #tpu.memory_space<vmem>> -> memref<8x2048xf32, #tpu.memory_space<vmem>>
        %gather3A_1700 = tpu.vector_load_idx %gather3A_1699[%broadcast_in_dim3A_1695, %get3A_1663] : memref<8x2048xf32, #tpu.memory_space<vmem>>[vector<16xi32>, vector<16xi32>], vector<16xf32>,
        %swap3A_1701 = arith.constant 2 : i32
        %swap3A_1702 = arith.constant 0 : i32
        %swap3A_1703 = arith.constant 0 : i32
        %swap3A_1704 = tpu.memref_slice %run_scoped3A_8[%rem3A_201, %swap3A_1702, %swap3A_1703] : memref<2x8x512xf32, #tpu.memory_space<vmem>> -> memref<1x8x512xf32, #tpu.memory_space<vmem>>
        %swap3A_1705 = tpu.memref_squeeze %swap3A_1704 : memref<1x8x512xf32, #tpu.memory_space<vmem>> -> memref<8x512xf32, #tpu.memory_space<vmem>>
        %swap3A_1706 = arith.index_cast %swap3A_1701 : i32 to index
        %swap3A_1707 = arith.constant 192 : index
        %swap3A_1708 = tpu.vector_load %swap3A_1705[%swap3A_1706, %swap3A_1707] {strides = array<i32>} : memref<8x512xf32, #tpu.memory_space<vmem>>, vector<16xf32>,
        tpu.vector_store %swap3A_1705[%swap3A_1706, %swap3A_1707], %gather3A_1700 {strides = array<i32>} : memref<8x512xf32, #tpu.memory_space<vmem>>, vector<16xf32>,
        %broadcast_in_dim3A_1709 = arith.constant 3 : i32
        %broadcast_in_dim3A_1710 = vector.broadcast %broadcast_in_dim3A_1709 : i32 to vector<16xi32>
        %gather3A_1711 = arith.constant 0 : i32
        %gather3A_1712 = arith.constant 0 : i32
        %gather3A_1713 = tpu.memref_slice %run_scoped3A[%rem3A_199, %gather3A_1711, %gather3A_1712] : memref<2x8x2048xf32, #tpu.memory_space<vmem>> -> memref<1x8x2048xf32, #tpu.memory_space<vmem>>
        %gather3A_1714 = tpu.memref_squeeze %gather3A_1713 : memref<1x8x2048xf32, #tpu.memory_space<vmem>> -> memref<8x2048xf32, #tpu.memory_space<vmem>>
        %gather3A_1715 = tpu.vector_load_idx %gather3A_1714[%broadcast_in_dim3A_1710, %get3A_1663] : memref<8x2048xf32, #tpu.memory_space<vmem>>[vector<16xi32>, vector<16xi32>], vector<16xf32>,
        %swap3A_1716 = arith.constant 3 : i32
        %swap3A_1717 = arith.constant 0 : i32
        %swap3A_1718 = arith.constant 0 : i32
        %swap3A_1719 = tpu.memref_slice %run_scoped3A_8[%rem3A_201, %swap3A_1717, %swap3A_1718] : memref<2x8x512xf32, #tpu.memory_space<vmem>> -> memref<1x8x512xf32, #tpu.memory_space<vmem>>
        %swap3A_1720 = tpu.memref_squeeze %swap3A_1719 : memref<1x8x512xf32, #tpu.memory_space<vmem>> -> memref<8x512xf32, #tpu.memory_space<vmem>>
        %swap3A_1721 = arith.index_cast %swap3A_1716 : i32 to index
        %swap3A_1722 = arith.constant 192 : index
        %swap3A_1723 = tpu.vector_load %swap3A_1720[%swap3A_1721, %swap3A_1722] {strides = array<i32>} : memref<8x512xf32, #tpu.memory_space<vmem>>, vector<16xf32>,
        tpu.vector_store %swap3A_1720[%swap3A_1721, %swap3A_1722], %gather3A_1715 {strides = array<i32>} : memref<8x512xf32, #tpu.memory_space<vmem>>, vector<16xf32>,
        %broadcast_in_dim3A_1724 = arith.constant 4 : i32
        %broadcast_in_dim3A_1725 = vector.broadcast %broadcast_in_dim3A_1724 : i32 to vector<16xi32>
        %gather3A_1726 = arith.constant 0 : i32
        %gather3A_1727 = arith.constant 0 : i32
        %gather3A_1728 = tpu.memref_slice %run_scoped3A[%rem3A_199, %gather3A_1726, %gather3A_1727] : memref<2x8x2048xf32, #tpu.memory_space<vmem>> -> memref<1x8x2048xf32, #tpu.memory_space<vmem>>
        %gather3A_1729 = tpu.memref_squeeze %gather3A_1728 : memref<1x8x2048xf32, #tpu.memory_space<vmem>> -> memref<8x2048xf32, #tpu.memory_space<vmem>>
        %gather3A_1730 = tpu.vector_load_idx %gather3A_1729[%broadcast_in_dim3A_1725, %get3A_1663] : memref<8x2048xf32, #tpu.memory_space<vmem>>[vector<16xi32>, vector<16xi32>], vector<16xf32>,
        %swap3A_1731 = arith.constant 4 : i32
        %swap3A_1732 = arith.constant 0 : i32
        %swap3A_1733 = arith.constant 0 : i32
        %swap3A_1734 = tpu.memref_slice %run_scoped3A_8[%rem3A_201, %swap3A_1732, %swap3A_1733] : memref<2x8x512xf32, #tpu.memory_space<vmem>> -> memref<1x8x512xf32, #tpu.memory_space<vmem>>
        %swap3A_1735 = tpu.memref_squeeze %swap3A_1734 : memref<1x8x512xf32, #tpu.memory_space<vmem>> -> memref<8x512xf32, #tpu.memory_space<vmem>>
        %swap3A_1736 = arith.index_cast %swap3A_1731 : i32 to index
        %swap3A_1737 = arith.constant 192 : index
        %swap3A_1738 = tpu.vector_load %swap3A_1735[%swap3A_1736, %swap3A_1737] {strides = array<i32>} : memref<8x512xf32, #tpu.memory_space<vmem>>, vector<16xf32>,
        tpu.vector_store %swap3A_1735[%swap3A_1736, %swap3A_1737], %gather3A_1730 {strides = array<i32>} : memref<8x512xf32, #tpu.memory_space<vmem>>, vector<16xf32>,
        %broadcast_in_dim3A_1739 = arith.constant 5 : i32
        %broadcast_in_dim3A_1740 = vector.broadcast %broadcast_in_dim3A_1739 : i32 to vector<16xi32>
        %gather3A_1741 = arith.constant 0 : i32
        %gather3A_1742 = arith.constant 0 : i32
        %gather3A_1743 = tpu.memref_slice %run_scoped3A[%rem3A_199, %gather3A_1741, %gather3A_1742] : memref<2x8x2048xf32, #tpu.memory_space<vmem>> -> memref<1x8x2048xf32, #tpu.memory_space<vmem>>
        %gather3A_1744 = tpu.memref_squeeze %gather3A_1743 : memref<1x8x2048xf32, #tpu.memory_space<vmem>> -> memref<8x2048xf32, #tpu.memory_space<vmem>>
        %gather3A_1745 = tpu.vector_load_idx %gather3A_1744[%broadcast_in_dim3A_1740, %get3A_1663] : memref<8x2048xf32, #tpu.memory_space<vmem>>[vector<16xi32>, vector<16xi32>], vector<16xf32>,
        %swap3A_1746 = arith.constant 5 : i32
        %swap3A_1747 = arith.constant 0 : i32
        %swap3A_1748 = arith.constant 0 : i32
        %swap3A_1749 = tpu.memref_slice %run_scoped3A_8[%rem3A_201, %swap3A_1747, %swap3A_1748] : memref<2x8x512xf32, #tpu.memory_space<vmem>> -> memref<1x8x512xf32, #tpu.memory_space<vmem>>
        %swap3A_1750 = tpu.memref_squeeze %swap3A_1749 : memref<1x8x512xf32, #tpu.memory_space<vmem>> -> memref<8x512xf32, #tpu.memory_space<vmem>>
        %swap3A_1751 = arith.index_cast %swap3A_1746 : i32 to index
        %swap3A_1752 = arith.constant 192 : index
        %swap3A_1753 = tpu.vector_load %swap3A_1750[%swap3A_1751, %swap3A_1752] {strides = array<i32>} : memref<8x512xf32, #tpu.memory_space<vmem>>, vector<16xf32>,
        tpu.vector_store %swap3A_1750[%swap3A_1751, %swap3A_1752], %gather3A_1745 {strides = array<i32>} : memref<8x512xf32, #tpu.memory_space<vmem>>, vector<16xf32>,
        %broadcast_in_dim3A_1754 = arith.constant 6 : i32
        %broadcast_in_dim3A_1755 = vector.broadcast %broadcast_in_dim3A_1754 : i32 to vector<16xi32>
        %gather3A_1756 = arith.constant 0 : i32
        %gather3A_1757 = arith.constant 0 : i32
        %gather3A_1758 = tpu.memref_slice %run_scoped3A[%rem3A_199, %gather3A_1756, %gather3A_1757] : memref<2x8x2048xf32, #tpu.memory_space<vmem>> -> memref<1x8x2048xf32, #tpu.memory_space<vmem>>
        %gather3A_1759 = tpu.memref_squeeze %gather3A_1758 : memref<1x8x2048xf32, #tpu.memory_space<vmem>> -> memref<8x2048xf32, #tpu.memory_space<vmem>>
        %gather3A_1760 = tpu.vector_load_idx %gather3A_1759[%broadcast_in_dim3A_1755, %get3A_1663] : memref<8x2048xf32, #tpu.memory_space<vmem>>[vector<16xi32>, vector<16xi32>], vector<16xf32>,
        %swap3A_1761 = arith.constant 6 : i32
        %swap3A_1762 = arith.constant 0 : i32
        %swap3A_1763 = arith.constant 0 : i32
        %swap3A_1764 = tpu.memref_slice %run_scoped3A_8[%rem3A_201, %swap3A_1762, %swap3A_1763] : memref<2x8x512xf32, #tpu.memory_space<vmem>> -> memref<1x8x512xf32, #tpu.memory_space<vmem>>
        %swap3A_1765 = tpu.memref_squeeze %swap3A_1764 : memref<1x8x512xf32, #tpu.memory_space<vmem>> -> memref<8x512xf32, #tpu.memory_space<vmem>>
        %swap3A_1766 = arith.index_cast %swap3A_1761 : i32 to index
        %swap3A_1767 = arith.constant 192 : index
        %swap3A_1768 = tpu.vector_load %swap3A_1765[%swap3A_1766, %swap3A_1767] {strides = array<i32>} : memref<8x512xf32, #tpu.memory_space<vmem>>, vector<16xf32>,
        tpu.vector_store %swap3A_1765[%swap3A_1766, %swap3A_1767], %gather3A_1760 {strides = array<i32>} : memref<8x512xf32, #tpu.memory_space<vmem>>, vector<16xf32>,
        %broadcast_in_dim3A_1769 = arith.constant 7 : i32
        %broadcast_in_dim3A_1770 = vector.broadcast %broadcast_in_dim3A_1769 : i32 to vector<16xi32>
        %gather3A_1771 = arith.constant 0 : i32
        %gather3A_1772 = arith.constant 0 : i32
        %gather3A_1773 = tpu.memref_slice %run_scoped3A[%rem3A_199, %gather3A_1771, %gather3A_1772] : memref<2x8x2048xf32, #tpu.memory_space<vmem>> -> memref<1x8x2048xf32, #tpu.memory_space<vmem>>
        %gather3A_1774 = tpu.memref_squeeze %gather3A_1773 : memref<1x8x2048xf32, #tpu.memory_space<vmem>> -> memref<8x2048xf32, #tpu.memory_space<vmem>>
        %gather3A_1775 = tpu.vector_load_idx %gather3A_1774[%broadcast_in_dim3A_1770, %get3A_1663] : memref<8x2048xf32, #tpu.memory_space<vmem>>[vector<16xi32>, vector<16xi32>], vector<16xf32>,
        %swap3A_1776 = arith.constant 7 : i32
        %swap3A_1777 = arith.constant 0 : i32
        %swap3A_1778 = arith.constant 0 : i32
        %swap3A_1779 = tpu.memref_slice %run_scoped3A_8[%rem3A_201, %swap3A_1777, %swap3A_1778] : memref<2x8x512xf32, #tpu.memory_space<vmem>> -> memref<1x8x512xf32, #tpu.memory_space<vmem>>
        %swap3A_1780 = tpu.memref_squeeze %swap3A_1779 : memref<1x8x512xf32, #tpu.memory_space<vmem>> -> memref<8x512xf32, #tpu.memory_space<vmem>>
        %swap3A_1781 = arith.index_cast %swap3A_1776 : i32 to index
        %swap3A_1782 = arith.constant 192 : index
        %swap3A_1783 = tpu.vector_load %swap3A_1780[%swap3A_1781, %swap3A_1782] {strides = array<i32>} : memref<8x512xf32, #tpu.memory_space<vmem>>, vector<16xf32>,
        tpu.vector_store %swap3A_1780[%swap3A_1781, %swap3A_1782], %gather3A_1775 {strides = array<i32>} : memref<8x512xf32, #tpu.memory_space<vmem>>, vector<16xf32>,
        %get3A_1784 = arith.constant 208 : index
        %get3A_1785 = tpu.vector_load %arg5[%get3A_1784] {strides = array<i32>} : memref<512xi32, #tpu.memory_space<vmem>>, vector<16xi32>,
        %broadcast_in_dim3A_1786 = arith.constant 0 : i32
        %broadcast_in_dim3A_1787 = vector.broadcast %broadcast_in_dim3A_1786 : i32 to vector<16xi32>
        %gather3A_1788 = arith.constant 0 : i32
        %gather3A_1789 = arith.constant 0 : i32
        %gather3A_1790 = tpu.memref_slice %run_scoped3A[%rem3A_199, %gather3A_1788, %gather3A_1789] : memref<2x8x2048xf32, #tpu.memory_space<vmem>> -> memref<1x8x2048xf32, #tpu.memory_space<vmem>>
        %gather3A_1791 = tpu.memref_squeeze %gather3A_1790 : memref<1x8x2048xf32, #tpu.memory_space<vmem>> -> memref<8x2048xf32, #tpu.memory_space<vmem>>
        %gather3A_1792 = tpu.vector_load_idx %gather3A_1791[%broadcast_in_dim3A_1787, %get3A_1785] : memref<8x2048xf32, #tpu.memory_space<vmem>>[vector<16xi32>, vector<16xi32>], vector<16xf32>,
        %swap3A_1793 = arith.constant 0 : i32
        %swap3A_1794 = arith.constant 0 : i32
        %swap3A_1795 = arith.constant 0 : i32
        %swap3A_1796 = tpu.memref_slice %run_scoped3A_8[%rem3A_201, %swap3A_1794, %swap3A_1795] : memref<2x8x512xf32, #tpu.memory_space<vmem>> -> memref<1x8x512xf32, #tpu.memory_space<vmem>>
        %swap3A_1797 = tpu.memref_squeeze %swap3A_1796 : memref<1x8x512xf32, #tpu.memory_space<vmem>> -> memref<8x512xf32, #tpu.memory_space<vmem>>
        %swap3A_1798 = arith.index_cast %swap3A_1793 : i32 to index
        %swap3A_1799 = arith.constant 208 : index
        %swap3A_1800 = tpu.vector_load %swap3A_1797[%swap3A_1798, %swap3A_1799] {strides = array<i32>} : memref<8x512xf32, #tpu.memory_space<vmem>>, vector<16xf32>,
        tpu.vector_store %swap3A_1797[%swap3A_1798, %swap3A_1799], %gather3A_1792 {strides = array<i32>} : memref<8x512xf32, #tpu.memory_space<vmem>>, vector<16xf32>,
        %broadcast_in_dim3A_1801 = arith.constant 1 : i32
        %broadcast_in_dim3A_1802 = vector.broadcast %broadcast_in_dim3A_1801 : i32 to vector<16xi32>
        %gather3A_1803 = arith.constant 0 : i32
        %gather3A_1804 = arith.constant 0 : i32
        %gather3A_1805 = tpu.memref_slice %run_scoped3A[%rem3A_199, %gather3A_1803, %gather3A_1804] : memref<2x8x2048xf32, #tpu.memory_space<vmem>> -> memref<1x8x2048xf32, #tpu.memory_space<vmem>>
        %gather3A_1806 = tpu.memref_squeeze %gather3A_1805 : memref<1x8x2048xf32, #tpu.memory_space<vmem>> -> memref<8x2048xf32, #tpu.memory_space<vmem>>
        %gather3A_1807 = tpu.vector_load_idx %gather3A_1806[%broadcast_in_dim3A_1802, %get3A_1785] : memref<8x2048xf32, #tpu.memory_space<vmem>>[vector<16xi32>, vector<16xi32>], vector<16xf32>,
        %swap3A_1808 = arith.constant 1 : i32
        %swap3A_1809 = arith.constant 0 : i32
        %swap3A_1810 = arith.constant 0 : i32
        %swap3A_1811 = tpu.memref_slice %run_scoped3A_8[%rem3A_201, %swap3A_1809, %swap3A_1810] : memref<2x8x512xf32, #tpu.memory_space<vmem>> -> memref<1x8x512xf32, #tpu.memory_space<vmem>>
        %swap3A_1812 = tpu.memref_squeeze %swap3A_1811 : memref<1x8x512xf32, #tpu.memory_space<vmem>> -> memref<8x512xf32, #tpu.memory_space<vmem>>
        %swap3A_1813 = arith.index_cast %swap3A_1808 : i32 to index
        %swap3A_1814 = arith.constant 208 : index
        %swap3A_1815 = tpu.vector_load %swap3A_1812[%swap3A_1813, %swap3A_1814] {strides = array<i32>} : memref<8x512xf32, #tpu.memory_space<vmem>>, vector<16xf32>,
        tpu.vector_store %swap3A_1812[%swap3A_1813, %swap3A_1814], %gather3A_1807 {strides = array<i32>} : memref<8x512xf32, #tpu.memory_space<vmem>>, vector<16xf32>,
        %broadcast_in_dim3A_1816 = arith.constant 2 : i32
        %broadcast_in_dim3A_1817 = vector.broadcast %broadcast_in_dim3A_1816 : i32 to vector<16xi32>
        %gather3A_1818 = arith.constant 0 : i32
        %gather3A_1819 = arith.constant 0 : i32
        %gather3A_1820 = tpu.memref_slice %run_scoped3A[%rem3A_199, %gather3A_1818, %gather3A_1819] : memref<2x8x2048xf32, #tpu.memory_space<vmem>> -> memref<1x8x2048xf32, #tpu.memory_space<vmem>>
        %gather3A_1821 = tpu.memref_squeeze %gather3A_1820 : memref<1x8x2048xf32, #tpu.memory_space<vmem>> -> memref<8x2048xf32, #tpu.memory_space<vmem>>
        %gather3A_1822 = tpu.vector_load_idx %gather3A_1821[%broadcast_in_dim3A_1817, %get3A_1785] : memref<8x2048xf32, #tpu.memory_space<vmem>>[vector<16xi32>, vector<16xi32>], vector<16xf32>,
        %swap3A_1823 = arith.constant 2 : i32
        %swap3A_1824 = arith.constant 0 : i32
        %swap3A_1825 = arith.constant 0 : i32
        %swap3A_1826 = tpu.memref_slice %run_scoped3A_8[%rem3A_201, %swap3A_1824, %swap3A_1825] : memref<2x8x512xf32, #tpu.memory_space<vmem>> -> memref<1x8x512xf32, #tpu.memory_space<vmem>>
        %swap3A_1827 = tpu.memref_squeeze %swap3A_1826 : memref<1x8x512xf32, #tpu.memory_space<vmem>> -> memref<8x512xf32, #tpu.memory_space<vmem>>
        %swap3A_1828 = arith.index_cast %swap3A_1823 : i32 to index
        %swap3A_1829 = arith.constant 208 : index
        %swap3A_1830 = tpu.vector_load %swap3A_1827[%swap3A_1828, %swap3A_1829] {strides = array<i32>} : memref<8x512xf32, #tpu.memory_space<vmem>>, vector<16xf32>,
        tpu.vector_store %swap3A_1827[%swap3A_1828, %swap3A_1829], %gather3A_1822 {strides = array<i32>} : memref<8x512xf32, #tpu.memory_space<vmem>>, vector<16xf32>,
        %broadcast_in_dim3A_1831 = arith.constant 3 : i32
        %broadcast_in_dim3A_1832 = vector.broadcast %broadcast_in_dim3A_1831 : i32 to vector<16xi32>
        %gather3A_1833 = arith.constant 0 : i32
        %gather3A_1834 = arith.constant 0 : i32
        %gather3A_1835 = tpu.memref_slice %run_scoped3A[%rem3A_199, %gather3A_1833, %gather3A_1834] : memref<2x8x2048xf32, #tpu.memory_space<vmem>> -> memref<1x8x2048xf32, #tpu.memory_space<vmem>>
        %gather3A_1836 = tpu.memref_squeeze %gather3A_1835 : memref<1x8x2048xf32, #tpu.memory_space<vmem>> -> memref<8x2048xf32, #tpu.memory_space<vmem>>
        %gather3A_1837 = tpu.vector_load_idx %gather3A_1836[%broadcast_in_dim3A_1832, %get3A_1785] : memref<8x2048xf32, #tpu.memory_space<vmem>>[vector<16xi32>, vector<16xi32>], vector<16xf32>,
        %swap3A_1838 = arith.constant 3 : i32
        %swap3A_1839 = arith.constant 0 : i32
        %swap3A_1840 = arith.constant 0 : i32
        %swap3A_1841 = tpu.memref_slice %run_scoped3A_8[%rem3A_201, %swap3A_1839, %swap3A_1840] : memref<2x8x512xf32, #tpu.memory_space<vmem>> -> memref<1x8x512xf32, #tpu.memory_space<vmem>>
        %swap3A_1842 = tpu.memref_squeeze %swap3A_1841 : memref<1x8x512xf32, #tpu.memory_space<vmem>> -> memref<8x512xf32, #tpu.memory_space<vmem>>
        %swap3A_1843 = arith.index_cast %swap3A_1838 : i32 to index
        %swap3A_1844 = arith.constant 208 : index
        %swap3A_1845 = tpu.vector_load %swap3A_1842[%swap3A_1843, %swap3A_1844] {strides = array<i32>} : memref<8x512xf32, #tpu.memory_space<vmem>>, vector<16xf32>,
        tpu.vector_store %swap3A_1842[%swap3A_1843, %swap3A_1844], %gather3A_1837 {strides = array<i32>} : memref<8x512xf32, #tpu.memory_space<vmem>>, vector<16xf32>,
        %broadcast_in_dim3A_1846 = arith.constant 4 : i32
        %broadcast_in_dim3A_1847 = vector.broadcast %broadcast_in_dim3A_1846 : i32 to vector<16xi32>
        %gather3A_1848 = arith.constant 0 : i32
        %gather3A_1849 = arith.constant 0 : i32
        %gather3A_1850 = tpu.memref_slice %run_scoped3A[%rem3A_199, %gather3A_1848, %gather3A_1849] : memref<2x8x2048xf32, #tpu.memory_space<vmem>> -> memref<1x8x2048xf32, #tpu.memory_space<vmem>>
        %gather3A_1851 = tpu.memref_squeeze %gather3A_1850 : memref<1x8x2048xf32, #tpu.memory_space<vmem>> -> memref<8x2048xf32, #tpu.memory_space<vmem>>
        %gather3A_1852 = tpu.vector_load_idx %gather3A_1851[%broadcast_in_dim3A_1847, %get3A_1785] : memref<8x2048xf32, #tpu.memory_space<vmem>>[vector<16xi32>, vector<16xi32>], vector<16xf32>,
        %swap3A_1853 = arith.constant 4 : i32
        %swap3A_1854 = arith.constant 0 : i32
        %swap3A_1855 = arith.constant 0 : i32
        %swap3A_1856 = tpu.memref_slice %run_scoped3A_8[%rem3A_201, %swap3A_1854, %swap3A_1855] : memref<2x8x512xf32, #tpu.memory_space<vmem>> -> memref<1x8x512xf32, #tpu.memory_space<vmem>>
        %swap3A_1857 = tpu.memref_squeeze %swap3A_1856 : memref<1x8x512xf32, #tpu.memory_space<vmem>> -> memref<8x512xf32, #tpu.memory_space<vmem>>
        %swap3A_1858 = arith.index_cast %swap3A_1853 : i32 to index
        %swap3A_1859 = arith.constant 208 : index
        %swap3A_1860 = tpu.vector_load %swap3A_1857[%swap3A_1858, %swap3A_1859] {strides = array<i32>} : memref<8x512xf32, #tpu.memory_space<vmem>>, vector<16xf32>,
        tpu.vector_store %swap3A_1857[%swap3A_1858, %swap3A_1859], %gather3A_1852 {strides = array<i32>} : memref<8x512xf32, #tpu.memory_space<vmem>>, vector<16xf32>,
        %broadcast_in_dim3A_1861 = arith.constant 5 : i32
        %broadcast_in_dim3A_1862 = vector.broadcast %broadcast_in_dim3A_1861 : i32 to vector<16xi32>
        %gather3A_1863 = arith.constant 0 : i32
        %gather3A_1864 = arith.constant 0 : i32
        %gather3A_1865 = tpu.memref_slice %run_scoped3A[%rem3A_199, %gather3A_1863, %gather3A_1864] : memref<2x8x2048xf32, #tpu.memory_space<vmem>> -> memref<1x8x2048xf32, #tpu.memory_space<vmem>>
        %gather3A_1866 = tpu.memref_squeeze %gather3A_1865 : memref<1x8x2048xf32, #tpu.memory_space<vmem>> -> memref<8x2048xf32, #tpu.memory_space<vmem>>
        %gather3A_1867 = tpu.vector_load_idx %gather3A_1866[%broadcast_in_dim3A_1862, %get3A_1785] : memref<8x2048xf32, #tpu.memory_space<vmem>>[vector<16xi32>, vector<16xi32>], vector<16xf32>,
        %swap3A_1868 = arith.constant 5 : i32
        %swap3A_1869 = arith.constant 0 : i32
        %swap3A_1870 = arith.constant 0 : i32
        %swap3A_1871 = tpu.memref_slice %run_scoped3A_8[%rem3A_201, %swap3A_1869, %swap3A_1870] : memref<2x8x512xf32, #tpu.memory_space<vmem>> -> memref<1x8x512xf32, #tpu.memory_space<vmem>>
        %swap3A_1872 = tpu.memref_squeeze %swap3A_1871 : memref<1x8x512xf32, #tpu.memory_space<vmem>> -> memref<8x512xf32, #tpu.memory_space<vmem>>
        %swap3A_1873 = arith.index_cast %swap3A_1868 : i32 to index
        %swap3A_1874 = arith.constant 208 : index
        %swap3A_1875 = tpu.vector_load %swap3A_1872[%swap3A_1873, %swap3A_1874] {strides = array<i32>} : memref<8x512xf32, #tpu.memory_space<vmem>>, vector<16xf32>,
        tpu.vector_store %swap3A_1872[%swap3A_1873, %swap3A_1874], %gather3A_1867 {strides = array<i32>} : memref<8x512xf32, #tpu.memory_space<vmem>>, vector<16xf32>,
        %broadcast_in_dim3A_1876 = arith.constant 6 : i32
        %broadcast_in_dim3A_1877 = vector.broadcast %broadcast_in_dim3A_1876 : i32 to vector<16xi32>
        %gather3A_1878 = arith.constant 0 : i32
        %gather3A_1879 = arith.constant 0 : i32
        %gather3A_1880 = tpu.memref_slice %run_scoped3A[%rem3A_199, %gather3A_1878, %gather3A_1879] : memref<2x8x2048xf32, #tpu.memory_space<vmem>> -> memref<1x8x2048xf32, #tpu.memory_space<vmem>>
        %gather3A_1881 = tpu.memref_squeeze %gather3A_1880 : memref<1x8x2048xf32, #tpu.memory_space<vmem>> -> memref<8x2048xf32, #tpu.memory_space<vmem>>
        %gather3A_1882 = tpu.vector_load_idx %gather3A_1881[%broadcast_in_dim3A_1877, %get3A_1785] : memref<8x2048xf32, #tpu.memory_space<vmem>>[vector<16xi32>, vector<16xi32>], vector<16xf32>,
        %swap3A_1883 = arith.constant 6 : i32
        %swap3A_1884 = arith.constant 0 : i32
        %swap3A_1885 = arith.constant 0 : i32
        %swap3A_1886 = tpu.memref_slice %run_scoped3A_8[%rem3A_201, %swap3A_1884, %swap3A_1885] : memref<2x8x512xf32, #tpu.memory_space<vmem>> -> memref<1x8x512xf32, #tpu.memory_space<vmem>>
        %swap3A_1887 = tpu.memref_squeeze %swap3A_1886 : memref<1x8x512xf32, #tpu.memory_space<vmem>> -> memref<8x512xf32, #tpu.memory_space<vmem>>
        %swap3A_1888 = arith.index_cast %swap3A_1883 : i32 to index
        %swap3A_1889 = arith.constant 208 : index
        %swap3A_1890 = tpu.vector_load %swap3A_1887[%swap3A_1888, %swap3A_1889] {strides = array<i32>} : memref<8x512xf32, #tpu.memory_space<vmem>>, vector<16xf32>,
        tpu.vector_store %swap3A_1887[%swap3A_1888, %swap3A_1889], %gather3A_1882 {strides = array<i32>} : memref<8x512xf32, #tpu.memory_space<vmem>>, vector<16xf32>,
        %broadcast_in_dim3A_1891 = arith.constant 7 : i32
        %broadcast_in_dim3A_1892 = vector.broadcast %broadcast_in_dim3A_1891 : i32 to vector<16xi32>
        %gather3A_1893 = arith.constant 0 : i32
        %gather3A_1894 = arith.constant 0 : i32
        %gather3A_1895 = tpu.memref_slice %run_scoped3A[%rem3A_199, %gather3A_1893, %gather3A_1894] : memref<2x8x2048xf32, #tpu.memory_space<vmem>> -> memref<1x8x2048xf32, #tpu.memory_space<vmem>>
        %gather3A_1896 = tpu.memref_squeeze %gather3A_1895 : memref<1x8x2048xf32, #tpu.memory_space<vmem>> -> memref<8x2048xf32, #tpu.memory_space<vmem>>
        %gather3A_1897 = tpu.vector_load_idx %gather3A_1896[%broadcast_in_dim3A_1892, %get3A_1785] : memref<8x2048xf32, #tpu.memory_space<vmem>>[vector<16xi32>, vector<16xi32>], vector<16xf32>,
        %swap3A_1898 = arith.constant 7 : i32
        %swap3A_1899 = arith.constant 0 : i32
        %swap3A_1900 = arith.constant 0 : i32
        %swap3A_1901 = tpu.memref_slice %run_scoped3A_8[%rem3A_201, %swap3A_1899, %swap3A_1900] : memref<2x8x512xf32, #tpu.memory_space<vmem>> -> memref<1x8x512xf32, #tpu.memory_space<vmem>>
        %swap3A_1902 = tpu.memref_squeeze %swap3A_1901 : memref<1x8x512xf32, #tpu.memory_space<vmem>> -> memref<8x512xf32, #tpu.memory_space<vmem>>
        %swap3A_1903 = arith.index_cast %swap3A_1898 : i32 to index
        %swap3A_1904 = arith.constant 208 : index
        %swap3A_1905 = tpu.vector_load %swap3A_1902[%swap3A_1903, %swap3A_1904] {strides = array<i32>} : memref<8x512xf32, #tpu.memory_space<vmem>>, vector<16xf32>,
        tpu.vector_store %swap3A_1902[%swap3A_1903, %swap3A_1904], %gather3A_1897 {strides = array<i32>} : memref<8x512xf32, #tpu.memory_space<vmem>>, vector<16xf32>,
        %get3A_1906 = arith.constant 224 : index
        %get3A_1907 = tpu.vector_load %arg5[%get3A_1906] {strides = array<i32>} : memref<512xi32, #tpu.memory_space<vmem>>, vector<16xi32>,
        %broadcast_in_dim3A_1908 = arith.constant 0 : i32
        %broadcast_in_dim3A_1909 = vector.broadcast %broadcast_in_dim3A_1908 : i32 to vector<16xi32>
        %gather3A_1910 = arith.constant 0 : i32
        %gather3A_1911 = arith.constant 0 : i32
        %gather3A_1912 = tpu.memref_slice %run_scoped3A[%rem3A_199, %gather3A_1910, %gather3A_1911] : memref<2x8x2048xf32, #tpu.memory_space<vmem>> -> memref<1x8x2048xf32, #tpu.memory_space<vmem>>
        %gather3A_1913 = tpu.memref_squeeze %gather3A_1912 : memref<1x8x2048xf32, #tpu.memory_space<vmem>> -> memref<8x2048xf32, #tpu.memory_space<vmem>>
        %gather3A_1914 = tpu.vector_load_idx %gather3A_1913[%broadcast_in_dim3A_1909, %get3A_1907] : memref<8x2048xf32, #tpu.memory_space<vmem>>[vector<16xi32>, vector<16xi32>], vector<16xf32>,
        %swap3A_1915 = arith.constant 0 : i32
        %swap3A_1916 = arith.constant 0 : i32
        %swap3A_1917 = arith.constant 0 : i32
        %swap3A_1918 = tpu.memref_slice %run_scoped3A_8[%rem3A_201, %swap3A_1916, %swap3A_1917] : memref<2x8x512xf32, #tpu.memory_space<vmem>> -> memref<1x8x512xf32, #tpu.memory_space<vmem>>
        %swap3A_1919 = tpu.memref_squeeze %swap3A_1918 : memref<1x8x512xf32, #tpu.memory_space<vmem>> -> memref<8x512xf32, #tpu.memory_space<vmem>>
        %swap3A_1920 = arith.index_cast %swap3A_1915 : i32 to index
        %swap3A_1921 = arith.constant 224 : index
        %swap3A_1922 = tpu.vector_load %swap3A_1919[%swap3A_1920, %swap3A_1921] {strides = array<i32>} : memref<8x512xf32, #tpu.memory_space<vmem>>, vector<16xf32>,
        tpu.vector_store %swap3A_1919[%swap3A_1920, %swap3A_1921], %gather3A_1914 {strides = array<i32>} : memref<8x512xf32, #tpu.memory_space<vmem>>, vector<16xf32>,
        %broadcast_in_dim3A_1923 = arith.constant 1 : i32
        %broadcast_in_dim3A_1924 = vector.broadcast %broadcast_in_dim3A_1923 : i32 to vector<16xi32>
        %gather3A_1925 = arith.constant 0 : i32
        %gather3A_1926 = arith.constant 0 : i32
        %gather3A_1927 = tpu.memref_slice %run_scoped3A[%rem3A_199, %gather3A_1925, %gather3A_1926] : memref<2x8x2048xf32, #tpu.memory_space<vmem>> -> memref<1x8x2048xf32, #tpu.memory_space<vmem>>
        %gather3A_1928 = tpu.memref_squeeze %gather3A_1927 : memref<1x8x2048xf32, #tpu.memory_space<vmem>> -> memref<8x2048xf32, #tpu.memory_space<vmem>>
        %gather3A_1929 = tpu.vector_load_idx %gather3A_1928[%broadcast_in_dim3A_1924, %get3A_1907] : memref<8x2048xf32, #tpu.memory_space<vmem>>[vector<16xi32>, vector<16xi32>], vector<16xf32>,
        %swap3A_1930 = arith.constant 1 : i32
        %swap3A_1931 = arith.constant 0 : i32
        %swap3A_1932 = arith.constant 0 : i32
        %swap3A_1933 = tpu.memref_slice %run_scoped3A_8[%rem3A_201, %swap3A_1931, %swap3A_1932] : memref<2x8x512xf32, #tpu.memory_space<vmem>> -> memref<1x8x512xf32, #tpu.memory_space<vmem>>
        %swap3A_1934 = tpu.memref_squeeze %swap3A_1933 : memref<1x8x512xf32, #tpu.memory_space<vmem>> -> memref<8x512xf32, #tpu.memory_space<vmem>>
        %swap3A_1935 = arith.index_cast %swap3A_1930 : i32 to index
        %swap3A_1936 = arith.constant 224 : index
        %swap3A_1937 = tpu.vector_load %swap3A_1934[%swap3A_1935, %swap3A_1936] {strides = array<i32>} : memref<8x512xf32, #tpu.memory_space<vmem>>, vector<16xf32>,
        tpu.vector_store %swap3A_1934[%swap3A_1935, %swap3A_1936], %gather3A_1929 {strides = array<i32>} : memref<8x512xf32, #tpu.memory_space<vmem>>, vector<16xf32>,
        %broadcast_in_dim3A_1938 = arith.constant 2 : i32
        %broadcast_in_dim3A_1939 = vector.broadcast %broadcast_in_dim3A_1938 : i32 to vector<16xi32>
        %gather3A_1940 = arith.constant 0 : i32
        %gather3A_1941 = arith.constant 0 : i32
        %gather3A_1942 = tpu.memref_slice %run_scoped3A[%rem3A_199, %gather3A_1940, %gather3A_1941] : memref<2x8x2048xf32, #tpu.memory_space<vmem>> -> memref<1x8x2048xf32, #tpu.memory_space<vmem>>
        %gather3A_1943 = tpu.memref_squeeze %gather3A_1942 : memref<1x8x2048xf32, #tpu.memory_space<vmem>> -> memref<8x2048xf32, #tpu.memory_space<vmem>>
        %gather3A_1944 = tpu.vector_load_idx %gather3A_1943[%broadcast_in_dim3A_1939, %get3A_1907] : memref<8x2048xf32, #tpu.memory_space<vmem>>[vector<16xi32>, vector<16xi32>], vector<16xf32>,
        %swap3A_1945 = arith.constant 2 : i32
        %swap3A_1946 = arith.constant 0 : i32
        %swap3A_1947 = arith.constant 0 : i32
        %swap3A_1948 = tpu.memref_slice %run_scoped3A_8[%rem3A_201, %swap3A_1946, %swap3A_1947] : memref<2x8x512xf32, #tpu.memory_space<vmem>> -> memref<1x8x512xf32, #tpu.memory_space<vmem>>
        %swap3A_1949 = tpu.memref_squeeze %swap3A_1948 : memref<1x8x512xf32, #tpu.memory_space<vmem>> -> memref<8x512xf32, #tpu.memory_space<vmem>>
        %swap3A_1950 = arith.index_cast %swap3A_1945 : i32 to index
        %swap3A_1951 = arith.constant 224 : index
        %swap3A_1952 = tpu.vector_load %swap3A_1949[%swap3A_1950, %swap3A_1951] {strides = array<i32>} : memref<8x512xf32, #tpu.memory_space<vmem>>, vector<16xf32>,
        tpu.vector_store %swap3A_1949[%swap3A_1950, %swap3A_1951], %gather3A_1944 {strides = array<i32>} : memref<8x512xf32, #tpu.memory_space<vmem>>, vector<16xf32>,
        %broadcast_in_dim3A_1953 = arith.constant 3 : i32
        %broadcast_in_dim3A_1954 = vector.broadcast %broadcast_in_dim3A_1953 : i32 to vector<16xi32>
        %gather3A_1955 = arith.constant 0 : i32
        %gather3A_1956 = arith.constant 0 : i32
        %gather3A_1957 = tpu.memref_slice %run_scoped3A[%rem3A_199, %gather3A_1955, %gather3A_1956] : memref<2x8x2048xf32, #tpu.memory_space<vmem>> -> memref<1x8x2048xf32, #tpu.memory_space<vmem>>
        %gather3A_1958 = tpu.memref_squeeze %gather3A_1957 : memref<1x8x2048xf32, #tpu.memory_space<vmem>> -> memref<8x2048xf32, #tpu.memory_space<vmem>>
        %gather3A_1959 = tpu.vector_load_idx %gather3A_1958[%broadcast_in_dim3A_1954, %get3A_1907] : memref<8x2048xf32, #tpu.memory_space<vmem>>[vector<16xi32>, vector<16xi32>], vector<16xf32>,
        %swap3A_1960 = arith.constant 3 : i32
        %swap3A_1961 = arith.constant 0 : i32
        %swap3A_1962 = arith.constant 0 : i32
        %swap3A_1963 = tpu.memref_slice %run_scoped3A_8[%rem3A_201, %swap3A_1961, %swap3A_1962] : memref<2x8x512xf32, #tpu.memory_space<vmem>> -> memref<1x8x512xf32, #tpu.memory_space<vmem>>
        %swap3A_1964 = tpu.memref_squeeze %swap3A_1963 : memref<1x8x512xf32, #tpu.memory_space<vmem>> -> memref<8x512xf32, #tpu.memory_space<vmem>>
        %swap3A_1965 = arith.index_cast %swap3A_1960 : i32 to index
        %swap3A_1966 = arith.constant 224 : index
        %swap3A_1967 = tpu.vector_load %swap3A_1964[%swap3A_1965, %swap3A_1966] {strides = array<i32>} : memref<8x512xf32, #tpu.memory_space<vmem>>, vector<16xf32>,
        tpu.vector_store %swap3A_1964[%swap3A_1965, %swap3A_1966], %gather3A_1959 {strides = array<i32>} : memref<8x512xf32, #tpu.memory_space<vmem>>, vector<16xf32>,
        %broadcast_in_dim3A_1968 = arith.constant 4 : i32
        %broadcast_in_dim3A_1969 = vector.broadcast %broadcast_in_dim3A_1968 : i32 to vector<16xi32>
        %gather3A_1970 = arith.constant 0 : i32
        %gather3A_1971 = arith.constant 0 : i32
        %gather3A_1972 = tpu.memref_slice %run_scoped3A[%rem3A_199, %gather3A_1970, %gather3A_1971] : memref<2x8x2048xf32, #tpu.memory_space<vmem>> -> memref<1x8x2048xf32, #tpu.memory_space<vmem>>
        %gather3A_1973 = tpu.memref_squeeze %gather3A_1972 : memref<1x8x2048xf32, #tpu.memory_space<vmem>> -> memref<8x2048xf32, #tpu.memory_space<vmem>>
        %gather3A_1974 = tpu.vector_load_idx %gather3A_1973[%broadcast_in_dim3A_1969, %get3A_1907] : memref<8x2048xf32, #tpu.memory_space<vmem>>[vector<16xi32>, vector<16xi32>], vector<16xf32>,
        %swap3A_1975 = arith.constant 4 : i32
        %swap3A_1976 = arith.constant 0 : i32
        %swap3A_1977 = arith.constant 0 : i32
        %swap3A_1978 = tpu.memref_slice %run_scoped3A_8[%rem3A_201, %swap3A_1976, %swap3A_1977] : memref<2x8x512xf32, #tpu.memory_space<vmem>> -> memref<1x8x512xf32, #tpu.memory_space<vmem>>
        %swap3A_1979 = tpu.memref_squeeze %swap3A_1978 : memref<1x8x512xf32, #tpu.memory_space<vmem>> -> memref<8x512xf32, #tpu.memory_space<vmem>>
        %swap3A_1980 = arith.index_cast %swap3A_1975 : i32 to index
        %swap3A_1981 = arith.constant 224 : index
        %swap3A_1982 = tpu.vector_load %swap3A_1979[%swap3A_1980, %swap3A_1981] {strides = array<i32>} : memref<8x512xf32, #tpu.memory_space<vmem>>, vector<16xf32>,
        tpu.vector_store %swap3A_1979[%swap3A_1980, %swap3A_1981], %gather3A_1974 {strides = array<i32>} : memref<8x512xf32, #tpu.memory_space<vmem>>, vector<16xf32>,
        %broadcast_in_dim3A_1983 = arith.constant 5 : i32
        %broadcast_in_dim3A_1984 = vector.broadcast %broadcast_in_dim3A_1983 : i32 to vector<16xi32>
        %gather3A_1985 = arith.constant 0 : i32
        %gather3A_1986 = arith.constant 0 : i32
        %gather3A_1987 = tpu.memref_slice %run_scoped3A[%rem3A_199, %gather3A_1985, %gather3A_1986] : memref<2x8x2048xf32, #tpu.memory_space<vmem>> -> memref<1x8x2048xf32, #tpu.memory_space<vmem>>
        %gather3A_1988 = tpu.memref_squeeze %gather3A_1987 : memref<1x8x2048xf32, #tpu.memory_space<vmem>> -> memref<8x2048xf32, #tpu.memory_space<vmem>>
        %gather3A_1989 = tpu.vector_load_idx %gather3A_1988[%broadcast_in_dim3A_1984, %get3A_1907] : memref<8x2048xf32, #tpu.memory_space<vmem>>[vector<16xi32>, vector<16xi32>], vector<16xf32>,
        %swap3A_1990 = arith.constant 5 : i32
        %swap3A_1991 = arith.constant 0 : i32
        %swap3A_1992 = arith.constant 0 : i32
        %swap3A_1993 = tpu.memref_slice %run_scoped3A_8[%rem3A_201, %swap3A_1991, %swap3A_1992] : memref<2x8x512xf32, #tpu.memory_space<vmem>> -> memref<1x8x512xf32, #tpu.memory_space<vmem>>
        %swap3A_1994 = tpu.memref_squeeze %swap3A_1993 : memref<1x8x512xf32, #tpu.memory_space<vmem>> -> memref<8x512xf32, #tpu.memory_space<vmem>>
        %swap3A_1995 = arith.index_cast %swap3A_1990 : i32 to index
        %swap3A_1996 = arith.constant 224 : index
        %swap3A_1997 = tpu.vector_load %swap3A_1994[%swap3A_1995, %swap3A_1996] {strides = array<i32>} : memref<8x512xf32, #tpu.memory_space<vmem>>, vector<16xf32>,
        tpu.vector_store %swap3A_1994[%swap3A_1995, %swap3A_1996], %gather3A_1989 {strides = array<i32>} : memref<8x512xf32, #tpu.memory_space<vmem>>, vector<16xf32>,
        %broadcast_in_dim3A_1998 = arith.constant 6 : i32
        %broadcast_in_dim3A_1999 = vector.broadcast %broadcast_in_dim3A_1998 : i32 to vector<16xi32>
        %gather3A_2000 = arith.constant 0 : i32
        %gather3A_2001 = arith.constant 0 : i32
        %gather3A_2002 = tpu.memref_slice %run_scoped3A[%rem3A_199, %gather3A_2000, %gather3A_2001] : memref<2x8x2048xf32, #tpu.memory_space<vmem>> -> memref<1x8x2048xf32, #tpu.memory_space<vmem>>
        %gather3A_2003 = tpu.memref_squeeze %gather3A_2002 : memref<1x8x2048xf32, #tpu.memory_space<vmem>> -> memref<8x2048xf32, #tpu.memory_space<vmem>>
        %gather3A_2004 = tpu.vector_load_idx %gather3A_2003[%broadcast_in_dim3A_1999, %get3A_1907] : memref<8x2048xf32, #tpu.memory_space<vmem>>[vector<16xi32>, vector<16xi32>], vector<16xf32>,
        %swap3A_2005 = arith.constant 6 : i32
        %swap3A_2006 = arith.constant 0 : i32
        %swap3A_2007 = arith.constant 0 : i32
        %swap3A_2008 = tpu.memref_slice %run_scoped3A_8[%rem3A_201, %swap3A_2006, %swap3A_2007] : memref<2x8x512xf32, #tpu.memory_space<vmem>> -> memref<1x8x512xf32, #tpu.memory_space<vmem>>
        %swap3A_2009 = tpu.memref_squeeze %swap3A_2008 : memref<1x8x512xf32, #tpu.memory_space<vmem>> -> memref<8x512xf32, #tpu.memory_space<vmem>>
        %swap3A_2010 = arith.index_cast %swap3A_2005 : i32 to index
        %swap3A_2011 = arith.constant 224 : index
        %swap3A_2012 = tpu.vector_load %swap3A_2009[%swap3A_2010, %swap3A_2011] {strides = array<i32>} : memref<8x512xf32, #tpu.memory_space<vmem>>, vector<16xf32>,
        tpu.vector_store %swap3A_2009[%swap3A_2010, %swap3A_2011], %gather3A_2004 {strides = array<i32>} : memref<8x512xf32, #tpu.memory_space<vmem>>, vector<16xf32>,
        %broadcast_in_dim3A_2013 = arith.constant 7 : i32
        %broadcast_in_dim3A_2014 = vector.broadcast %broadcast_in_dim3A_2013 : i32 to vector<16xi32>
        %gather3A_2015 = arith.constant 0 : i32
        %gather3A_2016 = arith.constant 0 : i32
        %gather3A_2017 = tpu.memref_slice %run_scoped3A[%rem3A_199, %gather3A_2015, %gather3A_2016] : memref<2x8x2048xf32, #tpu.memory_space<vmem>> -> memref<1x8x2048xf32, #tpu.memory_space<vmem>>
        %gather3A_2018 = tpu.memref_squeeze %gather3A_2017 : memref<1x8x2048xf32, #tpu.memory_space<vmem>> -> memref<8x2048xf32, #tpu.memory_space<vmem>>
        %gather3A_2019 = tpu.vector_load_idx %gather3A_2018[%broadcast_in_dim3A_2014, %get3A_1907] : memref<8x2048xf32, #tpu.memory_space<vmem>>[vector<16xi32>, vector<16xi32>], vector<16xf32>,
        %swap3A_2020 = arith.constant 7 : i32
        %swap3A_2021 = arith.constant 0 : i32
        %swap3A_2022 = arith.constant 0 : i32
        %swap3A_2023 = tpu.memref_slice %run_scoped3A_8[%rem3A_201, %swap3A_2021, %swap3A_2022] : memref<2x8x512xf32, #tpu.memory_space<vmem>> -> memref<1x8x512xf32, #tpu.memory_space<vmem>>
        %swap3A_2024 = tpu.memref_squeeze %swap3A_2023 : memref<1x8x512xf32, #tpu.memory_space<vmem>> -> memref<8x512xf32, #tpu.memory_space<vmem>>
        %swap3A_2025 = arith.index_cast %swap3A_2020 : i32 to index
        %swap3A_2026 = arith.constant 224 : index
        %swap3A_2027 = tpu.vector_load %swap3A_2024[%swap3A_2025, %swap3A_2026] {strides = array<i32>} : memref<8x512xf32, #tpu.memory_space<vmem>>, vector<16xf32>,
        tpu.vector_store %swap3A_2024[%swap3A_2025, %swap3A_2026], %gather3A_2019 {strides = array<i32>} : memref<8x512xf32, #tpu.memory_space<vmem>>, vector<16xf32>,
        %get3A_2028 = arith.constant 240 : index
        %get3A_2029 = tpu.vector_load %arg5[%get3A_2028] {strides = array<i32>} : memref<512xi32, #tpu.memory_space<vmem>>, vector<16xi32>,
        %broadcast_in_dim3A_2030 = arith.constant 0 : i32
        %broadcast_in_dim3A_2031 = vector.broadcast %broadcast_in_dim3A_2030 : i32 to vector<16xi32>
        %gather3A_2032 = arith.constant 0 : i32
        %gather3A_2033 = arith.constant 0 : i32
        %gather3A_2034 = tpu.memref_slice %run_scoped3A[%rem3A_199, %gather3A_2032, %gather3A_2033] : memref<2x8x2048xf32, #tpu.memory_space<vmem>> -> memref<1x8x2048xf32, #tpu.memory_space<vmem>>
        %gather3A_2035 = tpu.memref_squeeze %gather3A_2034 : memref<1x8x2048xf32, #tpu.memory_space<vmem>> -> memref<8x2048xf32, #tpu.memory_space<vmem>>
        %gather3A_2036 = tpu.vector_load_idx %gather3A_2035[%broadcast_in_dim3A_2031, %get3A_2029] : memref<8x2048xf32, #tpu.memory_space<vmem>>[vector<16xi32>, vector<16xi32>], vector<16xf32>,
        %swap3A_2037 = arith.constant 0 : i32
        %swap3A_2038 = arith.constant 0 : i32
        %swap3A_2039 = arith.constant 0 : i32
        %swap3A_2040 = tpu.memref_slice %run_scoped3A_8[%rem3A_201, %swap3A_2038, %swap3A_2039] : memref<2x8x512xf32, #tpu.memory_space<vmem>> -> memref<1x8x512xf32, #tpu.memory_space<vmem>>
        %swap3A_2041 = tpu.memref_squeeze %swap3A_2040 : memref<1x8x512xf32, #tpu.memory_space<vmem>> -> memref<8x512xf32, #tpu.memory_space<vmem>>
        %swap3A_2042 = arith.index_cast %swap3A_2037 : i32 to index
        %swap3A_2043 = arith.constant 240 : index
        %swap3A_2044 = tpu.vector_load %swap3A_2041[%swap3A_2042, %swap3A_2043] {strides = array<i32>} : memref<8x512xf32, #tpu.memory_space<vmem>>, vector<16xf32>,
        tpu.vector_store %swap3A_2041[%swap3A_2042, %swap3A_2043], %gather3A_2036 {strides = array<i32>} : memref<8x512xf32, #tpu.memory_space<vmem>>, vector<16xf32>,
        %broadcast_in_dim3A_2045 = arith.constant 1 : i32
        %broadcast_in_dim3A_2046 = vector.broadcast %broadcast_in_dim3A_2045 : i32 to vector<16xi32>
        %gather3A_2047 = arith.constant 0 : i32
        %gather3A_2048 = arith.constant 0 : i32
        %gather3A_2049 = tpu.memref_slice %run_scoped3A[%rem3A_199, %gather3A_2047, %gather3A_2048] : memref<2x8x2048xf32, #tpu.memory_space<vmem>> -> memref<1x8x2048xf32, #tpu.memory_space<vmem>>
        %gather3A_2050 = tpu.memref_squeeze %gather3A_2049 : memref<1x8x2048xf32, #tpu.memory_space<vmem>> -> memref<8x2048xf32, #tpu.memory_space<vmem>>
        %gather3A_2051 = tpu.vector_load_idx %gather3A_2050[%broadcast_in_dim3A_2046, %get3A_2029] : memref<8x2048xf32, #tpu.memory_space<vmem>>[vector<16xi32>, vector<16xi32>], vector<16xf32>,
        %swap3A_2052 = arith.constant 1 : i32
        %swap3A_2053 = arith.constant 0 : i32
        %swap3A_2054 = arith.constant 0 : i32
        %swap3A_2055 = tpu.memref_slice %run_scoped3A_8[%rem3A_201, %swap3A_2053, %swap3A_2054] : memref<2x8x512xf32, #tpu.memory_space<vmem>> -> memref<1x8x512xf32, #tpu.memory_space<vmem>>
        %swap3A_2056 = tpu.memref_squeeze %swap3A_2055 : memref<1x8x512xf32, #tpu.memory_space<vmem>> -> memref<8x512xf32, #tpu.memory_space<vmem>>
        %swap3A_2057 = arith.index_cast %swap3A_2052 : i32 to index
        %swap3A_2058 = arith.constant 240 : index
        %swap3A_2059 = tpu.vector_load %swap3A_2056[%swap3A_2057, %swap3A_2058] {strides = array<i32>} : memref<8x512xf32, #tpu.memory_space<vmem>>, vector<16xf32>,
        tpu.vector_store %swap3A_2056[%swap3A_2057, %swap3A_2058], %gather3A_2051 {strides = array<i32>} : memref<8x512xf32, #tpu.memory_space<vmem>>, vector<16xf32>,
        %broadcast_in_dim3A_2060 = arith.constant 2 : i32
        %broadcast_in_dim3A_2061 = vector.broadcast %broadcast_in_dim3A_2060 : i32 to vector<16xi32>
        %gather3A_2062 = arith.constant 0 : i32
        %gather3A_2063 = arith.constant 0 : i32
        %gather3A_2064 = tpu.memref_slice %run_scoped3A[%rem3A_199, %gather3A_2062, %gather3A_2063] : memref<2x8x2048xf32, #tpu.memory_space<vmem>> -> memref<1x8x2048xf32, #tpu.memory_space<vmem>>
        %gather3A_2065 = tpu.memref_squeeze %gather3A_2064 : memref<1x8x2048xf32, #tpu.memory_space<vmem>> -> memref<8x2048xf32, #tpu.memory_space<vmem>>
        %gather3A_2066 = tpu.vector_load_idx %gather3A_2065[%broadcast_in_dim3A_2061, %get3A_2029] : memref<8x2048xf32, #tpu.memory_space<vmem>>[vector<16xi32>, vector<16xi32>], vector<16xf32>,
        %swap3A_2067 = arith.constant 2 : i32
        %swap3A_2068 = arith.constant 0 : i32
        %swap3A_2069 = arith.constant 0 : i32
        %swap3A_2070 = tpu.memref_slice %run_scoped3A_8[%rem3A_201, %swap3A_2068, %swap3A_2069] : memref<2x8x512xf32, #tpu.memory_space<vmem>> -> memref<1x8x512xf32, #tpu.memory_space<vmem>>
        %swap3A_2071 = tpu.memref_squeeze %swap3A_2070 : memref<1x8x512xf32, #tpu.memory_space<vmem>> -> memref<8x512xf32, #tpu.memory_space<vmem>>
        %swap3A_2072 = arith.index_cast %swap3A_2067 : i32 to index
        %swap3A_2073 = arith.constant 240 : index
        %swap3A_2074 = tpu.vector_load %swap3A_2071[%swap3A_2072, %swap3A_2073] {strides = array<i32>} : memref<8x512xf32, #tpu.memory_space<vmem>>, vector<16xf32>,
        tpu.vector_store %swap3A_2071[%swap3A_2072, %swap3A_2073], %gather3A_2066 {strides = array<i32>} : memref<8x512xf32, #tpu.memory_space<vmem>>, vector<16xf32>,
        %broadcast_in_dim3A_2075 = arith.constant 3 : i32
        %broadcast_in_dim3A_2076 = vector.broadcast %broadcast_in_dim3A_2075 : i32 to vector<16xi32>
        %gather3A_2077 = arith.constant 0 : i32
        %gather3A_2078 = arith.constant 0 : i32
        %gather3A_2079 = tpu.memref_slice %run_scoped3A[%rem3A_199, %gather3A_2077, %gather3A_2078] : memref<2x8x2048xf32, #tpu.memory_space<vmem>> -> memref<1x8x2048xf32, #tpu.memory_space<vmem>>
        %gather3A_2080 = tpu.memref_squeeze %gather3A_2079 : memref<1x8x2048xf32, #tpu.memory_space<vmem>> -> memref<8x2048xf32, #tpu.memory_space<vmem>>
        %gather3A_2081 = tpu.vector_load_idx %gather3A_2080[%broadcast_in_dim3A_2076, %get3A_2029] : memref<8x2048xf32, #tpu.memory_space<vmem>>[vector<16xi32>, vector<16xi32>], vector<16xf32>,
        %swap3A_2082 = arith.constant 3 : i32
        %swap3A_2083 = arith.constant 0 : i32
        %swap3A_2084 = arith.constant 0 : i32
        %swap3A_2085 = tpu.memref_slice %run_scoped3A_8[%rem3A_201, %swap3A_2083, %swap3A_2084] : memref<2x8x512xf32, #tpu.memory_space<vmem>> -> memref<1x8x512xf32, #tpu.memory_space<vmem>>
        %swap3A_2086 = tpu.memref_squeeze %swap3A_2085 : memref<1x8x512xf32, #tpu.memory_space<vmem>> -> memref<8x512xf32, #tpu.memory_space<vmem>>
        %swap3A_2087 = arith.index_cast %swap3A_2082 : i32 to index
        %swap3A_2088 = arith.constant 240 : index
        %swap3A_2089 = tpu.vector_load %swap3A_2086[%swap3A_2087, %swap3A_2088] {strides = array<i32>} : memref<8x512xf32, #tpu.memory_space<vmem>>, vector<16xf32>,
        tpu.vector_store %swap3A_2086[%swap3A_2087, %swap3A_2088], %gather3A_2081 {strides = array<i32>} : memref<8x512xf32, #tpu.memory_space<vmem>>, vector<16xf32>,
        %broadcast_in_dim3A_2090 = arith.constant 4 : i32
        %broadcast_in_dim3A_2091 = vector.broadcast %broadcast_in_dim3A_2090 : i32 to vector<16xi32>
        %gather3A_2092 = arith.constant 0 : i32
        %gather3A_2093 = arith.constant 0 : i32
        %gather3A_2094 = tpu.memref_slice %run_scoped3A[%rem3A_199, %gather3A_2092, %gather3A_2093] : memref<2x8x2048xf32, #tpu.memory_space<vmem>> -> memref<1x8x2048xf32, #tpu.memory_space<vmem>>
        %gather3A_2095 = tpu.memref_squeeze %gather3A_2094 : memref<1x8x2048xf32, #tpu.memory_space<vmem>> -> memref<8x2048xf32, #tpu.memory_space<vmem>>
        %gather3A_2096 = tpu.vector_load_idx %gather3A_2095[%broadcast_in_dim3A_2091, %get3A_2029] : memref<8x2048xf32, #tpu.memory_space<vmem>>[vector<16xi32>, vector<16xi32>], vector<16xf32>,
        %swap3A_2097 = arith.constant 4 : i32
        %swap3A_2098 = arith.constant 0 : i32
        %swap3A_2099 = arith.constant 0 : i32
        %swap3A_2100 = tpu.memref_slice %run_scoped3A_8[%rem3A_201, %swap3A_2098, %swap3A_2099] : memref<2x8x512xf32, #tpu.memory_space<vmem>> -> memref<1x8x512xf32, #tpu.memory_space<vmem>>
        %swap3A_2101 = tpu.memref_squeeze %swap3A_2100 : memref<1x8x512xf32, #tpu.memory_space<vmem>> -> memref<8x512xf32, #tpu.memory_space<vmem>>
        %swap3A_2102 = arith.index_cast %swap3A_2097 : i32 to index
        %swap3A_2103 = arith.constant 240 : index
        %swap3A_2104 = tpu.vector_load %swap3A_2101[%swap3A_2102, %swap3A_2103] {strides = array<i32>} : memref<8x512xf32, #tpu.memory_space<vmem>>, vector<16xf32>,
        tpu.vector_store %swap3A_2101[%swap3A_2102, %swap3A_2103], %gather3A_2096 {strides = array<i32>} : memref<8x512xf32, #tpu.memory_space<vmem>>, vector<16xf32>,
        %broadcast_in_dim3A_2105 = arith.constant 5 : i32
        %broadcast_in_dim3A_2106 = vector.broadcast %broadcast_in_dim3A_2105 : i32 to vector<16xi32>
        %gather3A_2107 = arith.constant 0 : i32
        %gather3A_2108 = arith.constant 0 : i32
        %gather3A_2109 = tpu.memref_slice %run_scoped3A[%rem3A_199, %gather3A_2107, %gather3A_2108] : memref<2x8x2048xf32, #tpu.memory_space<vmem>> -> memref<1x8x2048xf32, #tpu.memory_space<vmem>>
        %gather3A_2110 = tpu.memref_squeeze %gather3A_2109 : memref<1x8x2048xf32, #tpu.memory_space<vmem>> -> memref<8x2048xf32, #tpu.memory_space<vmem>>
        %gather3A_2111 = tpu.vector_load_idx %gather3A_2110[%broadcast_in_dim3A_2106, %get3A_2029] : memref<8x2048xf32, #tpu.memory_space<vmem>>[vector<16xi32>, vector<16xi32>], vector<16xf32>,
        %swap3A_2112 = arith.constant 5 : i32
        %swap3A_2113 = arith.constant 0 : i32
        %swap3A_2114 = arith.constant 0 : i32
        %swap3A_2115 = tpu.memref_slice %run_scoped3A_8[%rem3A_201, %swap3A_2113, %swap3A_2114] : memref<2x8x512xf32, #tpu.memory_space<vmem>> -> memref<1x8x512xf32, #tpu.memory_space<vmem>>
        %swap3A_2116 = tpu.memref_squeeze %swap3A_2115 : memref<1x8x512xf32, #tpu.memory_space<vmem>> -> memref<8x512xf32, #tpu.memory_space<vmem>>
        %swap3A_2117 = arith.index_cast %swap3A_2112 : i32 to index
        %swap3A_2118 = arith.constant 240 : index
        %swap3A_2119 = tpu.vector_load %swap3A_2116[%swap3A_2117, %swap3A_2118] {strides = array<i32>} : memref<8x512xf32, #tpu.memory_space<vmem>>, vector<16xf32>,
        tpu.vector_store %swap3A_2116[%swap3A_2117, %swap3A_2118], %gather3A_2111 {strides = array<i32>} : memref<8x512xf32, #tpu.memory_space<vmem>>, vector<16xf32>,
        %broadcast_in_dim3A_2120 = arith.constant 6 : i32
        %broadcast_in_dim3A_2121 = vector.broadcast %broadcast_in_dim3A_2120 : i32 to vector<16xi32>
        %gather3A_2122 = arith.constant 0 : i32
        %gather3A_2123 = arith.constant 0 : i32
        %gather3A_2124 = tpu.memref_slice %run_scoped3A[%rem3A_199, %gather3A_2122, %gather3A_2123] : memref<2x8x2048xf32, #tpu.memory_space<vmem>> -> memref<1x8x2048xf32, #tpu.memory_space<vmem>>
        %gather3A_2125 = tpu.memref_squeeze %gather3A_2124 : memref<1x8x2048xf32, #tpu.memory_space<vmem>> -> memref<8x2048xf32, #tpu.memory_space<vmem>>
        %gather3A_2126 = tpu.vector_load_idx %gather3A_2125[%broadcast_in_dim3A_2121, %get3A_2029] : memref<8x2048xf32, #tpu.memory_space<vmem>>[vector<16xi32>, vector<16xi32>], vector<16xf32>,
        %swap3A_2127 = arith.constant 6 : i32
        %swap3A_2128 = arith.constant 0 : i32
        %swap3A_2129 = arith.constant 0 : i32
        %swap3A_2130 = tpu.memref_slice %run_scoped3A_8[%rem3A_201, %swap3A_2128, %swap3A_2129] : memref<2x8x512xf32, #tpu.memory_space<vmem>> -> memref<1x8x512xf32, #tpu.memory_space<vmem>>
        %swap3A_2131 = tpu.memref_squeeze %swap3A_2130 : memref<1x8x512xf32, #tpu.memory_space<vmem>> -> memref<8x512xf32, #tpu.memory_space<vmem>>
        %swap3A_2132 = arith.index_cast %swap3A_2127 : i32 to index
        %swap3A_2133 = arith.constant 240 : index
        %swap3A_2134 = tpu.vector_load %swap3A_2131[%swap3A_2132, %swap3A_2133] {strides = array<i32>} : memref<8x512xf32, #tpu.memory_space<vmem>>, vector<16xf32>,
        tpu.vector_store %swap3A_2131[%swap3A_2132, %swap3A_2133], %gather3A_2126 {strides = array<i32>} : memref<8x512xf32, #tpu.memory_space<vmem>>, vector<16xf32>,
        %broadcast_in_dim3A_2135 = arith.constant 7 : i32
        %broadcast_in_dim3A_2136 = vector.broadcast %broadcast_in_dim3A_2135 : i32 to vector<16xi32>
        %gather3A_2137 = arith.constant 0 : i32
        %gather3A_2138 = arith.constant 0 : i32
        %gather3A_2139 = tpu.memref_slice %run_scoped3A[%rem3A_199, %gather3A_2137, %gather3A_2138] : memref<2x8x2048xf32, #tpu.memory_space<vmem>> -> memref<1x8x2048xf32, #tpu.memory_space<vmem>>
        %gather3A_2140 = tpu.memref_squeeze %gather3A_2139 : memref<1x8x2048xf32, #tpu.memory_space<vmem>> -> memref<8x2048xf32, #tpu.memory_space<vmem>>
        %gather3A_2141 = tpu.vector_load_idx %gather3A_2140[%broadcast_in_dim3A_2136, %get3A_2029] : memref<8x2048xf32, #tpu.memory_space<vmem>>[vector<16xi32>, vector<16xi32>], vector<16xf32>,
        %swap3A_2142 = arith.constant 7 : i32
        %swap3A_2143 = arith.constant 0 : i32
        %swap3A_2144 = arith.constant 0 : i32
        %swap3A_2145 = tpu.memref_slice %run_scoped3A_8[%rem3A_201, %swap3A_2143, %swap3A_2144] : memref<2x8x512xf32, #tpu.memory_space<vmem>> -> memref<1x8x512xf32, #tpu.memory_space<vmem>>
        %swap3A_2146 = tpu.memref_squeeze %swap3A_2145 : memref<1x8x512xf32, #tpu.memory_space<vmem>> -> memref<8x512xf32, #tpu.memory_space<vmem>>
        %swap3A_2147 = arith.index_cast %swap3A_2142 : i32 to index
        %swap3A_2148 = arith.constant 240 : index
        %swap3A_2149 = tpu.vector_load %swap3A_2146[%swap3A_2147, %swap3A_2148] {strides = array<i32>} : memref<8x512xf32, #tpu.memory_space<vmem>>, vector<16xf32>,
        tpu.vector_store %swap3A_2146[%swap3A_2147, %swap3A_2148], %gather3A_2141 {strides = array<i32>} : memref<8x512xf32, #tpu.memory_space<vmem>>, vector<16xf32>,
        %get3A_2150 = arith.constant 256 : index
        %get3A_2151 = tpu.vector_load %arg5[%get3A_2150] {strides = array<i32>} : memref<512xi32, #tpu.memory_space<vmem>>, vector<16xi32>,
        %broadcast_in_dim3A_2152 = arith.constant 0 : i32
        %broadcast_in_dim3A_2153 = vector.broadcast %broadcast_in_dim3A_2152 : i32 to vector<16xi32>
        %gather3A_2154 = arith.constant 0 : i32
        %gather3A_2155 = arith.constant 0 : i32
        %gather3A_2156 = tpu.memref_slice %run_scoped3A[%rem3A_199, %gather3A_2154, %gather3A_2155] : memref<2x8x2048xf32, #tpu.memory_space<vmem>> -> memref<1x8x2048xf32, #tpu.memory_space<vmem>>
        %gather3A_2157 = tpu.memref_squeeze %gather3A_2156 : memref<1x8x2048xf32, #tpu.memory_space<vmem>> -> memref<8x2048xf32, #tpu.memory_space<vmem>>
        %gather3A_2158 = tpu.vector_load_idx %gather3A_2157[%broadcast_in_dim3A_2153, %get3A_2151] : memref<8x2048xf32, #tpu.memory_space<vmem>>[vector<16xi32>, vector<16xi32>], vector<16xf32>,
        %swap3A_2159 = arith.constant 0 : i32
        %swap3A_2160 = arith.constant 0 : i32
        %swap3A_2161 = arith.constant 0 : i32
        %swap3A_2162 = tpu.memref_slice %run_scoped3A_8[%rem3A_201, %swap3A_2160, %swap3A_2161] : memref<2x8x512xf32, #tpu.memory_space<vmem>> -> memref<1x8x512xf32, #tpu.memory_space<vmem>>
        %swap3A_2163 = tpu.memref_squeeze %swap3A_2162 : memref<1x8x512xf32, #tpu.memory_space<vmem>> -> memref<8x512xf32, #tpu.memory_space<vmem>>
        %swap3A_2164 = arith.index_cast %swap3A_2159 : i32 to index
        %swap3A_2165 = arith.constant 256 : index
        %swap3A_2166 = tpu.vector_load %swap3A_2163[%swap3A_2164, %swap3A_2165] {strides = array<i32>} : memref<8x512xf32, #tpu.memory_space<vmem>>, vector<16xf32>,
        tpu.vector_store %swap3A_2163[%swap3A_2164, %swap3A_2165], %gather3A_2158 {strides = array<i32>} : memref<8x512xf32, #tpu.memory_space<vmem>>, vector<16xf32>,
        %broadcast_in_dim3A_2167 = arith.constant 1 : i32
        %broadcast_in_dim3A_2168 = vector.broadcast %broadcast_in_dim3A_2167 : i32 to vector<16xi32>
        %gather3A_2169 = arith.constant 0 : i32
        %gather3A_2170 = arith.constant 0 : i32
        %gather3A_2171 = tpu.memref_slice %run_scoped3A[%rem3A_199, %gather3A_2169, %gather3A_2170] : memref<2x8x2048xf32, #tpu.memory_space<vmem>> -> memref<1x8x2048xf32, #tpu.memory_space<vmem>>
        %gather3A_2172 = tpu.memref_squeeze %gather3A_2171 : memref<1x8x2048xf32, #tpu.memory_space<vmem>> -> memref<8x2048xf32, #tpu.memory_space<vmem>>
        %gather3A_2173 = tpu.vector_load_idx %gather3A_2172[%broadcast_in_dim3A_2168, %get3A_2151] : memref<8x2048xf32, #tpu.memory_space<vmem>>[vector<16xi32>, vector<16xi32>], vector<16xf32>,
        %swap3A_2174 = arith.constant 1 : i32
        %swap3A_2175 = arith.constant 0 : i32
        %swap3A_2176 = arith.constant 0 : i32
        %swap3A_2177 = tpu.memref_slice %run_scoped3A_8[%rem3A_201, %swap3A_2175, %swap3A_2176] : memref<2x8x512xf32, #tpu.memory_space<vmem>> -> memref<1x8x512xf32, #tpu.memory_space<vmem>>
        %swap3A_2178 = tpu.memref_squeeze %swap3A_2177 : memref<1x8x512xf32, #tpu.memory_space<vmem>> -> memref<8x512xf32, #tpu.memory_space<vmem>>
        %swap3A_2179 = arith.index_cast %swap3A_2174 : i32 to index
        %swap3A_2180 = arith.constant 256 : index
        %swap3A_2181 = tpu.vector_load %swap3A_2178[%swap3A_2179, %swap3A_2180] {strides = array<i32>} : memref<8x512xf32, #tpu.memory_space<vmem>>, vector<16xf32>,
        tpu.vector_store %swap3A_2178[%swap3A_2179, %swap3A_2180], %gather3A_2173 {strides = array<i32>} : memref<8x512xf32, #tpu.memory_space<vmem>>, vector<16xf32>,
        %broadcast_in_dim3A_2182 = arith.constant 2 : i32
        %broadcast_in_dim3A_2183 = vector.broadcast %broadcast_in_dim3A_2182 : i32 to vector<16xi32>
        %gather3A_2184 = arith.constant 0 : i32
        %gather3A_2185 = arith.constant 0 : i32
        %gather3A_2186 = tpu.memref_slice %run_scoped3A[%rem3A_199, %gather3A_2184, %gather3A_2185] : memref<2x8x2048xf32, #tpu.memory_space<vmem>> -> memref<1x8x2048xf32, #tpu.memory_space<vmem>>
        %gather3A_2187 = tpu.memref_squeeze %gather3A_2186 : memref<1x8x2048xf32, #tpu.memory_space<vmem>> -> memref<8x2048xf32, #tpu.memory_space<vmem>>
        %gather3A_2188 = tpu.vector_load_idx %gather3A_2187[%broadcast_in_dim3A_2183, %get3A_2151] : memref<8x2048xf32, #tpu.memory_space<vmem>>[vector<16xi32>, vector<16xi32>], vector<16xf32>,
        %swap3A_2189 = arith.constant 2 : i32
        %swap3A_2190 = arith.constant 0 : i32
        %swap3A_2191 = arith.constant 0 : i32
        %swap3A_2192 = tpu.memref_slice %run_scoped3A_8[%rem3A_201, %swap3A_2190, %swap3A_2191] : memref<2x8x512xf32, #tpu.memory_space<vmem>> -> memref<1x8x512xf32, #tpu.memory_space<vmem>>
        %swap3A_2193 = tpu.memref_squeeze %swap3A_2192 : memref<1x8x512xf32, #tpu.memory_space<vmem>> -> memref<8x512xf32, #tpu.memory_space<vmem>>
        %swap3A_2194 = arith.index_cast %swap3A_2189 : i32 to index
        %swap3A_2195 = arith.constant 256 : index
        %swap3A_2196 = tpu.vector_load %swap3A_2193[%swap3A_2194, %swap3A_2195] {strides = array<i32>} : memref<8x512xf32, #tpu.memory_space<vmem>>, vector<16xf32>,
        tpu.vector_store %swap3A_2193[%swap3A_2194, %swap3A_2195], %gather3A_2188 {strides = array<i32>} : memref<8x512xf32, #tpu.memory_space<vmem>>, vector<16xf32>,
        %broadcast_in_dim3A_2197 = arith.constant 3 : i32
        %broadcast_in_dim3A_2198 = vector.broadcast %broadcast_in_dim3A_2197 : i32 to vector<16xi32>
        %gather3A_2199 = arith.constant 0 : i32
        %gather3A_2200 = arith.constant 0 : i32
        %gather3A_2201 = tpu.memref_slice %run_scoped3A[%rem3A_199, %gather3A_2199, %gather3A_2200] : memref<2x8x2048xf32, #tpu.memory_space<vmem>> -> memref<1x8x2048xf32, #tpu.memory_space<vmem>>
        %gather3A_2202 = tpu.memref_squeeze %gather3A_2201 : memref<1x8x2048xf32, #tpu.memory_space<vmem>> -> memref<8x2048xf32, #tpu.memory_space<vmem>>
        %gather3A_2203 = tpu.vector_load_idx %gather3A_2202[%broadcast_in_dim3A_2198, %get3A_2151] : memref<8x2048xf32, #tpu.memory_space<vmem>>[vector<16xi32>, vector<16xi32>], vector<16xf32>,
        %swap3A_2204 = arith.constant 3 : i32
        %swap3A_2205 = arith.constant 0 : i32
        %swap3A_2206 = arith.constant 0 : i32
        %swap3A_2207 = tpu.memref_slice %run_scoped3A_8[%rem3A_201, %swap3A_2205, %swap3A_2206] : memref<2x8x512xf32, #tpu.memory_space<vmem>> -> memref<1x8x512xf32, #tpu.memory_space<vmem>>
        %swap3A_2208 = tpu.memref_squeeze %swap3A_2207 : memref<1x8x512xf32, #tpu.memory_space<vmem>> -> memref<8x512xf32, #tpu.memory_space<vmem>>
        %swap3A_2209 = arith.index_cast %swap3A_2204 : i32 to index
        %swap3A_2210 = arith.constant 256 : index
        %swap3A_2211 = tpu.vector_load %swap3A_2208[%swap3A_2209, %swap3A_2210] {strides = array<i32>} : memref<8x512xf32, #tpu.memory_space<vmem>>, vector<16xf32>,
        tpu.vector_store %swap3A_2208[%swap3A_2209, %swap3A_2210], %gather3A_2203 {strides = array<i32>} : memref<8x512xf32, #tpu.memory_space<vmem>>, vector<16xf32>,
        %broadcast_in_dim3A_2212 = arith.constant 4 : i32
        %broadcast_in_dim3A_2213 = vector.broadcast %broadcast_in_dim3A_2212 : i32 to vector<16xi32>
        %gather3A_2214 = arith.constant 0 : i32
        %gather3A_2215 = arith.constant 0 : i32
        %gather3A_2216 = tpu.memref_slice %run_scoped3A[%rem3A_199, %gather3A_2214, %gather3A_2215] : memref<2x8x2048xf32, #tpu.memory_space<vmem>> -> memref<1x8x2048xf32, #tpu.memory_space<vmem>>
        %gather3A_2217 = tpu.memref_squeeze %gather3A_2216 : memref<1x8x2048xf32, #tpu.memory_space<vmem>> -> memref<8x2048xf32, #tpu.memory_space<vmem>>
        %gather3A_2218 = tpu.vector_load_idx %gather3A_2217[%broadcast_in_dim3A_2213, %get3A_2151] : memref<8x2048xf32, #tpu.memory_space<vmem>>[vector<16xi32>, vector<16xi32>], vector<16xf32>,
        %swap3A_2219 = arith.constant 4 : i32
        %swap3A_2220 = arith.constant 0 : i32
        %swap3A_2221 = arith.constant 0 : i32
        %swap3A_2222 = tpu.memref_slice %run_scoped3A_8[%rem3A_201, %swap3A_2220, %swap3A_2221] : memref<2x8x512xf32, #tpu.memory_space<vmem>> -> memref<1x8x512xf32, #tpu.memory_space<vmem>>
        %swap3A_2223 = tpu.memref_squeeze %swap3A_2222 : memref<1x8x512xf32, #tpu.memory_space<vmem>> -> memref<8x512xf32, #tpu.memory_space<vmem>>
        %swap3A_2224 = arith.index_cast %swap3A_2219 : i32 to index
        %swap3A_2225 = arith.constant 256 : index
        %swap3A_2226 = tpu.vector_load %swap3A_2223[%swap3A_2224, %swap3A_2225] {strides = array<i32>} : memref<8x512xf32, #tpu.memory_space<vmem>>, vector<16xf32>,
        tpu.vector_store %swap3A_2223[%swap3A_2224, %swap3A_2225], %gather3A_2218 {strides = array<i32>} : memref<8x512xf32, #tpu.memory_space<vmem>>, vector<16xf32>,
        %broadcast_in_dim3A_2227 = arith.constant 5 : i32
        %broadcast_in_dim3A_2228 = vector.broadcast %broadcast_in_dim3A_2227 : i32 to vector<16xi32>
        %gather3A_2229 = arith.constant 0 : i32
        %gather3A_2230 = arith.constant 0 : i32
        %gather3A_2231 = tpu.memref_slice %run_scoped3A[%rem3A_199, %gather3A_2229, %gather3A_2230] : memref<2x8x2048xf32, #tpu.memory_space<vmem>> -> memref<1x8x2048xf32, #tpu.memory_space<vmem>>
        %gather3A_2232 = tpu.memref_squeeze %gather3A_2231 : memref<1x8x2048xf32, #tpu.memory_space<vmem>> -> memref<8x2048xf32, #tpu.memory_space<vmem>>
        %gather3A_2233 = tpu.vector_load_idx %gather3A_2232[%broadcast_in_dim3A_2228, %get3A_2151] : memref<8x2048xf32, #tpu.memory_space<vmem>>[vector<16xi32>, vector<16xi32>], vector<16xf32>,
        %swap3A_2234 = arith.constant 5 : i32
        %swap3A_2235 = arith.constant 0 : i32
        %swap3A_2236 = arith.constant 0 : i32
        %swap3A_2237 = tpu.memref_slice %run_scoped3A_8[%rem3A_201, %swap3A_2235, %swap3A_2236] : memref<2x8x512xf32, #tpu.memory_space<vmem>> -> memref<1x8x512xf32, #tpu.memory_space<vmem>>
        %swap3A_2238 = tpu.memref_squeeze %swap3A_2237 : memref<1x8x512xf32, #tpu.memory_space<vmem>> -> memref<8x512xf32, #tpu.memory_space<vmem>>
        %swap3A_2239 = arith.index_cast %swap3A_2234 : i32 to index
        %swap3A_2240 = arith.constant 256 : index
        %swap3A_2241 = tpu.vector_load %swap3A_2238[%swap3A_2239, %swap3A_2240] {strides = array<i32>} : memref<8x512xf32, #tpu.memory_space<vmem>>, vector<16xf32>,
        tpu.vector_store %swap3A_2238[%swap3A_2239, %swap3A_2240], %gather3A_2233 {strides = array<i32>} : memref<8x512xf32, #tpu.memory_space<vmem>>, vector<16xf32>,
        %broadcast_in_dim3A_2242 = arith.constant 6 : i32
        %broadcast_in_dim3A_2243 = vector.broadcast %broadcast_in_dim3A_2242 : i32 to vector<16xi32>
        %gather3A_2244 = arith.constant 0 : i32
        %gather3A_2245 = arith.constant 0 : i32
        %gather3A_2246 = tpu.memref_slice %run_scoped3A[%rem3A_199, %gather3A_2244, %gather3A_2245] : memref<2x8x2048xf32, #tpu.memory_space<vmem>> -> memref<1x8x2048xf32, #tpu.memory_space<vmem>>
        %gather3A_2247 = tpu.memref_squeeze %gather3A_2246 : memref<1x8x2048xf32, #tpu.memory_space<vmem>> -> memref<8x2048xf32, #tpu.memory_space<vmem>>
        %gather3A_2248 = tpu.vector_load_idx %gather3A_2247[%broadcast_in_dim3A_2243, %get3A_2151] : memref<8x2048xf32, #tpu.memory_space<vmem>>[vector<16xi32>, vector<16xi32>], vector<16xf32>,
        %swap3A_2249 = arith.constant 6 : i32
        %swap3A_2250 = arith.constant 0 : i32
        %swap3A_2251 = arith.constant 0 : i32
        %swap3A_2252 = tpu.memref_slice %run_scoped3A_8[%rem3A_201, %swap3A_2250, %swap3A_2251] : memref<2x8x512xf32, #tpu.memory_space<vmem>> -> memref<1x8x512xf32, #tpu.memory_space<vmem>>
        %swap3A_2253 = tpu.memref_squeeze %swap3A_2252 : memref<1x8x512xf32, #tpu.memory_space<vmem>> -> memref<8x512xf32, #tpu.memory_space<vmem>>
        %swap3A_2254 = arith.index_cast %swap3A_2249 : i32 to index
        %swap3A_2255 = arith.constant 256 : index
        %swap3A_2256 = tpu.vector_load %swap3A_2253[%swap3A_2254, %swap3A_2255] {strides = array<i32>} : memref<8x512xf32, #tpu.memory_space<vmem>>, vector<16xf32>,
        tpu.vector_store %swap3A_2253[%swap3A_2254, %swap3A_2255], %gather3A_2248 {strides = array<i32>} : memref<8x512xf32, #tpu.memory_space<vmem>>, vector<16xf32>,
        %broadcast_in_dim3A_2257 = arith.constant 7 : i32
        %broadcast_in_dim3A_2258 = vector.broadcast %broadcast_in_dim3A_2257 : i32 to vector<16xi32>
        %gather3A_2259 = arith.constant 0 : i32
        %gather3A_2260 = arith.constant 0 : i32
        %gather3A_2261 = tpu.memref_slice %run_scoped3A[%rem3A_199, %gather3A_2259, %gather3A_2260] : memref<2x8x2048xf32, #tpu.memory_space<vmem>> -> memref<1x8x2048xf32, #tpu.memory_space<vmem>>
        %gather3A_2262 = tpu.memref_squeeze %gather3A_2261 : memref<1x8x2048xf32, #tpu.memory_space<vmem>> -> memref<8x2048xf32, #tpu.memory_space<vmem>>
        %gather3A_2263 = tpu.vector_load_idx %gather3A_2262[%broadcast_in_dim3A_2258, %get3A_2151] : memref<8x2048xf32, #tpu.memory_space<vmem>>[vector<16xi32>, vector<16xi32>], vector<16xf32>,
        %swap3A_2264 = arith.constant 7 : i32
        %swap3A_2265 = arith.constant 0 : i32
        %swap3A_2266 = arith.constant 0 : i32
        %swap3A_2267 = tpu.memref_slice %run_scoped3A_8[%rem3A_201, %swap3A_2265, %swap3A_2266] : memref<2x8x512xf32, #tpu.memory_space<vmem>> -> memref<1x8x512xf32, #tpu.memory_space<vmem>>
        %swap3A_2268 = tpu.memref_squeeze %swap3A_2267 : memref<1x8x512xf32, #tpu.memory_space<vmem>> -> memref<8x512xf32, #tpu.memory_space<vmem>>
        %swap3A_2269 = arith.index_cast %swap3A_2264 : i32 to index
        %swap3A_2270 = arith.constant 256 : index
        %swap3A_2271 = tpu.vector_load %swap3A_2268[%swap3A_2269, %swap3A_2270] {strides = array<i32>} : memref<8x512xf32, #tpu.memory_space<vmem>>, vector<16xf32>,
        tpu.vector_store %swap3A_2268[%swap3A_2269, %swap3A_2270], %gather3A_2263 {strides = array<i32>} : memref<8x512xf32, #tpu.memory_space<vmem>>, vector<16xf32>,
        %get3A_2272 = arith.constant 272 : index
        %get3A_2273 = tpu.vector_load %arg5[%get3A_2272] {strides = array<i32>} : memref<512xi32, #tpu.memory_space<vmem>>, vector<16xi32>,
        %broadcast_in_dim3A_2274 = arith.constant 0 : i32
        %broadcast_in_dim3A_2275 = vector.broadcast %broadcast_in_dim3A_2274 : i32 to vector<16xi32>
        %gather3A_2276 = arith.constant 0 : i32
        %gather3A_2277 = arith.constant 0 : i32
        %gather3A_2278 = tpu.memref_slice %run_scoped3A[%rem3A_199, %gather3A_2276, %gather3A_2277] : memref<2x8x2048xf32, #tpu.memory_space<vmem>> -> memref<1x8x2048xf32, #tpu.memory_space<vmem>>
        %gather3A_2279 = tpu.memref_squeeze %gather3A_2278 : memref<1x8x2048xf32, #tpu.memory_space<vmem>> -> memref<8x2048xf32, #tpu.memory_space<vmem>>
        %gather3A_2280 = tpu.vector_load_idx %gather3A_2279[%broadcast_in_dim3A_2275, %get3A_2273] : memref<8x2048xf32, #tpu.memory_space<vmem>>[vector<16xi32>, vector<16xi32>], vector<16xf32>,
        %swap3A_2281 = arith.constant 0 : i32
        %swap3A_2282 = arith.constant 0 : i32
        %swap3A_2283 = arith.constant 0 : i32
        %swap3A_2284 = tpu.memref_slice %run_scoped3A_8[%rem3A_201, %swap3A_2282, %swap3A_2283] : memref<2x8x512xf32, #tpu.memory_space<vmem>> -> memref<1x8x512xf32, #tpu.memory_space<vmem>>
        %swap3A_2285 = tpu.memref_squeeze %swap3A_2284 : memref<1x8x512xf32, #tpu.memory_space<vmem>> -> memref<8x512xf32, #tpu.memory_space<vmem>>
        %swap3A_2286 = arith.index_cast %swap3A_2281 : i32 to index
        %swap3A_2287 = arith.constant 272 : index
        %swap3A_2288 = tpu.vector_load %swap3A_2285[%swap3A_2286, %swap3A_2287] {strides = array<i32>} : memref<8x512xf32, #tpu.memory_space<vmem>>, vector<16xf32>,
        tpu.vector_store %swap3A_2285[%swap3A_2286, %swap3A_2287], %gather3A_2280 {strides = array<i32>} : memref<8x512xf32, #tpu.memory_space<vmem>>, vector<16xf32>,
        %broadcast_in_dim3A_2289 = arith.constant 1 : i32
        %broadcast_in_dim3A_2290 = vector.broadcast %broadcast_in_dim3A_2289 : i32 to vector<16xi32>
        %gather3A_2291 = arith.constant 0 : i32
        %gather3A_2292 = arith.constant 0 : i32
        %gather3A_2293 = tpu.memref_slice %run_scoped3A[%rem3A_199, %gather3A_2291, %gather3A_2292] : memref<2x8x2048xf32, #tpu.memory_space<vmem>> -> memref<1x8x2048xf32, #tpu.memory_space<vmem>>
        %gather3A_2294 = tpu.memref_squeeze %gather3A_2293 : memref<1x8x2048xf32, #tpu.memory_space<vmem>> -> memref<8x2048xf32, #tpu.memory_space<vmem>>
        %gather3A_2295 = tpu.vector_load_idx %gather3A_2294[%broadcast_in_dim3A_2290, %get3A_2273] : memref<8x2048xf32, #tpu.memory_space<vmem>>[vector<16xi32>, vector<16xi32>], vector<16xf32>,
        %swap3A_2296 = arith.constant 1 : i32
        %swap3A_2297 = arith.constant 0 : i32
        %swap3A_2298 = arith.constant 0 : i32
        %swap3A_2299 = tpu.memref_slice %run_scoped3A_8[%rem3A_201, %swap3A_2297, %swap3A_2298] : memref<2x8x512xf32, #tpu.memory_space<vmem>> -> memref<1x8x512xf32, #tpu.memory_space<vmem>>
        %swap3A_2300 = tpu.memref_squeeze %swap3A_2299 : memref<1x8x512xf32, #tpu.memory_space<vmem>> -> memref<8x512xf32, #tpu.memory_space<vmem>>
        %swap3A_2301 = arith.index_cast %swap3A_2296 : i32 to index
        %swap3A_2302 = arith.constant 272 : index
        %swap3A_2303 = tpu.vector_load %swap3A_2300[%swap3A_2301, %swap3A_2302] {strides = array<i32>} : memref<8x512xf32, #tpu.memory_space<vmem>>, vector<16xf32>,
        tpu.vector_store %swap3A_2300[%swap3A_2301, %swap3A_2302], %gather3A_2295 {strides = array<i32>} : memref<8x512xf32, #tpu.memory_space<vmem>>, vector<16xf32>,
        %broadcast_in_dim3A_2304 = arith.constant 2 : i32
        %broadcast_in_dim3A_2305 = vector.broadcast %broadcast_in_dim3A_2304 : i32 to vector<16xi32>
        %gather3A_2306 = arith.constant 0 : i32
        %gather3A_2307 = arith.constant 0 : i32
        %gather3A_2308 = tpu.memref_slice %run_scoped3A[%rem3A_199, %gather3A_2306, %gather3A_2307] : memref<2x8x2048xf32, #tpu.memory_space<vmem>> -> memref<1x8x2048xf32, #tpu.memory_space<vmem>>
        %gather3A_2309 = tpu.memref_squeeze %gather3A_2308 : memref<1x8x2048xf32, #tpu.memory_space<vmem>> -> memref<8x2048xf32, #tpu.memory_space<vmem>>
        %gather3A_2310 = tpu.vector_load_idx %gather3A_2309[%broadcast_in_dim3A_2305, %get3A_2273] : memref<8x2048xf32, #tpu.memory_space<vmem>>[vector<16xi32>, vector<16xi32>], vector<16xf32>,
        %swap3A_2311 = arith.constant 2 : i32
        %swap3A_2312 = arith.constant 0 : i32
        %swap3A_2313 = arith.constant 0 : i32
        %swap3A_2314 = tpu.memref_slice %run_scoped3A_8[%rem3A_201, %swap3A_2312, %swap3A_2313] : memref<2x8x512xf32, #tpu.memory_space<vmem>> -> memref<1x8x512xf32, #tpu.memory_space<vmem>>
        %swap3A_2315 = tpu.memref_squeeze %swap3A_2314 : memref<1x8x512xf32, #tpu.memory_space<vmem>> -> memref<8x512xf32, #tpu.memory_space<vmem>>
        %swap3A_2316 = arith.index_cast %swap3A_2311 : i32 to index
        %swap3A_2317 = arith.constant 272 : index
        %swap3A_2318 = tpu.vector_load %swap3A_2315[%swap3A_2316, %swap3A_2317] {strides = array<i32>} : memref<8x512xf32, #tpu.memory_space<vmem>>, vector<16xf32>,
        tpu.vector_store %swap3A_2315[%swap3A_2316, %swap3A_2317], %gather3A_2310 {strides = array<i32>} : memref<8x512xf32, #tpu.memory_space<vmem>>, vector<16xf32>,
        %broadcast_in_dim3A_2319 = arith.constant 3 : i32
        %broadcast_in_dim3A_2320 = vector.broadcast %broadcast_in_dim3A_2319 : i32 to vector<16xi32>
        %gather3A_2321 = arith.constant 0 : i32
        %gather3A_2322 = arith.constant 0 : i32
        %gather3A_2323 = tpu.memref_slice %run_scoped3A[%rem3A_199, %gather3A_2321, %gather3A_2322] : memref<2x8x2048xf32, #tpu.memory_space<vmem>> -> memref<1x8x2048xf32, #tpu.memory_space<vmem>>
        %gather3A_2324 = tpu.memref_squeeze %gather3A_2323 : memref<1x8x2048xf32, #tpu.memory_space<vmem>> -> memref<8x2048xf32, #tpu.memory_space<vmem>>
        %gather3A_2325 = tpu.vector_load_idx %gather3A_2324[%broadcast_in_dim3A_2320, %get3A_2273] : memref<8x2048xf32, #tpu.memory_space<vmem>>[vector<16xi32>, vector<16xi32>], vector<16xf32>,
        %swap3A_2326 = arith.constant 3 : i32
        %swap3A_2327 = arith.constant 0 : i32
        %swap3A_2328 = arith.constant 0 : i32
        %swap3A_2329 = tpu.memref_slice %run_scoped3A_8[%rem3A_201, %swap3A_2327, %swap3A_2328] : memref<2x8x512xf32, #tpu.memory_space<vmem>> -> memref<1x8x512xf32, #tpu.memory_space<vmem>>
        %swap3A_2330 = tpu.memref_squeeze %swap3A_2329 : memref<1x8x512xf32, #tpu.memory_space<vmem>> -> memref<8x512xf32, #tpu.memory_space<vmem>>
        %swap3A_2331 = arith.index_cast %swap3A_2326 : i32 to index
        %swap3A_2332 = arith.constant 272 : index
        %swap3A_2333 = tpu.vector_load %swap3A_2330[%swap3A_2331, %swap3A_2332] {strides = array<i32>} : memref<8x512xf32, #tpu.memory_space<vmem>>, vector<16xf32>,
        tpu.vector_store %swap3A_2330[%swap3A_2331, %swap3A_2332], %gather3A_2325 {strides = array<i32>} : memref<8x512xf32, #tpu.memory_space<vmem>>, vector<16xf32>,
        %broadcast_in_dim3A_2334 = arith.constant 4 : i32
        %broadcast_in_dim3A_2335 = vector.broadcast %broadcast_in_dim3A_2334 : i32 to vector<16xi32>
        %gather3A_2336 = arith.constant 0 : i32
        %gather3A_2337 = arith.constant 0 : i32
        %gather3A_2338 = tpu.memref_slice %run_scoped3A[%rem3A_199, %gather3A_2336, %gather3A_2337] : memref<2x8x2048xf32, #tpu.memory_space<vmem>> -> memref<1x8x2048xf32, #tpu.memory_space<vmem>>
        %gather3A_2339 = tpu.memref_squeeze %gather3A_2338 : memref<1x8x2048xf32, #tpu.memory_space<vmem>> -> memref<8x2048xf32, #tpu.memory_space<vmem>>
        %gather3A_2340 = tpu.vector_load_idx %gather3A_2339[%broadcast_in_dim3A_2335, %get3A_2273] : memref<8x2048xf32, #tpu.memory_space<vmem>>[vector<16xi32>, vector<16xi32>], vector<16xf32>,
        %swap3A_2341 = arith.constant 4 : i32
        %swap3A_2342 = arith.constant 0 : i32
        %swap3A_2343 = arith.constant 0 : i32
        %swap3A_2344 = tpu.memref_slice %run_scoped3A_8[%rem3A_201, %swap3A_2342, %swap3A_2343] : memref<2x8x512xf32, #tpu.memory_space<vmem>> -> memref<1x8x512xf32, #tpu.memory_space<vmem>>
        %swap3A_2345 = tpu.memref_squeeze %swap3A_2344 : memref<1x8x512xf32, #tpu.memory_space<vmem>> -> memref<8x512xf32, #tpu.memory_space<vmem>>
        %swap3A_2346 = arith.index_cast %swap3A_2341 : i32 to index
        %swap3A_2347 = arith.constant 272 : index
        %swap3A_2348 = tpu.vector_load %swap3A_2345[%swap3A_2346, %swap3A_2347] {strides = array<i32>} : memref<8x512xf32, #tpu.memory_space<vmem>>, vector<16xf32>,
        tpu.vector_store %swap3A_2345[%swap3A_2346, %swap3A_2347], %gather3A_2340 {strides = array<i32>} : memref<8x512xf32, #tpu.memory_space<vmem>>, vector<16xf32>,
        %broadcast_in_dim3A_2349 = arith.constant 5 : i32
        %broadcast_in_dim3A_2350 = vector.broadcast %broadcast_in_dim3A_2349 : i32 to vector<16xi32>
        %gather3A_2351 = arith.constant 0 : i32
        %gather3A_2352 = arith.constant 0 : i32
        %gather3A_2353 = tpu.memref_slice %run_scoped3A[%rem3A_199, %gather3A_2351, %gather3A_2352] : memref<2x8x2048xf32, #tpu.memory_space<vmem>> -> memref<1x8x2048xf32, #tpu.memory_space<vmem>>
        %gather3A_2354 = tpu.memref_squeeze %gather3A_2353 : memref<1x8x2048xf32, #tpu.memory_space<vmem>> -> memref<8x2048xf32, #tpu.memory_space<vmem>>
        %gather3A_2355 = tpu.vector_load_idx %gather3A_2354[%broadcast_in_dim3A_2350, %get3A_2273] : memref<8x2048xf32, #tpu.memory_space<vmem>>[vector<16xi32>, vector<16xi32>], vector<16xf32>,
        %swap3A_2356 = arith.constant 5 : i32
        %swap3A_2357 = arith.constant 0 : i32
        %swap3A_2358 = arith.constant 0 : i32
        %swap3A_2359 = tpu.memref_slice %run_scoped3A_8[%rem3A_201, %swap3A_2357, %swap3A_2358] : memref<2x8x512xf32, #tpu.memory_space<vmem>> -> memref<1x8x512xf32, #tpu.memory_space<vmem>>
        %swap3A_2360 = tpu.memref_squeeze %swap3A_2359 : memref<1x8x512xf32, #tpu.memory_space<vmem>> -> memref<8x512xf32, #tpu.memory_space<vmem>>
        %swap3A_2361 = arith.index_cast %swap3A_2356 : i32 to index
        %swap3A_2362 = arith.constant 272 : index
        %swap3A_2363 = tpu.vector_load %swap3A_2360[%swap3A_2361, %swap3A_2362] {strides = array<i32>} : memref<8x512xf32, #tpu.memory_space<vmem>>, vector<16xf32>,
        tpu.vector_store %swap3A_2360[%swap3A_2361, %swap3A_2362], %gather3A_2355 {strides = array<i32>} : memref<8x512xf32, #tpu.memory_space<vmem>>, vector<16xf32>,
        %broadcast_in_dim3A_2364 = arith.constant 6 : i32
        %broadcast_in_dim3A_2365 = vector.broadcast %broadcast_in_dim3A_2364 : i32 to vector<16xi32>
        %gather3A_2366 = arith.constant 0 : i32
        %gather3A_2367 = arith.constant 0 : i32
        %gather3A_2368 = tpu.memref_slice %run_scoped3A[%rem3A_199, %gather3A_2366, %gather3A_2367] : memref<2x8x2048xf32, #tpu.memory_space<vmem>> -> memref<1x8x2048xf32, #tpu.memory_space<vmem>>
        %gather3A_2369 = tpu.memref_squeeze %gather3A_2368 : memref<1x8x2048xf32, #tpu.memory_space<vmem>> -> memref<8x2048xf32, #tpu.memory_space<vmem>>
        %gather3A_2370 = tpu.vector_load_idx %gather3A_2369[%broadcast_in_dim3A_2365, %get3A_2273] : memref<8x2048xf32, #tpu.memory_space<vmem>>[vector<16xi32>, vector<16xi32>], vector<16xf32>,
        %swap3A_2371 = arith.constant 6 : i32
        %swap3A_2372 = arith.constant 0 : i32
        %swap3A_2373 = arith.constant 0 : i32
        %swap3A_2374 = tpu.memref_slice %run_scoped3A_8[%rem3A_201, %swap3A_2372, %swap3A_2373] : memref<2x8x512xf32, #tpu.memory_space<vmem>> -> memref<1x8x512xf32, #tpu.memory_space<vmem>>
        %swap3A_2375 = tpu.memref_squeeze %swap3A_2374 : memref<1x8x512xf32, #tpu.memory_space<vmem>> -> memref<8x512xf32, #tpu.memory_space<vmem>>
        %swap3A_2376 = arith.index_cast %swap3A_2371 : i32 to index
        %swap3A_2377 = arith.constant 272 : index
        %swap3A_2378 = tpu.vector_load %swap3A_2375[%swap3A_2376, %swap3A_2377] {strides = array<i32>} : memref<8x512xf32, #tpu.memory_space<vmem>>, vector<16xf32>,
        tpu.vector_store %swap3A_2375[%swap3A_2376, %swap3A_2377], %gather3A_2370 {strides = array<i32>} : memref<8x512xf32, #tpu.memory_space<vmem>>, vector<16xf32>,
        %broadcast_in_dim3A_2379 = arith.constant 7 : i32
        %broadcast_in_dim3A_2380 = vector.broadcast %broadcast_in_dim3A_2379 : i32 to vector<16xi32>
        %gather3A_2381 = arith.constant 0 : i32
        %gather3A_2382 = arith.constant 0 : i32
        %gather3A_2383 = tpu.memref_slice %run_scoped3A[%rem3A_199, %gather3A_2381, %gather3A_2382] : memref<2x8x2048xf32, #tpu.memory_space<vmem>> -> memref<1x8x2048xf32, #tpu.memory_space<vmem>>
        %gather3A_2384 = tpu.memref_squeeze %gather3A_2383 : memref<1x8x2048xf32, #tpu.memory_space<vmem>> -> memref<8x2048xf32, #tpu.memory_space<vmem>>
        %gather3A_2385 = tpu.vector_load_idx %gather3A_2384[%broadcast_in_dim3A_2380, %get3A_2273] : memref<8x2048xf32, #tpu.memory_space<vmem>>[vector<16xi32>, vector<16xi32>], vector<16xf32>,
        %swap3A_2386 = arith.constant 7 : i32
        %swap3A_2387 = arith.constant 0 : i32
        %swap3A_2388 = arith.constant 0 : i32
        %swap3A_2389 = tpu.memref_slice %run_scoped3A_8[%rem3A_201, %swap3A_2387, %swap3A_2388] : memref<2x8x512xf32, #tpu.memory_space<vmem>> -> memref<1x8x512xf32, #tpu.memory_space<vmem>>
        %swap3A_2390 = tpu.memref_squeeze %swap3A_2389 : memref<1x8x512xf32, #tpu.memory_space<vmem>> -> memref<8x512xf32, #tpu.memory_space<vmem>>
        %swap3A_2391 = arith.index_cast %swap3A_2386 : i32 to index
        %swap3A_2392 = arith.constant 272 : index
        %swap3A_2393 = tpu.vector_load %swap3A_2390[%swap3A_2391, %swap3A_2392] {strides = array<i32>} : memref<8x512xf32, #tpu.memory_space<vmem>>, vector<16xf32>,
        tpu.vector_store %swap3A_2390[%swap3A_2391, %swap3A_2392], %gather3A_2385 {strides = array<i32>} : memref<8x512xf32, #tpu.memory_space<vmem>>, vector<16xf32>,
        %get3A_2394 = arith.constant 288 : index
        %get3A_2395 = tpu.vector_load %arg5[%get3A_2394] {strides = array<i32>} : memref<512xi32, #tpu.memory_space<vmem>>, vector<16xi32>,
        %broadcast_in_dim3A_2396 = arith.constant 0 : i32
        %broadcast_in_dim3A_2397 = vector.broadcast %broadcast_in_dim3A_2396 : i32 to vector<16xi32>
        %gather3A_2398 = arith.constant 0 : i32
        %gather3A_2399 = arith.constant 0 : i32
        %gather3A_2400 = tpu.memref_slice %run_scoped3A[%rem3A_199, %gather3A_2398, %gather3A_2399] : memref<2x8x2048xf32, #tpu.memory_space<vmem>> -> memref<1x8x2048xf32, #tpu.memory_space<vmem>>
        %gather3A_2401 = tpu.memref_squeeze %gather3A_2400 : memref<1x8x2048xf32, #tpu.memory_space<vmem>> -> memref<8x2048xf32, #tpu.memory_space<vmem>>
        %gather3A_2402 = tpu.vector_load_idx %gather3A_2401[%broadcast_in_dim3A_2397, %get3A_2395] : memref<8x2048xf32, #tpu.memory_space<vmem>>[vector<16xi32>, vector<16xi32>], vector<16xf32>,
        %swap3A_2403 = arith.constant 0 : i32
        %swap3A_2404 = arith.constant 0 : i32
        %swap3A_2405 = arith.constant 0 : i32
        %swap3A_2406 = tpu.memref_slice %run_scoped3A_8[%rem3A_201, %swap3A_2404, %swap3A_2405] : memref<2x8x512xf32, #tpu.memory_space<vmem>> -> memref<1x8x512xf32, #tpu.memory_space<vmem>>
        %swap3A_2407 = tpu.memref_squeeze %swap3A_2406 : memref<1x8x512xf32, #tpu.memory_space<vmem>> -> memref<8x512xf32, #tpu.memory_space<vmem>>
        %swap3A_2408 = arith.index_cast %swap3A_2403 : i32 to index
        %swap3A_2409 = arith.constant 288 : index
        %swap3A_2410 = tpu.vector_load %swap3A_2407[%swap3A_2408, %swap3A_2409] {strides = array<i32>} : memref<8x512xf32, #tpu.memory_space<vmem>>, vector<16xf32>,
        tpu.vector_store %swap3A_2407[%swap3A_2408, %swap3A_2409], %gather3A_2402 {strides = array<i32>} : memref<8x512xf32, #tpu.memory_space<vmem>>, vector<16xf32>,
        %broadcast_in_dim3A_2411 = arith.constant 1 : i32
        %broadcast_in_dim3A_2412 = vector.broadcast %broadcast_in_dim3A_2411 : i32 to vector<16xi32>
        %gather3A_2413 = arith.constant 0 : i32
        %gather3A_2414 = arith.constant 0 : i32
        %gather3A_2415 = tpu.memref_slice %run_scoped3A[%rem3A_199, %gather3A_2413, %gather3A_2414] : memref<2x8x2048xf32, #tpu.memory_space<vmem>> -> memref<1x8x2048xf32, #tpu.memory_space<vmem>>
        %gather3A_2416 = tpu.memref_squeeze %gather3A_2415 : memref<1x8x2048xf32, #tpu.memory_space<vmem>> -> memref<8x2048xf32, #tpu.memory_space<vmem>>
        %gather3A_2417 = tpu.vector_load_idx %gather3A_2416[%broadcast_in_dim3A_2412, %get3A_2395] : memref<8x2048xf32, #tpu.memory_space<vmem>>[vector<16xi32>, vector<16xi32>], vector<16xf32>,
        %swap3A_2418 = arith.constant 1 : i32
        %swap3A_2419 = arith.constant 0 : i32
        %swap3A_2420 = arith.constant 0 : i32
        %swap3A_2421 = tpu.memref_slice %run_scoped3A_8[%rem3A_201, %swap3A_2419, %swap3A_2420] : memref<2x8x512xf32, #tpu.memory_space<vmem>> -> memref<1x8x512xf32, #tpu.memory_space<vmem>>
        %swap3A_2422 = tpu.memref_squeeze %swap3A_2421 : memref<1x8x512xf32, #tpu.memory_space<vmem>> -> memref<8x512xf32, #tpu.memory_space<vmem>>
        %swap3A_2423 = arith.index_cast %swap3A_2418 : i32 to index
        %swap3A_2424 = arith.constant 288 : index
        %swap3A_2425 = tpu.vector_load %swap3A_2422[%swap3A_2423, %swap3A_2424] {strides = array<i32>} : memref<8x512xf32, #tpu.memory_space<vmem>>, vector<16xf32>,
        tpu.vector_store %swap3A_2422[%swap3A_2423, %swap3A_2424], %gather3A_2417 {strides = array<i32>} : memref<8x512xf32, #tpu.memory_space<vmem>>, vector<16xf32>,
        %broadcast_in_dim3A_2426 = arith.constant 2 : i32
        %broadcast_in_dim3A_2427 = vector.broadcast %broadcast_in_dim3A_2426 : i32 to vector<16xi32>
        %gather3A_2428 = arith.constant 0 : i32
        %gather3A_2429 = arith.constant 0 : i32
        %gather3A_2430 = tpu.memref_slice %run_scoped3A[%rem3A_199, %gather3A_2428, %gather3A_2429] : memref<2x8x2048xf32, #tpu.memory_space<vmem>> -> memref<1x8x2048xf32, #tpu.memory_space<vmem>>
        %gather3A_2431 = tpu.memref_squeeze %gather3A_2430 : memref<1x8x2048xf32, #tpu.memory_space<vmem>> -> memref<8x2048xf32, #tpu.memory_space<vmem>>
        %gather3A_2432 = tpu.vector_load_idx %gather3A_2431[%broadcast_in_dim3A_2427, %get3A_2395] : memref<8x2048xf32, #tpu.memory_space<vmem>>[vector<16xi32>, vector<16xi32>], vector<16xf32>,
        %swap3A_2433 = arith.constant 2 : i32
        %swap3A_2434 = arith.constant 0 : i32
        %swap3A_2435 = arith.constant 0 : i32
        %swap3A_2436 = tpu.memref_slice %run_scoped3A_8[%rem3A_201, %swap3A_2434, %swap3A_2435] : memref<2x8x512xf32, #tpu.memory_space<vmem>> -> memref<1x8x512xf32, #tpu.memory_space<vmem>>
        %swap3A_2437 = tpu.memref_squeeze %swap3A_2436 : memref<1x8x512xf32, #tpu.memory_space<vmem>> -> memref<8x512xf32, #tpu.memory_space<vmem>>
        %swap3A_2438 = arith.index_cast %swap3A_2433 : i32 to index
        %swap3A_2439 = arith.constant 288 : index
        %swap3A_2440 = tpu.vector_load %swap3A_2437[%swap3A_2438, %swap3A_2439] {strides = array<i32>} : memref<8x512xf32, #tpu.memory_space<vmem>>, vector<16xf32>,
        tpu.vector_store %swap3A_2437[%swap3A_2438, %swap3A_2439], %gather3A_2432 {strides = array<i32>} : memref<8x512xf32, #tpu.memory_space<vmem>>, vector<16xf32>,
        %broadcast_in_dim3A_2441 = arith.constant 3 : i32
        %broadcast_in_dim3A_2442 = vector.broadcast %broadcast_in_dim3A_2441 : i32 to vector<16xi32>
        %gather3A_2443 = arith.constant 0 : i32
        %gather3A_2444 = arith.constant 0 : i32
        %gather3A_2445 = tpu.memref_slice %run_scoped3A[%rem3A_199, %gather3A_2443, %gather3A_2444] : memref<2x8x2048xf32, #tpu.memory_space<vmem>> -> memref<1x8x2048xf32, #tpu.memory_space<vmem>>
        %gather3A_2446 = tpu.memref_squeeze %gather3A_2445 : memref<1x8x2048xf32, #tpu.memory_space<vmem>> -> memref<8x2048xf32, #tpu.memory_space<vmem>>
        %gather3A_2447 = tpu.vector_load_idx %gather3A_2446[%broadcast_in_dim3A_2442, %get3A_2395] : memref<8x2048xf32, #tpu.memory_space<vmem>>[vector<16xi32>, vector<16xi32>], vector<16xf32>,
        %swap3A_2448 = arith.constant 3 : i32
        %swap3A_2449 = arith.constant 0 : i32
        %swap3A_2450 = arith.constant 0 : i32
        %swap3A_2451 = tpu.memref_slice %run_scoped3A_8[%rem3A_201, %swap3A_2449, %swap3A_2450] : memref<2x8x512xf32, #tpu.memory_space<vmem>> -> memref<1x8x512xf32, #tpu.memory_space<vmem>>
        %swap3A_2452 = tpu.memref_squeeze %swap3A_2451 : memref<1x8x512xf32, #tpu.memory_space<vmem>> -> memref<8x512xf32, #tpu.memory_space<vmem>>
        %swap3A_2453 = arith.index_cast %swap3A_2448 : i32 to index
        %swap3A_2454 = arith.constant 288 : index
        %swap3A_2455 = tpu.vector_load %swap3A_2452[%swap3A_2453, %swap3A_2454] {strides = array<i32>} : memref<8x512xf32, #tpu.memory_space<vmem>>, vector<16xf32>,
        tpu.vector_store %swap3A_2452[%swap3A_2453, %swap3A_2454], %gather3A_2447 {strides = array<i32>} : memref<8x512xf32, #tpu.memory_space<vmem>>, vector<16xf32>,
        %broadcast_in_dim3A_2456 = arith.constant 4 : i32
        %broadcast_in_dim3A_2457 = vector.broadcast %broadcast_in_dim3A_2456 : i32 to vector<16xi32>
        %gather3A_2458 = arith.constant 0 : i32
        %gather3A_2459 = arith.constant 0 : i32
        %gather3A_2460 = tpu.memref_slice %run_scoped3A[%rem3A_199, %gather3A_2458, %gather3A_2459] : memref<2x8x2048xf32, #tpu.memory_space<vmem>> -> memref<1x8x2048xf32, #tpu.memory_space<vmem>>
        %gather3A_2461 = tpu.memref_squeeze %gather3A_2460 : memref<1x8x2048xf32, #tpu.memory_space<vmem>> -> memref<8x2048xf32, #tpu.memory_space<vmem>>
        %gather3A_2462 = tpu.vector_load_idx %gather3A_2461[%broadcast_in_dim3A_2457, %get3A_2395] : memref<8x2048xf32, #tpu.memory_space<vmem>>[vector<16xi32>, vector<16xi32>], vector<16xf32>,
        %swap3A_2463 = arith.constant 4 : i32
        %swap3A_2464 = arith.constant 0 : i32
        %swap3A_2465 = arith.constant 0 : i32
        %swap3A_2466 = tpu.memref_slice %run_scoped3A_8[%rem3A_201, %swap3A_2464, %swap3A_2465] : memref<2x8x512xf32, #tpu.memory_space<vmem>> -> memref<1x8x512xf32, #tpu.memory_space<vmem>>
        %swap3A_2467 = tpu.memref_squeeze %swap3A_2466 : memref<1x8x512xf32, #tpu.memory_space<vmem>> -> memref<8x512xf32, #tpu.memory_space<vmem>>
        %swap3A_2468 = arith.index_cast %swap3A_2463 : i32 to index
        %swap3A_2469 = arith.constant 288 : index
        %swap3A_2470 = tpu.vector_load %swap3A_2467[%swap3A_2468, %swap3A_2469] {strides = array<i32>} : memref<8x512xf32, #tpu.memory_space<vmem>>, vector<16xf32>,
        tpu.vector_store %swap3A_2467[%swap3A_2468, %swap3A_2469], %gather3A_2462 {strides = array<i32>} : memref<8x512xf32, #tpu.memory_space<vmem>>, vector<16xf32>,
        %broadcast_in_dim3A_2471 = arith.constant 5 : i32
        %broadcast_in_dim3A_2472 = vector.broadcast %broadcast_in_dim3A_2471 : i32 to vector<16xi32>
        %gather3A_2473 = arith.constant 0 : i32
        %gather3A_2474 = arith.constant 0 : i32
        %gather3A_2475 = tpu.memref_slice %run_scoped3A[%rem3A_199, %gather3A_2473, %gather3A_2474] : memref<2x8x2048xf32, #tpu.memory_space<vmem>> -> memref<1x8x2048xf32, #tpu.memory_space<vmem>>
        %gather3A_2476 = tpu.memref_squeeze %gather3A_2475 : memref<1x8x2048xf32, #tpu.memory_space<vmem>> -> memref<8x2048xf32, #tpu.memory_space<vmem>>
        %gather3A_2477 = tpu.vector_load_idx %gather3A_2476[%broadcast_in_dim3A_2472, %get3A_2395] : memref<8x2048xf32, #tpu.memory_space<vmem>>[vector<16xi32>, vector<16xi32>], vector<16xf32>,
        %swap3A_2478 = arith.constant 5 : i32
        %swap3A_2479 = arith.constant 0 : i32
        %swap3A_2480 = arith.constant 0 : i32
        %swap3A_2481 = tpu.memref_slice %run_scoped3A_8[%rem3A_201, %swap3A_2479, %swap3A_2480] : memref<2x8x512xf32, #tpu.memory_space<vmem>> -> memref<1x8x512xf32, #tpu.memory_space<vmem>>
        %swap3A_2482 = tpu.memref_squeeze %swap3A_2481 : memref<1x8x512xf32, #tpu.memory_space<vmem>> -> memref<8x512xf32, #tpu.memory_space<vmem>>
        %swap3A_2483 = arith.index_cast %swap3A_2478 : i32 to index
        %swap3A_2484 = arith.constant 288 : index
        %swap3A_2485 = tpu.vector_load %swap3A_2482[%swap3A_2483, %swap3A_2484] {strides = array<i32>} : memref<8x512xf32, #tpu.memory_space<vmem>>, vector<16xf32>,
        tpu.vector_store %swap3A_2482[%swap3A_2483, %swap3A_2484], %gather3A_2477 {strides = array<i32>} : memref<8x512xf32, #tpu.memory_space<vmem>>, vector<16xf32>,
        %broadcast_in_dim3A_2486 = arith.constant 6 : i32
        %broadcast_in_dim3A_2487 = vector.broadcast %broadcast_in_dim3A_2486 : i32 to vector<16xi32>
        %gather3A_2488 = arith.constant 0 : i32
        %gather3A_2489 = arith.constant 0 : i32
        %gather3A_2490 = tpu.memref_slice %run_scoped3A[%rem3A_199, %gather3A_2488, %gather3A_2489] : memref<2x8x2048xf32, #tpu.memory_space<vmem>> -> memref<1x8x2048xf32, #tpu.memory_space<vmem>>
        %gather3A_2491 = tpu.memref_squeeze %gather3A_2490 : memref<1x8x2048xf32, #tpu.memory_space<vmem>> -> memref<8x2048xf32, #tpu.memory_space<vmem>>
        %gather3A_2492 = tpu.vector_load_idx %gather3A_2491[%broadcast_in_dim3A_2487, %get3A_2395] : memref<8x2048xf32, #tpu.memory_space<vmem>>[vector<16xi32>, vector<16xi32>], vector<16xf32>,
        %swap3A_2493 = arith.constant 6 : i32
        %swap3A_2494 = arith.constant 0 : i32
        %swap3A_2495 = arith.constant 0 : i32
        %swap3A_2496 = tpu.memref_slice %run_scoped3A_8[%rem3A_201, %swap3A_2494, %swap3A_2495] : memref<2x8x512xf32, #tpu.memory_space<vmem>> -> memref<1x8x512xf32, #tpu.memory_space<vmem>>
        %swap3A_2497 = tpu.memref_squeeze %swap3A_2496 : memref<1x8x512xf32, #tpu.memory_space<vmem>> -> memref<8x512xf32, #tpu.memory_space<vmem>>
        %swap3A_2498 = arith.index_cast %swap3A_2493 : i32 to index
        %swap3A_2499 = arith.constant 288 : index
        %swap3A_2500 = tpu.vector_load %swap3A_2497[%swap3A_2498, %swap3A_2499] {strides = array<i32>} : memref<8x512xf32, #tpu.memory_space<vmem>>, vector<16xf32>,
        tpu.vector_store %swap3A_2497[%swap3A_2498, %swap3A_2499], %gather3A_2492 {strides = array<i32>} : memref<8x512xf32, #tpu.memory_space<vmem>>, vector<16xf32>,
        %broadcast_in_dim3A_2501 = arith.constant 7 : i32
        %broadcast_in_dim3A_2502 = vector.broadcast %broadcast_in_dim3A_2501 : i32 to vector<16xi32>
        %gather3A_2503 = arith.constant 0 : i32
        %gather3A_2504 = arith.constant 0 : i32
        %gather3A_2505 = tpu.memref_slice %run_scoped3A[%rem3A_199, %gather3A_2503, %gather3A_2504] : memref<2x8x2048xf32, #tpu.memory_space<vmem>> -> memref<1x8x2048xf32, #tpu.memory_space<vmem>>
        %gather3A_2506 = tpu.memref_squeeze %gather3A_2505 : memref<1x8x2048xf32, #tpu.memory_space<vmem>> -> memref<8x2048xf32, #tpu.memory_space<vmem>>
        %gather3A_2507 = tpu.vector_load_idx %gather3A_2506[%broadcast_in_dim3A_2502, %get3A_2395] : memref<8x2048xf32, #tpu.memory_space<vmem>>[vector<16xi32>, vector<16xi32>], vector<16xf32>,
        %swap3A_2508 = arith.constant 7 : i32
        %swap3A_2509 = arith.constant 0 : i32
        %swap3A_2510 = arith.constant 0 : i32
        %swap3A_2511 = tpu.memref_slice %run_scoped3A_8[%rem3A_201, %swap3A_2509, %swap3A_2510] : memref<2x8x512xf32, #tpu.memory_space<vmem>> -> memref<1x8x512xf32, #tpu.memory_space<vmem>>
        %swap3A_2512 = tpu.memref_squeeze %swap3A_2511 : memref<1x8x512xf32, #tpu.memory_space<vmem>> -> memref<8x512xf32, #tpu.memory_space<vmem>>
        %swap3A_2513 = arith.index_cast %swap3A_2508 : i32 to index
        %swap3A_2514 = arith.constant 288 : index
        %swap3A_2515 = tpu.vector_load %swap3A_2512[%swap3A_2513, %swap3A_2514] {strides = array<i32>} : memref<8x512xf32, #tpu.memory_space<vmem>>, vector<16xf32>,
        tpu.vector_store %swap3A_2512[%swap3A_2513, %swap3A_2514], %gather3A_2507 {strides = array<i32>} : memref<8x512xf32, #tpu.memory_space<vmem>>, vector<16xf32>,
        %get3A_2516 = arith.constant 304 : index
        %get3A_2517 = tpu.vector_load %arg5[%get3A_2516] {strides = array<i32>} : memref<512xi32, #tpu.memory_space<vmem>>, vector<16xi32>,
        %broadcast_in_dim3A_2518 = arith.constant 0 : i32
        %broadcast_in_dim3A_2519 = vector.broadcast %broadcast_in_dim3A_2518 : i32 to vector<16xi32>
        %gather3A_2520 = arith.constant 0 : i32
        %gather3A_2521 = arith.constant 0 : i32
        %gather3A_2522 = tpu.memref_slice %run_scoped3A[%rem3A_199, %gather3A_2520, %gather3A_2521] : memref<2x8x2048xf32, #tpu.memory_space<vmem>> -> memref<1x8x2048xf32, #tpu.memory_space<vmem>>
        %gather3A_2523 = tpu.memref_squeeze %gather3A_2522 : memref<1x8x2048xf32, #tpu.memory_space<vmem>> -> memref<8x2048xf32, #tpu.memory_space<vmem>>
        %gather3A_2524 = tpu.vector_load_idx %gather3A_2523[%broadcast_in_dim3A_2519, %get3A_2517] : memref<8x2048xf32, #tpu.memory_space<vmem>>[vector<16xi32>, vector<16xi32>], vector<16xf32>,
        %swap3A_2525 = arith.constant 0 : i32
        %swap3A_2526 = arith.constant 0 : i32
        %swap3A_2527 = arith.constant 0 : i32
        %swap3A_2528 = tpu.memref_slice %run_scoped3A_8[%rem3A_201, %swap3A_2526, %swap3A_2527] : memref<2x8x512xf32, #tpu.memory_space<vmem>> -> memref<1x8x512xf32, #tpu.memory_space<vmem>>
        %swap3A_2529 = tpu.memref_squeeze %swap3A_2528 : memref<1x8x512xf32, #tpu.memory_space<vmem>> -> memref<8x512xf32, #tpu.memory_space<vmem>>
        %swap3A_2530 = arith.index_cast %swap3A_2525 : i32 to index
        %swap3A_2531 = arith.constant 304 : index
        %swap3A_2532 = tpu.vector_load %swap3A_2529[%swap3A_2530, %swap3A_2531] {strides = array<i32>} : memref<8x512xf32, #tpu.memory_space<vmem>>, vector<16xf32>,
        tpu.vector_store %swap3A_2529[%swap3A_2530, %swap3A_2531], %gather3A_2524 {strides = array<i32>} : memref<8x512xf32, #tpu.memory_space<vmem>>, vector<16xf32>,
        %broadcast_in_dim3A_2533 = arith.constant 1 : i32
        %broadcast_in_dim3A_2534 = vector.broadcast %broadcast_in_dim3A_2533 : i32 to vector<16xi32>
        %gather3A_2535 = arith.constant 0 : i32
        %gather3A_2536 = arith.constant 0 : i32
        %gather3A_2537 = tpu.memref_slice %run_scoped3A[%rem3A_199, %gather3A_2535, %gather3A_2536] : memref<2x8x2048xf32, #tpu.memory_space<vmem>> -> memref<1x8x2048xf32, #tpu.memory_space<vmem>>
        %gather3A_2538 = tpu.memref_squeeze %gather3A_2537 : memref<1x8x2048xf32, #tpu.memory_space<vmem>> -> memref<8x2048xf32, #tpu.memory_space<vmem>>
        %gather3A_2539 = tpu.vector_load_idx %gather3A_2538[%broadcast_in_dim3A_2534, %get3A_2517] : memref<8x2048xf32, #tpu.memory_space<vmem>>[vector<16xi32>, vector<16xi32>], vector<16xf32>,
        %swap3A_2540 = arith.constant 1 : i32
        %swap3A_2541 = arith.constant 0 : i32
        %swap3A_2542 = arith.constant 0 : i32
        %swap3A_2543 = tpu.memref_slice %run_scoped3A_8[%rem3A_201, %swap3A_2541, %swap3A_2542] : memref<2x8x512xf32, #tpu.memory_space<vmem>> -> memref<1x8x512xf32, #tpu.memory_space<vmem>>
        %swap3A_2544 = tpu.memref_squeeze %swap3A_2543 : memref<1x8x512xf32, #tpu.memory_space<vmem>> -> memref<8x512xf32, #tpu.memory_space<vmem>>
        %swap3A_2545 = arith.index_cast %swap3A_2540 : i32 to index
        %swap3A_2546 = arith.constant 304 : index
        %swap3A_2547 = tpu.vector_load %swap3A_2544[%swap3A_2545, %swap3A_2546] {strides = array<i32>} : memref<8x512xf32, #tpu.memory_space<vmem>>, vector<16xf32>,
        tpu.vector_store %swap3A_2544[%swap3A_2545, %swap3A_2546], %gather3A_2539 {strides = array<i32>} : memref<8x512xf32, #tpu.memory_space<vmem>>, vector<16xf32>,
        %broadcast_in_dim3A_2548 = arith.constant 2 : i32
        %broadcast_in_dim3A_2549 = vector.broadcast %broadcast_in_dim3A_2548 : i32 to vector<16xi32>
        %gather3A_2550 = arith.constant 0 : i32
        %gather3A_2551 = arith.constant 0 : i32
        %gather3A_2552 = tpu.memref_slice %run_scoped3A[%rem3A_199, %gather3A_2550, %gather3A_2551] : memref<2x8x2048xf32, #tpu.memory_space<vmem>> -> memref<1x8x2048xf32, #tpu.memory_space<vmem>>
        %gather3A_2553 = tpu.memref_squeeze %gather3A_2552 : memref<1x8x2048xf32, #tpu.memory_space<vmem>> -> memref<8x2048xf32, #tpu.memory_space<vmem>>
        %gather3A_2554 = tpu.vector_load_idx %gather3A_2553[%broadcast_in_dim3A_2549, %get3A_2517] : memref<8x2048xf32, #tpu.memory_space<vmem>>[vector<16xi32>, vector<16xi32>], vector<16xf32>,
        %swap3A_2555 = arith.constant 2 : i32
        %swap3A_2556 = arith.constant 0 : i32
        %swap3A_2557 = arith.constant 0 : i32
        %swap3A_2558 = tpu.memref_slice %run_scoped3A_8[%rem3A_201, %swap3A_2556, %swap3A_2557] : memref<2x8x512xf32, #tpu.memory_space<vmem>> -> memref<1x8x512xf32, #tpu.memory_space<vmem>>
        %swap3A_2559 = tpu.memref_squeeze %swap3A_2558 : memref<1x8x512xf32, #tpu.memory_space<vmem>> -> memref<8x512xf32, #tpu.memory_space<vmem>>
        %swap3A_2560 = arith.index_cast %swap3A_2555 : i32 to index
        %swap3A_2561 = arith.constant 304 : index
        %swap3A_2562 = tpu.vector_load %swap3A_2559[%swap3A_2560, %swap3A_2561] {strides = array<i32>} : memref<8x512xf32, #tpu.memory_space<vmem>>, vector<16xf32>,
        tpu.vector_store %swap3A_2559[%swap3A_2560, %swap3A_2561], %gather3A_2554 {strides = array<i32>} : memref<8x512xf32, #tpu.memory_space<vmem>>, vector<16xf32>,
        %broadcast_in_dim3A_2563 = arith.constant 3 : i32
        %broadcast_in_dim3A_2564 = vector.broadcast %broadcast_in_dim3A_2563 : i32 to vector<16xi32>
        %gather3A_2565 = arith.constant 0 : i32
        %gather3A_2566 = arith.constant 0 : i32
        %gather3A_2567 = tpu.memref_slice %run_scoped3A[%rem3A_199, %gather3A_2565, %gather3A_2566] : memref<2x8x2048xf32, #tpu.memory_space<vmem>> -> memref<1x8x2048xf32, #tpu.memory_space<vmem>>
        %gather3A_2568 = tpu.memref_squeeze %gather3A_2567 : memref<1x8x2048xf32, #tpu.memory_space<vmem>> -> memref<8x2048xf32, #tpu.memory_space<vmem>>
        %gather3A_2569 = tpu.vector_load_idx %gather3A_2568[%broadcast_in_dim3A_2564, %get3A_2517] : memref<8x2048xf32, #tpu.memory_space<vmem>>[vector<16xi32>, vector<16xi32>], vector<16xf32>,
        %swap3A_2570 = arith.constant 3 : i32
        %swap3A_2571 = arith.constant 0 : i32
        %swap3A_2572 = arith.constant 0 : i32
        %swap3A_2573 = tpu.memref_slice %run_scoped3A_8[%rem3A_201, %swap3A_2571, %swap3A_2572] : memref<2x8x512xf32, #tpu.memory_space<vmem>> -> memref<1x8x512xf32, #tpu.memory_space<vmem>>
        %swap3A_2574 = tpu.memref_squeeze %swap3A_2573 : memref<1x8x512xf32, #tpu.memory_space<vmem>> -> memref<8x512xf32, #tpu.memory_space<vmem>>
        %swap3A_2575 = arith.index_cast %swap3A_2570 : i32 to index
        %swap3A_2576 = arith.constant 304 : index
        %swap3A_2577 = tpu.vector_load %swap3A_2574[%swap3A_2575, %swap3A_2576] {strides = array<i32>} : memref<8x512xf32, #tpu.memory_space<vmem>>, vector<16xf32>,
        tpu.vector_store %swap3A_2574[%swap3A_2575, %swap3A_2576], %gather3A_2569 {strides = array<i32>} : memref<8x512xf32, #tpu.memory_space<vmem>>, vector<16xf32>,
        %broadcast_in_dim3A_2578 = arith.constant 4 : i32
        %broadcast_in_dim3A_2579 = vector.broadcast %broadcast_in_dim3A_2578 : i32 to vector<16xi32>
        %gather3A_2580 = arith.constant 0 : i32
        %gather3A_2581 = arith.constant 0 : i32
        %gather3A_2582 = tpu.memref_slice %run_scoped3A[%rem3A_199, %gather3A_2580, %gather3A_2581] : memref<2x8x2048xf32, #tpu.memory_space<vmem>> -> memref<1x8x2048xf32, #tpu.memory_space<vmem>>
        %gather3A_2583 = tpu.memref_squeeze %gather3A_2582 : memref<1x8x2048xf32, #tpu.memory_space<vmem>> -> memref<8x2048xf32, #tpu.memory_space<vmem>>
        %gather3A_2584 = tpu.vector_load_idx %gather3A_2583[%broadcast_in_dim3A_2579, %get3A_2517] : memref<8x2048xf32, #tpu.memory_space<vmem>>[vector<16xi32>, vector<16xi32>], vector<16xf32>,
        %swap3A_2585 = arith.constant 4 : i32
        %swap3A_2586 = arith.constant 0 : i32
        %swap3A_2587 = arith.constant 0 : i32
        %swap3A_2588 = tpu.memref_slice %run_scoped3A_8[%rem3A_201, %swap3A_2586, %swap3A_2587] : memref<2x8x512xf32, #tpu.memory_space<vmem>> -> memref<1x8x512xf32, #tpu.memory_space<vmem>>
        %swap3A_2589 = tpu.memref_squeeze %swap3A_2588 : memref<1x8x512xf32, #tpu.memory_space<vmem>> -> memref<8x512xf32, #tpu.memory_space<vmem>>
        %swap3A_2590 = arith.index_cast %swap3A_2585 : i32 to index
        %swap3A_2591 = arith.constant 304 : index
        %swap3A_2592 = tpu.vector_load %swap3A_2589[%swap3A_2590, %swap3A_2591] {strides = array<i32>} : memref<8x512xf32, #tpu.memory_space<vmem>>, vector<16xf32>,
        tpu.vector_store %swap3A_2589[%swap3A_2590, %swap3A_2591], %gather3A_2584 {strides = array<i32>} : memref<8x512xf32, #tpu.memory_space<vmem>>, vector<16xf32>,
        %broadcast_in_dim3A_2593 = arith.constant 5 : i32
        %broadcast_in_dim3A_2594 = vector.broadcast %broadcast_in_dim3A_2593 : i32 to vector<16xi32>
        %gather3A_2595 = arith.constant 0 : i32
        %gather3A_2596 = arith.constant 0 : i32
        %gather3A_2597 = tpu.memref_slice %run_scoped3A[%rem3A_199, %gather3A_2595, %gather3A_2596] : memref<2x8x2048xf32, #tpu.memory_space<vmem>> -> memref<1x8x2048xf32, #tpu.memory_space<vmem>>
        %gather3A_2598 = tpu.memref_squeeze %gather3A_2597 : memref<1x8x2048xf32, #tpu.memory_space<vmem>> -> memref<8x2048xf32, #tpu.memory_space<vmem>>
        %gather3A_2599 = tpu.vector_load_idx %gather3A_2598[%broadcast_in_dim3A_2594, %get3A_2517] : memref<8x2048xf32, #tpu.memory_space<vmem>>[vector<16xi32>, vector<16xi32>], vector<16xf32>,
        %swap3A_2600 = arith.constant 5 : i32
        %swap3A_2601 = arith.constant 0 : i32
        %swap3A_2602 = arith.constant 0 : i32
        %swap3A_2603 = tpu.memref_slice %run_scoped3A_8[%rem3A_201, %swap3A_2601, %swap3A_2602] : memref<2x8x512xf32, #tpu.memory_space<vmem>> -> memref<1x8x512xf32, #tpu.memory_space<vmem>>
        %swap3A_2604 = tpu.memref_squeeze %swap3A_2603 : memref<1x8x512xf32, #tpu.memory_space<vmem>> -> memref<8x512xf32, #tpu.memory_space<vmem>>
        %swap3A_2605 = arith.index_cast %swap3A_2600 : i32 to index
        %swap3A_2606 = arith.constant 304 : index
        %swap3A_2607 = tpu.vector_load %swap3A_2604[%swap3A_2605, %swap3A_2606] {strides = array<i32>} : memref<8x512xf32, #tpu.memory_space<vmem>>, vector<16xf32>,
        tpu.vector_store %swap3A_2604[%swap3A_2605, %swap3A_2606], %gather3A_2599 {strides = array<i32>} : memref<8x512xf32, #tpu.memory_space<vmem>>, vector<16xf32>,
        %broadcast_in_dim3A_2608 = arith.constant 6 : i32
        %broadcast_in_dim3A_2609 = vector.broadcast %broadcast_in_dim3A_2608 : i32 to vector<16xi32>
        %gather3A_2610 = arith.constant 0 : i32
        %gather3A_2611 = arith.constant 0 : i32
        %gather3A_2612 = tpu.memref_slice %run_scoped3A[%rem3A_199, %gather3A_2610, %gather3A_2611] : memref<2x8x2048xf32, #tpu.memory_space<vmem>> -> memref<1x8x2048xf32, #tpu.memory_space<vmem>>
        %gather3A_2613 = tpu.memref_squeeze %gather3A_2612 : memref<1x8x2048xf32, #tpu.memory_space<vmem>> -> memref<8x2048xf32, #tpu.memory_space<vmem>>
        %gather3A_2614 = tpu.vector_load_idx %gather3A_2613[%broadcast_in_dim3A_2609, %get3A_2517] : memref<8x2048xf32, #tpu.memory_space<vmem>>[vector<16xi32>, vector<16xi32>], vector<16xf32>,
        %swap3A_2615 = arith.constant 6 : i32
        %swap3A_2616 = arith.constant 0 : i32
        %swap3A_2617 = arith.constant 0 : i32
        %swap3A_2618 = tpu.memref_slice %run_scoped3A_8[%rem3A_201, %swap3A_2616, %swap3A_2617] : memref<2x8x512xf32, #tpu.memory_space<vmem>> -> memref<1x8x512xf32, #tpu.memory_space<vmem>>
        %swap3A_2619 = tpu.memref_squeeze %swap3A_2618 : memref<1x8x512xf32, #tpu.memory_space<vmem>> -> memref<8x512xf32, #tpu.memory_space<vmem>>
        %swap3A_2620 = arith.index_cast %swap3A_2615 : i32 to index
        %swap3A_2621 = arith.constant 304 : index
        %swap3A_2622 = tpu.vector_load %swap3A_2619[%swap3A_2620, %swap3A_2621] {strides = array<i32>} : memref<8x512xf32, #tpu.memory_space<vmem>>, vector<16xf32>,
        tpu.vector_store %swap3A_2619[%swap3A_2620, %swap3A_2621], %gather3A_2614 {strides = array<i32>} : memref<8x512xf32, #tpu.memory_space<vmem>>, vector<16xf32>,
        %broadcast_in_dim3A_2623 = arith.constant 7 : i32
        %broadcast_in_dim3A_2624 = vector.broadcast %broadcast_in_dim3A_2623 : i32 to vector<16xi32>
        %gather3A_2625 = arith.constant 0 : i32
        %gather3A_2626 = arith.constant 0 : i32
        %gather3A_2627 = tpu.memref_slice %run_scoped3A[%rem3A_199, %gather3A_2625, %gather3A_2626] : memref<2x8x2048xf32, #tpu.memory_space<vmem>> -> memref<1x8x2048xf32, #tpu.memory_space<vmem>>
        %gather3A_2628 = tpu.memref_squeeze %gather3A_2627 : memref<1x8x2048xf32, #tpu.memory_space<vmem>> -> memref<8x2048xf32, #tpu.memory_space<vmem>>
        %gather3A_2629 = tpu.vector_load_idx %gather3A_2628[%broadcast_in_dim3A_2624, %get3A_2517] : memref<8x2048xf32, #tpu.memory_space<vmem>>[vector<16xi32>, vector<16xi32>], vector<16xf32>,
        %swap3A_2630 = arith.constant 7 : i32
        %swap3A_2631 = arith.constant 0 : i32
        %swap3A_2632 = arith.constant 0 : i32
        %swap3A_2633 = tpu.memref_slice %run_scoped3A_8[%rem3A_201, %swap3A_2631, %swap3A_2632] : memref<2x8x512xf32, #tpu.memory_space<vmem>> -> memref<1x8x512xf32, #tpu.memory_space<vmem>>
        %swap3A_2634 = tpu.memref_squeeze %swap3A_2633 : memref<1x8x512xf32, #tpu.memory_space<vmem>> -> memref<8x512xf32, #tpu.memory_space<vmem>>
        %swap3A_2635 = arith.index_cast %swap3A_2630 : i32 to index
        %swap3A_2636 = arith.constant 304 : index
        %swap3A_2637 = tpu.vector_load %swap3A_2634[%swap3A_2635, %swap3A_2636] {strides = array<i32>} : memref<8x512xf32, #tpu.memory_space<vmem>>, vector<16xf32>,
        tpu.vector_store %swap3A_2634[%swap3A_2635, %swap3A_2636], %gather3A_2629 {strides = array<i32>} : memref<8x512xf32, #tpu.memory_space<vmem>>, vector<16xf32>,
        %get3A_2638 = arith.constant 320 : index
        %get3A_2639 = tpu.vector_load %arg5[%get3A_2638] {strides = array<i32>} : memref<512xi32, #tpu.memory_space<vmem>>, vector<16xi32>,
        %broadcast_in_dim3A_2640 = arith.constant 0 : i32
        %broadcast_in_dim3A_2641 = vector.broadcast %broadcast_in_dim3A_2640 : i32 to vector<16xi32>
        %gather3A_2642 = arith.constant 0 : i32
        %gather3A_2643 = arith.constant 0 : i32
        %gather3A_2644 = tpu.memref_slice %run_scoped3A[%rem3A_199, %gather3A_2642, %gather3A_2643] : memref<2x8x2048xf32, #tpu.memory_space<vmem>> -> memref<1x8x2048xf32, #tpu.memory_space<vmem>>
        %gather3A_2645 = tpu.memref_squeeze %gather3A_2644 : memref<1x8x2048xf32, #tpu.memory_space<vmem>> -> memref<8x2048xf32, #tpu.memory_space<vmem>>
        %gather3A_2646 = tpu.vector_load_idx %gather3A_2645[%broadcast_in_dim3A_2641, %get3A_2639] : memref<8x2048xf32, #tpu.memory_space<vmem>>[vector<16xi32>, vector<16xi32>], vector<16xf32>,
        %swap3A_2647 = arith.constant 0 : i32
        %swap3A_2648 = arith.constant 0 : i32
        %swap3A_2649 = arith.constant 0 : i32
        %swap3A_2650 = tpu.memref_slice %run_scoped3A_8[%rem3A_201, %swap3A_2648, %swap3A_2649] : memref<2x8x512xf32, #tpu.memory_space<vmem>> -> memref<1x8x512xf32, #tpu.memory_space<vmem>>
        %swap3A_2651 = tpu.memref_squeeze %swap3A_2650 : memref<1x8x512xf32, #tpu.memory_space<vmem>> -> memref<8x512xf32, #tpu.memory_space<vmem>>
        %swap3A_2652 = arith.index_cast %swap3A_2647 : i32 to index
        %swap3A_2653 = arith.constant 320 : index
        %swap3A_2654 = tpu.vector_load %swap3A_2651[%swap3A_2652, %swap3A_2653] {strides = array<i32>} : memref<8x512xf32, #tpu.memory_space<vmem>>, vector<16xf32>,
        tpu.vector_store %swap3A_2651[%swap3A_2652, %swap3A_2653], %gather3A_2646 {strides = array<i32>} : memref<8x512xf32, #tpu.memory_space<vmem>>, vector<16xf32>,
        %broadcast_in_dim3A_2655 = arith.constant 1 : i32
        %broadcast_in_dim3A_2656 = vector.broadcast %broadcast_in_dim3A_2655 : i32 to vector<16xi32>
        %gather3A_2657 = arith.constant 0 : i32
        %gather3A_2658 = arith.constant 0 : i32
        %gather3A_2659 = tpu.memref_slice %run_scoped3A[%rem3A_199, %gather3A_2657, %gather3A_2658] : memref<2x8x2048xf32, #tpu.memory_space<vmem>> -> memref<1x8x2048xf32, #tpu.memory_space<vmem>>
        %gather3A_2660 = tpu.memref_squeeze %gather3A_2659 : memref<1x8x2048xf32, #tpu.memory_space<vmem>> -> memref<8x2048xf32, #tpu.memory_space<vmem>>
        %gather3A_2661 = tpu.vector_load_idx %gather3A_2660[%broadcast_in_dim3A_2656, %get3A_2639] : memref<8x2048xf32, #tpu.memory_space<vmem>>[vector<16xi32>, vector<16xi32>], vector<16xf32>,
        %swap3A_2662 = arith.constant 1 : i32
        %swap3A_2663 = arith.constant 0 : i32
        %swap3A_2664 = arith.constant 0 : i32
        %swap3A_2665 = tpu.memref_slice %run_scoped3A_8[%rem3A_201, %swap3A_2663, %swap3A_2664] : memref<2x8x512xf32, #tpu.memory_space<vmem>> -> memref<1x8x512xf32, #tpu.memory_space<vmem>>
        %swap3A_2666 = tpu.memref_squeeze %swap3A_2665 : memref<1x8x512xf32, #tpu.memory_space<vmem>> -> memref<8x512xf32, #tpu.memory_space<vmem>>
        %swap3A_2667 = arith.index_cast %swap3A_2662 : i32 to index
        %swap3A_2668 = arith.constant 320 : index
        %swap3A_2669 = tpu.vector_load %swap3A_2666[%swap3A_2667, %swap3A_2668] {strides = array<i32>} : memref<8x512xf32, #tpu.memory_space<vmem>>, vector<16xf32>,
        tpu.vector_store %swap3A_2666[%swap3A_2667, %swap3A_2668], %gather3A_2661 {strides = array<i32>} : memref<8x512xf32, #tpu.memory_space<vmem>>, vector<16xf32>,
        %broadcast_in_dim3A_2670 = arith.constant 2 : i32
        %broadcast_in_dim3A_2671 = vector.broadcast %broadcast_in_dim3A_2670 : i32 to vector<16xi32>
        %gather3A_2672 = arith.constant 0 : i32
        %gather3A_2673 = arith.constant 0 : i32
        %gather3A_2674 = tpu.memref_slice %run_scoped3A[%rem3A_199, %gather3A_2672, %gather3A_2673] : memref<2x8x2048xf32, #tpu.memory_space<vmem>> -> memref<1x8x2048xf32, #tpu.memory_space<vmem>>
        %gather3A_2675 = tpu.memref_squeeze %gather3A_2674 : memref<1x8x2048xf32, #tpu.memory_space<vmem>> -> memref<8x2048xf32, #tpu.memory_space<vmem>>
        %gather3A_2676 = tpu.vector_load_idx %gather3A_2675[%broadcast_in_dim3A_2671, %get3A_2639] : memref<8x2048xf32, #tpu.memory_space<vmem>>[vector<16xi32>, vector<16xi32>], vector<16xf32>,
        %swap3A_2677 = arith.constant 2 : i32
        %swap3A_2678 = arith.constant 0 : i32
        %swap3A_2679 = arith.constant 0 : i32
        %swap3A_2680 = tpu.memref_slice %run_scoped3A_8[%rem3A_201, %swap3A_2678, %swap3A_2679] : memref<2x8x512xf32, #tpu.memory_space<vmem>> -> memref<1x8x512xf32, #tpu.memory_space<vmem>>
        %swap3A_2681 = tpu.memref_squeeze %swap3A_2680 : memref<1x8x512xf32, #tpu.memory_space<vmem>> -> memref<8x512xf32, #tpu.memory_space<vmem>>
        %swap3A_2682 = arith.index_cast %swap3A_2677 : i32 to index
        %swap3A_2683 = arith.constant 320 : index
        %swap3A_2684 = tpu.vector_load %swap3A_2681[%swap3A_2682, %swap3A_2683] {strides = array<i32>} : memref<8x512xf32, #tpu.memory_space<vmem>>, vector<16xf32>,
        tpu.vector_store %swap3A_2681[%swap3A_2682, %swap3A_2683], %gather3A_2676 {strides = array<i32>} : memref<8x512xf32, #tpu.memory_space<vmem>>, vector<16xf32>,
        %broadcast_in_dim3A_2685 = arith.constant 3 : i32
        %broadcast_in_dim3A_2686 = vector.broadcast %broadcast_in_dim3A_2685 : i32 to vector<16xi32>
        %gather3A_2687 = arith.constant 0 : i32
        %gather3A_2688 = arith.constant 0 : i32
        %gather3A_2689 = tpu.memref_slice %run_scoped3A[%rem3A_199, %gather3A_2687, %gather3A_2688] : memref<2x8x2048xf32, #tpu.memory_space<vmem>> -> memref<1x8x2048xf32, #tpu.memory_space<vmem>>
        %gather3A_2690 = tpu.memref_squeeze %gather3A_2689 : memref<1x8x2048xf32, #tpu.memory_space<vmem>> -> memref<8x2048xf32, #tpu.memory_space<vmem>>
        %gather3A_2691 = tpu.vector_load_idx %gather3A_2690[%broadcast_in_dim3A_2686, %get3A_2639] : memref<8x2048xf32, #tpu.memory_space<vmem>>[vector<16xi32>, vector<16xi32>], vector<16xf32>,
        %swap3A_2692 = arith.constant 3 : i32
        %swap3A_2693 = arith.constant 0 : i32
        %swap3A_2694 = arith.constant 0 : i32
        %swap3A_2695 = tpu.memref_slice %run_scoped3A_8[%rem3A_201, %swap3A_2693, %swap3A_2694] : memref<2x8x512xf32, #tpu.memory_space<vmem>> -> memref<1x8x512xf32, #tpu.memory_space<vmem>>
        %swap3A_2696 = tpu.memref_squeeze %swap3A_2695 : memref<1x8x512xf32, #tpu.memory_space<vmem>> -> memref<8x512xf32, #tpu.memory_space<vmem>>
        %swap3A_2697 = arith.index_cast %swap3A_2692 : i32 to index
        %swap3A_2698 = arith.constant 320 : index
        %swap3A_2699 = tpu.vector_load %swap3A_2696[%swap3A_2697, %swap3A_2698] {strides = array<i32>} : memref<8x512xf32, #tpu.memory_space<vmem>>, vector<16xf32>,
        tpu.vector_store %swap3A_2696[%swap3A_2697, %swap3A_2698], %gather3A_2691 {strides = array<i32>} : memref<8x512xf32, #tpu.memory_space<vmem>>, vector<16xf32>,
        %broadcast_in_dim3A_2700 = arith.constant 4 : i32
        %broadcast_in_dim3A_2701 = vector.broadcast %broadcast_in_dim3A_2700 : i32 to vector<16xi32>
        %gather3A_2702 = arith.constant 0 : i32
        %gather3A_2703 = arith.constant 0 : i32
        %gather3A_2704 = tpu.memref_slice %run_scoped3A[%rem3A_199, %gather3A_2702, %gather3A_2703] : memref<2x8x2048xf32, #tpu.memory_space<vmem>> -> memref<1x8x2048xf32, #tpu.memory_space<vmem>>
        %gather3A_2705 = tpu.memref_squeeze %gather3A_2704 : memref<1x8x2048xf32, #tpu.memory_space<vmem>> -> memref<8x2048xf32, #tpu.memory_space<vmem>>
        %gather3A_2706 = tpu.vector_load_idx %gather3A_2705[%broadcast_in_dim3A_2701, %get3A_2639] : memref<8x2048xf32, #tpu.memory_space<vmem>>[vector<16xi32>, vector<16xi32>], vector<16xf32>,
        %swap3A_2707 = arith.constant 4 : i32
        %swap3A_2708 = arith.constant 0 : i32
        %swap3A_2709 = arith.constant 0 : i32
        %swap3A_2710 = tpu.memref_slice %run_scoped3A_8[%rem3A_201, %swap3A_2708, %swap3A_2709] : memref<2x8x512xf32, #tpu.memory_space<vmem>> -> memref<1x8x512xf32, #tpu.memory_space<vmem>>
        %swap3A_2711 = tpu.memref_squeeze %swap3A_2710 : memref<1x8x512xf32, #tpu.memory_space<vmem>> -> memref<8x512xf32, #tpu.memory_space<vmem>>
        %swap3A_2712 = arith.index_cast %swap3A_2707 : i32 to index
        %swap3A_2713 = arith.constant 320 : index
        %swap3A_2714 = tpu.vector_load %swap3A_2711[%swap3A_2712, %swap3A_2713] {strides = array<i32>} : memref<8x512xf32, #tpu.memory_space<vmem>>, vector<16xf32>,
        tpu.vector_store %swap3A_2711[%swap3A_2712, %swap3A_2713], %gather3A_2706 {strides = array<i32>} : memref<8x512xf32, #tpu.memory_space<vmem>>, vector<16xf32>,
        %broadcast_in_dim3A_2715 = arith.constant 5 : i32
        %broadcast_in_dim3A_2716 = vector.broadcast %broadcast_in_dim3A_2715 : i32 to vector<16xi32>
        %gather3A_2717 = arith.constant 0 : i32
        %gather3A_2718 = arith.constant 0 : i32
        %gather3A_2719 = tpu.memref_slice %run_scoped3A[%rem3A_199, %gather3A_2717, %gather3A_2718] : memref<2x8x2048xf32, #tpu.memory_space<vmem>> -> memref<1x8x2048xf32, #tpu.memory_space<vmem>>
        %gather3A_2720 = tpu.memref_squeeze %gather3A_2719 : memref<1x8x2048xf32, #tpu.memory_space<vmem>> -> memref<8x2048xf32, #tpu.memory_space<vmem>>
        %gather3A_2721 = tpu.vector_load_idx %gather3A_2720[%broadcast_in_dim3A_2716, %get3A_2639] : memref<8x2048xf32, #tpu.memory_space<vmem>>[vector<16xi32>, vector<16xi32>], vector<16xf32>,
        %swap3A_2722 = arith.constant 5 : i32
        %swap3A_2723 = arith.constant 0 : i32
        %swap3A_2724 = arith.constant 0 : i32
        %swap3A_2725 = tpu.memref_slice %run_scoped3A_8[%rem3A_201, %swap3A_2723, %swap3A_2724] : memref<2x8x512xf32, #tpu.memory_space<vmem>> -> memref<1x8x512xf32, #tpu.memory_space<vmem>>
        %swap3A_2726 = tpu.memref_squeeze %swap3A_2725 : memref<1x8x512xf32, #tpu.memory_space<vmem>> -> memref<8x512xf32, #tpu.memory_space<vmem>>
        %swap3A_2727 = arith.index_cast %swap3A_2722 : i32 to index
        %swap3A_2728 = arith.constant 320 : index
        %swap3A_2729 = tpu.vector_load %swap3A_2726[%swap3A_2727, %swap3A_2728] {strides = array<i32>} : memref<8x512xf32, #tpu.memory_space<vmem>>, vector<16xf32>,
        tpu.vector_store %swap3A_2726[%swap3A_2727, %swap3A_2728], %gather3A_2721 {strides = array<i32>} : memref<8x512xf32, #tpu.memory_space<vmem>>, vector<16xf32>,
        %broadcast_in_dim3A_2730 = arith.constant 6 : i32
        %broadcast_in_dim3A_2731 = vector.broadcast %broadcast_in_dim3A_2730 : i32 to vector<16xi32>
        %gather3A_2732 = arith.constant 0 : i32
        %gather3A_2733 = arith.constant 0 : i32
        %gather3A_2734 = tpu.memref_slice %run_scoped3A[%rem3A_199, %gather3A_2732, %gather3A_2733] : memref<2x8x2048xf32, #tpu.memory_space<vmem>> -> memref<1x8x2048xf32, #tpu.memory_space<vmem>>
        %gather3A_2735 = tpu.memref_squeeze %gather3A_2734 : memref<1x8x2048xf32, #tpu.memory_space<vmem>> -> memref<8x2048xf32, #tpu.memory_space<vmem>>
        %gather3A_2736 = tpu.vector_load_idx %gather3A_2735[%broadcast_in_dim3A_2731, %get3A_2639] : memref<8x2048xf32, #tpu.memory_space<vmem>>[vector<16xi32>, vector<16xi32>], vector<16xf32>,
        %swap3A_2737 = arith.constant 6 : i32
        %swap3A_2738 = arith.constant 0 : i32
        %swap3A_2739 = arith.constant 0 : i32
        %swap3A_2740 = tpu.memref_slice %run_scoped3A_8[%rem3A_201, %swap3A_2738, %swap3A_2739] : memref<2x8x512xf32, #tpu.memory_space<vmem>> -> memref<1x8x512xf32, #tpu.memory_space<vmem>>
        %swap3A_2741 = tpu.memref_squeeze %swap3A_2740 : memref<1x8x512xf32, #tpu.memory_space<vmem>> -> memref<8x512xf32, #tpu.memory_space<vmem>>
        %swap3A_2742 = arith.index_cast %swap3A_2737 : i32 to index
        %swap3A_2743 = arith.constant 320 : index
        %swap3A_2744 = tpu.vector_load %swap3A_2741[%swap3A_2742, %swap3A_2743] {strides = array<i32>} : memref<8x512xf32, #tpu.memory_space<vmem>>, vector<16xf32>,
        tpu.vector_store %swap3A_2741[%swap3A_2742, %swap3A_2743], %gather3A_2736 {strides = array<i32>} : memref<8x512xf32, #tpu.memory_space<vmem>>, vector<16xf32>,
        %broadcast_in_dim3A_2745 = arith.constant 7 : i32
        %broadcast_in_dim3A_2746 = vector.broadcast %broadcast_in_dim3A_2745 : i32 to vector<16xi32>
        %gather3A_2747 = arith.constant 0 : i32
        %gather3A_2748 = arith.constant 0 : i32
        %gather3A_2749 = tpu.memref_slice %run_scoped3A[%rem3A_199, %gather3A_2747, %gather3A_2748] : memref<2x8x2048xf32, #tpu.memory_space<vmem>> -> memref<1x8x2048xf32, #tpu.memory_space<vmem>>
        %gather3A_2750 = tpu.memref_squeeze %gather3A_2749 : memref<1x8x2048xf32, #tpu.memory_space<vmem>> -> memref<8x2048xf32, #tpu.memory_space<vmem>>
        %gather3A_2751 = tpu.vector_load_idx %gather3A_2750[%broadcast_in_dim3A_2746, %get3A_2639] : memref<8x2048xf32, #tpu.memory_space<vmem>>[vector<16xi32>, vector<16xi32>], vector<16xf32>,
        %swap3A_2752 = arith.constant 7 : i32
        %swap3A_2753 = arith.constant 0 : i32
        %swap3A_2754 = arith.constant 0 : i32
        %swap3A_2755 = tpu.memref_slice %run_scoped3A_8[%rem3A_201, %swap3A_2753, %swap3A_2754] : memref<2x8x512xf32, #tpu.memory_space<vmem>> -> memref<1x8x512xf32, #tpu.memory_space<vmem>>
        %swap3A_2756 = tpu.memref_squeeze %swap3A_2755 : memref<1x8x512xf32, #tpu.memory_space<vmem>> -> memref<8x512xf32, #tpu.memory_space<vmem>>
        %swap3A_2757 = arith.index_cast %swap3A_2752 : i32 to index
        %swap3A_2758 = arith.constant 320 : index
        %swap3A_2759 = tpu.vector_load %swap3A_2756[%swap3A_2757, %swap3A_2758] {strides = array<i32>} : memref<8x512xf32, #tpu.memory_space<vmem>>, vector<16xf32>,
        tpu.vector_store %swap3A_2756[%swap3A_2757, %swap3A_2758], %gather3A_2751 {strides = array<i32>} : memref<8x512xf32, #tpu.memory_space<vmem>>, vector<16xf32>,
        %get3A_2760 = arith.constant 336 : index
        %get3A_2761 = tpu.vector_load %arg5[%get3A_2760] {strides = array<i32>} : memref<512xi32, #tpu.memory_space<vmem>>, vector<16xi32>,
        %broadcast_in_dim3A_2762 = arith.constant 0 : i32
        %broadcast_in_dim3A_2763 = vector.broadcast %broadcast_in_dim3A_2762 : i32 to vector<16xi32>
        %gather3A_2764 = arith.constant 0 : i32
        %gather3A_2765 = arith.constant 0 : i32
        %gather3A_2766 = tpu.memref_slice %run_scoped3A[%rem3A_199, %gather3A_2764, %gather3A_2765] : memref<2x8x2048xf32, #tpu.memory_space<vmem>> -> memref<1x8x2048xf32, #tpu.memory_space<vmem>>
        %gather3A_2767 = tpu.memref_squeeze %gather3A_2766 : memref<1x8x2048xf32, #tpu.memory_space<vmem>> -> memref<8x2048xf32, #tpu.memory_space<vmem>>
        %gather3A_2768 = tpu.vector_load_idx %gather3A_2767[%broadcast_in_dim3A_2763, %get3A_2761] : memref<8x2048xf32, #tpu.memory_space<vmem>>[vector<16xi32>, vector<16xi32>], vector<16xf32>,
        %swap3A_2769 = arith.constant 0 : i32
        %swap3A_2770 = arith.constant 0 : i32
        %swap3A_2771 = arith.constant 0 : i32
        %swap3A_2772 = tpu.memref_slice %run_scoped3A_8[%rem3A_201, %swap3A_2770, %swap3A_2771] : memref<2x8x512xf32, #tpu.memory_space<vmem>> -> memref<1x8x512xf32, #tpu.memory_space<vmem>>
        %swap3A_2773 = tpu.memref_squeeze %swap3A_2772 : memref<1x8x512xf32, #tpu.memory_space<vmem>> -> memref<8x512xf32, #tpu.memory_space<vmem>>
        %swap3A_2774 = arith.index_cast %swap3A_2769 : i32 to index
        %swap3A_2775 = arith.constant 336 : index
        %swap3A_2776 = tpu.vector_load %swap3A_2773[%swap3A_2774, %swap3A_2775] {strides = array<i32>} : memref<8x512xf32, #tpu.memory_space<vmem>>, vector<16xf32>,
        tpu.vector_store %swap3A_2773[%swap3A_2774, %swap3A_2775], %gather3A_2768 {strides = array<i32>} : memref<8x512xf32, #tpu.memory_space<vmem>>, vector<16xf32>,
        %broadcast_in_dim3A_2777 = arith.constant 1 : i32
        %broadcast_in_dim3A_2778 = vector.broadcast %broadcast_in_dim3A_2777 : i32 to vector<16xi32>
        %gather3A_2779 = arith.constant 0 : i32
        %gather3A_2780 = arith.constant 0 : i32
        %gather3A_2781 = tpu.memref_slice %run_scoped3A[%rem3A_199, %gather3A_2779, %gather3A_2780] : memref<2x8x2048xf32, #tpu.memory_space<vmem>> -> memref<1x8x2048xf32, #tpu.memory_space<vmem>>
        %gather3A_2782 = tpu.memref_squeeze %gather3A_2781 : memref<1x8x2048xf32, #tpu.memory_space<vmem>> -> memref<8x2048xf32, #tpu.memory_space<vmem>>
        %gather3A_2783 = tpu.vector_load_idx %gather3A_2782[%broadcast_in_dim3A_2778, %get3A_2761] : memref<8x2048xf32, #tpu.memory_space<vmem>>[vector<16xi32>, vector<16xi32>], vector<16xf32>,
        %swap3A_2784 = arith.constant 1 : i32
        %swap3A_2785 = arith.constant 0 : i32
        %swap3A_2786 = arith.constant 0 : i32
        %swap3A_2787 = tpu.memref_slice %run_scoped3A_8[%rem3A_201, %swap3A_2785, %swap3A_2786] : memref<2x8x512xf32, #tpu.memory_space<vmem>> -> memref<1x8x512xf32, #tpu.memory_space<vmem>>
        %swap3A_2788 = tpu.memref_squeeze %swap3A_2787 : memref<1x8x512xf32, #tpu.memory_space<vmem>> -> memref<8x512xf32, #tpu.memory_space<vmem>>
        %swap3A_2789 = arith.index_cast %swap3A_2784 : i32 to index
        %swap3A_2790 = arith.constant 336 : index
        %swap3A_2791 = tpu.vector_load %swap3A_2788[%swap3A_2789, %swap3A_2790] {strides = array<i32>} : memref<8x512xf32, #tpu.memory_space<vmem>>, vector<16xf32>,
        tpu.vector_store %swap3A_2788[%swap3A_2789, %swap3A_2790], %gather3A_2783 {strides = array<i32>} : memref<8x512xf32, #tpu.memory_space<vmem>>, vector<16xf32>,
        %broadcast_in_dim3A_2792 = arith.constant 2 : i32
        %broadcast_in_dim3A_2793 = vector.broadcast %broadcast_in_dim3A_2792 : i32 to vector<16xi32>
        %gather3A_2794 = arith.constant 0 : i32
        %gather3A_2795 = arith.constant 0 : i32
        %gather3A_2796 = tpu.memref_slice %run_scoped3A[%rem3A_199, %gather3A_2794, %gather3A_2795] : memref<2x8x2048xf32, #tpu.memory_space<vmem>> -> memref<1x8x2048xf32, #tpu.memory_space<vmem>>
        %gather3A_2797 = tpu.memref_squeeze %gather3A_2796 : memref<1x8x2048xf32, #tpu.memory_space<vmem>> -> memref<8x2048xf32, #tpu.memory_space<vmem>>
        %gather3A_2798 = tpu.vector_load_idx %gather3A_2797[%broadcast_in_dim3A_2793, %get3A_2761] : memref<8x2048xf32, #tpu.memory_space<vmem>>[vector<16xi32>, vector<16xi32>], vector<16xf32>,
        %swap3A_2799 = arith.constant 2 : i32
        %swap3A_2800 = arith.constant 0 : i32
        %swap3A_2801 = arith.constant 0 : i32
        %swap3A_2802 = tpu.memref_slice %run_scoped3A_8[%rem3A_201, %swap3A_2800, %swap3A_2801] : memref<2x8x512xf32, #tpu.memory_space<vmem>> -> memref<1x8x512xf32, #tpu.memory_space<vmem>>
        %swap3A_2803 = tpu.memref_squeeze %swap3A_2802 : memref<1x8x512xf32, #tpu.memory_space<vmem>> -> memref<8x512xf32, #tpu.memory_space<vmem>>
        %swap3A_2804 = arith.index_cast %swap3A_2799 : i32 to index
        %swap3A_2805 = arith.constant 336 : index
        %swap3A_2806 = tpu.vector_load %swap3A_2803[%swap3A_2804, %swap3A_2805] {strides = array<i32>} : memref<8x512xf32, #tpu.memory_space<vmem>>, vector<16xf32>,
        tpu.vector_store %swap3A_2803[%swap3A_2804, %swap3A_2805], %gather3A_2798 {strides = array<i32>} : memref<8x512xf32, #tpu.memory_space<vmem>>, vector<16xf32>,
        %broadcast_in_dim3A_2807 = arith.constant 3 : i32
        %broadcast_in_dim3A_2808 = vector.broadcast %broadcast_in_dim3A_2807 : i32 to vector<16xi32>
        %gather3A_2809 = arith.constant 0 : i32
        %gather3A_2810 = arith.constant 0 : i32
        %gather3A_2811 = tpu.memref_slice %run_scoped3A[%rem3A_199, %gather3A_2809, %gather3A_2810] : memref<2x8x2048xf32, #tpu.memory_space<vmem>> -> memref<1x8x2048xf32, #tpu.memory_space<vmem>>
        %gather3A_2812 = tpu.memref_squeeze %gather3A_2811 : memref<1x8x2048xf32, #tpu.memory_space<vmem>> -> memref<8x2048xf32, #tpu.memory_space<vmem>>
        %gather3A_2813 = tpu.vector_load_idx %gather3A_2812[%broadcast_in_dim3A_2808, %get3A_2761] : memref<8x2048xf32, #tpu.memory_space<vmem>>[vector<16xi32>, vector<16xi32>], vector<16xf32>,
        %swap3A_2814 = arith.constant 3 : i32
        %swap3A_2815 = arith.constant 0 : i32
        %swap3A_2816 = arith.constant 0 : i32
        %swap3A_2817 = tpu.memref_slice %run_scoped3A_8[%rem3A_201, %swap3A_2815, %swap3A_2816] : memref<2x8x512xf32, #tpu.memory_space<vmem>> -> memref<1x8x512xf32, #tpu.memory_space<vmem>>
        %swap3A_2818 = tpu.memref_squeeze %swap3A_2817 : memref<1x8x512xf32, #tpu.memory_space<vmem>> -> memref<8x512xf32, #tpu.memory_space<vmem>>
        %swap3A_2819 = arith.index_cast %swap3A_2814 : i32 to index
        %swap3A_2820 = arith.constant 336 : index
        %swap3A_2821 = tpu.vector_load %swap3A_2818[%swap3A_2819, %swap3A_2820] {strides = array<i32>} : memref<8x512xf32, #tpu.memory_space<vmem>>, vector<16xf32>,
        tpu.vector_store %swap3A_2818[%swap3A_2819, %swap3A_2820], %gather3A_2813 {strides = array<i32>} : memref<8x512xf32, #tpu.memory_space<vmem>>, vector<16xf32>,
        %broadcast_in_dim3A_2822 = arith.constant 4 : i32
        %broadcast_in_dim3A_2823 = vector.broadcast %broadcast_in_dim3A_2822 : i32 to vector<16xi32>
        %gather3A_2824 = arith.constant 0 : i32
        %gather3A_2825 = arith.constant 0 : i32
        %gather3A_2826 = tpu.memref_slice %run_scoped3A[%rem3A_199, %gather3A_2824, %gather3A_2825] : memref<2x8x2048xf32, #tpu.memory_space<vmem>> -> memref<1x8x2048xf32, #tpu.memory_space<vmem>>
        %gather3A_2827 = tpu.memref_squeeze %gather3A_2826 : memref<1x8x2048xf32, #tpu.memory_space<vmem>> -> memref<8x2048xf32, #tpu.memory_space<vmem>>
        %gather3A_2828 = tpu.vector_load_idx %gather3A_2827[%broadcast_in_dim3A_2823, %get3A_2761] : memref<8x2048xf32, #tpu.memory_space<vmem>>[vector<16xi32>, vector<16xi32>], vector<16xf32>,
        %swap3A_2829 = arith.constant 4 : i32
        %swap3A_2830 = arith.constant 0 : i32
        %swap3A_2831 = arith.constant 0 : i32
        %swap3A_2832 = tpu.memref_slice %run_scoped3A_8[%rem3A_201, %swap3A_2830, %swap3A_2831] : memref<2x8x512xf32, #tpu.memory_space<vmem>> -> memref<1x8x512xf32, #tpu.memory_space<vmem>>
        %swap3A_2833 = tpu.memref_squeeze %swap3A_2832 : memref<1x8x512xf32, #tpu.memory_space<vmem>> -> memref<8x512xf32, #tpu.memory_space<vmem>>
        %swap3A_2834 = arith.index_cast %swap3A_2829 : i32 to index
        %swap3A_2835 = arith.constant 336 : index
        %swap3A_2836 = tpu.vector_load %swap3A_2833[%swap3A_2834, %swap3A_2835] {strides = array<i32>} : memref<8x512xf32, #tpu.memory_space<vmem>>, vector<16xf32>,
        tpu.vector_store %swap3A_2833[%swap3A_2834, %swap3A_2835], %gather3A_2828 {strides = array<i32>} : memref<8x512xf32, #tpu.memory_space<vmem>>, vector<16xf32>,
        %broadcast_in_dim3A_2837 = arith.constant 5 : i32
        %broadcast_in_dim3A_2838 = vector.broadcast %broadcast_in_dim3A_2837 : i32 to vector<16xi32>
        %gather3A_2839 = arith.constant 0 : i32
        %gather3A_2840 = arith.constant 0 : i32
        %gather3A_2841 = tpu.memref_slice %run_scoped3A[%rem3A_199, %gather3A_2839, %gather3A_2840] : memref<2x8x2048xf32, #tpu.memory_space<vmem>> -> memref<1x8x2048xf32, #tpu.memory_space<vmem>>
        %gather3A_2842 = tpu.memref_squeeze %gather3A_2841 : memref<1x8x2048xf32, #tpu.memory_space<vmem>> -> memref<8x2048xf32, #tpu.memory_space<vmem>>
        %gather3A_2843 = tpu.vector_load_idx %gather3A_2842[%broadcast_in_dim3A_2838, %get3A_2761] : memref<8x2048xf32, #tpu.memory_space<vmem>>[vector<16xi32>, vector<16xi32>], vector<16xf32>,
        %swap3A_2844 = arith.constant 5 : i32
        %swap3A_2845 = arith.constant 0 : i32
        %swap3A_2846 = arith.constant 0 : i32
        %swap3A_2847 = tpu.memref_slice %run_scoped3A_8[%rem3A_201, %swap3A_2845, %swap3A_2846] : memref<2x8x512xf32, #tpu.memory_space<vmem>> -> memref<1x8x512xf32, #tpu.memory_space<vmem>>
        %swap3A_2848 = tpu.memref_squeeze %swap3A_2847 : memref<1x8x512xf32, #tpu.memory_space<vmem>> -> memref<8x512xf32, #tpu.memory_space<vmem>>
        %swap3A_2849 = arith.index_cast %swap3A_2844 : i32 to index
        %swap3A_2850 = arith.constant 336 : index
        %swap3A_2851 = tpu.vector_load %swap3A_2848[%swap3A_2849, %swap3A_2850] {strides = array<i32>} : memref<8x512xf32, #tpu.memory_space<vmem>>, vector<16xf32>,
        tpu.vector_store %swap3A_2848[%swap3A_2849, %swap3A_2850], %gather3A_2843 {strides = array<i32>} : memref<8x512xf32, #tpu.memory_space<vmem>>, vector<16xf32>,
        %broadcast_in_dim3A_2852 = arith.constant 6 : i32
        %broadcast_in_dim3A_2853 = vector.broadcast %broadcast_in_dim3A_2852 : i32 to vector<16xi32>
        %gather3A_2854 = arith.constant 0 : i32
        %gather3A_2855 = arith.constant 0 : i32
        %gather3A_2856 = tpu.memref_slice %run_scoped3A[%rem3A_199, %gather3A_2854, %gather3A_2855] : memref<2x8x2048xf32, #tpu.memory_space<vmem>> -> memref<1x8x2048xf32, #tpu.memory_space<vmem>>
        %gather3A_2857 = tpu.memref_squeeze %gather3A_2856 : memref<1x8x2048xf32, #tpu.memory_space<vmem>> -> memref<8x2048xf32, #tpu.memory_space<vmem>>
        %gather3A_2858 = tpu.vector_load_idx %gather3A_2857[%broadcast_in_dim3A_2853, %get3A_2761] : memref<8x2048xf32, #tpu.memory_space<vmem>>[vector<16xi32>, vector<16xi32>], vector<16xf32>,
        %swap3A_2859 = arith.constant 6 : i32
        %swap3A_2860 = arith.constant 0 : i32
        %swap3A_2861 = arith.constant 0 : i32
        %swap3A_2862 = tpu.memref_slice %run_scoped3A_8[%rem3A_201, %swap3A_2860, %swap3A_2861] : memref<2x8x512xf32, #tpu.memory_space<vmem>> -> memref<1x8x512xf32, #tpu.memory_space<vmem>>
        %swap3A_2863 = tpu.memref_squeeze %swap3A_2862 : memref<1x8x512xf32, #tpu.memory_space<vmem>> -> memref<8x512xf32, #tpu.memory_space<vmem>>
        %swap3A_2864 = arith.index_cast %swap3A_2859 : i32 to index
        %swap3A_2865 = arith.constant 336 : index
        %swap3A_2866 = tpu.vector_load %swap3A_2863[%swap3A_2864, %swap3A_2865] {strides = array<i32>} : memref<8x512xf32, #tpu.memory_space<vmem>>, vector<16xf32>,
        tpu.vector_store %swap3A_2863[%swap3A_2864, %swap3A_2865], %gather3A_2858 {strides = array<i32>} : memref<8x512xf32, #tpu.memory_space<vmem>>, vector<16xf32>,
        %broadcast_in_dim3A_2867 = arith.constant 7 : i32
        %broadcast_in_dim3A_2868 = vector.broadcast %broadcast_in_dim3A_2867 : i32 to vector<16xi32>
        %gather3A_2869 = arith.constant 0 : i32
        %gather3A_2870 = arith.constant 0 : i32
        %gather3A_2871 = tpu.memref_slice %run_scoped3A[%rem3A_199, %gather3A_2869, %gather3A_2870] : memref<2x8x2048xf32, #tpu.memory_space<vmem>> -> memref<1x8x2048xf32, #tpu.memory_space<vmem>>
        %gather3A_2872 = tpu.memref_squeeze %gather3A_2871 : memref<1x8x2048xf32, #tpu.memory_space<vmem>> -> memref<8x2048xf32, #tpu.memory_space<vmem>>
        %gather3A_2873 = tpu.vector_load_idx %gather3A_2872[%broadcast_in_dim3A_2868, %get3A_2761] : memref<8x2048xf32, #tpu.memory_space<vmem>>[vector<16xi32>, vector<16xi32>], vector<16xf32>,
        %swap3A_2874 = arith.constant 7 : i32
        %swap3A_2875 = arith.constant 0 : i32
        %swap3A_2876 = arith.constant 0 : i32
        %swap3A_2877 = tpu.memref_slice %run_scoped3A_8[%rem3A_201, %swap3A_2875, %swap3A_2876] : memref<2x8x512xf32, #tpu.memory_space<vmem>> -> memref<1x8x512xf32, #tpu.memory_space<vmem>>
        %swap3A_2878 = tpu.memref_squeeze %swap3A_2877 : memref<1x8x512xf32, #tpu.memory_space<vmem>> -> memref<8x512xf32, #tpu.memory_space<vmem>>
        %swap3A_2879 = arith.index_cast %swap3A_2874 : i32 to index
        %swap3A_2880 = arith.constant 336 : index
        %swap3A_2881 = tpu.vector_load %swap3A_2878[%swap3A_2879, %swap3A_2880] {strides = array<i32>} : memref<8x512xf32, #tpu.memory_space<vmem>>, vector<16xf32>,
        tpu.vector_store %swap3A_2878[%swap3A_2879, %swap3A_2880], %gather3A_2873 {strides = array<i32>} : memref<8x512xf32, #tpu.memory_space<vmem>>, vector<16xf32>,
        %get3A_2882 = arith.constant 352 : index
        %get3A_2883 = tpu.vector_load %arg5[%get3A_2882] {strides = array<i32>} : memref<512xi32, #tpu.memory_space<vmem>>, vector<16xi32>,
        %broadcast_in_dim3A_2884 = arith.constant 0 : i32
        %broadcast_in_dim3A_2885 = vector.broadcast %broadcast_in_dim3A_2884 : i32 to vector<16xi32>
        %gather3A_2886 = arith.constant 0 : i32
        %gather3A_2887 = arith.constant 0 : i32
        %gather3A_2888 = tpu.memref_slice %run_scoped3A[%rem3A_199, %gather3A_2886, %gather3A_2887] : memref<2x8x2048xf32, #tpu.memory_space<vmem>> -> memref<1x8x2048xf32, #tpu.memory_space<vmem>>
        %gather3A_2889 = tpu.memref_squeeze %gather3A_2888 : memref<1x8x2048xf32, #tpu.memory_space<vmem>> -> memref<8x2048xf32, #tpu.memory_space<vmem>>
        %gather3A_2890 = tpu.vector_load_idx %gather3A_2889[%broadcast_in_dim3A_2885, %get3A_2883] : memref<8x2048xf32, #tpu.memory_space<vmem>>[vector<16xi32>, vector<16xi32>], vector<16xf32>,
        %swap3A_2891 = arith.constant 0 : i32
        %swap3A_2892 = arith.constant 0 : i32
        %swap3A_2893 = arith.constant 0 : i32
        %swap3A_2894 = tpu.memref_slice %run_scoped3A_8[%rem3A_201, %swap3A_2892, %swap3A_2893] : memref<2x8x512xf32, #tpu.memory_space<vmem>> -> memref<1x8x512xf32, #tpu.memory_space<vmem>>
        %swap3A_2895 = tpu.memref_squeeze %swap3A_2894 : memref<1x8x512xf32, #tpu.memory_space<vmem>> -> memref<8x512xf32, #tpu.memory_space<vmem>>
        %swap3A_2896 = arith.index_cast %swap3A_2891 : i32 to index
        %swap3A_2897 = arith.constant 352 : index
        %swap3A_2898 = tpu.vector_load %swap3A_2895[%swap3A_2896, %swap3A_2897] {strides = array<i32>} : memref<8x512xf32, #tpu.memory_space<vmem>>, vector<16xf32>,
        tpu.vector_store %swap3A_2895[%swap3A_2896, %swap3A_2897], %gather3A_2890 {strides = array<i32>} : memref<8x512xf32, #tpu.memory_space<vmem>>, vector<16xf32>,
        %broadcast_in_dim3A_2899 = arith.constant 1 : i32
        %broadcast_in_dim3A_2900 = vector.broadcast %broadcast_in_dim3A_2899 : i32 to vector<16xi32>
        %gather3A_2901 = arith.constant 0 : i32
        %gather3A_2902 = arith.constant 0 : i32
        %gather3A_2903 = tpu.memref_slice %run_scoped3A[%rem3A_199, %gather3A_2901, %gather3A_2902] : memref<2x8x2048xf32, #tpu.memory_space<vmem>> -> memref<1x8x2048xf32, #tpu.memory_space<vmem>>
        %gather3A_2904 = tpu.memref_squeeze %gather3A_2903 : memref<1x8x2048xf32, #tpu.memory_space<vmem>> -> memref<8x2048xf32, #tpu.memory_space<vmem>>
        %gather3A_2905 = tpu.vector_load_idx %gather3A_2904[%broadcast_in_dim3A_2900, %get3A_2883] : memref<8x2048xf32, #tpu.memory_space<vmem>>[vector<16xi32>, vector<16xi32>], vector<16xf32>,
        %swap3A_2906 = arith.constant 1 : i32
        %swap3A_2907 = arith.constant 0 : i32
        %swap3A_2908 = arith.constant 0 : i32
        %swap3A_2909 = tpu.memref_slice %run_scoped3A_8[%rem3A_201, %swap3A_2907, %swap3A_2908] : memref<2x8x512xf32, #tpu.memory_space<vmem>> -> memref<1x8x512xf32, #tpu.memory_space<vmem>>
        %swap3A_2910 = tpu.memref_squeeze %swap3A_2909 : memref<1x8x512xf32, #tpu.memory_space<vmem>> -> memref<8x512xf32, #tpu.memory_space<vmem>>
        %swap3A_2911 = arith.index_cast %swap3A_2906 : i32 to index
        %swap3A_2912 = arith.constant 352 : index
        %swap3A_2913 = tpu.vector_load %swap3A_2910[%swap3A_2911, %swap3A_2912] {strides = array<i32>} : memref<8x512xf32, #tpu.memory_space<vmem>>, vector<16xf32>,
        tpu.vector_store %swap3A_2910[%swap3A_2911, %swap3A_2912], %gather3A_2905 {strides = array<i32>} : memref<8x512xf32, #tpu.memory_space<vmem>>, vector<16xf32>,
        %broadcast_in_dim3A_2914 = arith.constant 2 : i32
        %broadcast_in_dim3A_2915 = vector.broadcast %broadcast_in_dim3A_2914 : i32 to vector<16xi32>
        %gather3A_2916 = arith.constant 0 : i32
        %gather3A_2917 = arith.constant 0 : i32
        %gather3A_2918 = tpu.memref_slice %run_scoped3A[%rem3A_199, %gather3A_2916, %gather3A_2917] : memref<2x8x2048xf32, #tpu.memory_space<vmem>> -> memref<1x8x2048xf32, #tpu.memory_space<vmem>>
        %gather3A_2919 = tpu.memref_squeeze %gather3A_2918 : memref<1x8x2048xf32, #tpu.memory_space<vmem>> -> memref<8x2048xf32, #tpu.memory_space<vmem>>
        %gather3A_2920 = tpu.vector_load_idx %gather3A_2919[%broadcast_in_dim3A_2915, %get3A_2883] : memref<8x2048xf32, #tpu.memory_space<vmem>>[vector<16xi32>, vector<16xi32>], vector<16xf32>,
        %swap3A_2921 = arith.constant 2 : i32
        %swap3A_2922 = arith.constant 0 : i32
        %swap3A_2923 = arith.constant 0 : i32
        %swap3A_2924 = tpu.memref_slice %run_scoped3A_8[%rem3A_201, %swap3A_2922, %swap3A_2923] : memref<2x8x512xf32, #tpu.memory_space<vmem>> -> memref<1x8x512xf32, #tpu.memory_space<vmem>>
        %swap3A_2925 = tpu.memref_squeeze %swap3A_2924 : memref<1x8x512xf32, #tpu.memory_space<vmem>> -> memref<8x512xf32, #tpu.memory_space<vmem>>
        %swap3A_2926 = arith.index_cast %swap3A_2921 : i32 to index
        %swap3A_2927 = arith.constant 352 : index
        %swap3A_2928 = tpu.vector_load %swap3A_2925[%swap3A_2926, %swap3A_2927] {strides = array<i32>} : memref<8x512xf32, #tpu.memory_space<vmem>>, vector<16xf32>,
        tpu.vector_store %swap3A_2925[%swap3A_2926, %swap3A_2927], %gather3A_2920 {strides = array<i32>} : memref<8x512xf32, #tpu.memory_space<vmem>>, vector<16xf32>,
        %broadcast_in_dim3A_2929 = arith.constant 3 : i32
        %broadcast_in_dim3A_2930 = vector.broadcast %broadcast_in_dim3A_2929 : i32 to vector<16xi32>
        %gather3A_2931 = arith.constant 0 : i32
        %gather3A_2932 = arith.constant 0 : i32
        %gather3A_2933 = tpu.memref_slice %run_scoped3A[%rem3A_199, %gather3A_2931, %gather3A_2932] : memref<2x8x2048xf32, #tpu.memory_space<vmem>> -> memref<1x8x2048xf32, #tpu.memory_space<vmem>>
        %gather3A_2934 = tpu.memref_squeeze %gather3A_2933 : memref<1x8x2048xf32, #tpu.memory_space<vmem>> -> memref<8x2048xf32, #tpu.memory_space<vmem>>
        %gather3A_2935 = tpu.vector_load_idx %gather3A_2934[%broadcast_in_dim3A_2930, %get3A_2883] : memref<8x2048xf32, #tpu.memory_space<vmem>>[vector<16xi32>, vector<16xi32>], vector<16xf32>,
        %swap3A_2936 = arith.constant 3 : i32
        %swap3A_2937 = arith.constant 0 : i32
        %swap3A_2938 = arith.constant 0 : i32
        %swap3A_2939 = tpu.memref_slice %run_scoped3A_8[%rem3A_201, %swap3A_2937, %swap3A_2938] : memref<2x8x512xf32, #tpu.memory_space<vmem>> -> memref<1x8x512xf32, #tpu.memory_space<vmem>>
        %swap3A_2940 = tpu.memref_squeeze %swap3A_2939 : memref<1x8x512xf32, #tpu.memory_space<vmem>> -> memref<8x512xf32, #tpu.memory_space<vmem>>
        %swap3A_2941 = arith.index_cast %swap3A_2936 : i32 to index
        %swap3A_2942 = arith.constant 352 : index
        %swap3A_2943 = tpu.vector_load %swap3A_2940[%swap3A_2941, %swap3A_2942] {strides = array<i32>} : memref<8x512xf32, #tpu.memory_space<vmem>>, vector<16xf32>,
        tpu.vector_store %swap3A_2940[%swap3A_2941, %swap3A_2942], %gather3A_2935 {strides = array<i32>} : memref<8x512xf32, #tpu.memory_space<vmem>>, vector<16xf32>,
        %broadcast_in_dim3A_2944 = arith.constant 4 : i32
        %broadcast_in_dim3A_2945 = vector.broadcast %broadcast_in_dim3A_2944 : i32 to vector<16xi32>
        %gather3A_2946 = arith.constant 0 : i32
        %gather3A_2947 = arith.constant 0 : i32
        %gather3A_2948 = tpu.memref_slice %run_scoped3A[%rem3A_199, %gather3A_2946, %gather3A_2947] : memref<2x8x2048xf32, #tpu.memory_space<vmem>> -> memref<1x8x2048xf32, #tpu.memory_space<vmem>>
        %gather3A_2949 = tpu.memref_squeeze %gather3A_2948 : memref<1x8x2048xf32, #tpu.memory_space<vmem>> -> memref<8x2048xf32, #tpu.memory_space<vmem>>
        %gather3A_2950 = tpu.vector_load_idx %gather3A_2949[%broadcast_in_dim3A_2945, %get3A_2883] : memref<8x2048xf32, #tpu.memory_space<vmem>>[vector<16xi32>, vector<16xi32>], vector<16xf32>,
        %swap3A_2951 = arith.constant 4 : i32
        %swap3A_2952 = arith.constant 0 : i32
        %swap3A_2953 = arith.constant 0 : i32
        %swap3A_2954 = tpu.memref_slice %run_scoped3A_8[%rem3A_201, %swap3A_2952, %swap3A_2953] : memref<2x8x512xf32, #tpu.memory_space<vmem>> -> memref<1x8x512xf32, #tpu.memory_space<vmem>>
        %swap3A_2955 = tpu.memref_squeeze %swap3A_2954 : memref<1x8x512xf32, #tpu.memory_space<vmem>> -> memref<8x512xf32, #tpu.memory_space<vmem>>
        %swap3A_2956 = arith.index_cast %swap3A_2951 : i32 to index
        %swap3A_2957 = arith.constant 352 : index
        %swap3A_2958 = tpu.vector_load %swap3A_2955[%swap3A_2956, %swap3A_2957] {strides = array<i32>} : memref<8x512xf32, #tpu.memory_space<vmem>>, vector<16xf32>,
        tpu.vector_store %swap3A_2955[%swap3A_2956, %swap3A_2957], %gather3A_2950 {strides = array<i32>} : memref<8x512xf32, #tpu.memory_space<vmem>>, vector<16xf32>,
        %broadcast_in_dim3A_2959 = arith.constant 5 : i32
        %broadcast_in_dim3A_2960 = vector.broadcast %broadcast_in_dim3A_2959 : i32 to vector<16xi32>
        %gather3A_2961 = arith.constant 0 : i32
        %gather3A_2962 = arith.constant 0 : i32
        %gather3A_2963 = tpu.memref_slice %run_scoped3A[%rem3A_199, %gather3A_2961, %gather3A_2962] : memref<2x8x2048xf32, #tpu.memory_space<vmem>> -> memref<1x8x2048xf32, #tpu.memory_space<vmem>>
        %gather3A_2964 = tpu.memref_squeeze %gather3A_2963 : memref<1x8x2048xf32, #tpu.memory_space<vmem>> -> memref<8x2048xf32, #tpu.memory_space<vmem>>
        %gather3A_2965 = tpu.vector_load_idx %gather3A_2964[%broadcast_in_dim3A_2960, %get3A_2883] : memref<8x2048xf32, #tpu.memory_space<vmem>>[vector<16xi32>, vector<16xi32>], vector<16xf32>,
        %swap3A_2966 = arith.constant 5 : i32
        %swap3A_2967 = arith.constant 0 : i32
        %swap3A_2968 = arith.constant 0 : i32
        %swap3A_2969 = tpu.memref_slice %run_scoped3A_8[%rem3A_201, %swap3A_2967, %swap3A_2968] : memref<2x8x512xf32, #tpu.memory_space<vmem>> -> memref<1x8x512xf32, #tpu.memory_space<vmem>>
        %swap3A_2970 = tpu.memref_squeeze %swap3A_2969 : memref<1x8x512xf32, #tpu.memory_space<vmem>> -> memref<8x512xf32, #tpu.memory_space<vmem>>
        %swap3A_2971 = arith.index_cast %swap3A_2966 : i32 to index
        %swap3A_2972 = arith.constant 352 : index
        %swap3A_2973 = tpu.vector_load %swap3A_2970[%swap3A_2971, %swap3A_2972] {strides = array<i32>} : memref<8x512xf32, #tpu.memory_space<vmem>>, vector<16xf32>,
        tpu.vector_store %swap3A_2970[%swap3A_2971, %swap3A_2972], %gather3A_2965 {strides = array<i32>} : memref<8x512xf32, #tpu.memory_space<vmem>>, vector<16xf32>,
        %broadcast_in_dim3A_2974 = arith.constant 6 : i32
        %broadcast_in_dim3A_2975 = vector.broadcast %broadcast_in_dim3A_2974 : i32 to vector<16xi32>
        %gather3A_2976 = arith.constant 0 : i32
        %gather3A_2977 = arith.constant 0 : i32
        %gather3A_2978 = tpu.memref_slice %run_scoped3A[%rem3A_199, %gather3A_2976, %gather3A_2977] : memref<2x8x2048xf32, #tpu.memory_space<vmem>> -> memref<1x8x2048xf32, #tpu.memory_space<vmem>>
        %gather3A_2979 = tpu.memref_squeeze %gather3A_2978 : memref<1x8x2048xf32, #tpu.memory_space<vmem>> -> memref<8x2048xf32, #tpu.memory_space<vmem>>
        %gather3A_2980 = tpu.vector_load_idx %gather3A_2979[%broadcast_in_dim3A_2975, %get3A_2883] : memref<8x2048xf32, #tpu.memory_space<vmem>>[vector<16xi32>, vector<16xi32>], vector<16xf32>,
        %swap3A_2981 = arith.constant 6 : i32
        %swap3A_2982 = arith.constant 0 : i32
        %swap3A_2983 = arith.constant 0 : i32
        %swap3A_2984 = tpu.memref_slice %run_scoped3A_8[%rem3A_201, %swap3A_2982, %swap3A_2983] : memref<2x8x512xf32, #tpu.memory_space<vmem>> -> memref<1x8x512xf32, #tpu.memory_space<vmem>>
        %swap3A_2985 = tpu.memref_squeeze %swap3A_2984 : memref<1x8x512xf32, #tpu.memory_space<vmem>> -> memref<8x512xf32, #tpu.memory_space<vmem>>
        %swap3A_2986 = arith.index_cast %swap3A_2981 : i32 to index
        %swap3A_2987 = arith.constant 352 : index
        %swap3A_2988 = tpu.vector_load %swap3A_2985[%swap3A_2986, %swap3A_2987] {strides = array<i32>} : memref<8x512xf32, #tpu.memory_space<vmem>>, vector<16xf32>,
        tpu.vector_store %swap3A_2985[%swap3A_2986, %swap3A_2987], %gather3A_2980 {strides = array<i32>} : memref<8x512xf32, #tpu.memory_space<vmem>>, vector<16xf32>,
        %broadcast_in_dim3A_2989 = arith.constant 7 : i32
        %broadcast_in_dim3A_2990 = vector.broadcast %broadcast_in_dim3A_2989 : i32 to vector<16xi32>
        %gather3A_2991 = arith.constant 0 : i32
        %gather3A_2992 = arith.constant 0 : i32
        %gather3A_2993 = tpu.memref_slice %run_scoped3A[%rem3A_199, %gather3A_2991, %gather3A_2992] : memref<2x8x2048xf32, #tpu.memory_space<vmem>> -> memref<1x8x2048xf32, #tpu.memory_space<vmem>>
        %gather3A_2994 = tpu.memref_squeeze %gather3A_2993 : memref<1x8x2048xf32, #tpu.memory_space<vmem>> -> memref<8x2048xf32, #tpu.memory_space<vmem>>
        %gather3A_2995 = tpu.vector_load_idx %gather3A_2994[%broadcast_in_dim3A_2990, %get3A_2883] : memref<8x2048xf32, #tpu.memory_space<vmem>>[vector<16xi32>, vector<16xi32>], vector<16xf32>,
        %swap3A_2996 = arith.constant 7 : i32
        %swap3A_2997 = arith.constant 0 : i32
        %swap3A_2998 = arith.constant 0 : i32
        %swap3A_2999 = tpu.memref_slice %run_scoped3A_8[%rem3A_201, %swap3A_2997, %swap3A_2998] : memref<2x8x512xf32, #tpu.memory_space<vmem>> -> memref<1x8x512xf32, #tpu.memory_space<vmem>>
        %swap3A_3000 = tpu.memref_squeeze %swap3A_2999 : memref<1x8x512xf32, #tpu.memory_space<vmem>> -> memref<8x512xf32, #tpu.memory_space<vmem>>
        %swap3A_3001 = arith.index_cast %swap3A_2996 : i32 to index
        %swap3A_3002 = arith.constant 352 : index
        %swap3A_3003 = tpu.vector_load %swap3A_3000[%swap3A_3001, %swap3A_3002] {strides = array<i32>} : memref<8x512xf32, #tpu.memory_space<vmem>>, vector<16xf32>,
        tpu.vector_store %swap3A_3000[%swap3A_3001, %swap3A_3002], %gather3A_2995 {strides = array<i32>} : memref<8x512xf32, #tpu.memory_space<vmem>>, vector<16xf32>,
        %get3A_3004 = arith.constant 368 : index
        %get3A_3005 = tpu.vector_load %arg5[%get3A_3004] {strides = array<i32>} : memref<512xi32, #tpu.memory_space<vmem>>, vector<16xi32>,
        %broadcast_in_dim3A_3006 = arith.constant 0 : i32
        %broadcast_in_dim3A_3007 = vector.broadcast %broadcast_in_dim3A_3006 : i32 to vector<16xi32>
        %gather3A_3008 = arith.constant 0 : i32
        %gather3A_3009 = arith.constant 0 : i32
        %gather3A_3010 = tpu.memref_slice %run_scoped3A[%rem3A_199, %gather3A_3008, %gather3A_3009] : memref<2x8x2048xf32, #tpu.memory_space<vmem>> -> memref<1x8x2048xf32, #tpu.memory_space<vmem>>
        %gather3A_3011 = tpu.memref_squeeze %gather3A_3010 : memref<1x8x2048xf32, #tpu.memory_space<vmem>> -> memref<8x2048xf32, #tpu.memory_space<vmem>>
        %gather3A_3012 = tpu.vector_load_idx %gather3A_3011[%broadcast_in_dim3A_3007, %get3A_3005] : memref<8x2048xf32, #tpu.memory_space<vmem>>[vector<16xi32>, vector<16xi32>], vector<16xf32>,
        %swap3A_3013 = arith.constant 0 : i32
        %swap3A_3014 = arith.constant 0 : i32
        %swap3A_3015 = arith.constant 0 : i32
        %swap3A_3016 = tpu.memref_slice %run_scoped3A_8[%rem3A_201, %swap3A_3014, %swap3A_3015] : memref<2x8x512xf32, #tpu.memory_space<vmem>> -> memref<1x8x512xf32, #tpu.memory_space<vmem>>
        %swap3A_3017 = tpu.memref_squeeze %swap3A_3016 : memref<1x8x512xf32, #tpu.memory_space<vmem>> -> memref<8x512xf32, #tpu.memory_space<vmem>>
        %swap3A_3018 = arith.index_cast %swap3A_3013 : i32 to index
        %swap3A_3019 = arith.constant 368 : index
        %swap3A_3020 = tpu.vector_load %swap3A_3017[%swap3A_3018, %swap3A_3019] {strides = array<i32>} : memref<8x512xf32, #tpu.memory_space<vmem>>, vector<16xf32>,
        tpu.vector_store %swap3A_3017[%swap3A_3018, %swap3A_3019], %gather3A_3012 {strides = array<i32>} : memref<8x512xf32, #tpu.memory_space<vmem>>, vector<16xf32>,
        %broadcast_in_dim3A_3021 = arith.constant 1 : i32
        %broadcast_in_dim3A_3022 = vector.broadcast %broadcast_in_dim3A_3021 : i32 to vector<16xi32>
        %gather3A_3023 = arith.constant 0 : i32
        %gather3A_3024 = arith.constant 0 : i32
        %gather3A_3025 = tpu.memref_slice %run_scoped3A[%rem3A_199, %gather3A_3023, %gather3A_3024] : memref<2x8x2048xf32, #tpu.memory_space<vmem>> -> memref<1x8x2048xf32, #tpu.memory_space<vmem>>
        %gather3A_3026 = tpu.memref_squeeze %gather3A_3025 : memref<1x8x2048xf32, #tpu.memory_space<vmem>> -> memref<8x2048xf32, #tpu.memory_space<vmem>>
        %gather3A_3027 = tpu.vector_load_idx %gather3A_3026[%broadcast_in_dim3A_3022, %get3A_3005] : memref<8x2048xf32, #tpu.memory_space<vmem>>[vector<16xi32>, vector<16xi32>], vector<16xf32>,
        %swap3A_3028 = arith.constant 1 : i32
        %swap3A_3029 = arith.constant 0 : i32
        %swap3A_3030 = arith.constant 0 : i32
        %swap3A_3031 = tpu.memref_slice %run_scoped3A_8[%rem3A_201, %swap3A_3029, %swap3A_3030] : memref<2x8x512xf32, #tpu.memory_space<vmem>> -> memref<1x8x512xf32, #tpu.memory_space<vmem>>
        %swap3A_3032 = tpu.memref_squeeze %swap3A_3031 : memref<1x8x512xf32, #tpu.memory_space<vmem>> -> memref<8x512xf32, #tpu.memory_space<vmem>>
        %swap3A_3033 = arith.index_cast %swap3A_3028 : i32 to index
        %swap3A_3034 = arith.constant 368 : index
        %swap3A_3035 = tpu.vector_load %swap3A_3032[%swap3A_3033, %swap3A_3034] {strides = array<i32>} : memref<8x512xf32, #tpu.memory_space<vmem>>, vector<16xf32>,
        tpu.vector_store %swap3A_3032[%swap3A_3033, %swap3A_3034], %gather3A_3027 {strides = array<i32>} : memref<8x512xf32, #tpu.memory_space<vmem>>, vector<16xf32>,
        %broadcast_in_dim3A_3036 = arith.constant 2 : i32
        %broadcast_in_dim3A_3037 = vector.broadcast %broadcast_in_dim3A_3036 : i32 to vector<16xi32>
        %gather3A_3038 = arith.constant 0 : i32
        %gather3A_3039 = arith.constant 0 : i32
        %gather3A_3040 = tpu.memref_slice %run_scoped3A[%rem3A_199, %gather3A_3038, %gather3A_3039] : memref<2x8x2048xf32, #tpu.memory_space<vmem>> -> memref<1x8x2048xf32, #tpu.memory_space<vmem>>
        %gather3A_3041 = tpu.memref_squeeze %gather3A_3040 : memref<1x8x2048xf32, #tpu.memory_space<vmem>> -> memref<8x2048xf32, #tpu.memory_space<vmem>>
        %gather3A_3042 = tpu.vector_load_idx %gather3A_3041[%broadcast_in_dim3A_3037, %get3A_3005] : memref<8x2048xf32, #tpu.memory_space<vmem>>[vector<16xi32>, vector<16xi32>], vector<16xf32>,
        %swap3A_3043 = arith.constant 2 : i32
        %swap3A_3044 = arith.constant 0 : i32
        %swap3A_3045 = arith.constant 0 : i32
        %swap3A_3046 = tpu.memref_slice %run_scoped3A_8[%rem3A_201, %swap3A_3044, %swap3A_3045] : memref<2x8x512xf32, #tpu.memory_space<vmem>> -> memref<1x8x512xf32, #tpu.memory_space<vmem>>
        %swap3A_3047 = tpu.memref_squeeze %swap3A_3046 : memref<1x8x512xf32, #tpu.memory_space<vmem>> -> memref<8x512xf32, #tpu.memory_space<vmem>>
        %swap3A_3048 = arith.index_cast %swap3A_3043 : i32 to index
        %swap3A_3049 = arith.constant 368 : index
        %swap3A_3050 = tpu.vector_load %swap3A_3047[%swap3A_3048, %swap3A_3049] {strides = array<i32>} : memref<8x512xf32, #tpu.memory_space<vmem>>, vector<16xf32>,
        tpu.vector_store %swap3A_3047[%swap3A_3048, %swap3A_3049], %gather3A_3042 {strides = array<i32>} : memref<8x512xf32, #tpu.memory_space<vmem>>, vector<16xf32>,
        %broadcast_in_dim3A_3051 = arith.constant 3 : i32
        %broadcast_in_dim3A_3052 = vector.broadcast %broadcast_in_dim3A_3051 : i32 to vector<16xi32>
        %gather3A_3053 = arith.constant 0 : i32
        %gather3A_3054 = arith.constant 0 : i32
        %gather3A_3055 = tpu.memref_slice %run_scoped3A[%rem3A_199, %gather3A_3053, %gather3A_3054] : memref<2x8x2048xf32, #tpu.memory_space<vmem>> -> memref<1x8x2048xf32, #tpu.memory_space<vmem>>
        %gather3A_3056 = tpu.memref_squeeze %gather3A_3055 : memref<1x8x2048xf32, #tpu.memory_space<vmem>> -> memref<8x2048xf32, #tpu.memory_space<vmem>>
        %gather3A_3057 = tpu.vector_load_idx %gather3A_3056[%broadcast_in_dim3A_3052, %get3A_3005] : memref<8x2048xf32, #tpu.memory_space<vmem>>[vector<16xi32>, vector<16xi32>], vector<16xf32>,
        %swap3A_3058 = arith.constant 3 : i32
        %swap3A_3059 = arith.constant 0 : i32
        %swap3A_3060 = arith.constant 0 : i32
        %swap3A_3061 = tpu.memref_slice %run_scoped3A_8[%rem3A_201, %swap3A_3059, %swap3A_3060] : memref<2x8x512xf32, #tpu.memory_space<vmem>> -> memref<1x8x512xf32, #tpu.memory_space<vmem>>
        %swap3A_3062 = tpu.memref_squeeze %swap3A_3061 : memref<1x8x512xf32, #tpu.memory_space<vmem>> -> memref<8x512xf32, #tpu.memory_space<vmem>>
        %swap3A_3063 = arith.index_cast %swap3A_3058 : i32 to index
        %swap3A_3064 = arith.constant 368 : index
        %swap3A_3065 = tpu.vector_load %swap3A_3062[%swap3A_3063, %swap3A_3064] {strides = array<i32>} : memref<8x512xf32, #tpu.memory_space<vmem>>, vector<16xf32>,
        tpu.vector_store %swap3A_3062[%swap3A_3063, %swap3A_3064], %gather3A_3057 {strides = array<i32>} : memref<8x512xf32, #tpu.memory_space<vmem>>, vector<16xf32>,
        %broadcast_in_dim3A_3066 = arith.constant 4 : i32
        %broadcast_in_dim3A_3067 = vector.broadcast %broadcast_in_dim3A_3066 : i32 to vector<16xi32>
        %gather3A_3068 = arith.constant 0 : i32
        %gather3A_3069 = arith.constant 0 : i32
        %gather3A_3070 = tpu.memref_slice %run_scoped3A[%rem3A_199, %gather3A_3068, %gather3A_3069] : memref<2x8x2048xf32, #tpu.memory_space<vmem>> -> memref<1x8x2048xf32, #tpu.memory_space<vmem>>
        %gather3A_3071 = tpu.memref_squeeze %gather3A_3070 : memref<1x8x2048xf32, #tpu.memory_space<vmem>> -> memref<8x2048xf32, #tpu.memory_space<vmem>>
        %gather3A_3072 = tpu.vector_load_idx %gather3A_3071[%broadcast_in_dim3A_3067, %get3A_3005] : memref<8x2048xf32, #tpu.memory_space<vmem>>[vector<16xi32>, vector<16xi32>], vector<16xf32>,
        %swap3A_3073 = arith.constant 4 : i32
        %swap3A_3074 = arith.constant 0 : i32
        %swap3A_3075 = arith.constant 0 : i32
        %swap3A_3076 = tpu.memref_slice %run_scoped3A_8[%rem3A_201, %swap3A_3074, %swap3A_3075] : memref<2x8x512xf32, #tpu.memory_space<vmem>> -> memref<1x8x512xf32, #tpu.memory_space<vmem>>
        %swap3A_3077 = tpu.memref_squeeze %swap3A_3076 : memref<1x8x512xf32, #tpu.memory_space<vmem>> -> memref<8x512xf32, #tpu.memory_space<vmem>>
        %swap3A_3078 = arith.index_cast %swap3A_3073 : i32 to index
        %swap3A_3079 = arith.constant 368 : index
        %swap3A_3080 = tpu.vector_load %swap3A_3077[%swap3A_3078, %swap3A_3079] {strides = array<i32>} : memref<8x512xf32, #tpu.memory_space<vmem>>, vector<16xf32>,
        tpu.vector_store %swap3A_3077[%swap3A_3078, %swap3A_3079], %gather3A_3072 {strides = array<i32>} : memref<8x512xf32, #tpu.memory_space<vmem>>, vector<16xf32>,
        %broadcast_in_dim3A_3081 = arith.constant 5 : i32
        %broadcast_in_dim3A_3082 = vector.broadcast %broadcast_in_dim3A_3081 : i32 to vector<16xi32>
        %gather3A_3083 = arith.constant 0 : i32
        %gather3A_3084 = arith.constant 0 : i32
        %gather3A_3085 = tpu.memref_slice %run_scoped3A[%rem3A_199, %gather3A_3083, %gather3A_3084] : memref<2x8x2048xf32, #tpu.memory_space<vmem>> -> memref<1x8x2048xf32, #tpu.memory_space<vmem>>
        %gather3A_3086 = tpu.memref_squeeze %gather3A_3085 : memref<1x8x2048xf32, #tpu.memory_space<vmem>> -> memref<8x2048xf32, #tpu.memory_space<vmem>>
        %gather3A_3087 = tpu.vector_load_idx %gather3A_3086[%broadcast_in_dim3A_3082, %get3A_3005] : memref<8x2048xf32, #tpu.memory_space<vmem>>[vector<16xi32>, vector<16xi32>], vector<16xf32>,
        %swap3A_3088 = arith.constant 5 : i32
        %swap3A_3089 = arith.constant 0 : i32
        %swap3A_3090 = arith.constant 0 : i32
        %swap3A_3091 = tpu.memref_slice %run_scoped3A_8[%rem3A_201, %swap3A_3089, %swap3A_3090] : memref<2x8x512xf32, #tpu.memory_space<vmem>> -> memref<1x8x512xf32, #tpu.memory_space<vmem>>
        %swap3A_3092 = tpu.memref_squeeze %swap3A_3091 : memref<1x8x512xf32, #tpu.memory_space<vmem>> -> memref<8x512xf32, #tpu.memory_space<vmem>>
        %swap3A_3093 = arith.index_cast %swap3A_3088 : i32 to index
        %swap3A_3094 = arith.constant 368 : index
        %swap3A_3095 = tpu.vector_load %swap3A_3092[%swap3A_3093, %swap3A_3094] {strides = array<i32>} : memref<8x512xf32, #tpu.memory_space<vmem>>, vector<16xf32>,
        tpu.vector_store %swap3A_3092[%swap3A_3093, %swap3A_3094], %gather3A_3087 {strides = array<i32>} : memref<8x512xf32, #tpu.memory_space<vmem>>, vector<16xf32>,
        %broadcast_in_dim3A_3096 = arith.constant 6 : i32
        %broadcast_in_dim3A_3097 = vector.broadcast %broadcast_in_dim3A_3096 : i32 to vector<16xi32>
        %gather3A_3098 = arith.constant 0 : i32
        %gather3A_3099 = arith.constant 0 : i32
        %gather3A_3100 = tpu.memref_slice %run_scoped3A[%rem3A_199, %gather3A_3098, %gather3A_3099] : memref<2x8x2048xf32, #tpu.memory_space<vmem>> -> memref<1x8x2048xf32, #tpu.memory_space<vmem>>
        %gather3A_3101 = tpu.memref_squeeze %gather3A_3100 : memref<1x8x2048xf32, #tpu.memory_space<vmem>> -> memref<8x2048xf32, #tpu.memory_space<vmem>>
        %gather3A_3102 = tpu.vector_load_idx %gather3A_3101[%broadcast_in_dim3A_3097, %get3A_3005] : memref<8x2048xf32, #tpu.memory_space<vmem>>[vector<16xi32>, vector<16xi32>], vector<16xf32>,
        %swap3A_3103 = arith.constant 6 : i32
        %swap3A_3104 = arith.constant 0 : i32
        %swap3A_3105 = arith.constant 0 : i32
        %swap3A_3106 = tpu.memref_slice %run_scoped3A_8[%rem3A_201, %swap3A_3104, %swap3A_3105] : memref<2x8x512xf32, #tpu.memory_space<vmem>> -> memref<1x8x512xf32, #tpu.memory_space<vmem>>
        %swap3A_3107 = tpu.memref_squeeze %swap3A_3106 : memref<1x8x512xf32, #tpu.memory_space<vmem>> -> memref<8x512xf32, #tpu.memory_space<vmem>>
        %swap3A_3108 = arith.index_cast %swap3A_3103 : i32 to index
        %swap3A_3109 = arith.constant 368 : index
        %swap3A_3110 = tpu.vector_load %swap3A_3107[%swap3A_3108, %swap3A_3109] {strides = array<i32>} : memref<8x512xf32, #tpu.memory_space<vmem>>, vector<16xf32>,
        tpu.vector_store %swap3A_3107[%swap3A_3108, %swap3A_3109], %gather3A_3102 {strides = array<i32>} : memref<8x512xf32, #tpu.memory_space<vmem>>, vector<16xf32>,
        %broadcast_in_dim3A_3111 = arith.constant 7 : i32
        %broadcast_in_dim3A_3112 = vector.broadcast %broadcast_in_dim3A_3111 : i32 to vector<16xi32>
        %gather3A_3113 = arith.constant 0 : i32
        %gather3A_3114 = arith.constant 0 : i32
        %gather3A_3115 = tpu.memref_slice %run_scoped3A[%rem3A_199, %gather3A_3113, %gather3A_3114] : memref<2x8x2048xf32, #tpu.memory_space<vmem>> -> memref<1x8x2048xf32, #tpu.memory_space<vmem>>
        %gather3A_3116 = tpu.memref_squeeze %gather3A_3115 : memref<1x8x2048xf32, #tpu.memory_space<vmem>> -> memref<8x2048xf32, #tpu.memory_space<vmem>>
        %gather3A_3117 = tpu.vector_load_idx %gather3A_3116[%broadcast_in_dim3A_3112, %get3A_3005] : memref<8x2048xf32, #tpu.memory_space<vmem>>[vector<16xi32>, vector<16xi32>], vector<16xf32>,
        %swap3A_3118 = arith.constant 7 : i32
        %swap3A_3119 = arith.constant 0 : i32
        %swap3A_3120 = arith.constant 0 : i32
        %swap3A_3121 = tpu.memref_slice %run_scoped3A_8[%rem3A_201, %swap3A_3119, %swap3A_3120] : memref<2x8x512xf32, #tpu.memory_space<vmem>> -> memref<1x8x512xf32, #tpu.memory_space<vmem>>
        %swap3A_3122 = tpu.memref_squeeze %swap3A_3121 : memref<1x8x512xf32, #tpu.memory_space<vmem>> -> memref<8x512xf32, #tpu.memory_space<vmem>>
        %swap3A_3123 = arith.index_cast %swap3A_3118 : i32 to index
        %swap3A_3124 = arith.constant 368 : index
        %swap3A_3125 = tpu.vector_load %swap3A_3122[%swap3A_3123, %swap3A_3124] {strides = array<i32>} : memref<8x512xf32, #tpu.memory_space<vmem>>, vector<16xf32>,
        tpu.vector_store %swap3A_3122[%swap3A_3123, %swap3A_3124], %gather3A_3117 {strides = array<i32>} : memref<8x512xf32, #tpu.memory_space<vmem>>, vector<16xf32>,
        %get3A_3126 = arith.constant 384 : index
        %get3A_3127 = tpu.vector_load %arg5[%get3A_3126] {strides = array<i32>} : memref<512xi32, #tpu.memory_space<vmem>>, vector<16xi32>,
        %broadcast_in_dim3A_3128 = arith.constant 0 : i32
        %broadcast_in_dim3A_3129 = vector.broadcast %broadcast_in_dim3A_3128 : i32 to vector<16xi32>
        %gather3A_3130 = arith.constant 0 : i32
        %gather3A_3131 = arith.constant 0 : i32
        %gather3A_3132 = tpu.memref_slice %run_scoped3A[%rem3A_199, %gather3A_3130, %gather3A_3131] : memref<2x8x2048xf32, #tpu.memory_space<vmem>> -> memref<1x8x2048xf32, #tpu.memory_space<vmem>>
        %gather3A_3133 = tpu.memref_squeeze %gather3A_3132 : memref<1x8x2048xf32, #tpu.memory_space<vmem>> -> memref<8x2048xf32, #tpu.memory_space<vmem>>
        %gather3A_3134 = tpu.vector_load_idx %gather3A_3133[%broadcast_in_dim3A_3129, %get3A_3127] : memref<8x2048xf32, #tpu.memory_space<vmem>>[vector<16xi32>, vector<16xi32>], vector<16xf32>,
        %swap3A_3135 = arith.constant 0 : i32
        %swap3A_3136 = arith.constant 0 : i32
        %swap3A_3137 = arith.constant 0 : i32
        %swap3A_3138 = tpu.memref_slice %run_scoped3A_8[%rem3A_201, %swap3A_3136, %swap3A_3137] : memref<2x8x512xf32, #tpu.memory_space<vmem>> -> memref<1x8x512xf32, #tpu.memory_space<vmem>>
        %swap3A_3139 = tpu.memref_squeeze %swap3A_3138 : memref<1x8x512xf32, #tpu.memory_space<vmem>> -> memref<8x512xf32, #tpu.memory_space<vmem>>
        %swap3A_3140 = arith.index_cast %swap3A_3135 : i32 to index
        %swap3A_3141 = arith.constant 384 : index
        %swap3A_3142 = tpu.vector_load %swap3A_3139[%swap3A_3140, %swap3A_3141] {strides = array<i32>} : memref<8x512xf32, #tpu.memory_space<vmem>>, vector<16xf32>,
        tpu.vector_store %swap3A_3139[%swap3A_3140, %swap3A_3141], %gather3A_3134 {strides = array<i32>} : memref<8x512xf32, #tpu.memory_space<vmem>>, vector<16xf32>,
        %broadcast_in_dim3A_3143 = arith.constant 1 : i32
        %broadcast_in_dim3A_3144 = vector.broadcast %broadcast_in_dim3A_3143 : i32 to vector<16xi32>
        %gather3A_3145 = arith.constant 0 : i32
        %gather3A_3146 = arith.constant 0 : i32
        %gather3A_3147 = tpu.memref_slice %run_scoped3A[%rem3A_199, %gather3A_3145, %gather3A_3146] : memref<2x8x2048xf32, #tpu.memory_space<vmem>> -> memref<1x8x2048xf32, #tpu.memory_space<vmem>>
        %gather3A_3148 = tpu.memref_squeeze %gather3A_3147 : memref<1x8x2048xf32, #tpu.memory_space<vmem>> -> memref<8x2048xf32, #tpu.memory_space<vmem>>
        %gather3A_3149 = tpu.vector_load_idx %gather3A_3148[%broadcast_in_dim3A_3144, %get3A_3127] : memref<8x2048xf32, #tpu.memory_space<vmem>>[vector<16xi32>, vector<16xi32>], vector<16xf32>,
        %swap3A_3150 = arith.constant 1 : i32
        %swap3A_3151 = arith.constant 0 : i32
        %swap3A_3152 = arith.constant 0 : i32
        %swap3A_3153 = tpu.memref_slice %run_scoped3A_8[%rem3A_201, %swap3A_3151, %swap3A_3152] : memref<2x8x512xf32, #tpu.memory_space<vmem>> -> memref<1x8x512xf32, #tpu.memory_space<vmem>>
        %swap3A_3154 = tpu.memref_squeeze %swap3A_3153 : memref<1x8x512xf32, #tpu.memory_space<vmem>> -> memref<8x512xf32, #tpu.memory_space<vmem>>
        %swap3A_3155 = arith.index_cast %swap3A_3150 : i32 to index
        %swap3A_3156 = arith.constant 384 : index
        %swap3A_3157 = tpu.vector_load %swap3A_3154[%swap3A_3155, %swap3A_3156] {strides = array<i32>} : memref<8x512xf32, #tpu.memory_space<vmem>>, vector<16xf32>,
        tpu.vector_store %swap3A_3154[%swap3A_3155, %swap3A_3156], %gather3A_3149 {strides = array<i32>} : memref<8x512xf32, #tpu.memory_space<vmem>>, vector<16xf32>,
        %broadcast_in_dim3A_3158 = arith.constant 2 : i32
        %broadcast_in_dim3A_3159 = vector.broadcast %broadcast_in_dim3A_3158 : i32 to vector<16xi32>
        %gather3A_3160 = arith.constant 0 : i32
        %gather3A_3161 = arith.constant 0 : i32
        %gather3A_3162 = tpu.memref_slice %run_scoped3A[%rem3A_199, %gather3A_3160, %gather3A_3161] : memref<2x8x2048xf32, #tpu.memory_space<vmem>> -> memref<1x8x2048xf32, #tpu.memory_space<vmem>>
        %gather3A_3163 = tpu.memref_squeeze %gather3A_3162 : memref<1x8x2048xf32, #tpu.memory_space<vmem>> -> memref<8x2048xf32, #tpu.memory_space<vmem>>
        %gather3A_3164 = tpu.vector_load_idx %gather3A_3163[%broadcast_in_dim3A_3159, %get3A_3127] : memref<8x2048xf32, #tpu.memory_space<vmem>>[vector<16xi32>, vector<16xi32>], vector<16xf32>,
        %swap3A_3165 = arith.constant 2 : i32
        %swap3A_3166 = arith.constant 0 : i32
        %swap3A_3167 = arith.constant 0 : i32
        %swap3A_3168 = tpu.memref_slice %run_scoped3A_8[%rem3A_201, %swap3A_3166, %swap3A_3167] : memref<2x8x512xf32, #tpu.memory_space<vmem>> -> memref<1x8x512xf32, #tpu.memory_space<vmem>>
        %swap3A_3169 = tpu.memref_squeeze %swap3A_3168 : memref<1x8x512xf32, #tpu.memory_space<vmem>> -> memref<8x512xf32, #tpu.memory_space<vmem>>
        %swap3A_3170 = arith.index_cast %swap3A_3165 : i32 to index
        %swap3A_3171 = arith.constant 384 : index
        %swap3A_3172 = tpu.vector_load %swap3A_3169[%swap3A_3170, %swap3A_3171] {strides = array<i32>} : memref<8x512xf32, #tpu.memory_space<vmem>>, vector<16xf32>,
        tpu.vector_store %swap3A_3169[%swap3A_3170, %swap3A_3171], %gather3A_3164 {strides = array<i32>} : memref<8x512xf32, #tpu.memory_space<vmem>>, vector<16xf32>,
        %broadcast_in_dim3A_3173 = arith.constant 3 : i32
        %broadcast_in_dim3A_3174 = vector.broadcast %broadcast_in_dim3A_3173 : i32 to vector<16xi32>
        %gather3A_3175 = arith.constant 0 : i32
        %gather3A_3176 = arith.constant 0 : i32
        %gather3A_3177 = tpu.memref_slice %run_scoped3A[%rem3A_199, %gather3A_3175, %gather3A_3176] : memref<2x8x2048xf32, #tpu.memory_space<vmem>> -> memref<1x8x2048xf32, #tpu.memory_space<vmem>>
        %gather3A_3178 = tpu.memref_squeeze %gather3A_3177 : memref<1x8x2048xf32, #tpu.memory_space<vmem>> -> memref<8x2048xf32, #tpu.memory_space<vmem>>
        %gather3A_3179 = tpu.vector_load_idx %gather3A_3178[%broadcast_in_dim3A_3174, %get3A_3127] : memref<8x2048xf32, #tpu.memory_space<vmem>>[vector<16xi32>, vector<16xi32>], vector<16xf32>,
        %swap3A_3180 = arith.constant 3 : i32
        %swap3A_3181 = arith.constant 0 : i32
        %swap3A_3182 = arith.constant 0 : i32
        %swap3A_3183 = tpu.memref_slice %run_scoped3A_8[%rem3A_201, %swap3A_3181, %swap3A_3182] : memref<2x8x512xf32, #tpu.memory_space<vmem>> -> memref<1x8x512xf32, #tpu.memory_space<vmem>>
        %swap3A_3184 = tpu.memref_squeeze %swap3A_3183 : memref<1x8x512xf32, #tpu.memory_space<vmem>> -> memref<8x512xf32, #tpu.memory_space<vmem>>
        %swap3A_3185 = arith.index_cast %swap3A_3180 : i32 to index
        %swap3A_3186 = arith.constant 384 : index
        %swap3A_3187 = tpu.vector_load %swap3A_3184[%swap3A_3185, %swap3A_3186] {strides = array<i32>} : memref<8x512xf32, #tpu.memory_space<vmem>>, vector<16xf32>,
        tpu.vector_store %swap3A_3184[%swap3A_3185, %swap3A_3186], %gather3A_3179 {strides = array<i32>} : memref<8x512xf32, #tpu.memory_space<vmem>>, vector<16xf32>,
        %broadcast_in_dim3A_3188 = arith.constant 4 : i32
        %broadcast_in_dim3A_3189 = vector.broadcast %broadcast_in_dim3A_3188 : i32 to vector<16xi32>
        %gather3A_3190 = arith.constant 0 : i32
        %gather3A_3191 = arith.constant 0 : i32
        %gather3A_3192 = tpu.memref_slice %run_scoped3A[%rem3A_199, %gather3A_3190, %gather3A_3191] : memref<2x8x2048xf32, #tpu.memory_space<vmem>> -> memref<1x8x2048xf32, #tpu.memory_space<vmem>>
        %gather3A_3193 = tpu.memref_squeeze %gather3A_3192 : memref<1x8x2048xf32, #tpu.memory_space<vmem>> -> memref<8x2048xf32, #tpu.memory_space<vmem>>
        %gather3A_3194 = tpu.vector_load_idx %gather3A_3193[%broadcast_in_dim3A_3189, %get3A_3127] : memref<8x2048xf32, #tpu.memory_space<vmem>>[vector<16xi32>, vector<16xi32>], vector<16xf32>,
        %swap3A_3195 = arith.constant 4 : i32
        %swap3A_3196 = arith.constant 0 : i32
        %swap3A_3197 = arith.constant 0 : i32
        %swap3A_3198 = tpu.memref_slice %run_scoped3A_8[%rem3A_201, %swap3A_3196, %swap3A_3197] : memref<2x8x512xf32, #tpu.memory_space<vmem>> -> memref<1x8x512xf32, #tpu.memory_space<vmem>>
        %swap3A_3199 = tpu.memref_squeeze %swap3A_3198 : memref<1x8x512xf32, #tpu.memory_space<vmem>> -> memref<8x512xf32, #tpu.memory_space<vmem>>
        %swap3A_3200 = arith.index_cast %swap3A_3195 : i32 to index
        %swap3A_3201 = arith.constant 384 : index
        %swap3A_3202 = tpu.vector_load %swap3A_3199[%swap3A_3200, %swap3A_3201] {strides = array<i32>} : memref<8x512xf32, #tpu.memory_space<vmem>>, vector<16xf32>,
        tpu.vector_store %swap3A_3199[%swap3A_3200, %swap3A_3201], %gather3A_3194 {strides = array<i32>} : memref<8x512xf32, #tpu.memory_space<vmem>>, vector<16xf32>,
        %broadcast_in_dim3A_3203 = arith.constant 5 : i32
        %broadcast_in_dim3A_3204 = vector.broadcast %broadcast_in_dim3A_3203 : i32 to vector<16xi32>
        %gather3A_3205 = arith.constant 0 : i32
        %gather3A_3206 = arith.constant 0 : i32
        %gather3A_3207 = tpu.memref_slice %run_scoped3A[%rem3A_199, %gather3A_3205, %gather3A_3206] : memref<2x8x2048xf32, #tpu.memory_space<vmem>> -> memref<1x8x2048xf32, #tpu.memory_space<vmem>>
        %gather3A_3208 = tpu.memref_squeeze %gather3A_3207 : memref<1x8x2048xf32, #tpu.memory_space<vmem>> -> memref<8x2048xf32, #tpu.memory_space<vmem>>
        %gather3A_3209 = tpu.vector_load_idx %gather3A_3208[%broadcast_in_dim3A_3204, %get3A_3127] : memref<8x2048xf32, #tpu.memory_space<vmem>>[vector<16xi32>, vector<16xi32>], vector<16xf32>,
        %swap3A_3210 = arith.constant 5 : i32
        %swap3A_3211 = arith.constant 0 : i32
        %swap3A_3212 = arith.constant 0 : i32
        %swap3A_3213 = tpu.memref_slice %run_scoped3A_8[%rem3A_201, %swap3A_3211, %swap3A_3212] : memref<2x8x512xf32, #tpu.memory_space<vmem>> -> memref<1x8x512xf32, #tpu.memory_space<vmem>>
        %swap3A_3214 = tpu.memref_squeeze %swap3A_3213 : memref<1x8x512xf32, #tpu.memory_space<vmem>> -> memref<8x512xf32, #tpu.memory_space<vmem>>
        %swap3A_3215 = arith.index_cast %swap3A_3210 : i32 to index
        %swap3A_3216 = arith.constant 384 : index
        %swap3A_3217 = tpu.vector_load %swap3A_3214[%swap3A_3215, %swap3A_3216] {strides = array<i32>} : memref<8x512xf32, #tpu.memory_space<vmem>>, vector<16xf32>,
        tpu.vector_store %swap3A_3214[%swap3A_3215, %swap3A_3216], %gather3A_3209 {strides = array<i32>} : memref<8x512xf32, #tpu.memory_space<vmem>>, vector<16xf32>,
        %broadcast_in_dim3A_3218 = arith.constant 6 : i32
        %broadcast_in_dim3A_3219 = vector.broadcast %broadcast_in_dim3A_3218 : i32 to vector<16xi32>
        %gather3A_3220 = arith.constant 0 : i32
        %gather3A_3221 = arith.constant 0 : i32
        %gather3A_3222 = tpu.memref_slice %run_scoped3A[%rem3A_199, %gather3A_3220, %gather3A_3221] : memref<2x8x2048xf32, #tpu.memory_space<vmem>> -> memref<1x8x2048xf32, #tpu.memory_space<vmem>>
        %gather3A_3223 = tpu.memref_squeeze %gather3A_3222 : memref<1x8x2048xf32, #tpu.memory_space<vmem>> -> memref<8x2048xf32, #tpu.memory_space<vmem>>
        %gather3A_3224 = tpu.vector_load_idx %gather3A_3223[%broadcast_in_dim3A_3219, %get3A_3127] : memref<8x2048xf32, #tpu.memory_space<vmem>>[vector<16xi32>, vector<16xi32>], vector<16xf32>,
        %swap3A_3225 = arith.constant 6 : i32
        %swap3A_3226 = arith.constant 0 : i32
        %swap3A_3227 = arith.constant 0 : i32
        %swap3A_3228 = tpu.memref_slice %run_scoped3A_8[%rem3A_201, %swap3A_3226, %swap3A_3227] : memref<2x8x512xf32, #tpu.memory_space<vmem>> -> memref<1x8x512xf32, #tpu.memory_space<vmem>>
        %swap3A_3229 = tpu.memref_squeeze %swap3A_3228 : memref<1x8x512xf32, #tpu.memory_space<vmem>> -> memref<8x512xf32, #tpu.memory_space<vmem>>
        %swap3A_3230 = arith.index_cast %swap3A_3225 : i32 to index
        %swap3A_3231 = arith.constant 384 : index
        %swap3A_3232 = tpu.vector_load %swap3A_3229[%swap3A_3230, %swap3A_3231] {strides = array<i32>} : memref<8x512xf32, #tpu.memory_space<vmem>>, vector<16xf32>,
        tpu.vector_store %swap3A_3229[%swap3A_3230, %swap3A_3231], %gather3A_3224 {strides = array<i32>} : memref<8x512xf32, #tpu.memory_space<vmem>>, vector<16xf32>,
        %broadcast_in_dim3A_3233 = arith.constant 7 : i32
        %broadcast_in_dim3A_3234 = vector.broadcast %broadcast_in_dim3A_3233 : i32 to vector<16xi32>
        %gather3A_3235 = arith.constant 0 : i32
        %gather3A_3236 = arith.constant 0 : i32
        %gather3A_3237 = tpu.memref_slice %run_scoped3A[%rem3A_199, %gather3A_3235, %gather3A_3236] : memref<2x8x2048xf32, #tpu.memory_space<vmem>> -> memref<1x8x2048xf32, #tpu.memory_space<vmem>>
        %gather3A_3238 = tpu.memref_squeeze %gather3A_3237 : memref<1x8x2048xf32, #tpu.memory_space<vmem>> -> memref<8x2048xf32, #tpu.memory_space<vmem>>
        %gather3A_3239 = tpu.vector_load_idx %gather3A_3238[%broadcast_in_dim3A_3234, %get3A_3127] : memref<8x2048xf32, #tpu.memory_space<vmem>>[vector<16xi32>, vector<16xi32>], vector<16xf32>,
        %swap3A_3240 = arith.constant 7 : i32
        %swap3A_3241 = arith.constant 0 : i32
        %swap3A_3242 = arith.constant 0 : i32
        %swap3A_3243 = tpu.memref_slice %run_scoped3A_8[%rem3A_201, %swap3A_3241, %swap3A_3242] : memref<2x8x512xf32, #tpu.memory_space<vmem>> -> memref<1x8x512xf32, #tpu.memory_space<vmem>>
        %swap3A_3244 = tpu.memref_squeeze %swap3A_3243 : memref<1x8x512xf32, #tpu.memory_space<vmem>> -> memref<8x512xf32, #tpu.memory_space<vmem>>
        %swap3A_3245 = arith.index_cast %swap3A_3240 : i32 to index
        %swap3A_3246 = arith.constant 384 : index
        %swap3A_3247 = tpu.vector_load %swap3A_3244[%swap3A_3245, %swap3A_3246] {strides = array<i32>} : memref<8x512xf32, #tpu.memory_space<vmem>>, vector<16xf32>,
        tpu.vector_store %swap3A_3244[%swap3A_3245, %swap3A_3246], %gather3A_3239 {strides = array<i32>} : memref<8x512xf32, #tpu.memory_space<vmem>>, vector<16xf32>,
        %get3A_3248 = arith.constant 400 : index
        %get3A_3249 = tpu.vector_load %arg5[%get3A_3248] {strides = array<i32>} : memref<512xi32, #tpu.memory_space<vmem>>, vector<16xi32>,
        %broadcast_in_dim3A_3250 = arith.constant 0 : i32
        %broadcast_in_dim3A_3251 = vector.broadcast %broadcast_in_dim3A_3250 : i32 to vector<16xi32>
        %gather3A_3252 = arith.constant 0 : i32
        %gather3A_3253 = arith.constant 0 : i32
        %gather3A_3254 = tpu.memref_slice %run_scoped3A[%rem3A_199, %gather3A_3252, %gather3A_3253] : memref<2x8x2048xf32, #tpu.memory_space<vmem>> -> memref<1x8x2048xf32, #tpu.memory_space<vmem>>
        %gather3A_3255 = tpu.memref_squeeze %gather3A_3254 : memref<1x8x2048xf32, #tpu.memory_space<vmem>> -> memref<8x2048xf32, #tpu.memory_space<vmem>>
        %gather3A_3256 = tpu.vector_load_idx %gather3A_3255[%broadcast_in_dim3A_3251, %get3A_3249] : memref<8x2048xf32, #tpu.memory_space<vmem>>[vector<16xi32>, vector<16xi32>], vector<16xf32>,
        %swap3A_3257 = arith.constant 0 : i32
        %swap3A_3258 = arith.constant 0 : i32
        %swap3A_3259 = arith.constant 0 : i32
        %swap3A_3260 = tpu.memref_slice %run_scoped3A_8[%rem3A_201, %swap3A_3258, %swap3A_3259] : memref<2x8x512xf32, #tpu.memory_space<vmem>> -> memref<1x8x512xf32, #tpu.memory_space<vmem>>
        %swap3A_3261 = tpu.memref_squeeze %swap3A_3260 : memref<1x8x512xf32, #tpu.memory_space<vmem>> -> memref<8x512xf32, #tpu.memory_space<vmem>>
        %swap3A_3262 = arith.index_cast %swap3A_3257 : i32 to index
        %swap3A_3263 = arith.constant 400 : index
        %swap3A_3264 = tpu.vector_load %swap3A_3261[%swap3A_3262, %swap3A_3263] {strides = array<i32>} : memref<8x512xf32, #tpu.memory_space<vmem>>, vector<16xf32>,
        tpu.vector_store %swap3A_3261[%swap3A_3262, %swap3A_3263], %gather3A_3256 {strides = array<i32>} : memref<8x512xf32, #tpu.memory_space<vmem>>, vector<16xf32>,
        %broadcast_in_dim3A_3265 = arith.constant 1 : i32
        %broadcast_in_dim3A_3266 = vector.broadcast %broadcast_in_dim3A_3265 : i32 to vector<16xi32>
        %gather3A_3267 = arith.constant 0 : i32
        %gather3A_3268 = arith.constant 0 : i32
        %gather3A_3269 = tpu.memref_slice %run_scoped3A[%rem3A_199, %gather3A_3267, %gather3A_3268] : memref<2x8x2048xf32, #tpu.memory_space<vmem>> -> memref<1x8x2048xf32, #tpu.memory_space<vmem>>
        %gather3A_3270 = tpu.memref_squeeze %gather3A_3269 : memref<1x8x2048xf32, #tpu.memory_space<vmem>> -> memref<8x2048xf32, #tpu.memory_space<vmem>>
        %gather3A_3271 = tpu.vector_load_idx %gather3A_3270[%broadcast_in_dim3A_3266, %get3A_3249] : memref<8x2048xf32, #tpu.memory_space<vmem>>[vector<16xi32>, vector<16xi32>], vector<16xf32>,
        %swap3A_3272 = arith.constant 1 : i32
        %swap3A_3273 = arith.constant 0 : i32
        %swap3A_3274 = arith.constant 0 : i32
        %swap3A_3275 = tpu.memref_slice %run_scoped3A_8[%rem3A_201, %swap3A_3273, %swap3A_3274] : memref<2x8x512xf32, #tpu.memory_space<vmem>> -> memref<1x8x512xf32, #tpu.memory_space<vmem>>
        %swap3A_3276 = tpu.memref_squeeze %swap3A_3275 : memref<1x8x512xf32, #tpu.memory_space<vmem>> -> memref<8x512xf32, #tpu.memory_space<vmem>>
        %swap3A_3277 = arith.index_cast %swap3A_3272 : i32 to index
        %swap3A_3278 = arith.constant 400 : index
        %swap3A_3279 = tpu.vector_load %swap3A_3276[%swap3A_3277, %swap3A_3278] {strides = array<i32>} : memref<8x512xf32, #tpu.memory_space<vmem>>, vector<16xf32>,
        tpu.vector_store %swap3A_3276[%swap3A_3277, %swap3A_3278], %gather3A_3271 {strides = array<i32>} : memref<8x512xf32, #tpu.memory_space<vmem>>, vector<16xf32>,
        %broadcast_in_dim3A_3280 = arith.constant 2 : i32
        %broadcast_in_dim3A_3281 = vector.broadcast %broadcast_in_dim3A_3280 : i32 to vector<16xi32>
        %gather3A_3282 = arith.constant 0 : i32
        %gather3A_3283 = arith.constant 0 : i32
        %gather3A_3284 = tpu.memref_slice %run_scoped3A[%rem3A_199, %gather3A_3282, %gather3A_3283] : memref<2x8x2048xf32, #tpu.memory_space<vmem>> -> memref<1x8x2048xf32, #tpu.memory_space<vmem>>
        %gather3A_3285 = tpu.memref_squeeze %gather3A_3284 : memref<1x8x2048xf32, #tpu.memory_space<vmem>> -> memref<8x2048xf32, #tpu.memory_space<vmem>>
        %gather3A_3286 = tpu.vector_load_idx %gather3A_3285[%broadcast_in_dim3A_3281, %get3A_3249] : memref<8x2048xf32, #tpu.memory_space<vmem>>[vector<16xi32>, vector<16xi32>], vector<16xf32>,
        %swap3A_3287 = arith.constant 2 : i32
        %swap3A_3288 = arith.constant 0 : i32
        %swap3A_3289 = arith.constant 0 : i32
        %swap3A_3290 = tpu.memref_slice %run_scoped3A_8[%rem3A_201, %swap3A_3288, %swap3A_3289] : memref<2x8x512xf32, #tpu.memory_space<vmem>> -> memref<1x8x512xf32, #tpu.memory_space<vmem>>
        %swap3A_3291 = tpu.memref_squeeze %swap3A_3290 : memref<1x8x512xf32, #tpu.memory_space<vmem>> -> memref<8x512xf32, #tpu.memory_space<vmem>>
        %swap3A_3292 = arith.index_cast %swap3A_3287 : i32 to index
        %swap3A_3293 = arith.constant 400 : index
        %swap3A_3294 = tpu.vector_load %swap3A_3291[%swap3A_3292, %swap3A_3293] {strides = array<i32>} : memref<8x512xf32, #tpu.memory_space<vmem>>, vector<16xf32>,
        tpu.vector_store %swap3A_3291[%swap3A_3292, %swap3A_3293], %gather3A_3286 {strides = array<i32>} : memref<8x512xf32, #tpu.memory_space<vmem>>, vector<16xf32>,
        %broadcast_in_dim3A_3295 = arith.constant 3 : i32
        %broadcast_in_dim3A_3296 = vector.broadcast %broadcast_in_dim3A_3295 : i32 to vector<16xi32>
        %gather3A_3297 = arith.constant 0 : i32
        %gather3A_3298 = arith.constant 0 : i32
        %gather3A_3299 = tpu.memref_slice %run_scoped3A[%rem3A_199, %gather3A_3297, %gather3A_3298] : memref<2x8x2048xf32, #tpu.memory_space<vmem>> -> memref<1x8x2048xf32, #tpu.memory_space<vmem>>
        %gather3A_3300 = tpu.memref_squeeze %gather3A_3299 : memref<1x8x2048xf32, #tpu.memory_space<vmem>> -> memref<8x2048xf32, #tpu.memory_space<vmem>>
        %gather3A_3301 = tpu.vector_load_idx %gather3A_3300[%broadcast_in_dim3A_3296, %get3A_3249] : memref<8x2048xf32, #tpu.memory_space<vmem>>[vector<16xi32>, vector<16xi32>], vector<16xf32>,
        %swap3A_3302 = arith.constant 3 : i32
        %swap3A_3303 = arith.constant 0 : i32
        %swap3A_3304 = arith.constant 0 : i32
        %swap3A_3305 = tpu.memref_slice %run_scoped3A_8[%rem3A_201, %swap3A_3303, %swap3A_3304] : memref<2x8x512xf32, #tpu.memory_space<vmem>> -> memref<1x8x512xf32, #tpu.memory_space<vmem>>
        %swap3A_3306 = tpu.memref_squeeze %swap3A_3305 : memref<1x8x512xf32, #tpu.memory_space<vmem>> -> memref<8x512xf32, #tpu.memory_space<vmem>>
        %swap3A_3307 = arith.index_cast %swap3A_3302 : i32 to index
        %swap3A_3308 = arith.constant 400 : index
        %swap3A_3309 = tpu.vector_load %swap3A_3306[%swap3A_3307, %swap3A_3308] {strides = array<i32>} : memref<8x512xf32, #tpu.memory_space<vmem>>, vector<16xf32>,
        tpu.vector_store %swap3A_3306[%swap3A_3307, %swap3A_3308], %gather3A_3301 {strides = array<i32>} : memref<8x512xf32, #tpu.memory_space<vmem>>, vector<16xf32>,
        %broadcast_in_dim3A_3310 = arith.constant 4 : i32
        %broadcast_in_dim3A_3311 = vector.broadcast %broadcast_in_dim3A_3310 : i32 to vector<16xi32>
        %gather3A_3312 = arith.constant 0 : i32
        %gather3A_3313 = arith.constant 0 : i32
        %gather3A_3314 = tpu.memref_slice %run_scoped3A[%rem3A_199, %gather3A_3312, %gather3A_3313] : memref<2x8x2048xf32, #tpu.memory_space<vmem>> -> memref<1x8x2048xf32, #tpu.memory_space<vmem>>
        %gather3A_3315 = tpu.memref_squeeze %gather3A_3314 : memref<1x8x2048xf32, #tpu.memory_space<vmem>> -> memref<8x2048xf32, #tpu.memory_space<vmem>>
        %gather3A_3316 = tpu.vector_load_idx %gather3A_3315[%broadcast_in_dim3A_3311, %get3A_3249] : memref<8x2048xf32, #tpu.memory_space<vmem>>[vector<16xi32>, vector<16xi32>], vector<16xf32>,
        %swap3A_3317 = arith.constant 4 : i32
        %swap3A_3318 = arith.constant 0 : i32
        %swap3A_3319 = arith.constant 0 : i32
        %swap3A_3320 = tpu.memref_slice %run_scoped3A_8[%rem3A_201, %swap3A_3318, %swap3A_3319] : memref<2x8x512xf32, #tpu.memory_space<vmem>> -> memref<1x8x512xf32, #tpu.memory_space<vmem>>
        %swap3A_3321 = tpu.memref_squeeze %swap3A_3320 : memref<1x8x512xf32, #tpu.memory_space<vmem>> -> memref<8x512xf32, #tpu.memory_space<vmem>>
        %swap3A_3322 = arith.index_cast %swap3A_3317 : i32 to index
        %swap3A_3323 = arith.constant 400 : index
        %swap3A_3324 = tpu.vector_load %swap3A_3321[%swap3A_3322, %swap3A_3323] {strides = array<i32>} : memref<8x512xf32, #tpu.memory_space<vmem>>, vector<16xf32>,
        tpu.vector_store %swap3A_3321[%swap3A_3322, %swap3A_3323], %gather3A_3316 {strides = array<i32>} : memref<8x512xf32, #tpu.memory_space<vmem>>, vector<16xf32>,
        %broadcast_in_dim3A_3325 = arith.constant 5 : i32
        %broadcast_in_dim3A_3326 = vector.broadcast %broadcast_in_dim3A_3325 : i32 to vector<16xi32>
        %gather3A_3327 = arith.constant 0 : i32
        %gather3A_3328 = arith.constant 0 : i32
        %gather3A_3329 = tpu.memref_slice %run_scoped3A[%rem3A_199, %gather3A_3327, %gather3A_3328] : memref<2x8x2048xf32, #tpu.memory_space<vmem>> -> memref<1x8x2048xf32, #tpu.memory_space<vmem>>
        %gather3A_3330 = tpu.memref_squeeze %gather3A_3329 : memref<1x8x2048xf32, #tpu.memory_space<vmem>> -> memref<8x2048xf32, #tpu.memory_space<vmem>>
        %gather3A_3331 = tpu.vector_load_idx %gather3A_3330[%broadcast_in_dim3A_3326, %get3A_3249] : memref<8x2048xf32, #tpu.memory_space<vmem>>[vector<16xi32>, vector<16xi32>], vector<16xf32>,
        %swap3A_3332 = arith.constant 5 : i32
        %swap3A_3333 = arith.constant 0 : i32
        %swap3A_3334 = arith.constant 0 : i32
        %swap3A_3335 = tpu.memref_slice %run_scoped3A_8[%rem3A_201, %swap3A_3333, %swap3A_3334] : memref<2x8x512xf32, #tpu.memory_space<vmem>> -> memref<1x8x512xf32, #tpu.memory_space<vmem>>
        %swap3A_3336 = tpu.memref_squeeze %swap3A_3335 : memref<1x8x512xf32, #tpu.memory_space<vmem>> -> memref<8x512xf32, #tpu.memory_space<vmem>>
        %swap3A_3337 = arith.index_cast %swap3A_3332 : i32 to index
        %swap3A_3338 = arith.constant 400 : index
        %swap3A_3339 = tpu.vector_load %swap3A_3336[%swap3A_3337, %swap3A_3338] {strides = array<i32>} : memref<8x512xf32, #tpu.memory_space<vmem>>, vector<16xf32>,
        tpu.vector_store %swap3A_3336[%swap3A_3337, %swap3A_3338], %gather3A_3331 {strides = array<i32>} : memref<8x512xf32, #tpu.memory_space<vmem>>, vector<16xf32>,
        %broadcast_in_dim3A_3340 = arith.constant 6 : i32
        %broadcast_in_dim3A_3341 = vector.broadcast %broadcast_in_dim3A_3340 : i32 to vector<16xi32>
        %gather3A_3342 = arith.constant 0 : i32
        %gather3A_3343 = arith.constant 0 : i32
        %gather3A_3344 = tpu.memref_slice %run_scoped3A[%rem3A_199, %gather3A_3342, %gather3A_3343] : memref<2x8x2048xf32, #tpu.memory_space<vmem>> -> memref<1x8x2048xf32, #tpu.memory_space<vmem>>
        %gather3A_3345 = tpu.memref_squeeze %gather3A_3344 : memref<1x8x2048xf32, #tpu.memory_space<vmem>> -> memref<8x2048xf32, #tpu.memory_space<vmem>>
        %gather3A_3346 = tpu.vector_load_idx %gather3A_3345[%broadcast_in_dim3A_3341, %get3A_3249] : memref<8x2048xf32, #tpu.memory_space<vmem>>[vector<16xi32>, vector<16xi32>], vector<16xf32>,
        %swap3A_3347 = arith.constant 6 : i32
        %swap3A_3348 = arith.constant 0 : i32
        %swap3A_3349 = arith.constant 0 : i32
        %swap3A_3350 = tpu.memref_slice %run_scoped3A_8[%rem3A_201, %swap3A_3348, %swap3A_3349] : memref<2x8x512xf32, #tpu.memory_space<vmem>> -> memref<1x8x512xf32, #tpu.memory_space<vmem>>
        %swap3A_3351 = tpu.memref_squeeze %swap3A_3350 : memref<1x8x512xf32, #tpu.memory_space<vmem>> -> memref<8x512xf32, #tpu.memory_space<vmem>>
        %swap3A_3352 = arith.index_cast %swap3A_3347 : i32 to index
        %swap3A_3353 = arith.constant 400 : index
        %swap3A_3354 = tpu.vector_load %swap3A_3351[%swap3A_3352, %swap3A_3353] {strides = array<i32>} : memref<8x512xf32, #tpu.memory_space<vmem>>, vector<16xf32>,
        tpu.vector_store %swap3A_3351[%swap3A_3352, %swap3A_3353], %gather3A_3346 {strides = array<i32>} : memref<8x512xf32, #tpu.memory_space<vmem>>, vector<16xf32>,
        %broadcast_in_dim3A_3355 = arith.constant 7 : i32
        %broadcast_in_dim3A_3356 = vector.broadcast %broadcast_in_dim3A_3355 : i32 to vector<16xi32>
        %gather3A_3357 = arith.constant 0 : i32
        %gather3A_3358 = arith.constant 0 : i32
        %gather3A_3359 = tpu.memref_slice %run_scoped3A[%rem3A_199, %gather3A_3357, %gather3A_3358] : memref<2x8x2048xf32, #tpu.memory_space<vmem>> -> memref<1x8x2048xf32, #tpu.memory_space<vmem>>
        %gather3A_3360 = tpu.memref_squeeze %gather3A_3359 : memref<1x8x2048xf32, #tpu.memory_space<vmem>> -> memref<8x2048xf32, #tpu.memory_space<vmem>>
        %gather3A_3361 = tpu.vector_load_idx %gather3A_3360[%broadcast_in_dim3A_3356, %get3A_3249] : memref<8x2048xf32, #tpu.memory_space<vmem>>[vector<16xi32>, vector<16xi32>], vector<16xf32>,
        %swap3A_3362 = arith.constant 7 : i32
        %swap3A_3363 = arith.constant 0 : i32
        %swap3A_3364 = arith.constant 0 : i32
        %swap3A_3365 = tpu.memref_slice %run_scoped3A_8[%rem3A_201, %swap3A_3363, %swap3A_3364] : memref<2x8x512xf32, #tpu.memory_space<vmem>> -> memref<1x8x512xf32, #tpu.memory_space<vmem>>
        %swap3A_3366 = tpu.memref_squeeze %swap3A_3365 : memref<1x8x512xf32, #tpu.memory_space<vmem>> -> memref<8x512xf32, #tpu.memory_space<vmem>>
        %swap3A_3367 = arith.index_cast %swap3A_3362 : i32 to index
        %swap3A_3368 = arith.constant 400 : index
        %swap3A_3369 = tpu.vector_load %swap3A_3366[%swap3A_3367, %swap3A_3368] {strides = array<i32>} : memref<8x512xf32, #tpu.memory_space<vmem>>, vector<16xf32>,
        tpu.vector_store %swap3A_3366[%swap3A_3367, %swap3A_3368], %gather3A_3361 {strides = array<i32>} : memref<8x512xf32, #tpu.memory_space<vmem>>, vector<16xf32>,
        %get3A_3370 = arith.constant 416 : index
        %get3A_3371 = tpu.vector_load %arg5[%get3A_3370] {strides = array<i32>} : memref<512xi32, #tpu.memory_space<vmem>>, vector<16xi32>,
        %broadcast_in_dim3A_3372 = arith.constant 0 : i32
        %broadcast_in_dim3A_3373 = vector.broadcast %broadcast_in_dim3A_3372 : i32 to vector<16xi32>
        %gather3A_3374 = arith.constant 0 : i32
        %gather3A_3375 = arith.constant 0 : i32
        %gather3A_3376 = tpu.memref_slice %run_scoped3A[%rem3A_199, %gather3A_3374, %gather3A_3375] : memref<2x8x2048xf32, #tpu.memory_space<vmem>> -> memref<1x8x2048xf32, #tpu.memory_space<vmem>>
        %gather3A_3377 = tpu.memref_squeeze %gather3A_3376 : memref<1x8x2048xf32, #tpu.memory_space<vmem>> -> memref<8x2048xf32, #tpu.memory_space<vmem>>
        %gather3A_3378 = tpu.vector_load_idx %gather3A_3377[%broadcast_in_dim3A_3373, %get3A_3371] : memref<8x2048xf32, #tpu.memory_space<vmem>>[vector<16xi32>, vector<16xi32>], vector<16xf32>,
        %swap3A_3379 = arith.constant 0 : i32
        %swap3A_3380 = arith.constant 0 : i32
        %swap3A_3381 = arith.constant 0 : i32
        %swap3A_3382 = tpu.memref_slice %run_scoped3A_8[%rem3A_201, %swap3A_3380, %swap3A_3381] : memref<2x8x512xf32, #tpu.memory_space<vmem>> -> memref<1x8x512xf32, #tpu.memory_space<vmem>>
        %swap3A_3383 = tpu.memref_squeeze %swap3A_3382 : memref<1x8x512xf32, #tpu.memory_space<vmem>> -> memref<8x512xf32, #tpu.memory_space<vmem>>
        %swap3A_3384 = arith.index_cast %swap3A_3379 : i32 to index
        %swap3A_3385 = arith.constant 416 : index
        %swap3A_3386 = tpu.vector_load %swap3A_3383[%swap3A_3384, %swap3A_3385] {strides = array<i32>} : memref<8x512xf32, #tpu.memory_space<vmem>>, vector<16xf32>,
        tpu.vector_store %swap3A_3383[%swap3A_3384, %swap3A_3385], %gather3A_3378 {strides = array<i32>} : memref<8x512xf32, #tpu.memory_space<vmem>>, vector<16xf32>,
        %broadcast_in_dim3A_3387 = arith.constant 1 : i32
        %broadcast_in_dim3A_3388 = vector.broadcast %broadcast_in_dim3A_3387 : i32 to vector<16xi32>
        %gather3A_3389 = arith.constant 0 : i32
        %gather3A_3390 = arith.constant 0 : i32
        %gather3A_3391 = tpu.memref_slice %run_scoped3A[%rem3A_199, %gather3A_3389, %gather3A_3390] : memref<2x8x2048xf32, #tpu.memory_space<vmem>> -> memref<1x8x2048xf32, #tpu.memory_space<vmem>>
        %gather3A_3392 = tpu.memref_squeeze %gather3A_3391 : memref<1x8x2048xf32, #tpu.memory_space<vmem>> -> memref<8x2048xf32, #tpu.memory_space<vmem>>
        %gather3A_3393 = tpu.vector_load_idx %gather3A_3392[%broadcast_in_dim3A_3388, %get3A_3371] : memref<8x2048xf32, #tpu.memory_space<vmem>>[vector<16xi32>, vector<16xi32>], vector<16xf32>,
        %swap3A_3394 = arith.constant 1 : i32
        %swap3A_3395 = arith.constant 0 : i32
        %swap3A_3396 = arith.constant 0 : i32
        %swap3A_3397 = tpu.memref_slice %run_scoped3A_8[%rem3A_201, %swap3A_3395, %swap3A_3396] : memref<2x8x512xf32, #tpu.memory_space<vmem>> -> memref<1x8x512xf32, #tpu.memory_space<vmem>>
        %swap3A_3398 = tpu.memref_squeeze %swap3A_3397 : memref<1x8x512xf32, #tpu.memory_space<vmem>> -> memref<8x512xf32, #tpu.memory_space<vmem>>
        %swap3A_3399 = arith.index_cast %swap3A_3394 : i32 to index
        %swap3A_3400 = arith.constant 416 : index
        %swap3A_3401 = tpu.vector_load %swap3A_3398[%swap3A_3399, %swap3A_3400] {strides = array<i32>} : memref<8x512xf32, #tpu.memory_space<vmem>>, vector<16xf32>,
        tpu.vector_store %swap3A_3398[%swap3A_3399, %swap3A_3400], %gather3A_3393 {strides = array<i32>} : memref<8x512xf32, #tpu.memory_space<vmem>>, vector<16xf32>,
        %broadcast_in_dim3A_3402 = arith.constant 2 : i32
        %broadcast_in_dim3A_3403 = vector.broadcast %broadcast_in_dim3A_3402 : i32 to vector<16xi32>
        %gather3A_3404 = arith.constant 0 : i32
        %gather3A_3405 = arith.constant 0 : i32
        %gather3A_3406 = tpu.memref_slice %run_scoped3A[%rem3A_199, %gather3A_3404, %gather3A_3405] : memref<2x8x2048xf32, #tpu.memory_space<vmem>> -> memref<1x8x2048xf32, #tpu.memory_space<vmem>>
        %gather3A_3407 = tpu.memref_squeeze %gather3A_3406 : memref<1x8x2048xf32, #tpu.memory_space<vmem>> -> memref<8x2048xf32, #tpu.memory_space<vmem>>
        %gather3A_3408 = tpu.vector_load_idx %gather3A_3407[%broadcast_in_dim3A_3403, %get3A_3371] : memref<8x2048xf32, #tpu.memory_space<vmem>>[vector<16xi32>, vector<16xi32>], vector<16xf32>,
        %swap3A_3409 = arith.constant 2 : i32
        %swap3A_3410 = arith.constant 0 : i32
        %swap3A_3411 = arith.constant 0 : i32
        %swap3A_3412 = tpu.memref_slice %run_scoped3A_8[%rem3A_201, %swap3A_3410, %swap3A_3411] : memref<2x8x512xf32, #tpu.memory_space<vmem>> -> memref<1x8x512xf32, #tpu.memory_space<vmem>>
        %swap3A_3413 = tpu.memref_squeeze %swap3A_3412 : memref<1x8x512xf32, #tpu.memory_space<vmem>> -> memref<8x512xf32, #tpu.memory_space<vmem>>
        %swap3A_3414 = arith.index_cast %swap3A_3409 : i32 to index
        %swap3A_3415 = arith.constant 416 : index
        %swap3A_3416 = tpu.vector_load %swap3A_3413[%swap3A_3414, %swap3A_3415] {strides = array<i32>} : memref<8x512xf32, #tpu.memory_space<vmem>>, vector<16xf32>,
        tpu.vector_store %swap3A_3413[%swap3A_3414, %swap3A_3415], %gather3A_3408 {strides = array<i32>} : memref<8x512xf32, #tpu.memory_space<vmem>>, vector<16xf32>,
        %broadcast_in_dim3A_3417 = arith.constant 3 : i32
        %broadcast_in_dim3A_3418 = vector.broadcast %broadcast_in_dim3A_3417 : i32 to vector<16xi32>
        %gather3A_3419 = arith.constant 0 : i32
        %gather3A_3420 = arith.constant 0 : i32
        %gather3A_3421 = tpu.memref_slice %run_scoped3A[%rem3A_199, %gather3A_3419, %gather3A_3420] : memref<2x8x2048xf32, #tpu.memory_space<vmem>> -> memref<1x8x2048xf32, #tpu.memory_space<vmem>>
        %gather3A_3422 = tpu.memref_squeeze %gather3A_3421 : memref<1x8x2048xf32, #tpu.memory_space<vmem>> -> memref<8x2048xf32, #tpu.memory_space<vmem>>
        %gather3A_3423 = tpu.vector_load_idx %gather3A_3422[%broadcast_in_dim3A_3418, %get3A_3371] : memref<8x2048xf32, #tpu.memory_space<vmem>>[vector<16xi32>, vector<16xi32>], vector<16xf32>,
        %swap3A_3424 = arith.constant 3 : i32
        %swap3A_3425 = arith.constant 0 : i32
        %swap3A_3426 = arith.constant 0 : i32
        %swap3A_3427 = tpu.memref_slice %run_scoped3A_8[%rem3A_201, %swap3A_3425, %swap3A_3426] : memref<2x8x512xf32, #tpu.memory_space<vmem>> -> memref<1x8x512xf32, #tpu.memory_space<vmem>>
        %swap3A_3428 = tpu.memref_squeeze %swap3A_3427 : memref<1x8x512xf32, #tpu.memory_space<vmem>> -> memref<8x512xf32, #tpu.memory_space<vmem>>
        %swap3A_3429 = arith.index_cast %swap3A_3424 : i32 to index
        %swap3A_3430 = arith.constant 416 : index
        %swap3A_3431 = tpu.vector_load %swap3A_3428[%swap3A_3429, %swap3A_3430] {strides = array<i32>} : memref<8x512xf32, #tpu.memory_space<vmem>>, vector<16xf32>,
        tpu.vector_store %swap3A_3428[%swap3A_3429, %swap3A_3430], %gather3A_3423 {strides = array<i32>} : memref<8x512xf32, #tpu.memory_space<vmem>>, vector<16xf32>,
        %broadcast_in_dim3A_3432 = arith.constant 4 : i32
        %broadcast_in_dim3A_3433 = vector.broadcast %broadcast_in_dim3A_3432 : i32 to vector<16xi32>
        %gather3A_3434 = arith.constant 0 : i32
        %gather3A_3435 = arith.constant 0 : i32
        %gather3A_3436 = tpu.memref_slice %run_scoped3A[%rem3A_199, %gather3A_3434, %gather3A_3435] : memref<2x8x2048xf32, #tpu.memory_space<vmem>> -> memref<1x8x2048xf32, #tpu.memory_space<vmem>>
        %gather3A_3437 = tpu.memref_squeeze %gather3A_3436 : memref<1x8x2048xf32, #tpu.memory_space<vmem>> -> memref<8x2048xf32, #tpu.memory_space<vmem>>
        %gather3A_3438 = tpu.vector_load_idx %gather3A_3437[%broadcast_in_dim3A_3433, %get3A_3371] : memref<8x2048xf32, #tpu.memory_space<vmem>>[vector<16xi32>, vector<16xi32>], vector<16xf32>,
        %swap3A_3439 = arith.constant 4 : i32
        %swap3A_3440 = arith.constant 0 : i32
        %swap3A_3441 = arith.constant 0 : i32
        %swap3A_3442 = tpu.memref_slice %run_scoped3A_8[%rem3A_201, %swap3A_3440, %swap3A_3441] : memref<2x8x512xf32, #tpu.memory_space<vmem>> -> memref<1x8x512xf32, #tpu.memory_space<vmem>>
        %swap3A_3443 = tpu.memref_squeeze %swap3A_3442 : memref<1x8x512xf32, #tpu.memory_space<vmem>> -> memref<8x512xf32, #tpu.memory_space<vmem>>
        %swap3A_3444 = arith.index_cast %swap3A_3439 : i32 to index
        %swap3A_3445 = arith.constant 416 : index
        %swap3A_3446 = tpu.vector_load %swap3A_3443[%swap3A_3444, %swap3A_3445] {strides = array<i32>} : memref<8x512xf32, #tpu.memory_space<vmem>>, vector<16xf32>,
        tpu.vector_store %swap3A_3443[%swap3A_3444, %swap3A_3445], %gather3A_3438 {strides = array<i32>} : memref<8x512xf32, #tpu.memory_space<vmem>>, vector<16xf32>,
        %broadcast_in_dim3A_3447 = arith.constant 5 : i32
        %broadcast_in_dim3A_3448 = vector.broadcast %broadcast_in_dim3A_3447 : i32 to vector<16xi32>
        %gather3A_3449 = arith.constant 0 : i32
        %gather3A_3450 = arith.constant 0 : i32
        %gather3A_3451 = tpu.memref_slice %run_scoped3A[%rem3A_199, %gather3A_3449, %gather3A_3450] : memref<2x8x2048xf32, #tpu.memory_space<vmem>> -> memref<1x8x2048xf32, #tpu.memory_space<vmem>>
        %gather3A_3452 = tpu.memref_squeeze %gather3A_3451 : memref<1x8x2048xf32, #tpu.memory_space<vmem>> -> memref<8x2048xf32, #tpu.memory_space<vmem>>
        %gather3A_3453 = tpu.vector_load_idx %gather3A_3452[%broadcast_in_dim3A_3448, %get3A_3371] : memref<8x2048xf32, #tpu.memory_space<vmem>>[vector<16xi32>, vector<16xi32>], vector<16xf32>,
        %swap3A_3454 = arith.constant 5 : i32
        %swap3A_3455 = arith.constant 0 : i32
        %swap3A_3456 = arith.constant 0 : i32
        %swap3A_3457 = tpu.memref_slice %run_scoped3A_8[%rem3A_201, %swap3A_3455, %swap3A_3456] : memref<2x8x512xf32, #tpu.memory_space<vmem>> -> memref<1x8x512xf32, #tpu.memory_space<vmem>>
        %swap3A_3458 = tpu.memref_squeeze %swap3A_3457 : memref<1x8x512xf32, #tpu.memory_space<vmem>> -> memref<8x512xf32, #tpu.memory_space<vmem>>
        %swap3A_3459 = arith.index_cast %swap3A_3454 : i32 to index
        %swap3A_3460 = arith.constant 416 : index
        %swap3A_3461 = tpu.vector_load %swap3A_3458[%swap3A_3459, %swap3A_3460] {strides = array<i32>} : memref<8x512xf32, #tpu.memory_space<vmem>>, vector<16xf32>,
        tpu.vector_store %swap3A_3458[%swap3A_3459, %swap3A_3460], %gather3A_3453 {strides = array<i32>} : memref<8x512xf32, #tpu.memory_space<vmem>>, vector<16xf32>,
        %broadcast_in_dim3A_3462 = arith.constant 6 : i32
        %broadcast_in_dim3A_3463 = vector.broadcast %broadcast_in_dim3A_3462 : i32 to vector<16xi32>
        %gather3A_3464 = arith.constant 0 : i32
        %gather3A_3465 = arith.constant 0 : i32
        %gather3A_3466 = tpu.memref_slice %run_scoped3A[%rem3A_199, %gather3A_3464, %gather3A_3465] : memref<2x8x2048xf32, #tpu.memory_space<vmem>> -> memref<1x8x2048xf32, #tpu.memory_space<vmem>>
        %gather3A_3467 = tpu.memref_squeeze %gather3A_3466 : memref<1x8x2048xf32, #tpu.memory_space<vmem>> -> memref<8x2048xf32, #tpu.memory_space<vmem>>
        %gather3A_3468 = tpu.vector_load_idx %gather3A_3467[%broadcast_in_dim3A_3463, %get3A_3371] : memref<8x2048xf32, #tpu.memory_space<vmem>>[vector<16xi32>, vector<16xi32>], vector<16xf32>,
        %swap3A_3469 = arith.constant 6 : i32
        %swap3A_3470 = arith.constant 0 : i32
        %swap3A_3471 = arith.constant 0 : i32
        %swap3A_3472 = tpu.memref_slice %run_scoped3A_8[%rem3A_201, %swap3A_3470, %swap3A_3471] : memref<2x8x512xf32, #tpu.memory_space<vmem>> -> memref<1x8x512xf32, #tpu.memory_space<vmem>>
        %swap3A_3473 = tpu.memref_squeeze %swap3A_3472 : memref<1x8x512xf32, #tpu.memory_space<vmem>> -> memref<8x512xf32, #tpu.memory_space<vmem>>
        %swap3A_3474 = arith.index_cast %swap3A_3469 : i32 to index
        %swap3A_3475 = arith.constant 416 : index
        %swap3A_3476 = tpu.vector_load %swap3A_3473[%swap3A_3474, %swap3A_3475] {strides = array<i32>} : memref<8x512xf32, #tpu.memory_space<vmem>>, vector<16xf32>,
        tpu.vector_store %swap3A_3473[%swap3A_3474, %swap3A_3475], %gather3A_3468 {strides = array<i32>} : memref<8x512xf32, #tpu.memory_space<vmem>>, vector<16xf32>,
        %broadcast_in_dim3A_3477 = arith.constant 7 : i32
        %broadcast_in_dim3A_3478 = vector.broadcast %broadcast_in_dim3A_3477 : i32 to vector<16xi32>
        %gather3A_3479 = arith.constant 0 : i32
        %gather3A_3480 = arith.constant 0 : i32
        %gather3A_3481 = tpu.memref_slice %run_scoped3A[%rem3A_199, %gather3A_3479, %gather3A_3480] : memref<2x8x2048xf32, #tpu.memory_space<vmem>> -> memref<1x8x2048xf32, #tpu.memory_space<vmem>>
        %gather3A_3482 = tpu.memref_squeeze %gather3A_3481 : memref<1x8x2048xf32, #tpu.memory_space<vmem>> -> memref<8x2048xf32, #tpu.memory_space<vmem>>
        %gather3A_3483 = tpu.vector_load_idx %gather3A_3482[%broadcast_in_dim3A_3478, %get3A_3371] : memref<8x2048xf32, #tpu.memory_space<vmem>>[vector<16xi32>, vector<16xi32>], vector<16xf32>,
        %swap3A_3484 = arith.constant 7 : i32
        %swap3A_3485 = arith.constant 0 : i32
        %swap3A_3486 = arith.constant 0 : i32
        %swap3A_3487 = tpu.memref_slice %run_scoped3A_8[%rem3A_201, %swap3A_3485, %swap3A_3486] : memref<2x8x512xf32, #tpu.memory_space<vmem>> -> memref<1x8x512xf32, #tpu.memory_space<vmem>>
        %swap3A_3488 = tpu.memref_squeeze %swap3A_3487 : memref<1x8x512xf32, #tpu.memory_space<vmem>> -> memref<8x512xf32, #tpu.memory_space<vmem>>
        %swap3A_3489 = arith.index_cast %swap3A_3484 : i32 to index
        %swap3A_3490 = arith.constant 416 : index
        %swap3A_3491 = tpu.vector_load %swap3A_3488[%swap3A_3489, %swap3A_3490] {strides = array<i32>} : memref<8x512xf32, #tpu.memory_space<vmem>>, vector<16xf32>,
        tpu.vector_store %swap3A_3488[%swap3A_3489, %swap3A_3490], %gather3A_3483 {strides = array<i32>} : memref<8x512xf32, #tpu.memory_space<vmem>>, vector<16xf32>,
        %get3A_3492 = arith.constant 432 : index
        %get3A_3493 = tpu.vector_load %arg5[%get3A_3492] {strides = array<i32>} : memref<512xi32, #tpu.memory_space<vmem>>, vector<16xi32>,
        %broadcast_in_dim3A_3494 = arith.constant 0 : i32
        %broadcast_in_dim3A_3495 = vector.broadcast %broadcast_in_dim3A_3494 : i32 to vector<16xi32>
        %gather3A_3496 = arith.constant 0 : i32
        %gather3A_3497 = arith.constant 0 : i32
        %gather3A_3498 = tpu.memref_slice %run_scoped3A[%rem3A_199, %gather3A_3496, %gather3A_3497] : memref<2x8x2048xf32, #tpu.memory_space<vmem>> -> memref<1x8x2048xf32, #tpu.memory_space<vmem>>
        %gather3A_3499 = tpu.memref_squeeze %gather3A_3498 : memref<1x8x2048xf32, #tpu.memory_space<vmem>> -> memref<8x2048xf32, #tpu.memory_space<vmem>>
        %gather3A_3500 = tpu.vector_load_idx %gather3A_3499[%broadcast_in_dim3A_3495, %get3A_3493] : memref<8x2048xf32, #tpu.memory_space<vmem>>[vector<16xi32>, vector<16xi32>], vector<16xf32>,
        %swap3A_3501 = arith.constant 0 : i32
        %swap3A_3502 = arith.constant 0 : i32
        %swap3A_3503 = arith.constant 0 : i32
        %swap3A_3504 = tpu.memref_slice %run_scoped3A_8[%rem3A_201, %swap3A_3502, %swap3A_3503] : memref<2x8x512xf32, #tpu.memory_space<vmem>> -> memref<1x8x512xf32, #tpu.memory_space<vmem>>
        %swap3A_3505 = tpu.memref_squeeze %swap3A_3504 : memref<1x8x512xf32, #tpu.memory_space<vmem>> -> memref<8x512xf32, #tpu.memory_space<vmem>>
        %swap3A_3506 = arith.index_cast %swap3A_3501 : i32 to index
        %swap3A_3507 = arith.constant 432 : index
        %swap3A_3508 = tpu.vector_load %swap3A_3505[%swap3A_3506, %swap3A_3507] {strides = array<i32>} : memref<8x512xf32, #tpu.memory_space<vmem>>, vector<16xf32>,
        tpu.vector_store %swap3A_3505[%swap3A_3506, %swap3A_3507], %gather3A_3500 {strides = array<i32>} : memref<8x512xf32, #tpu.memory_space<vmem>>, vector<16xf32>,
        %broadcast_in_dim3A_3509 = arith.constant 1 : i32
        %broadcast_in_dim3A_3510 = vector.broadcast %broadcast_in_dim3A_3509 : i32 to vector<16xi32>
        %gather3A_3511 = arith.constant 0 : i32
        %gather3A_3512 = arith.constant 0 : i32
        %gather3A_3513 = tpu.memref_slice %run_scoped3A[%rem3A_199, %gather3A_3511, %gather3A_3512] : memref<2x8x2048xf32, #tpu.memory_space<vmem>> -> memref<1x8x2048xf32, #tpu.memory_space<vmem>>
        %gather3A_3514 = tpu.memref_squeeze %gather3A_3513 : memref<1x8x2048xf32, #tpu.memory_space<vmem>> -> memref<8x2048xf32, #tpu.memory_space<vmem>>
        %gather3A_3515 = tpu.vector_load_idx %gather3A_3514[%broadcast_in_dim3A_3510, %get3A_3493] : memref<8x2048xf32, #tpu.memory_space<vmem>>[vector<16xi32>, vector<16xi32>], vector<16xf32>,
        %swap3A_3516 = arith.constant 1 : i32
        %swap3A_3517 = arith.constant 0 : i32
        %swap3A_3518 = arith.constant 0 : i32
        %swap3A_3519 = tpu.memref_slice %run_scoped3A_8[%rem3A_201, %swap3A_3517, %swap3A_3518] : memref<2x8x512xf32, #tpu.memory_space<vmem>> -> memref<1x8x512xf32, #tpu.memory_space<vmem>>
        %swap3A_3520 = tpu.memref_squeeze %swap3A_3519 : memref<1x8x512xf32, #tpu.memory_space<vmem>> -> memref<8x512xf32, #tpu.memory_space<vmem>>
        %swap3A_3521 = arith.index_cast %swap3A_3516 : i32 to index
        %swap3A_3522 = arith.constant 432 : index
        %swap3A_3523 = tpu.vector_load %swap3A_3520[%swap3A_3521, %swap3A_3522] {strides = array<i32>} : memref<8x512xf32, #tpu.memory_space<vmem>>, vector<16xf32>,
        tpu.vector_store %swap3A_3520[%swap3A_3521, %swap3A_3522], %gather3A_3515 {strides = array<i32>} : memref<8x512xf32, #tpu.memory_space<vmem>>, vector<16xf32>,
        %broadcast_in_dim3A_3524 = arith.constant 2 : i32
        %broadcast_in_dim3A_3525 = vector.broadcast %broadcast_in_dim3A_3524 : i32 to vector<16xi32>
        %gather3A_3526 = arith.constant 0 : i32
        %gather3A_3527 = arith.constant 0 : i32
        %gather3A_3528 = tpu.memref_slice %run_scoped3A[%rem3A_199, %gather3A_3526, %gather3A_3527] : memref<2x8x2048xf32, #tpu.memory_space<vmem>> -> memref<1x8x2048xf32, #tpu.memory_space<vmem>>
        %gather3A_3529 = tpu.memref_squeeze %gather3A_3528 : memref<1x8x2048xf32, #tpu.memory_space<vmem>> -> memref<8x2048xf32, #tpu.memory_space<vmem>>
        %gather3A_3530 = tpu.vector_load_idx %gather3A_3529[%broadcast_in_dim3A_3525, %get3A_3493] : memref<8x2048xf32, #tpu.memory_space<vmem>>[vector<16xi32>, vector<16xi32>], vector<16xf32>,
        %swap3A_3531 = arith.constant 2 : i32
        %swap3A_3532 = arith.constant 0 : i32
        %swap3A_3533 = arith.constant 0 : i32
        %swap3A_3534 = tpu.memref_slice %run_scoped3A_8[%rem3A_201, %swap3A_3532, %swap3A_3533] : memref<2x8x512xf32, #tpu.memory_space<vmem>> -> memref<1x8x512xf32, #tpu.memory_space<vmem>>
        %swap3A_3535 = tpu.memref_squeeze %swap3A_3534 : memref<1x8x512xf32, #tpu.memory_space<vmem>> -> memref<8x512xf32, #tpu.memory_space<vmem>>
        %swap3A_3536 = arith.index_cast %swap3A_3531 : i32 to index
        %swap3A_3537 = arith.constant 432 : index
        %swap3A_3538 = tpu.vector_load %swap3A_3535[%swap3A_3536, %swap3A_3537] {strides = array<i32>} : memref<8x512xf32, #tpu.memory_space<vmem>>, vector<16xf32>,
        tpu.vector_store %swap3A_3535[%swap3A_3536, %swap3A_3537], %gather3A_3530 {strides = array<i32>} : memref<8x512xf32, #tpu.memory_space<vmem>>, vector<16xf32>,
        %broadcast_in_dim3A_3539 = arith.constant 3 : i32
        %broadcast_in_dim3A_3540 = vector.broadcast %broadcast_in_dim3A_3539 : i32 to vector<16xi32>
        %gather3A_3541 = arith.constant 0 : i32
        %gather3A_3542 = arith.constant 0 : i32
        %gather3A_3543 = tpu.memref_slice %run_scoped3A[%rem3A_199, %gather3A_3541, %gather3A_3542] : memref<2x8x2048xf32, #tpu.memory_space<vmem>> -> memref<1x8x2048xf32, #tpu.memory_space<vmem>>
        %gather3A_3544 = tpu.memref_squeeze %gather3A_3543 : memref<1x8x2048xf32, #tpu.memory_space<vmem>> -> memref<8x2048xf32, #tpu.memory_space<vmem>>
        %gather3A_3545 = tpu.vector_load_idx %gather3A_3544[%broadcast_in_dim3A_3540, %get3A_3493] : memref<8x2048xf32, #tpu.memory_space<vmem>>[vector<16xi32>, vector<16xi32>], vector<16xf32>,
        %swap3A_3546 = arith.constant 3 : i32
        %swap3A_3547 = arith.constant 0 : i32
        %swap3A_3548 = arith.constant 0 : i32
        %swap3A_3549 = tpu.memref_slice %run_scoped3A_8[%rem3A_201, %swap3A_3547, %swap3A_3548] : memref<2x8x512xf32, #tpu.memory_space<vmem>> -> memref<1x8x512xf32, #tpu.memory_space<vmem>>
        %swap3A_3550 = tpu.memref_squeeze %swap3A_3549 : memref<1x8x512xf32, #tpu.memory_space<vmem>> -> memref<8x512xf32, #tpu.memory_space<vmem>>
        %swap3A_3551 = arith.index_cast %swap3A_3546 : i32 to index
        %swap3A_3552 = arith.constant 432 : index
        %swap3A_3553 = tpu.vector_load %swap3A_3550[%swap3A_3551, %swap3A_3552] {strides = array<i32>} : memref<8x512xf32, #tpu.memory_space<vmem>>, vector<16xf32>,
        tpu.vector_store %swap3A_3550[%swap3A_3551, %swap3A_3552], %gather3A_3545 {strides = array<i32>} : memref<8x512xf32, #tpu.memory_space<vmem>>, vector<16xf32>,
        %broadcast_in_dim3A_3554 = arith.constant 4 : i32
        %broadcast_in_dim3A_3555 = vector.broadcast %broadcast_in_dim3A_3554 : i32 to vector<16xi32>
        %gather3A_3556 = arith.constant 0 : i32
        %gather3A_3557 = arith.constant 0 : i32
        %gather3A_3558 = tpu.memref_slice %run_scoped3A[%rem3A_199, %gather3A_3556, %gather3A_3557] : memref<2x8x2048xf32, #tpu.memory_space<vmem>> -> memref<1x8x2048xf32, #tpu.memory_space<vmem>>
        %gather3A_3559 = tpu.memref_squeeze %gather3A_3558 : memref<1x8x2048xf32, #tpu.memory_space<vmem>> -> memref<8x2048xf32, #tpu.memory_space<vmem>>
        %gather3A_3560 = tpu.vector_load_idx %gather3A_3559[%broadcast_in_dim3A_3555, %get3A_3493] : memref<8x2048xf32, #tpu.memory_space<vmem>>[vector<16xi32>, vector<16xi32>], vector<16xf32>,
        %swap3A_3561 = arith.constant 4 : i32
        %swap3A_3562 = arith.constant 0 : i32
        %swap3A_3563 = arith.constant 0 : i32
        %swap3A_3564 = tpu.memref_slice %run_scoped3A_8[%rem3A_201, %swap3A_3562, %swap3A_3563] : memref<2x8x512xf32, #tpu.memory_space<vmem>> -> memref<1x8x512xf32, #tpu.memory_space<vmem>>
        %swap3A_3565 = tpu.memref_squeeze %swap3A_3564 : memref<1x8x512xf32, #tpu.memory_space<vmem>> -> memref<8x512xf32, #tpu.memory_space<vmem>>
        %swap3A_3566 = arith.index_cast %swap3A_3561 : i32 to index
        %swap3A_3567 = arith.constant 432 : index
        %swap3A_3568 = tpu.vector_load %swap3A_3565[%swap3A_3566, %swap3A_3567] {strides = array<i32>} : memref<8x512xf32, #tpu.memory_space<vmem>>, vector<16xf32>,
        tpu.vector_store %swap3A_3565[%swap3A_3566, %swap3A_3567], %gather3A_3560 {strides = array<i32>} : memref<8x512xf32, #tpu.memory_space<vmem>>, vector<16xf32>,
        %broadcast_in_dim3A_3569 = arith.constant 5 : i32
        %broadcast_in_dim3A_3570 = vector.broadcast %broadcast_in_dim3A_3569 : i32 to vector<16xi32>
        %gather3A_3571 = arith.constant 0 : i32
        %gather3A_3572 = arith.constant 0 : i32
        %gather3A_3573 = tpu.memref_slice %run_scoped3A[%rem3A_199, %gather3A_3571, %gather3A_3572] : memref<2x8x2048xf32, #tpu.memory_space<vmem>> -> memref<1x8x2048xf32, #tpu.memory_space<vmem>>
        %gather3A_3574 = tpu.memref_squeeze %gather3A_3573 : memref<1x8x2048xf32, #tpu.memory_space<vmem>> -> memref<8x2048xf32, #tpu.memory_space<vmem>>
        %gather3A_3575 = tpu.vector_load_idx %gather3A_3574[%broadcast_in_dim3A_3570, %get3A_3493] : memref<8x2048xf32, #tpu.memory_space<vmem>>[vector<16xi32>, vector<16xi32>], vector<16xf32>,
        %swap3A_3576 = arith.constant 5 : i32
        %swap3A_3577 = arith.constant 0 : i32
        %swap3A_3578 = arith.constant 0 : i32
        %swap3A_3579 = tpu.memref_slice %run_scoped3A_8[%rem3A_201, %swap3A_3577, %swap3A_3578] : memref<2x8x512xf32, #tpu.memory_space<vmem>> -> memref<1x8x512xf32, #tpu.memory_space<vmem>>
        %swap3A_3580 = tpu.memref_squeeze %swap3A_3579 : memref<1x8x512xf32, #tpu.memory_space<vmem>> -> memref<8x512xf32, #tpu.memory_space<vmem>>
        %swap3A_3581 = arith.index_cast %swap3A_3576 : i32 to index
        %swap3A_3582 = arith.constant 432 : index
        %swap3A_3583 = tpu.vector_load %swap3A_3580[%swap3A_3581, %swap3A_3582] {strides = array<i32>} : memref<8x512xf32, #tpu.memory_space<vmem>>, vector<16xf32>,
        tpu.vector_store %swap3A_3580[%swap3A_3581, %swap3A_3582], %gather3A_3575 {strides = array<i32>} : memref<8x512xf32, #tpu.memory_space<vmem>>, vector<16xf32>,
        %broadcast_in_dim3A_3584 = arith.constant 6 : i32
        %broadcast_in_dim3A_3585 = vector.broadcast %broadcast_in_dim3A_3584 : i32 to vector<16xi32>
        %gather3A_3586 = arith.constant 0 : i32
        %gather3A_3587 = arith.constant 0 : i32
        %gather3A_3588 = tpu.memref_slice %run_scoped3A[%rem3A_199, %gather3A_3586, %gather3A_3587] : memref<2x8x2048xf32, #tpu.memory_space<vmem>> -> memref<1x8x2048xf32, #tpu.memory_space<vmem>>
        %gather3A_3589 = tpu.memref_squeeze %gather3A_3588 : memref<1x8x2048xf32, #tpu.memory_space<vmem>> -> memref<8x2048xf32, #tpu.memory_space<vmem>>
        %gather3A_3590 = tpu.vector_load_idx %gather3A_3589[%broadcast_in_dim3A_3585, %get3A_3493] : memref<8x2048xf32, #tpu.memory_space<vmem>>[vector<16xi32>, vector<16xi32>], vector<16xf32>,
        %swap3A_3591 = arith.constant 6 : i32
        %swap3A_3592 = arith.constant 0 : i32
        %swap3A_3593 = arith.constant 0 : i32
        %swap3A_3594 = tpu.memref_slice %run_scoped3A_8[%rem3A_201, %swap3A_3592, %swap3A_3593] : memref<2x8x512xf32, #tpu.memory_space<vmem>> -> memref<1x8x512xf32, #tpu.memory_space<vmem>>
        %swap3A_3595 = tpu.memref_squeeze %swap3A_3594 : memref<1x8x512xf32, #tpu.memory_space<vmem>> -> memref<8x512xf32, #tpu.memory_space<vmem>>
        %swap3A_3596 = arith.index_cast %swap3A_3591 : i32 to index
        %swap3A_3597 = arith.constant 432 : index
        %swap3A_3598 = tpu.vector_load %swap3A_3595[%swap3A_3596, %swap3A_3597] {strides = array<i32>} : memref<8x512xf32, #tpu.memory_space<vmem>>, vector<16xf32>,
        tpu.vector_store %swap3A_3595[%swap3A_3596, %swap3A_3597], %gather3A_3590 {strides = array<i32>} : memref<8x512xf32, #tpu.memory_space<vmem>>, vector<16xf32>,
        %broadcast_in_dim3A_3599 = arith.constant 7 : i32
        %broadcast_in_dim3A_3600 = vector.broadcast %broadcast_in_dim3A_3599 : i32 to vector<16xi32>
        %gather3A_3601 = arith.constant 0 : i32
        %gather3A_3602 = arith.constant 0 : i32
        %gather3A_3603 = tpu.memref_slice %run_scoped3A[%rem3A_199, %gather3A_3601, %gather3A_3602] : memref<2x8x2048xf32, #tpu.memory_space<vmem>> -> memref<1x8x2048xf32, #tpu.memory_space<vmem>>
        %gather3A_3604 = tpu.memref_squeeze %gather3A_3603 : memref<1x8x2048xf32, #tpu.memory_space<vmem>> -> memref<8x2048xf32, #tpu.memory_space<vmem>>
        %gather3A_3605 = tpu.vector_load_idx %gather3A_3604[%broadcast_in_dim3A_3600, %get3A_3493] : memref<8x2048xf32, #tpu.memory_space<vmem>>[vector<16xi32>, vector<16xi32>], vector<16xf32>,
        %swap3A_3606 = arith.constant 7 : i32
        %swap3A_3607 = arith.constant 0 : i32
        %swap3A_3608 = arith.constant 0 : i32
        %swap3A_3609 = tpu.memref_slice %run_scoped3A_8[%rem3A_201, %swap3A_3607, %swap3A_3608] : memref<2x8x512xf32, #tpu.memory_space<vmem>> -> memref<1x8x512xf32, #tpu.memory_space<vmem>>
        %swap3A_3610 = tpu.memref_squeeze %swap3A_3609 : memref<1x8x512xf32, #tpu.memory_space<vmem>> -> memref<8x512xf32, #tpu.memory_space<vmem>>
        %swap3A_3611 = arith.index_cast %swap3A_3606 : i32 to index
        %swap3A_3612 = arith.constant 432 : index
        %swap3A_3613 = tpu.vector_load %swap3A_3610[%swap3A_3611, %swap3A_3612] {strides = array<i32>} : memref<8x512xf32, #tpu.memory_space<vmem>>, vector<16xf32>,
        tpu.vector_store %swap3A_3610[%swap3A_3611, %swap3A_3612], %gather3A_3605 {strides = array<i32>} : memref<8x512xf32, #tpu.memory_space<vmem>>, vector<16xf32>,
        %get3A_3614 = arith.constant 448 : index
        %get3A_3615 = tpu.vector_load %arg5[%get3A_3614] {strides = array<i32>} : memref<512xi32, #tpu.memory_space<vmem>>, vector<16xi32>,
        %broadcast_in_dim3A_3616 = arith.constant 0 : i32
        %broadcast_in_dim3A_3617 = vector.broadcast %broadcast_in_dim3A_3616 : i32 to vector<16xi32>
        %gather3A_3618 = arith.constant 0 : i32
        %gather3A_3619 = arith.constant 0 : i32
        %gather3A_3620 = tpu.memref_slice %run_scoped3A[%rem3A_199, %gather3A_3618, %gather3A_3619] : memref<2x8x2048xf32, #tpu.memory_space<vmem>> -> memref<1x8x2048xf32, #tpu.memory_space<vmem>>
        %gather3A_3621 = tpu.memref_squeeze %gather3A_3620 : memref<1x8x2048xf32, #tpu.memory_space<vmem>> -> memref<8x2048xf32, #tpu.memory_space<vmem>>
        %gather3A_3622 = tpu.vector_load_idx %gather3A_3621[%broadcast_in_dim3A_3617, %get3A_3615] : memref<8x2048xf32, #tpu.memory_space<vmem>>[vector<16xi32>, vector<16xi32>], vector<16xf32>,
        %swap3A_3623 = arith.constant 0 : i32
        %swap3A_3624 = arith.constant 0 : i32
        %swap3A_3625 = arith.constant 0 : i32
        %swap3A_3626 = tpu.memref_slice %run_scoped3A_8[%rem3A_201, %swap3A_3624, %swap3A_3625] : memref<2x8x512xf32, #tpu.memory_space<vmem>> -> memref<1x8x512xf32, #tpu.memory_space<vmem>>
        %swap3A_3627 = tpu.memref_squeeze %swap3A_3626 : memref<1x8x512xf32, #tpu.memory_space<vmem>> -> memref<8x512xf32, #tpu.memory_space<vmem>>
        %swap3A_3628 = arith.index_cast %swap3A_3623 : i32 to index
        %swap3A_3629 = arith.constant 448 : index
        %swap3A_3630 = tpu.vector_load %swap3A_3627[%swap3A_3628, %swap3A_3629] {strides = array<i32>} : memref<8x512xf32, #tpu.memory_space<vmem>>, vector<16xf32>,
        tpu.vector_store %swap3A_3627[%swap3A_3628, %swap3A_3629], %gather3A_3622 {strides = array<i32>} : memref<8x512xf32, #tpu.memory_space<vmem>>, vector<16xf32>,
        %broadcast_in_dim3A_3631 = arith.constant 1 : i32
        %broadcast_in_dim3A_3632 = vector.broadcast %broadcast_in_dim3A_3631 : i32 to vector<16xi32>
        %gather3A_3633 = arith.constant 0 : i32
        %gather3A_3634 = arith.constant 0 : i32
        %gather3A_3635 = tpu.memref_slice %run_scoped3A[%rem3A_199, %gather3A_3633, %gather3A_3634] : memref<2x8x2048xf32, #tpu.memory_space<vmem>> -> memref<1x8x2048xf32, #tpu.memory_space<vmem>>
        %gather3A_3636 = tpu.memref_squeeze %gather3A_3635 : memref<1x8x2048xf32, #tpu.memory_space<vmem>> -> memref<8x2048xf32, #tpu.memory_space<vmem>>
        %gather3A_3637 = tpu.vector_load_idx %gather3A_3636[%broadcast_in_dim3A_3632, %get3A_3615] : memref<8x2048xf32, #tpu.memory_space<vmem>>[vector<16xi32>, vector<16xi32>], vector<16xf32>,
        %swap3A_3638 = arith.constant 1 : i32
        %swap3A_3639 = arith.constant 0 : i32
        %swap3A_3640 = arith.constant 0 : i32
        %swap3A_3641 = tpu.memref_slice %run_scoped3A_8[%rem3A_201, %swap3A_3639, %swap3A_3640] : memref<2x8x512xf32, #tpu.memory_space<vmem>> -> memref<1x8x512xf32, #tpu.memory_space<vmem>>
        %swap3A_3642 = tpu.memref_squeeze %swap3A_3641 : memref<1x8x512xf32, #tpu.memory_space<vmem>> -> memref<8x512xf32, #tpu.memory_space<vmem>>
        %swap3A_3643 = arith.index_cast %swap3A_3638 : i32 to index
        %swap3A_3644 = arith.constant 448 : index
        %swap3A_3645 = tpu.vector_load %swap3A_3642[%swap3A_3643, %swap3A_3644] {strides = array<i32>} : memref<8x512xf32, #tpu.memory_space<vmem>>, vector<16xf32>,
        tpu.vector_store %swap3A_3642[%swap3A_3643, %swap3A_3644], %gather3A_3637 {strides = array<i32>} : memref<8x512xf32, #tpu.memory_space<vmem>>, vector<16xf32>,
        %broadcast_in_dim3A_3646 = arith.constant 2 : i32
        %broadcast_in_dim3A_3647 = vector.broadcast %broadcast_in_dim3A_3646 : i32 to vector<16xi32>
        %gather3A_3648 = arith.constant 0 : i32
        %gather3A_3649 = arith.constant 0 : i32
        %gather3A_3650 = tpu.memref_slice %run_scoped3A[%rem3A_199, %gather3A_3648, %gather3A_3649] : memref<2x8x2048xf32, #tpu.memory_space<vmem>> -> memref<1x8x2048xf32, #tpu.memory_space<vmem>>
        %gather3A_3651 = tpu.memref_squeeze %gather3A_3650 : memref<1x8x2048xf32, #tpu.memory_space<vmem>> -> memref<8x2048xf32, #tpu.memory_space<vmem>>
        %gather3A_3652 = tpu.vector_load_idx %gather3A_3651[%broadcast_in_dim3A_3647, %get3A_3615] : memref<8x2048xf32, #tpu.memory_space<vmem>>[vector<16xi32>, vector<16xi32>], vector<16xf32>,
        %swap3A_3653 = arith.constant 2 : i32
        %swap3A_3654 = arith.constant 0 : i32
        %swap3A_3655 = arith.constant 0 : i32
        %swap3A_3656 = tpu.memref_slice %run_scoped3A_8[%rem3A_201, %swap3A_3654, %swap3A_3655] : memref<2x8x512xf32, #tpu.memory_space<vmem>> -> memref<1x8x512xf32, #tpu.memory_space<vmem>>
        %swap3A_3657 = tpu.memref_squeeze %swap3A_3656 : memref<1x8x512xf32, #tpu.memory_space<vmem>> -> memref<8x512xf32, #tpu.memory_space<vmem>>
        %swap3A_3658 = arith.index_cast %swap3A_3653 : i32 to index
        %swap3A_3659 = arith.constant 448 : index
        %swap3A_3660 = tpu.vector_load %swap3A_3657[%swap3A_3658, %swap3A_3659] {strides = array<i32>} : memref<8x512xf32, #tpu.memory_space<vmem>>, vector<16xf32>,
        tpu.vector_store %swap3A_3657[%swap3A_3658, %swap3A_3659], %gather3A_3652 {strides = array<i32>} : memref<8x512xf32, #tpu.memory_space<vmem>>, vector<16xf32>,
        %broadcast_in_dim3A_3661 = arith.constant 3 : i32
        %broadcast_in_dim3A_3662 = vector.broadcast %broadcast_in_dim3A_3661 : i32 to vector<16xi32>
        %gather3A_3663 = arith.constant 0 : i32
        %gather3A_3664 = arith.constant 0 : i32
        %gather3A_3665 = tpu.memref_slice %run_scoped3A[%rem3A_199, %gather3A_3663, %gather3A_3664] : memref<2x8x2048xf32, #tpu.memory_space<vmem>> -> memref<1x8x2048xf32, #tpu.memory_space<vmem>>
        %gather3A_3666 = tpu.memref_squeeze %gather3A_3665 : memref<1x8x2048xf32, #tpu.memory_space<vmem>> -> memref<8x2048xf32, #tpu.memory_space<vmem>>
        %gather3A_3667 = tpu.vector_load_idx %gather3A_3666[%broadcast_in_dim3A_3662, %get3A_3615] : memref<8x2048xf32, #tpu.memory_space<vmem>>[vector<16xi32>, vector<16xi32>], vector<16xf32>,
        %swap3A_3668 = arith.constant 3 : i32
        %swap3A_3669 = arith.constant 0 : i32
        %swap3A_3670 = arith.constant 0 : i32
        %swap3A_3671 = tpu.memref_slice %run_scoped3A_8[%rem3A_201, %swap3A_3669, %swap3A_3670] : memref<2x8x512xf32, #tpu.memory_space<vmem>> -> memref<1x8x512xf32, #tpu.memory_space<vmem>>
        %swap3A_3672 = tpu.memref_squeeze %swap3A_3671 : memref<1x8x512xf32, #tpu.memory_space<vmem>> -> memref<8x512xf32, #tpu.memory_space<vmem>>
        %swap3A_3673 = arith.index_cast %swap3A_3668 : i32 to index
        %swap3A_3674 = arith.constant 448 : index
        %swap3A_3675 = tpu.vector_load %swap3A_3672[%swap3A_3673, %swap3A_3674] {strides = array<i32>} : memref<8x512xf32, #tpu.memory_space<vmem>>, vector<16xf32>,
        tpu.vector_store %swap3A_3672[%swap3A_3673, %swap3A_3674], %gather3A_3667 {strides = array<i32>} : memref<8x512xf32, #tpu.memory_space<vmem>>, vector<16xf32>,
        %broadcast_in_dim3A_3676 = arith.constant 4 : i32
        %broadcast_in_dim3A_3677 = vector.broadcast %broadcast_in_dim3A_3676 : i32 to vector<16xi32>
        %gather3A_3678 = arith.constant 0 : i32
        %gather3A_3679 = arith.constant 0 : i32
        %gather3A_3680 = tpu.memref_slice %run_scoped3A[%rem3A_199, %gather3A_3678, %gather3A_3679] : memref<2x8x2048xf32, #tpu.memory_space<vmem>> -> memref<1x8x2048xf32, #tpu.memory_space<vmem>>
        %gather3A_3681 = tpu.memref_squeeze %gather3A_3680 : memref<1x8x2048xf32, #tpu.memory_space<vmem>> -> memref<8x2048xf32, #tpu.memory_space<vmem>>
        %gather3A_3682 = tpu.vector_load_idx %gather3A_3681[%broadcast_in_dim3A_3677, %get3A_3615] : memref<8x2048xf32, #tpu.memory_space<vmem>>[vector<16xi32>, vector<16xi32>], vector<16xf32>,
        %swap3A_3683 = arith.constant 4 : i32
        %swap3A_3684 = arith.constant 0 : i32
        %swap3A_3685 = arith.constant 0 : i32
        %swap3A_3686 = tpu.memref_slice %run_scoped3A_8[%rem3A_201, %swap3A_3684, %swap3A_3685] : memref<2x8x512xf32, #tpu.memory_space<vmem>> -> memref<1x8x512xf32, #tpu.memory_space<vmem>>
        %swap3A_3687 = tpu.memref_squeeze %swap3A_3686 : memref<1x8x512xf32, #tpu.memory_space<vmem>> -> memref<8x512xf32, #tpu.memory_space<vmem>>
        %swap3A_3688 = arith.index_cast %swap3A_3683 : i32 to index
        %swap3A_3689 = arith.constant 448 : index
        %swap3A_3690 = tpu.vector_load %swap3A_3687[%swap3A_3688, %swap3A_3689] {strides = array<i32>} : memref<8x512xf32, #tpu.memory_space<vmem>>, vector<16xf32>,
        tpu.vector_store %swap3A_3687[%swap3A_3688, %swap3A_3689], %gather3A_3682 {strides = array<i32>} : memref<8x512xf32, #tpu.memory_space<vmem>>, vector<16xf32>,
        %broadcast_in_dim3A_3691 = arith.constant 5 : i32
        %broadcast_in_dim3A_3692 = vector.broadcast %broadcast_in_dim3A_3691 : i32 to vector<16xi32>
        %gather3A_3693 = arith.constant 0 : i32
        %gather3A_3694 = arith.constant 0 : i32
        %gather3A_3695 = tpu.memref_slice %run_scoped3A[%rem3A_199, %gather3A_3693, %gather3A_3694] : memref<2x8x2048xf32, #tpu.memory_space<vmem>> -> memref<1x8x2048xf32, #tpu.memory_space<vmem>>
        %gather3A_3696 = tpu.memref_squeeze %gather3A_3695 : memref<1x8x2048xf32, #tpu.memory_space<vmem>> -> memref<8x2048xf32, #tpu.memory_space<vmem>>
        %gather3A_3697 = tpu.vector_load_idx %gather3A_3696[%broadcast_in_dim3A_3692, %get3A_3615] : memref<8x2048xf32, #tpu.memory_space<vmem>>[vector<16xi32>, vector<16xi32>], vector<16xf32>,
        %swap3A_3698 = arith.constant 5 : i32
        %swap3A_3699 = arith.constant 0 : i32
        %swap3A_3700 = arith.constant 0 : i32
        %swap3A_3701 = tpu.memref_slice %run_scoped3A_8[%rem3A_201, %swap3A_3699, %swap3A_3700] : memref<2x8x512xf32, #tpu.memory_space<vmem>> -> memref<1x8x512xf32, #tpu.memory_space<vmem>>
        %swap3A_3702 = tpu.memref_squeeze %swap3A_3701 : memref<1x8x512xf32, #tpu.memory_space<vmem>> -> memref<8x512xf32, #tpu.memory_space<vmem>>
        %swap3A_3703 = arith.index_cast %swap3A_3698 : i32 to index
        %swap3A_3704 = arith.constant 448 : index
        %swap3A_3705 = tpu.vector_load %swap3A_3702[%swap3A_3703, %swap3A_3704] {strides = array<i32>} : memref<8x512xf32, #tpu.memory_space<vmem>>, vector<16xf32>,
        tpu.vector_store %swap3A_3702[%swap3A_3703, %swap3A_3704], %gather3A_3697 {strides = array<i32>} : memref<8x512xf32, #tpu.memory_space<vmem>>, vector<16xf32>,
        %broadcast_in_dim3A_3706 = arith.constant 6 : i32
        %broadcast_in_dim3A_3707 = vector.broadcast %broadcast_in_dim3A_3706 : i32 to vector<16xi32>
        %gather3A_3708 = arith.constant 0 : i32
        %gather3A_3709 = arith.constant 0 : i32
        %gather3A_3710 = tpu.memref_slice %run_scoped3A[%rem3A_199, %gather3A_3708, %gather3A_3709] : memref<2x8x2048xf32, #tpu.memory_space<vmem>> -> memref<1x8x2048xf32, #tpu.memory_space<vmem>>
        %gather3A_3711 = tpu.memref_squeeze %gather3A_3710 : memref<1x8x2048xf32, #tpu.memory_space<vmem>> -> memref<8x2048xf32, #tpu.memory_space<vmem>>
        %gather3A_3712 = tpu.vector_load_idx %gather3A_3711[%broadcast_in_dim3A_3707, %get3A_3615] : memref<8x2048xf32, #tpu.memory_space<vmem>>[vector<16xi32>, vector<16xi32>], vector<16xf32>,
        %swap3A_3713 = arith.constant 6 : i32
        %swap3A_3714 = arith.constant 0 : i32
        %swap3A_3715 = arith.constant 0 : i32
        %swap3A_3716 = tpu.memref_slice %run_scoped3A_8[%rem3A_201, %swap3A_3714, %swap3A_3715] : memref<2x8x512xf32, #tpu.memory_space<vmem>> -> memref<1x8x512xf32, #tpu.memory_space<vmem>>
        %swap3A_3717 = tpu.memref_squeeze %swap3A_3716 : memref<1x8x512xf32, #tpu.memory_space<vmem>> -> memref<8x512xf32, #tpu.memory_space<vmem>>
        %swap3A_3718 = arith.index_cast %swap3A_3713 : i32 to index
        %swap3A_3719 = arith.constant 448 : index
        %swap3A_3720 = tpu.vector_load %swap3A_3717[%swap3A_3718, %swap3A_3719] {strides = array<i32>} : memref<8x512xf32, #tpu.memory_space<vmem>>, vector<16xf32>,
        tpu.vector_store %swap3A_3717[%swap3A_3718, %swap3A_3719], %gather3A_3712 {strides = array<i32>} : memref<8x512xf32, #tpu.memory_space<vmem>>, vector<16xf32>,
        %broadcast_in_dim3A_3721 = arith.constant 7 : i32
        %broadcast_in_dim3A_3722 = vector.broadcast %broadcast_in_dim3A_3721 : i32 to vector<16xi32>
        %gather3A_3723 = arith.constant 0 : i32
        %gather3A_3724 = arith.constant 0 : i32
        %gather3A_3725 = tpu.memref_slice %run_scoped3A[%rem3A_199, %gather3A_3723, %gather3A_3724] : memref<2x8x2048xf32, #tpu.memory_space<vmem>> -> memref<1x8x2048xf32, #tpu.memory_space<vmem>>
        %gather3A_3726 = tpu.memref_squeeze %gather3A_3725 : memref<1x8x2048xf32, #tpu.memory_space<vmem>> -> memref<8x2048xf32, #tpu.memory_space<vmem>>
        %gather3A_3727 = tpu.vector_load_idx %gather3A_3726[%broadcast_in_dim3A_3722, %get3A_3615] : memref<8x2048xf32, #tpu.memory_space<vmem>>[vector<16xi32>, vector<16xi32>], vector<16xf32>,
        %swap3A_3728 = arith.constant 7 : i32
        %swap3A_3729 = arith.constant 0 : i32
        %swap3A_3730 = arith.constant 0 : i32
        %swap3A_3731 = tpu.memref_slice %run_scoped3A_8[%rem3A_201, %swap3A_3729, %swap3A_3730] : memref<2x8x512xf32, #tpu.memory_space<vmem>> -> memref<1x8x512xf32, #tpu.memory_space<vmem>>
        %swap3A_3732 = tpu.memref_squeeze %swap3A_3731 : memref<1x8x512xf32, #tpu.memory_space<vmem>> -> memref<8x512xf32, #tpu.memory_space<vmem>>
        %swap3A_3733 = arith.index_cast %swap3A_3728 : i32 to index
        %swap3A_3734 = arith.constant 448 : index
        %swap3A_3735 = tpu.vector_load %swap3A_3732[%swap3A_3733, %swap3A_3734] {strides = array<i32>} : memref<8x512xf32, #tpu.memory_space<vmem>>, vector<16xf32>,
        tpu.vector_store %swap3A_3732[%swap3A_3733, %swap3A_3734], %gather3A_3727 {strides = array<i32>} : memref<8x512xf32, #tpu.memory_space<vmem>>, vector<16xf32>,
        %get3A_3736 = arith.constant 464 : index
        %get3A_3737 = tpu.vector_load %arg5[%get3A_3736] {strides = array<i32>} : memref<512xi32, #tpu.memory_space<vmem>>, vector<16xi32>,
        %broadcast_in_dim3A_3738 = arith.constant 0 : i32
        %broadcast_in_dim3A_3739 = vector.broadcast %broadcast_in_dim3A_3738 : i32 to vector<16xi32>
        %gather3A_3740 = arith.constant 0 : i32
        %gather3A_3741 = arith.constant 0 : i32
        %gather3A_3742 = tpu.memref_slice %run_scoped3A[%rem3A_199, %gather3A_3740, %gather3A_3741] : memref<2x8x2048xf32, #tpu.memory_space<vmem>> -> memref<1x8x2048xf32, #tpu.memory_space<vmem>>
        %gather3A_3743 = tpu.memref_squeeze %gather3A_3742 : memref<1x8x2048xf32, #tpu.memory_space<vmem>> -> memref<8x2048xf32, #tpu.memory_space<vmem>>
        %gather3A_3744 = tpu.vector_load_idx %gather3A_3743[%broadcast_in_dim3A_3739, %get3A_3737] : memref<8x2048xf32, #tpu.memory_space<vmem>>[vector<16xi32>, vector<16xi32>], vector<16xf32>,
        %swap3A_3745 = arith.constant 0 : i32
        %swap3A_3746 = arith.constant 0 : i32
        %swap3A_3747 = arith.constant 0 : i32
        %swap3A_3748 = tpu.memref_slice %run_scoped3A_8[%rem3A_201, %swap3A_3746, %swap3A_3747] : memref<2x8x512xf32, #tpu.memory_space<vmem>> -> memref<1x8x512xf32, #tpu.memory_space<vmem>>
        %swap3A_3749 = tpu.memref_squeeze %swap3A_3748 : memref<1x8x512xf32, #tpu.memory_space<vmem>> -> memref<8x512xf32, #tpu.memory_space<vmem>>
        %swap3A_3750 = arith.index_cast %swap3A_3745 : i32 to index
        %swap3A_3751 = arith.constant 464 : index
        %swap3A_3752 = tpu.vector_load %swap3A_3749[%swap3A_3750, %swap3A_3751] {strides = array<i32>} : memref<8x512xf32, #tpu.memory_space<vmem>>, vector<16xf32>,
        tpu.vector_store %swap3A_3749[%swap3A_3750, %swap3A_3751], %gather3A_3744 {strides = array<i32>} : memref<8x512xf32, #tpu.memory_space<vmem>>, vector<16xf32>,
        %broadcast_in_dim3A_3753 = arith.constant 1 : i32
        %broadcast_in_dim3A_3754 = vector.broadcast %broadcast_in_dim3A_3753 : i32 to vector<16xi32>
        %gather3A_3755 = arith.constant 0 : i32
        %gather3A_3756 = arith.constant 0 : i32
        %gather3A_3757 = tpu.memref_slice %run_scoped3A[%rem3A_199, %gather3A_3755, %gather3A_3756] : memref<2x8x2048xf32, #tpu.memory_space<vmem>> -> memref<1x8x2048xf32, #tpu.memory_space<vmem>>
        %gather3A_3758 = tpu.memref_squeeze %gather3A_3757 : memref<1x8x2048xf32, #tpu.memory_space<vmem>> -> memref<8x2048xf32, #tpu.memory_space<vmem>>
        %gather3A_3759 = tpu.vector_load_idx %gather3A_3758[%broadcast_in_dim3A_3754, %get3A_3737] : memref<8x2048xf32, #tpu.memory_space<vmem>>[vector<16xi32>, vector<16xi32>], vector<16xf32>,
        %swap3A_3760 = arith.constant 1 : i32
        %swap3A_3761 = arith.constant 0 : i32
        %swap3A_3762 = arith.constant 0 : i32
        %swap3A_3763 = tpu.memref_slice %run_scoped3A_8[%rem3A_201, %swap3A_3761, %swap3A_3762] : memref<2x8x512xf32, #tpu.memory_space<vmem>> -> memref<1x8x512xf32, #tpu.memory_space<vmem>>
        %swap3A_3764 = tpu.memref_squeeze %swap3A_3763 : memref<1x8x512xf32, #tpu.memory_space<vmem>> -> memref<8x512xf32, #tpu.memory_space<vmem>>
        %swap3A_3765 = arith.index_cast %swap3A_3760 : i32 to index
        %swap3A_3766 = arith.constant 464 : index
        %swap3A_3767 = tpu.vector_load %swap3A_3764[%swap3A_3765, %swap3A_3766] {strides = array<i32>} : memref<8x512xf32, #tpu.memory_space<vmem>>, vector<16xf32>,
        tpu.vector_store %swap3A_3764[%swap3A_3765, %swap3A_3766], %gather3A_3759 {strides = array<i32>} : memref<8x512xf32, #tpu.memory_space<vmem>>, vector<16xf32>,
        %broadcast_in_dim3A_3768 = arith.constant 2 : i32
        %broadcast_in_dim3A_3769 = vector.broadcast %broadcast_in_dim3A_3768 : i32 to vector<16xi32>
        %gather3A_3770 = arith.constant 0 : i32
        %gather3A_3771 = arith.constant 0 : i32
        %gather3A_3772 = tpu.memref_slice %run_scoped3A[%rem3A_199, %gather3A_3770, %gather3A_3771] : memref<2x8x2048xf32, #tpu.memory_space<vmem>> -> memref<1x8x2048xf32, #tpu.memory_space<vmem>>
        %gather3A_3773 = tpu.memref_squeeze %gather3A_3772 : memref<1x8x2048xf32, #tpu.memory_space<vmem>> -> memref<8x2048xf32, #tpu.memory_space<vmem>>
        %gather3A_3774 = tpu.vector_load_idx %gather3A_3773[%broadcast_in_dim3A_3769, %get3A_3737] : memref<8x2048xf32, #tpu.memory_space<vmem>>[vector<16xi32>, vector<16xi32>], vector<16xf32>,
        %swap3A_3775 = arith.constant 2 : i32
        %swap3A_3776 = arith.constant 0 : i32
        %swap3A_3777 = arith.constant 0 : i32
        %swap3A_3778 = tpu.memref_slice %run_scoped3A_8[%rem3A_201, %swap3A_3776, %swap3A_3777] : memref<2x8x512xf32, #tpu.memory_space<vmem>> -> memref<1x8x512xf32, #tpu.memory_space<vmem>>
        %swap3A_3779 = tpu.memref_squeeze %swap3A_3778 : memref<1x8x512xf32, #tpu.memory_space<vmem>> -> memref<8x512xf32, #tpu.memory_space<vmem>>
        %swap3A_3780 = arith.index_cast %swap3A_3775 : i32 to index
        %swap3A_3781 = arith.constant 464 : index
        %swap3A_3782 = tpu.vector_load %swap3A_3779[%swap3A_3780, %swap3A_3781] {strides = array<i32>} : memref<8x512xf32, #tpu.memory_space<vmem>>, vector<16xf32>,
        tpu.vector_store %swap3A_3779[%swap3A_3780, %swap3A_3781], %gather3A_3774 {strides = array<i32>} : memref<8x512xf32, #tpu.memory_space<vmem>>, vector<16xf32>,
        %broadcast_in_dim3A_3783 = arith.constant 3 : i32
        %broadcast_in_dim3A_3784 = vector.broadcast %broadcast_in_dim3A_3783 : i32 to vector<16xi32>
        %gather3A_3785 = arith.constant 0 : i32
        %gather3A_3786 = arith.constant 0 : i32
        %gather3A_3787 = tpu.memref_slice %run_scoped3A[%rem3A_199, %gather3A_3785, %gather3A_3786] : memref<2x8x2048xf32, #tpu.memory_space<vmem>> -> memref<1x8x2048xf32, #tpu.memory_space<vmem>>
        %gather3A_3788 = tpu.memref_squeeze %gather3A_3787 : memref<1x8x2048xf32, #tpu.memory_space<vmem>> -> memref<8x2048xf32, #tpu.memory_space<vmem>>
        %gather3A_3789 = tpu.vector_load_idx %gather3A_3788[%broadcast_in_dim3A_3784, %get3A_3737] : memref<8x2048xf32, #tpu.memory_space<vmem>>[vector<16xi32>, vector<16xi32>], vector<16xf32>,
        %swap3A_3790 = arith.constant 3 : i32
        %swap3A_3791 = arith.constant 0 : i32
        %swap3A_3792 = arith.constant 0 : i32
        %swap3A_3793 = tpu.memref_slice %run_scoped3A_8[%rem3A_201, %swap3A_3791, %swap3A_3792] : memref<2x8x512xf32, #tpu.memory_space<vmem>> -> memref<1x8x512xf32, #tpu.memory_space<vmem>>
        %swap3A_3794 = tpu.memref_squeeze %swap3A_3793 : memref<1x8x512xf32, #tpu.memory_space<vmem>> -> memref<8x512xf32, #tpu.memory_space<vmem>>
        %swap3A_3795 = arith.index_cast %swap3A_3790 : i32 to index
        %swap3A_3796 = arith.constant 464 : index
        %swap3A_3797 = tpu.vector_load %swap3A_3794[%swap3A_3795, %swap3A_3796] {strides = array<i32>} : memref<8x512xf32, #tpu.memory_space<vmem>>, vector<16xf32>,
        tpu.vector_store %swap3A_3794[%swap3A_3795, %swap3A_3796], %gather3A_3789 {strides = array<i32>} : memref<8x512xf32, #tpu.memory_space<vmem>>, vector<16xf32>,
        %broadcast_in_dim3A_3798 = arith.constant 4 : i32
        %broadcast_in_dim3A_3799 = vector.broadcast %broadcast_in_dim3A_3798 : i32 to vector<16xi32>
        %gather3A_3800 = arith.constant 0 : i32
        %gather3A_3801 = arith.constant 0 : i32
        %gather3A_3802 = tpu.memref_slice %run_scoped3A[%rem3A_199, %gather3A_3800, %gather3A_3801] : memref<2x8x2048xf32, #tpu.memory_space<vmem>> -> memref<1x8x2048xf32, #tpu.memory_space<vmem>>
        %gather3A_3803 = tpu.memref_squeeze %gather3A_3802 : memref<1x8x2048xf32, #tpu.memory_space<vmem>> -> memref<8x2048xf32, #tpu.memory_space<vmem>>
        %gather3A_3804 = tpu.vector_load_idx %gather3A_3803[%broadcast_in_dim3A_3799, %get3A_3737] : memref<8x2048xf32, #tpu.memory_space<vmem>>[vector<16xi32>, vector<16xi32>], vector<16xf32>,
        %swap3A_3805 = arith.constant 4 : i32
        %swap3A_3806 = arith.constant 0 : i32
        %swap3A_3807 = arith.constant 0 : i32
        %swap3A_3808 = tpu.memref_slice %run_scoped3A_8[%rem3A_201, %swap3A_3806, %swap3A_3807] : memref<2x8x512xf32, #tpu.memory_space<vmem>> -> memref<1x8x512xf32, #tpu.memory_space<vmem>>
        %swap3A_3809 = tpu.memref_squeeze %swap3A_3808 : memref<1x8x512xf32, #tpu.memory_space<vmem>> -> memref<8x512xf32, #tpu.memory_space<vmem>>
        %swap3A_3810 = arith.index_cast %swap3A_3805 : i32 to index
        %swap3A_3811 = arith.constant 464 : index
        %swap3A_3812 = tpu.vector_load %swap3A_3809[%swap3A_3810, %swap3A_3811] {strides = array<i32>} : memref<8x512xf32, #tpu.memory_space<vmem>>, vector<16xf32>,
        tpu.vector_store %swap3A_3809[%swap3A_3810, %swap3A_3811], %gather3A_3804 {strides = array<i32>} : memref<8x512xf32, #tpu.memory_space<vmem>>, vector<16xf32>,
        %broadcast_in_dim3A_3813 = arith.constant 5 : i32
        %broadcast_in_dim3A_3814 = vector.broadcast %broadcast_in_dim3A_3813 : i32 to vector<16xi32>
        %gather3A_3815 = arith.constant 0 : i32
        %gather3A_3816 = arith.constant 0 : i32
        %gather3A_3817 = tpu.memref_slice %run_scoped3A[%rem3A_199, %gather3A_3815, %gather3A_3816] : memref<2x8x2048xf32, #tpu.memory_space<vmem>> -> memref<1x8x2048xf32, #tpu.memory_space<vmem>>
        %gather3A_3818 = tpu.memref_squeeze %gather3A_3817 : memref<1x8x2048xf32, #tpu.memory_space<vmem>> -> memref<8x2048xf32, #tpu.memory_space<vmem>>
        %gather3A_3819 = tpu.vector_load_idx %gather3A_3818[%broadcast_in_dim3A_3814, %get3A_3737] : memref<8x2048xf32, #tpu.memory_space<vmem>>[vector<16xi32>, vector<16xi32>], vector<16xf32>,
        %swap3A_3820 = arith.constant 5 : i32
        %swap3A_3821 = arith.constant 0 : i32
        %swap3A_3822 = arith.constant 0 : i32
        %swap3A_3823 = tpu.memref_slice %run_scoped3A_8[%rem3A_201, %swap3A_3821, %swap3A_3822] : memref<2x8x512xf32, #tpu.memory_space<vmem>> -> memref<1x8x512xf32, #tpu.memory_space<vmem>>
        %swap3A_3824 = tpu.memref_squeeze %swap3A_3823 : memref<1x8x512xf32, #tpu.memory_space<vmem>> -> memref<8x512xf32, #tpu.memory_space<vmem>>
        %swap3A_3825 = arith.index_cast %swap3A_3820 : i32 to index
        %swap3A_3826 = arith.constant 464 : index
        %swap3A_3827 = tpu.vector_load %swap3A_3824[%swap3A_3825, %swap3A_3826] {strides = array<i32>} : memref<8x512xf32, #tpu.memory_space<vmem>>, vector<16xf32>,
        tpu.vector_store %swap3A_3824[%swap3A_3825, %swap3A_3826], %gather3A_3819 {strides = array<i32>} : memref<8x512xf32, #tpu.memory_space<vmem>>, vector<16xf32>,
        %broadcast_in_dim3A_3828 = arith.constant 6 : i32
        %broadcast_in_dim3A_3829 = vector.broadcast %broadcast_in_dim3A_3828 : i32 to vector<16xi32>
        %gather3A_3830 = arith.constant 0 : i32
        %gather3A_3831 = arith.constant 0 : i32
        %gather3A_3832 = tpu.memref_slice %run_scoped3A[%rem3A_199, %gather3A_3830, %gather3A_3831] : memref<2x8x2048xf32, #tpu.memory_space<vmem>> -> memref<1x8x2048xf32, #tpu.memory_space<vmem>>
        %gather3A_3833 = tpu.memref_squeeze %gather3A_3832 : memref<1x8x2048xf32, #tpu.memory_space<vmem>> -> memref<8x2048xf32, #tpu.memory_space<vmem>>
        %gather3A_3834 = tpu.vector_load_idx %gather3A_3833[%broadcast_in_dim3A_3829, %get3A_3737] : memref<8x2048xf32, #tpu.memory_space<vmem>>[vector<16xi32>, vector<16xi32>], vector<16xf32>,
        %swap3A_3835 = arith.constant 6 : i32
        %swap3A_3836 = arith.constant 0 : i32
        %swap3A_3837 = arith.constant 0 : i32
        %swap3A_3838 = tpu.memref_slice %run_scoped3A_8[%rem3A_201, %swap3A_3836, %swap3A_3837] : memref<2x8x512xf32, #tpu.memory_space<vmem>> -> memref<1x8x512xf32, #tpu.memory_space<vmem>>
        %swap3A_3839 = tpu.memref_squeeze %swap3A_3838 : memref<1x8x512xf32, #tpu.memory_space<vmem>> -> memref<8x512xf32, #tpu.memory_space<vmem>>
        %swap3A_3840 = arith.index_cast %swap3A_3835 : i32 to index
        %swap3A_3841 = arith.constant 464 : index
        %swap3A_3842 = tpu.vector_load %swap3A_3839[%swap3A_3840, %swap3A_3841] {strides = array<i32>} : memref<8x512xf32, #tpu.memory_space<vmem>>, vector<16xf32>,
        tpu.vector_store %swap3A_3839[%swap3A_3840, %swap3A_3841], %gather3A_3834 {strides = array<i32>} : memref<8x512xf32, #tpu.memory_space<vmem>>, vector<16xf32>,
        %broadcast_in_dim3A_3843 = arith.constant 7 : i32
        %broadcast_in_dim3A_3844 = vector.broadcast %broadcast_in_dim3A_3843 : i32 to vector<16xi32>
        %gather3A_3845 = arith.constant 0 : i32
        %gather3A_3846 = arith.constant 0 : i32
        %gather3A_3847 = tpu.memref_slice %run_scoped3A[%rem3A_199, %gather3A_3845, %gather3A_3846] : memref<2x8x2048xf32, #tpu.memory_space<vmem>> -> memref<1x8x2048xf32, #tpu.memory_space<vmem>>
        %gather3A_3848 = tpu.memref_squeeze %gather3A_3847 : memref<1x8x2048xf32, #tpu.memory_space<vmem>> -> memref<8x2048xf32, #tpu.memory_space<vmem>>
        %gather3A_3849 = tpu.vector_load_idx %gather3A_3848[%broadcast_in_dim3A_3844, %get3A_3737] : memref<8x2048xf32, #tpu.memory_space<vmem>>[vector<16xi32>, vector<16xi32>], vector<16xf32>,
        %swap3A_3850 = arith.constant 7 : i32
        %swap3A_3851 = arith.constant 0 : i32
        %swap3A_3852 = arith.constant 0 : i32
        %swap3A_3853 = tpu.memref_slice %run_scoped3A_8[%rem3A_201, %swap3A_3851, %swap3A_3852] : memref<2x8x512xf32, #tpu.memory_space<vmem>> -> memref<1x8x512xf32, #tpu.memory_space<vmem>>
        %swap3A_3854 = tpu.memref_squeeze %swap3A_3853 : memref<1x8x512xf32, #tpu.memory_space<vmem>> -> memref<8x512xf32, #tpu.memory_space<vmem>>
        %swap3A_3855 = arith.index_cast %swap3A_3850 : i32 to index
        %swap3A_3856 = arith.constant 464 : index
        %swap3A_3857 = tpu.vector_load %swap3A_3854[%swap3A_3855, %swap3A_3856] {strides = array<i32>} : memref<8x512xf32, #tpu.memory_space<vmem>>, vector<16xf32>,
        tpu.vector_store %swap3A_3854[%swap3A_3855, %swap3A_3856], %gather3A_3849 {strides = array<i32>} : memref<8x512xf32, #tpu.memory_space<vmem>>, vector<16xf32>,
        %get3A_3858 = arith.constant 480 : index
        %get3A_3859 = tpu.vector_load %arg5[%get3A_3858] {strides = array<i32>} : memref<512xi32, #tpu.memory_space<vmem>>, vector<16xi32>,
        %broadcast_in_dim3A_3860 = arith.constant 0 : i32
        %broadcast_in_dim3A_3861 = vector.broadcast %broadcast_in_dim3A_3860 : i32 to vector<16xi32>
        %gather3A_3862 = arith.constant 0 : i32
        %gather3A_3863 = arith.constant 0 : i32
        %gather3A_3864 = tpu.memref_slice %run_scoped3A[%rem3A_199, %gather3A_3862, %gather3A_3863] : memref<2x8x2048xf32, #tpu.memory_space<vmem>> -> memref<1x8x2048xf32, #tpu.memory_space<vmem>>
        %gather3A_3865 = tpu.memref_squeeze %gather3A_3864 : memref<1x8x2048xf32, #tpu.memory_space<vmem>> -> memref<8x2048xf32, #tpu.memory_space<vmem>>
        %gather3A_3866 = tpu.vector_load_idx %gather3A_3865[%broadcast_in_dim3A_3861, %get3A_3859] : memref<8x2048xf32, #tpu.memory_space<vmem>>[vector<16xi32>, vector<16xi32>], vector<16xf32>,
        %swap3A_3867 = arith.constant 0 : i32
        %swap3A_3868 = arith.constant 0 : i32
        %swap3A_3869 = arith.constant 0 : i32
        %swap3A_3870 = tpu.memref_slice %run_scoped3A_8[%rem3A_201, %swap3A_3868, %swap3A_3869] : memref<2x8x512xf32, #tpu.memory_space<vmem>> -> memref<1x8x512xf32, #tpu.memory_space<vmem>>
        %swap3A_3871 = tpu.memref_squeeze %swap3A_3870 : memref<1x8x512xf32, #tpu.memory_space<vmem>> -> memref<8x512xf32, #tpu.memory_space<vmem>>
        %swap3A_3872 = arith.index_cast %swap3A_3867 : i32 to index
        %swap3A_3873 = arith.constant 480 : index
        %swap3A_3874 = tpu.vector_load %swap3A_3871[%swap3A_3872, %swap3A_3873] {strides = array<i32>} : memref<8x512xf32, #tpu.memory_space<vmem>>, vector<16xf32>,
        tpu.vector_store %swap3A_3871[%swap3A_3872, %swap3A_3873], %gather3A_3866 {strides = array<i32>} : memref<8x512xf32, #tpu.memory_space<vmem>>, vector<16xf32>,
        %broadcast_in_dim3A_3875 = arith.constant 1 : i32
        %broadcast_in_dim3A_3876 = vector.broadcast %broadcast_in_dim3A_3875 : i32 to vector<16xi32>
        %gather3A_3877 = arith.constant 0 : i32
        %gather3A_3878 = arith.constant 0 : i32
        %gather3A_3879 = tpu.memref_slice %run_scoped3A[%rem3A_199, %gather3A_3877, %gather3A_3878] : memref<2x8x2048xf32, #tpu.memory_space<vmem>> -> memref<1x8x2048xf32, #tpu.memory_space<vmem>>
        %gather3A_3880 = tpu.memref_squeeze %gather3A_3879 : memref<1x8x2048xf32, #tpu.memory_space<vmem>> -> memref<8x2048xf32, #tpu.memory_space<vmem>>
        %gather3A_3881 = tpu.vector_load_idx %gather3A_3880[%broadcast_in_dim3A_3876, %get3A_3859] : memref<8x2048xf32, #tpu.memory_space<vmem>>[vector<16xi32>, vector<16xi32>], vector<16xf32>,
        %swap3A_3882 = arith.constant 1 : i32
        %swap3A_3883 = arith.constant 0 : i32
        %swap3A_3884 = arith.constant 0 : i32
        %swap3A_3885 = tpu.memref_slice %run_scoped3A_8[%rem3A_201, %swap3A_3883, %swap3A_3884] : memref<2x8x512xf32, #tpu.memory_space<vmem>> -> memref<1x8x512xf32, #tpu.memory_space<vmem>>
        %swap3A_3886 = tpu.memref_squeeze %swap3A_3885 : memref<1x8x512xf32, #tpu.memory_space<vmem>> -> memref<8x512xf32, #tpu.memory_space<vmem>>
        %swap3A_3887 = arith.index_cast %swap3A_3882 : i32 to index
        %swap3A_3888 = arith.constant 480 : index
        %swap3A_3889 = tpu.vector_load %swap3A_3886[%swap3A_3887, %swap3A_3888] {strides = array<i32>} : memref<8x512xf32, #tpu.memory_space<vmem>>, vector<16xf32>,
        tpu.vector_store %swap3A_3886[%swap3A_3887, %swap3A_3888], %gather3A_3881 {strides = array<i32>} : memref<8x512xf32, #tpu.memory_space<vmem>>, vector<16xf32>,
        %broadcast_in_dim3A_3890 = arith.constant 2 : i32
        %broadcast_in_dim3A_3891 = vector.broadcast %broadcast_in_dim3A_3890 : i32 to vector<16xi32>
        %gather3A_3892 = arith.constant 0 : i32
        %gather3A_3893 = arith.constant 0 : i32
        %gather3A_3894 = tpu.memref_slice %run_scoped3A[%rem3A_199, %gather3A_3892, %gather3A_3893] : memref<2x8x2048xf32, #tpu.memory_space<vmem>> -> memref<1x8x2048xf32, #tpu.memory_space<vmem>>
        %gather3A_3895 = tpu.memref_squeeze %gather3A_3894 : memref<1x8x2048xf32, #tpu.memory_space<vmem>> -> memref<8x2048xf32, #tpu.memory_space<vmem>>
        %gather3A_3896 = tpu.vector_load_idx %gather3A_3895[%broadcast_in_dim3A_3891, %get3A_3859] : memref<8x2048xf32, #tpu.memory_space<vmem>>[vector<16xi32>, vector<16xi32>], vector<16xf32>,
        %swap3A_3897 = arith.constant 2 : i32
        %swap3A_3898 = arith.constant 0 : i32
        %swap3A_3899 = arith.constant 0 : i32
        %swap3A_3900 = tpu.memref_slice %run_scoped3A_8[%rem3A_201, %swap3A_3898, %swap3A_3899] : memref<2x8x512xf32, #tpu.memory_space<vmem>> -> memref<1x8x512xf32, #tpu.memory_space<vmem>>
        %swap3A_3901 = tpu.memref_squeeze %swap3A_3900 : memref<1x8x512xf32, #tpu.memory_space<vmem>> -> memref<8x512xf32, #tpu.memory_space<vmem>>
        %swap3A_3902 = arith.index_cast %swap3A_3897 : i32 to index
        %swap3A_3903 = arith.constant 480 : index
        %swap3A_3904 = tpu.vector_load %swap3A_3901[%swap3A_3902, %swap3A_3903] {strides = array<i32>} : memref<8x512xf32, #tpu.memory_space<vmem>>, vector<16xf32>,
        tpu.vector_store %swap3A_3901[%swap3A_3902, %swap3A_3903], %gather3A_3896 {strides = array<i32>} : memref<8x512xf32, #tpu.memory_space<vmem>>, vector<16xf32>,
        %broadcast_in_dim3A_3905 = arith.constant 3 : i32
        %broadcast_in_dim3A_3906 = vector.broadcast %broadcast_in_dim3A_3905 : i32 to vector<16xi32>
        %gather3A_3907 = arith.constant 0 : i32
        %gather3A_3908 = arith.constant 0 : i32
        %gather3A_3909 = tpu.memref_slice %run_scoped3A[%rem3A_199, %gather3A_3907, %gather3A_3908] : memref<2x8x2048xf32, #tpu.memory_space<vmem>> -> memref<1x8x2048xf32, #tpu.memory_space<vmem>>
        %gather3A_3910 = tpu.memref_squeeze %gather3A_3909 : memref<1x8x2048xf32, #tpu.memory_space<vmem>> -> memref<8x2048xf32, #tpu.memory_space<vmem>>
        %gather3A_3911 = tpu.vector_load_idx %gather3A_3910[%broadcast_in_dim3A_3906, %get3A_3859] : memref<8x2048xf32, #tpu.memory_space<vmem>>[vector<16xi32>, vector<16xi32>], vector<16xf32>,
        %swap3A_3912 = arith.constant 3 : i32
        %swap3A_3913 = arith.constant 0 : i32
        %swap3A_3914 = arith.constant 0 : i32
        %swap3A_3915 = tpu.memref_slice %run_scoped3A_8[%rem3A_201, %swap3A_3913, %swap3A_3914] : memref<2x8x512xf32, #tpu.memory_space<vmem>> -> memref<1x8x512xf32, #tpu.memory_space<vmem>>
        %swap3A_3916 = tpu.memref_squeeze %swap3A_3915 : memref<1x8x512xf32, #tpu.memory_space<vmem>> -> memref<8x512xf32, #tpu.memory_space<vmem>>
        %swap3A_3917 = arith.index_cast %swap3A_3912 : i32 to index
        %swap3A_3918 = arith.constant 480 : index
        %swap3A_3919 = tpu.vector_load %swap3A_3916[%swap3A_3917, %swap3A_3918] {strides = array<i32>} : memref<8x512xf32, #tpu.memory_space<vmem>>, vector<16xf32>,
        tpu.vector_store %swap3A_3916[%swap3A_3917, %swap3A_3918], %gather3A_3911 {strides = array<i32>} : memref<8x512xf32, #tpu.memory_space<vmem>>, vector<16xf32>,
        %broadcast_in_dim3A_3920 = arith.constant 4 : i32
        %broadcast_in_dim3A_3921 = vector.broadcast %broadcast_in_dim3A_3920 : i32 to vector<16xi32>
        %gather3A_3922 = arith.constant 0 : i32
        %gather3A_3923 = arith.constant 0 : i32
        %gather3A_3924 = tpu.memref_slice %run_scoped3A[%rem3A_199, %gather3A_3922, %gather3A_3923] : memref<2x8x2048xf32, #tpu.memory_space<vmem>> -> memref<1x8x2048xf32, #tpu.memory_space<vmem>>
        %gather3A_3925 = tpu.memref_squeeze %gather3A_3924 : memref<1x8x2048xf32, #tpu.memory_space<vmem>> -> memref<8x2048xf32, #tpu.memory_space<vmem>>
        %gather3A_3926 = tpu.vector_load_idx %gather3A_3925[%broadcast_in_dim3A_3921, %get3A_3859] : memref<8x2048xf32, #tpu.memory_space<vmem>>[vector<16xi32>, vector<16xi32>], vector<16xf32>,
        %swap3A_3927 = arith.constant 4 : i32
        %swap3A_3928 = arith.constant 0 : i32
        %swap3A_3929 = arith.constant 0 : i32
        %swap3A_3930 = tpu.memref_slice %run_scoped3A_8[%rem3A_201, %swap3A_3928, %swap3A_3929] : memref<2x8x512xf32, #tpu.memory_space<vmem>> -> memref<1x8x512xf32, #tpu.memory_space<vmem>>
        %swap3A_3931 = tpu.memref_squeeze %swap3A_3930 : memref<1x8x512xf32, #tpu.memory_space<vmem>> -> memref<8x512xf32, #tpu.memory_space<vmem>>
        %swap3A_3932 = arith.index_cast %swap3A_3927 : i32 to index
        %swap3A_3933 = arith.constant 480 : index
        %swap3A_3934 = tpu.vector_load %swap3A_3931[%swap3A_3932, %swap3A_3933] {strides = array<i32>} : memref<8x512xf32, #tpu.memory_space<vmem>>, vector<16xf32>,
        tpu.vector_store %swap3A_3931[%swap3A_3932, %swap3A_3933], %gather3A_3926 {strides = array<i32>} : memref<8x512xf32, #tpu.memory_space<vmem>>, vector<16xf32>,
        %broadcast_in_dim3A_3935 = arith.constant 5 : i32
        %broadcast_in_dim3A_3936 = vector.broadcast %broadcast_in_dim3A_3935 : i32 to vector<16xi32>
        %gather3A_3937 = arith.constant 0 : i32
        %gather3A_3938 = arith.constant 0 : i32
        %gather3A_3939 = tpu.memref_slice %run_scoped3A[%rem3A_199, %gather3A_3937, %gather3A_3938] : memref<2x8x2048xf32, #tpu.memory_space<vmem>> -> memref<1x8x2048xf32, #tpu.memory_space<vmem>>
        %gather3A_3940 = tpu.memref_squeeze %gather3A_3939 : memref<1x8x2048xf32, #tpu.memory_space<vmem>> -> memref<8x2048xf32, #tpu.memory_space<vmem>>
        %gather3A_3941 = tpu.vector_load_idx %gather3A_3940[%broadcast_in_dim3A_3936, %get3A_3859] : memref<8x2048xf32, #tpu.memory_space<vmem>>[vector<16xi32>, vector<16xi32>], vector<16xf32>,
        %swap3A_3942 = arith.constant 5 : i32
        %swap3A_3943 = arith.constant 0 : i32
        %swap3A_3944 = arith.constant 0 : i32
        %swap3A_3945 = tpu.memref_slice %run_scoped3A_8[%rem3A_201, %swap3A_3943, %swap3A_3944] : memref<2x8x512xf32, #tpu.memory_space<vmem>> -> memref<1x8x512xf32, #tpu.memory_space<vmem>>
        %swap3A_3946 = tpu.memref_squeeze %swap3A_3945 : memref<1x8x512xf32, #tpu.memory_space<vmem>> -> memref<8x512xf32, #tpu.memory_space<vmem>>
        %swap3A_3947 = arith.index_cast %swap3A_3942 : i32 to index
        %swap3A_3948 = arith.constant 480 : index
        %swap3A_3949 = tpu.vector_load %swap3A_3946[%swap3A_3947, %swap3A_3948] {strides = array<i32>} : memref<8x512xf32, #tpu.memory_space<vmem>>, vector<16xf32>,
        tpu.vector_store %swap3A_3946[%swap3A_3947, %swap3A_3948], %gather3A_3941 {strides = array<i32>} : memref<8x512xf32, #tpu.memory_space<vmem>>, vector<16xf32>,
        %broadcast_in_dim3A_3950 = arith.constant 6 : i32
        %broadcast_in_dim3A_3951 = vector.broadcast %broadcast_in_dim3A_3950 : i32 to vector<16xi32>
        %gather3A_3952 = arith.constant 0 : i32
        %gather3A_3953 = arith.constant 0 : i32
        %gather3A_3954 = tpu.memref_slice %run_scoped3A[%rem3A_199, %gather3A_3952, %gather3A_3953] : memref<2x8x2048xf32, #tpu.memory_space<vmem>> -> memref<1x8x2048xf32, #tpu.memory_space<vmem>>
        %gather3A_3955 = tpu.memref_squeeze %gather3A_3954 : memref<1x8x2048xf32, #tpu.memory_space<vmem>> -> memref<8x2048xf32, #tpu.memory_space<vmem>>
        %gather3A_3956 = tpu.vector_load_idx %gather3A_3955[%broadcast_in_dim3A_3951, %get3A_3859] : memref<8x2048xf32, #tpu.memory_space<vmem>>[vector<16xi32>, vector<16xi32>], vector<16xf32>,
        %swap3A_3957 = arith.constant 6 : i32
        %swap3A_3958 = arith.constant 0 : i32
        %swap3A_3959 = arith.constant 0 : i32
        %swap3A_3960 = tpu.memref_slice %run_scoped3A_8[%rem3A_201, %swap3A_3958, %swap3A_3959] : memref<2x8x512xf32, #tpu.memory_space<vmem>> -> memref<1x8x512xf32, #tpu.memory_space<vmem>>
        %swap3A_3961 = tpu.memref_squeeze %swap3A_3960 : memref<1x8x512xf32, #tpu.memory_space<vmem>> -> memref<8x512xf32, #tpu.memory_space<vmem>>
        %swap3A_3962 = arith.index_cast %swap3A_3957 : i32 to index
        %swap3A_3963 = arith.constant 480 : index
        %swap3A_3964 = tpu.vector_load %swap3A_3961[%swap3A_3962, %swap3A_3963] {strides = array<i32>} : memref<8x512xf32, #tpu.memory_space<vmem>>, vector<16xf32>,
        tpu.vector_store %swap3A_3961[%swap3A_3962, %swap3A_3963], %gather3A_3956 {strides = array<i32>} : memref<8x512xf32, #tpu.memory_space<vmem>>, vector<16xf32>,
        %broadcast_in_dim3A_3965 = arith.constant 7 : i32
        %broadcast_in_dim3A_3966 = vector.broadcast %broadcast_in_dim3A_3965 : i32 to vector<16xi32>
        %gather3A_3967 = arith.constant 0 : i32
        %gather3A_3968 = arith.constant 0 : i32
        %gather3A_3969 = tpu.memref_slice %run_scoped3A[%rem3A_199, %gather3A_3967, %gather3A_3968] : memref<2x8x2048xf32, #tpu.memory_space<vmem>> -> memref<1x8x2048xf32, #tpu.memory_space<vmem>>
        %gather3A_3970 = tpu.memref_squeeze %gather3A_3969 : memref<1x8x2048xf32, #tpu.memory_space<vmem>> -> memref<8x2048xf32, #tpu.memory_space<vmem>>
        %gather3A_3971 = tpu.vector_load_idx %gather3A_3970[%broadcast_in_dim3A_3966, %get3A_3859] : memref<8x2048xf32, #tpu.memory_space<vmem>>[vector<16xi32>, vector<16xi32>], vector<16xf32>,
        %swap3A_3972 = arith.constant 7 : i32
        %swap3A_3973 = arith.constant 0 : i32
        %swap3A_3974 = arith.constant 0 : i32
        %swap3A_3975 = tpu.memref_slice %run_scoped3A_8[%rem3A_201, %swap3A_3973, %swap3A_3974] : memref<2x8x512xf32, #tpu.memory_space<vmem>> -> memref<1x8x512xf32, #tpu.memory_space<vmem>>
        %swap3A_3976 = tpu.memref_squeeze %swap3A_3975 : memref<1x8x512xf32, #tpu.memory_space<vmem>> -> memref<8x512xf32, #tpu.memory_space<vmem>>
        %swap3A_3977 = arith.index_cast %swap3A_3972 : i32 to index
        %swap3A_3978 = arith.constant 480 : index
        %swap3A_3979 = tpu.vector_load %swap3A_3976[%swap3A_3977, %swap3A_3978] {strides = array<i32>} : memref<8x512xf32, #tpu.memory_space<vmem>>, vector<16xf32>,
        tpu.vector_store %swap3A_3976[%swap3A_3977, %swap3A_3978], %gather3A_3971 {strides = array<i32>} : memref<8x512xf32, #tpu.memory_space<vmem>>, vector<16xf32>,
        %get3A_3980 = arith.constant 496 : index
        %get3A_3981 = tpu.vector_load %arg5[%get3A_3980] {strides = array<i32>} : memref<512xi32, #tpu.memory_space<vmem>>, vector<16xi32>,
        %broadcast_in_dim3A_3982 = arith.constant 0 : i32
        %broadcast_in_dim3A_3983 = vector.broadcast %broadcast_in_dim3A_3982 : i32 to vector<16xi32>
        %gather3A_3984 = arith.constant 0 : i32
        %gather3A_3985 = arith.constant 0 : i32
        %gather3A_3986 = tpu.memref_slice %run_scoped3A[%rem3A_199, %gather3A_3984, %gather3A_3985] : memref<2x8x2048xf32, #tpu.memory_space<vmem>> -> memref<1x8x2048xf32, #tpu.memory_space<vmem>>
        %gather3A_3987 = tpu.memref_squeeze %gather3A_3986 : memref<1x8x2048xf32, #tpu.memory_space<vmem>> -> memref<8x2048xf32, #tpu.memory_space<vmem>>
        %gather3A_3988 = tpu.vector_load_idx %gather3A_3987[%broadcast_in_dim3A_3983, %get3A_3981] : memref<8x2048xf32, #tpu.memory_space<vmem>>[vector<16xi32>, vector<16xi32>], vector<16xf32>,
        %swap3A_3989 = arith.constant 0 : i32
        %swap3A_3990 = arith.constant 0 : i32
        %swap3A_3991 = arith.constant 0 : i32
        %swap3A_3992 = tpu.memref_slice %run_scoped3A_8[%rem3A_201, %swap3A_3990, %swap3A_3991] : memref<2x8x512xf32, #tpu.memory_space<vmem>> -> memref<1x8x512xf32, #tpu.memory_space<vmem>>
        %swap3A_3993 = tpu.memref_squeeze %swap3A_3992 : memref<1x8x512xf32, #tpu.memory_space<vmem>> -> memref<8x512xf32, #tpu.memory_space<vmem>>
        %swap3A_3994 = arith.index_cast %swap3A_3989 : i32 to index
        %swap3A_3995 = arith.constant 496 : index
        %swap3A_3996 = tpu.vector_load %swap3A_3993[%swap3A_3994, %swap3A_3995] {strides = array<i32>} : memref<8x512xf32, #tpu.memory_space<vmem>>, vector<16xf32>,
        tpu.vector_store %swap3A_3993[%swap3A_3994, %swap3A_3995], %gather3A_3988 {strides = array<i32>} : memref<8x512xf32, #tpu.memory_space<vmem>>, vector<16xf32>,
        %broadcast_in_dim3A_3997 = arith.constant 1 : i32
        %broadcast_in_dim3A_3998 = vector.broadcast %broadcast_in_dim3A_3997 : i32 to vector<16xi32>
        %gather3A_3999 = arith.constant 0 : i32
        %gather3A_4000 = arith.constant 0 : i32
        %gather3A_4001 = tpu.memref_slice %run_scoped3A[%rem3A_199, %gather3A_3999, %gather3A_4000] : memref<2x8x2048xf32, #tpu.memory_space<vmem>> -> memref<1x8x2048xf32, #tpu.memory_space<vmem>>
        %gather3A_4002 = tpu.memref_squeeze %gather3A_4001 : memref<1x8x2048xf32, #tpu.memory_space<vmem>> -> memref<8x2048xf32, #tpu.memory_space<vmem>>
        %gather3A_4003 = tpu.vector_load_idx %gather3A_4002[%broadcast_in_dim3A_3998, %get3A_3981] : memref<8x2048xf32, #tpu.memory_space<vmem>>[vector<16xi32>, vector<16xi32>], vector<16xf32>,
        %swap3A_4004 = arith.constant 1 : i32
        %swap3A_4005 = arith.constant 0 : i32
        %swap3A_4006 = arith.constant 0 : i32
        %swap3A_4007 = tpu.memref_slice %run_scoped3A_8[%rem3A_201, %swap3A_4005, %swap3A_4006] : memref<2x8x512xf32, #tpu.memory_space<vmem>> -> memref<1x8x512xf32, #tpu.memory_space<vmem>>
        %swap3A_4008 = tpu.memref_squeeze %swap3A_4007 : memref<1x8x512xf32, #tpu.memory_space<vmem>> -> memref<8x512xf32, #tpu.memory_space<vmem>>
        %swap3A_4009 = arith.index_cast %swap3A_4004 : i32 to index
        %swap3A_4010 = arith.constant 496 : index
        %swap3A_4011 = tpu.vector_load %swap3A_4008[%swap3A_4009, %swap3A_4010] {strides = array<i32>} : memref<8x512xf32, #tpu.memory_space<vmem>>, vector<16xf32>,
        tpu.vector_store %swap3A_4008[%swap3A_4009, %swap3A_4010], %gather3A_4003 {strides = array<i32>} : memref<8x512xf32, #tpu.memory_space<vmem>>, vector<16xf32>,
        %broadcast_in_dim3A_4012 = arith.constant 2 : i32
        %broadcast_in_dim3A_4013 = vector.broadcast %broadcast_in_dim3A_4012 : i32 to vector<16xi32>
        %gather3A_4014 = arith.constant 0 : i32
        %gather3A_4015 = arith.constant 0 : i32
        %gather3A_4016 = tpu.memref_slice %run_scoped3A[%rem3A_199, %gather3A_4014, %gather3A_4015] : memref<2x8x2048xf32, #tpu.memory_space<vmem>> -> memref<1x8x2048xf32, #tpu.memory_space<vmem>>
        %gather3A_4017 = tpu.memref_squeeze %gather3A_4016 : memref<1x8x2048xf32, #tpu.memory_space<vmem>> -> memref<8x2048xf32, #tpu.memory_space<vmem>>
        %gather3A_4018 = tpu.vector_load_idx %gather3A_4017[%broadcast_in_dim3A_4013, %get3A_3981] : memref<8x2048xf32, #tpu.memory_space<vmem>>[vector<16xi32>, vector<16xi32>], vector<16xf32>,
        %swap3A_4019 = arith.constant 2 : i32
        %swap3A_4020 = arith.constant 0 : i32
        %swap3A_4021 = arith.constant 0 : i32
        %swap3A_4022 = tpu.memref_slice %run_scoped3A_8[%rem3A_201, %swap3A_4020, %swap3A_4021] : memref<2x8x512xf32, #tpu.memory_space<vmem>> -> memref<1x8x512xf32, #tpu.memory_space<vmem>>
        %swap3A_4023 = tpu.memref_squeeze %swap3A_4022 : memref<1x8x512xf32, #tpu.memory_space<vmem>> -> memref<8x512xf32, #tpu.memory_space<vmem>>
        %swap3A_4024 = arith.index_cast %swap3A_4019 : i32 to index
        %swap3A_4025 = arith.constant 496 : index
        %swap3A_4026 = tpu.vector_load %swap3A_4023[%swap3A_4024, %swap3A_4025] {strides = array<i32>} : memref<8x512xf32, #tpu.memory_space<vmem>>, vector<16xf32>,
        tpu.vector_store %swap3A_4023[%swap3A_4024, %swap3A_4025], %gather3A_4018 {strides = array<i32>} : memref<8x512xf32, #tpu.memory_space<vmem>>, vector<16xf32>,
        %broadcast_in_dim3A_4027 = arith.constant 3 : i32
        %broadcast_in_dim3A_4028 = vector.broadcast %broadcast_in_dim3A_4027 : i32 to vector<16xi32>
        %gather3A_4029 = arith.constant 0 : i32
        %gather3A_4030 = arith.constant 0 : i32
        %gather3A_4031 = tpu.memref_slice %run_scoped3A[%rem3A_199, %gather3A_4029, %gather3A_4030] : memref<2x8x2048xf32, #tpu.memory_space<vmem>> -> memref<1x8x2048xf32, #tpu.memory_space<vmem>>
        %gather3A_4032 = tpu.memref_squeeze %gather3A_4031 : memref<1x8x2048xf32, #tpu.memory_space<vmem>> -> memref<8x2048xf32, #tpu.memory_space<vmem>>
        %gather3A_4033 = tpu.vector_load_idx %gather3A_4032[%broadcast_in_dim3A_4028, %get3A_3981] : memref<8x2048xf32, #tpu.memory_space<vmem>>[vector<16xi32>, vector<16xi32>], vector<16xf32>,
        %swap3A_4034 = arith.constant 3 : i32
        %swap3A_4035 = arith.constant 0 : i32
        %swap3A_4036 = arith.constant 0 : i32
        %swap3A_4037 = tpu.memref_slice %run_scoped3A_8[%rem3A_201, %swap3A_4035, %swap3A_4036] : memref<2x8x512xf32, #tpu.memory_space<vmem>> -> memref<1x8x512xf32, #tpu.memory_space<vmem>>
        %swap3A_4038 = tpu.memref_squeeze %swap3A_4037 : memref<1x8x512xf32, #tpu.memory_space<vmem>> -> memref<8x512xf32, #tpu.memory_space<vmem>>
        %swap3A_4039 = arith.index_cast %swap3A_4034 : i32 to index
        %swap3A_4040 = arith.constant 496 : index
        %swap3A_4041 = tpu.vector_load %swap3A_4038[%swap3A_4039, %swap3A_4040] {strides = array<i32>} : memref<8x512xf32, #tpu.memory_space<vmem>>, vector<16xf32>,
        tpu.vector_store %swap3A_4038[%swap3A_4039, %swap3A_4040], %gather3A_4033 {strides = array<i32>} : memref<8x512xf32, #tpu.memory_space<vmem>>, vector<16xf32>,
        %broadcast_in_dim3A_4042 = arith.constant 4 : i32
        %broadcast_in_dim3A_4043 = vector.broadcast %broadcast_in_dim3A_4042 : i32 to vector<16xi32>
        %gather3A_4044 = arith.constant 0 : i32
        %gather3A_4045 = arith.constant 0 : i32
        %gather3A_4046 = tpu.memref_slice %run_scoped3A[%rem3A_199, %gather3A_4044, %gather3A_4045] : memref<2x8x2048xf32, #tpu.memory_space<vmem>> -> memref<1x8x2048xf32, #tpu.memory_space<vmem>>
        %gather3A_4047 = tpu.memref_squeeze %gather3A_4046 : memref<1x8x2048xf32, #tpu.memory_space<vmem>> -> memref<8x2048xf32, #tpu.memory_space<vmem>>
        %gather3A_4048 = tpu.vector_load_idx %gather3A_4047[%broadcast_in_dim3A_4043, %get3A_3981] : memref<8x2048xf32, #tpu.memory_space<vmem>>[vector<16xi32>, vector<16xi32>], vector<16xf32>,
        %swap3A_4049 = arith.constant 4 : i32
        %swap3A_4050 = arith.constant 0 : i32
        %swap3A_4051 = arith.constant 0 : i32
        %swap3A_4052 = tpu.memref_slice %run_scoped3A_8[%rem3A_201, %swap3A_4050, %swap3A_4051] : memref<2x8x512xf32, #tpu.memory_space<vmem>> -> memref<1x8x512xf32, #tpu.memory_space<vmem>>
        %swap3A_4053 = tpu.memref_squeeze %swap3A_4052 : memref<1x8x512xf32, #tpu.memory_space<vmem>> -> memref<8x512xf32, #tpu.memory_space<vmem>>
        %swap3A_4054 = arith.index_cast %swap3A_4049 : i32 to index
        %swap3A_4055 = arith.constant 496 : index
        %swap3A_4056 = tpu.vector_load %swap3A_4053[%swap3A_4054, %swap3A_4055] {strides = array<i32>} : memref<8x512xf32, #tpu.memory_space<vmem>>, vector<16xf32>,
        tpu.vector_store %swap3A_4053[%swap3A_4054, %swap3A_4055], %gather3A_4048 {strides = array<i32>} : memref<8x512xf32, #tpu.memory_space<vmem>>, vector<16xf32>,
        %broadcast_in_dim3A_4057 = arith.constant 5 : i32
        %broadcast_in_dim3A_4058 = vector.broadcast %broadcast_in_dim3A_4057 : i32 to vector<16xi32>
        %gather3A_4059 = arith.constant 0 : i32
        %gather3A_4060 = arith.constant 0 : i32
        %gather3A_4061 = tpu.memref_slice %run_scoped3A[%rem3A_199, %gather3A_4059, %gather3A_4060] : memref<2x8x2048xf32, #tpu.memory_space<vmem>> -> memref<1x8x2048xf32, #tpu.memory_space<vmem>>
        %gather3A_4062 = tpu.memref_squeeze %gather3A_4061 : memref<1x8x2048xf32, #tpu.memory_space<vmem>> -> memref<8x2048xf32, #tpu.memory_space<vmem>>
        %gather3A_4063 = tpu.vector_load_idx %gather3A_4062[%broadcast_in_dim3A_4058, %get3A_3981] : memref<8x2048xf32, #tpu.memory_space<vmem>>[vector<16xi32>, vector<16xi32>], vector<16xf32>,
        %swap3A_4064 = arith.constant 5 : i32
        %swap3A_4065 = arith.constant 0 : i32
        %swap3A_4066 = arith.constant 0 : i32
        %swap3A_4067 = tpu.memref_slice %run_scoped3A_8[%rem3A_201, %swap3A_4065, %swap3A_4066] : memref<2x8x512xf32, #tpu.memory_space<vmem>> -> memref<1x8x512xf32, #tpu.memory_space<vmem>>
        %swap3A_4068 = tpu.memref_squeeze %swap3A_4067 : memref<1x8x512xf32, #tpu.memory_space<vmem>> -> memref<8x512xf32, #tpu.memory_space<vmem>>
        %swap3A_4069 = arith.index_cast %swap3A_4064 : i32 to index
        %swap3A_4070 = arith.constant 496 : index
        %swap3A_4071 = tpu.vector_load %swap3A_4068[%swap3A_4069, %swap3A_4070] {strides = array<i32>} : memref<8x512xf32, #tpu.memory_space<vmem>>, vector<16xf32>,
        tpu.vector_store %swap3A_4068[%swap3A_4069, %swap3A_4070], %gather3A_4063 {strides = array<i32>} : memref<8x512xf32, #tpu.memory_space<vmem>>, vector<16xf32>,
        %broadcast_in_dim3A_4072 = arith.constant 6 : i32
        %broadcast_in_dim3A_4073 = vector.broadcast %broadcast_in_dim3A_4072 : i32 to vector<16xi32>
        %gather3A_4074 = arith.constant 0 : i32
        %gather3A_4075 = arith.constant 0 : i32
        %gather3A_4076 = tpu.memref_slice %run_scoped3A[%rem3A_199, %gather3A_4074, %gather3A_4075] : memref<2x8x2048xf32, #tpu.memory_space<vmem>> -> memref<1x8x2048xf32, #tpu.memory_space<vmem>>
        %gather3A_4077 = tpu.memref_squeeze %gather3A_4076 : memref<1x8x2048xf32, #tpu.memory_space<vmem>> -> memref<8x2048xf32, #tpu.memory_space<vmem>>
        %gather3A_4078 = tpu.vector_load_idx %gather3A_4077[%broadcast_in_dim3A_4073, %get3A_3981] : memref<8x2048xf32, #tpu.memory_space<vmem>>[vector<16xi32>, vector<16xi32>], vector<16xf32>,
        %swap3A_4079 = arith.constant 6 : i32
        %swap3A_4080 = arith.constant 0 : i32
        %swap3A_4081 = arith.constant 0 : i32
        %swap3A_4082 = tpu.memref_slice %run_scoped3A_8[%rem3A_201, %swap3A_4080, %swap3A_4081] : memref<2x8x512xf32, #tpu.memory_space<vmem>> -> memref<1x8x512xf32, #tpu.memory_space<vmem>>
        %swap3A_4083 = tpu.memref_squeeze %swap3A_4082 : memref<1x8x512xf32, #tpu.memory_space<vmem>> -> memref<8x512xf32, #tpu.memory_space<vmem>>
        %swap3A_4084 = arith.index_cast %swap3A_4079 : i32 to index
        %swap3A_4085 = arith.constant 496 : index
        %swap3A_4086 = tpu.vector_load %swap3A_4083[%swap3A_4084, %swap3A_4085] {strides = array<i32>} : memref<8x512xf32, #tpu.memory_space<vmem>>, vector<16xf32>,
        tpu.vector_store %swap3A_4083[%swap3A_4084, %swap3A_4085], %gather3A_4078 {strides = array<i32>} : memref<8x512xf32, #tpu.memory_space<vmem>>, vector<16xf32>,
        %broadcast_in_dim3A_4087 = arith.constant 7 : i32
        %broadcast_in_dim3A_4088 = vector.broadcast %broadcast_in_dim3A_4087 : i32 to vector<16xi32>
        %gather3A_4089 = arith.constant 0 : i32
        %gather3A_4090 = arith.constant 0 : i32
        %gather3A_4091 = tpu.memref_slice %run_scoped3A[%rem3A_199, %gather3A_4089, %gather3A_4090] : memref<2x8x2048xf32, #tpu.memory_space<vmem>> -> memref<1x8x2048xf32, #tpu.memory_space<vmem>>
        %gather3A_4092 = tpu.memref_squeeze %gather3A_4091 : memref<1x8x2048xf32, #tpu.memory_space<vmem>> -> memref<8x2048xf32, #tpu.memory_space<vmem>>
        %gather3A_4093 = tpu.vector_load_idx %gather3A_4092[%broadcast_in_dim3A_4088, %get3A_3981] : memref<8x2048xf32, #tpu.memory_space<vmem>>[vector<16xi32>, vector<16xi32>], vector<16xf32>,
        %swap3A_4094 = arith.constant 7 : i32
        %swap3A_4095 = arith.constant 0 : i32
        %swap3A_4096 = arith.constant 0 : i32
        %swap3A_4097 = tpu.memref_slice %run_scoped3A_8[%rem3A_201, %swap3A_4095, %swap3A_4096] : memref<2x8x512xf32, #tpu.memory_space<vmem>> -> memref<1x8x512xf32, #tpu.memory_space<vmem>>
        %swap3A_4098 = tpu.memref_squeeze %swap3A_4097 : memref<1x8x512xf32, #tpu.memory_space<vmem>> -> memref<8x512xf32, #tpu.memory_space<vmem>>
        %swap3A_4099 = arith.index_cast %swap3A_4094 : i32 to index
        %swap3A_4100 = arith.constant 496 : index
        %swap3A_4101 = tpu.vector_load %swap3A_4098[%swap3A_4099, %swap3A_4100] {strides = array<i32>} : memref<8x512xf32, #tpu.memory_space<vmem>>, vector<16xf32>,
        tpu.vector_store %swap3A_4098[%swap3A_4099, %swap3A_4100], %gather3A_4093 {strides = array<i32>} : memref<8x512xf32, #tpu.memory_space<vmem>>, vector<16xf32>,
        "tpu.trace_stop"() : () -> ()
        %ne3A_4102 = arith.cmpi ne, %add3A_131, %add3A_149 : i32
        %or3A_4103 = arith.constant false
        %or3A_4104 = arith.ori %or3A_4103, %ne3A_4102 : i1
        %or3A_4105 = arith.constant false
        %or3A_4106 = arith.ori %or3A_4104, %or3A_4105 : i1
        %or3A_4107 = arith.ori %or3A_4106, %eq3A_130 : i1
        %convert_element_type3A_4108 = arith.extui %or3A_4107 : i1 to i32
        %cond3A_4109 = arith.constant 0 : i32
        %cond3A_4110 = arith.cmpi ne, %convert_element_type3A_4108, %cond3A_4109 : i32
        scf.if %cond3A_4110 {
        } else {
        }
        %and3A_4111 = arith.constant false
        %and3A_4112 = arith.andi %or3A_4107, %and3A_4111 : i1
        %ne3A_4113 = arith.cmpi ne, %add3A_131, %add3A_149 : i32
        %or3A_4114 = arith.constant false
        %or3A_4115 = arith.ori %or3A_4114, %ne3A_4113 : i1
        %or3A_4116 = arith.constant false
        %or3A_4117 = arith.ori %or3A_4115, %or3A_4116 : i1
        %or3A_4118 = arith.ori %or3A_4117, %eq3A_130 : i1
        %convert_element_type3A_4119 = arith.extui %or3A_4118 : i1 to i32
        %cond3A_4120 = arith.constant 0 : i32
        %cond3A_4121 = arith.cmpi ne, %convert_element_type3A_4119, %cond3A_4120 : i32
        scf.if %cond3A_4121 {
          "tpu.trace_start"() <{level = 10 : i32, message = "ep_copy_out"}> : () -> ()
          %rem3A_4173 = arith.constant 2 : i32
          %rem3A_4174 = arith.remui %scan3A_124, %rem3A_4173 : i32
          %mul3A_4175 = arith.constant 8 : i32
          %mul3A_4176 = arith.muli %mul3A_4175, %add3A_131 : i32
          %dma_start3A_4177 = arith.constant 0 : i32
          %dma_start3A_4178 = arith.constant 0 : i32
          %dma_start3A_4179 = tpu.memref_slice %run_scoped3A_8[%rem3A_4174, %dma_start3A_4177, %dma_start3A_4178] : memref<2x8x512xf32, #tpu.memory_space<vmem>> -> memref<1x8x512xf32, #tpu.memory_space<vmem>>
          %dma_start3A_4180 = tpu.memref_squeeze %dma_start3A_4179 : memref<1x8x512xf32, #tpu.memory_space<vmem>> -> memref<8x512xf32, #tpu.memory_space<vmem>>
          %dma_start3A_4181 = arith.constant 0 : i32
          %dma_start3A_4182 = tpu.memref_slice %arg4[%mul3A_4176, %dma_start3A_4181] : memref<8192x512xf32, #tpu.memory_space<hbm>> -> memref<8x512xf32, #tpu.memory_space<hbm>>
          %dma_start3A_4183 = tpu.memref_slice %run_scoped3A_9[%rem3A_4174] : memref<2x!tpu.dma_semaphore, #tpu.memory_space<semaphore_mem>> -> memref<1x!tpu.dma_semaphore, #tpu.memory_space<semaphore_mem>>
          %dma_start3A_4184 = tpu.memref_squeeze %dma_start3A_4183 : memref<1x!tpu.dma_semaphore, #tpu.memory_space<semaphore_mem>> -> memref<!tpu.dma_semaphore, #tpu.memory_space<semaphore_mem>>
          %dma_start3A_4185 = arith.constant 0 : i32
          %dma_start3A_4186 = tpu.memref_slice %arg4[%mul3A_4176, %dma_start3A_4185] : memref<8192x512xf32, #tpu.memory_space<hbm>> -> memref<8x512xf32, #tpu.memory_space<hbm>>
          %dma_start3A_4187 = arith.constant 0 : i32
          %dma_start3A_4188 = arith.constant 0 : i32
          %dma_start3A_4189 = tpu.memref_slice %run_scoped3A_8[%rem3A_4174, %dma_start3A_4187, %dma_start3A_4188] : memref<2x8x512xf32, #tpu.memory_space<vmem>> -> memref<1x8x512xf32, #tpu.memory_space<vmem>>
          %dma_start3A_4190 = tpu.memref_squeeze %dma_start3A_4189 : memref<1x8x512xf32, #tpu.memory_space<vmem>> -> memref<8x512xf32, #tpu.memory_space<vmem>>
          tpu.enqueue_dma source(%dma_start3A_4190 : memref<8x512xf32, #tpu.memory_space<vmem>>) target(%dma_start3A_4186 : memref<8x512xf32, #tpu.memory_space<hbm>>) target_semaphore(%dma_start3A_4184 : memref<!tpu.dma_semaphore, #tpu.memory_space<semaphore_mem>>)
          "tpu.trace_stop"() : () -> ()
        } else {
        }
        %and3A_4122 = arith.constant true
        %and3A_4123 = arith.andi %or3A_4118, %and3A_4122 : i1
        %add3A_4124 = arith.constant 1 : i32
        %add3A_4125 = arith.addi %scan3A_124, %add3A_4124 : i32
        %select_n3A_4126 = arith.select %and3A_4123, %add3A_4125, %scan3A_124 : i32
        %ne3A_4127 = arith.cmpi ne, %add3A_131, %add3A_140 : i32
        %or3A_4128 = arith.constant false
        %or3A_4129 = arith.ori %or3A_4128, %ne3A_4127 : i1
        %or3A_4130 = arith.constant false
        %or3A_4131 = arith.ori %or3A_4129, %or3A_4130 : i1
        %not3A_4132 = arith.constant true
        %not3A_4133 = arith.xori %eq3A_128, %not3A_4132 : i1
        %and3A_4134 = arith.andi %or3A_4131, %not3A_4133 : i1
        %convert_element_type3A_4135 = arith.extui %and3A_4134 : i1 to i32
        %cond3A_4136 = arith.constant 0 : i32
        %cond3A_4137 = arith.cmpi ne, %convert_element_type3A_4135, %cond3A_4136 : i32
        scf.if %cond3A_4137 {
        } else {
        }
        %and3A_4138 = arith.constant false
        %and3A_4139 = arith.andi %and3A_4134, %and3A_4138 : i1
        %ne3A_4140 = arith.cmpi ne, %add3A_131, %add3A_140 : i32
        %or3A_4141 = arith.constant false
        %or3A_4142 = arith.ori %or3A_4141, %ne3A_4140 : i1
        %or3A_4143 = arith.constant false
        %or3A_4144 = arith.ori %or3A_4142, %or3A_4143 : i1
        %not3A_4145 = arith.constant true
        %not3A_4146 = arith.xori %eq3A_128, %not3A_4145 : i1
        %and3A_4147 = arith.andi %or3A_4144, %not3A_4146 : i1
        %convert_element_type3A_4148 = arith.extui %and3A_4147 : i1 to i32
        %cond3A_4149 = arith.constant 0 : i32
        %cond3A_4150 = arith.cmpi ne, %convert_element_type3A_4148, %cond3A_4149 : i32
        scf.if %cond3A_4150 {
          "tpu.trace_start"() <{level = 10 : i32, message = "ep_wait_out"}> : () -> ()
          %rem3A_4173 = arith.constant 2 : i32
          %rem3A_4174 = arith.remui %scan3A_125, %rem3A_4173 : i32
          %mul3A_4175 = arith.constant 8 : i32
          %mul3A_4176 = arith.muli %mul3A_4175, %add3A_140 : i32
          %dma_wait3A_4177 = arith.constant 0 : i32
          %dma_wait3A_4178 = arith.constant 0 : i32
          %dma_wait3A_4179 = tpu.memref_slice %run_scoped3A_8[%rem3A_4174, %dma_wait3A_4177, %dma_wait3A_4178] : memref<2x8x512xf32, #tpu.memory_space<vmem>> -> memref<1x8x512xf32, #tpu.memory_space<vmem>>
          %dma_wait3A_4180 = tpu.memref_squeeze %dma_wait3A_4179 : memref<1x8x512xf32, #tpu.memory_space<vmem>> -> memref<8x512xf32, #tpu.memory_space<vmem>>
          %dma_wait3A_4181 = arith.constant 0 : i32
          %dma_wait3A_4182 = tpu.memref_slice %arg4[%mul3A_4176, %dma_wait3A_4181] : memref<8192x512xf32, #tpu.memory_space<hbm>> -> memref<8x512xf32, #tpu.memory_space<hbm>>
          %dma_wait3A_4183 = tpu.memref_slice %run_scoped3A_9[%rem3A_4174] : memref<2x!tpu.dma_semaphore, #tpu.memory_space<semaphore_mem>> -> memref<1x!tpu.dma_semaphore, #tpu.memory_space<semaphore_mem>>
          %dma_wait3A_4184 = tpu.memref_squeeze %dma_wait3A_4183 : memref<1x!tpu.dma_semaphore, #tpu.memory_space<semaphore_mem>> -> memref<!tpu.dma_semaphore, #tpu.memory_space<semaphore_mem>>
          %dma_wait3A_4185 = arith.constant 0 : i32
          %dma_wait3A_4186 = tpu.memref_slice %arg4[%mul3A_4176, %dma_wait3A_4185] : memref<8192x512xf32, #tpu.memory_space<hbm>> -> memref<8x512xf32, #tpu.memory_space<hbm>>
          %dma_wait3A_4187 = arith.constant 0 : i32
          %dma_wait3A_4188 = arith.constant 0 : i32
          %dma_wait3A_4189 = tpu.memref_slice %run_scoped3A_8[%rem3A_4174, %dma_wait3A_4187, %dma_wait3A_4188] : memref<2x8x512xf32, #tpu.memory_space<vmem>> -> memref<1x8x512xf32, #tpu.memory_space<vmem>>
          %dma_wait3A_4190 = tpu.memref_squeeze %dma_wait3A_4189 : memref<1x8x512xf32, #tpu.memory_space<vmem>> -> memref<8x512xf32, #tpu.memory_space<vmem>>
          tpu.wait_dma2 semaphore(%dma_wait3A_4184 : memref<!tpu.dma_semaphore, #tpu.memory_space<semaphore_mem>>) src(%dma_wait3A_4190 : memref<8x512xf32, #tpu.memory_space<vmem>>) dst(%dma_wait3A_4186 : memref<8x512xf32, #tpu.memory_space<hbm>>)
          "tpu.trace_stop"() : () -> ()
        } else {
        }
        %and3A_4151 = arith.constant true
        %and3A_4152 = arith.andi %and3A_4147, %and3A_4151 : i1
        %add3A_4153 = arith.constant 1 : i32
        %add3A_4154 = arith.addi %scan3A_125, %add3A_4153 : i32
        %select_n3A_4155 = arith.select %and3A_4152, %add3A_4154, %scan3A_125 : i32
        %ne3A_4156 = arith.cmpi ne, %add3A_131, %add3A_149 : i32
        %or3A_4157 = arith.constant false
        %or3A_4158 = arith.ori %or3A_4157, %ne3A_4156 : i1
        %or3A_4159 = arith.constant false
        %or3A_4160 = arith.ori %or3A_4158, %or3A_4159 : i1
        %or3A_4161 = arith.ori %or3A_4160, %eq3A_130 : i1
        %add3A_4162 = arith.constant 1 : i32
        %add3A_4163 = arith.addi %scan3A_123, %add3A_4162 : i32
        %select_n3A_4164 = arith.select %or3A_4161, %add3A_4163, %scan3A_123 : i32
        %add3A_4165 = arith.constant 1 : i32
        %add3A_4166 = arith.addi %scan3A_126, %add3A_4165 : i32
        %select_n3A_4167 = arith.constant true
        %select_n3A_4168 = arith.select %select_n3A_4167, %add3A_4166, %scan3A_126 : i32
        %eq3A_4169 = arith.constant 32 : i32
        %eq3A_4170 = arith.cmpi eq, %select_n3A_4168, %eq3A_4169 : i32
        %select_n3A_4171 = arith.constant 0 : i32
        %select_n3A_4172 = arith.select %eq3A_4170, %select_n3A_4171, %select_n3A_4168 : i32
        scf.yield %select_n3A_169, %select_n3A_4164, %select_n3A_4126, %select_n3A_4155, %select_n3A_4172 : i32, i32, i32, i32, i32
      }
      %scan3A_68 = arith.constant 32 : i32
      %sub3A = arith.constant 1 : i32
      %sub3A_69 = arith.subi %scan3A_67#4, %sub3A : i32
      %select_n3A_70 = arith.constant true
      %select_n3A_71 = arith.select %select_n3A_70, %sub3A_69, %scan3A_67#4 : i32
      %eq3A_72 = arith.constant -1 : i32
      %eq3A_73 = arith.cmpi eq, %select_n3A_71, %eq3A_72 : i32
      %select_n3A_74 = arith.constant 31 : i32
      %select_n3A_75 = arith.select %eq3A_73, %select_n3A_74, %select_n3A_71 : i32
      %add3A_76 = arith.addi %select_n3A_75, %mul3A_6 : i32
      %sub3A_77 = arith.constant 1 : i32
      %sub3A_78 = arith.subi %select_n3A_75, %sub3A_77 : i32
      %select_n3A_79 = arith.constant true
      %select_n3A_80 = arith.select %select_n3A_79, %sub3A_78, %select_n3A_75 : i32
      %eq3A_81 = arith.constant -1 : i32
      %eq3A_82 = arith.cmpi eq, %select_n3A_80, %eq3A_81 : i32
      %select_n3A_83 = arith.constant 31 : i32
      %select_n3A_84 = arith.select %eq3A_82, %select_n3A_83, %select_n3A_80 : i32
      %add3A_85 = arith.addi %select_n3A_84, %mul3A_6 : i32
      %add3A_86 = arith.constant 1 : i32
      %add3A_87 = arith.addi %select_n3A_75, %add3A_86 : i32
      %select_n3A_88 = arith.constant true
      %select_n3A_89 = arith.select %select_n3A_88, %add3A_87, %select_n3A_75 : i32
      %eq3A_90 = arith.constant 32 : i32
      %eq3A_91 = arith.cmpi eq, %select_n3A_89, %eq3A_90 : i32
      %select_n3A_92 = arith.constant 0 : i32
      %select_n3A_93 = arith.select %eq3A_91, %select_n3A_92, %select_n3A_89 : i32
      %add3A_94 = arith.addi %select_n3A_93, %mul3A_6 : i32
      %add3A_95 = arith.constant 1 : i32
      %add3A_96 = arith.addi %select_n3A_93, %add3A_95 : i32
      %select_n3A_97 = arith.constant true
      %select_n3A_98 = arith.select %select_n3A_97, %add3A_96, %select_n3A_93 : i32
      %eq3A_99 = arith.constant 32 : i32
      %eq3A_100 = arith.cmpi eq, %select_n3A_98, %eq3A_99 : i32
      %select_n3A_101 = arith.constant 0 : i32
      %select_n3A_102 = arith.select %eq3A_100, %select_n3A_101, %select_n3A_98 : i32
      %add3A_103 = arith.addi %select_n3A_102, %mul3A_6 : i32
      "tpu.trace_start"() <{level = 10 : i32, message = "ep_finalize"}> : () -> ()
      %rem3A_104 = arith.constant 2 : i32
      %rem3A_105 = arith.remui %scan3A_67#3, %rem3A_104 : i32
      %mul3A_106 = arith.constant 8 : i32
      %mul3A_107 = arith.muli %mul3A_106, %add3A_76 : i32
      %dma_wait3A = arith.constant 0 : i32
      %dma_wait3A_108 = arith.constant 0 : i32
      %dma_wait3A_109 = tpu.memref_slice %run_scoped3A_8[%rem3A_105, %dma_wait3A, %dma_wait3A_108] : memref<2x8x512xf32, #tpu.memory_space<vmem>> -> memref<1x8x512xf32, #tpu.memory_space<vmem>>
      %dma_wait3A_110 = tpu.memref_squeeze %dma_wait3A_109 : memref<1x8x512xf32, #tpu.memory_space<vmem>> -> memref<8x512xf32, #tpu.memory_space<vmem>>
      %dma_wait3A_111 = arith.constant 0 : i32
      %dma_wait3A_112 = tpu.memref_slice %arg4[%mul3A_107, %dma_wait3A_111] : memref<8192x512xf32, #tpu.memory_space<hbm>> -> memref<8x512xf32, #tpu.memory_space<hbm>>
      %dma_wait3A_113 = tpu.memref_slice %run_scoped3A_9[%rem3A_105] : memref<2x!tpu.dma_semaphore, #tpu.memory_space<semaphore_mem>> -> memref<1x!tpu.dma_semaphore, #tpu.memory_space<semaphore_mem>>
      %dma_wait3A_114 = tpu.memref_squeeze %dma_wait3A_113 : memref<1x!tpu.dma_semaphore, #tpu.memory_space<semaphore_mem>> -> memref<!tpu.dma_semaphore, #tpu.memory_space<semaphore_mem>>
      %dma_wait3A_115 = arith.constant 0 : i32
      %dma_wait3A_116 = tpu.memref_slice %arg4[%mul3A_107, %dma_wait3A_115] : memref<8192x512xf32, #tpu.memory_space<hbm>> -> memref<8x512xf32, #tpu.memory_space<hbm>>
      %dma_wait3A_117 = arith.constant 0 : i32
      %dma_wait3A_118 = arith.constant 0 : i32
      %dma_wait3A_119 = tpu.memref_slice %run_scoped3A_8[%rem3A_105, %dma_wait3A_117, %dma_wait3A_118] : memref<2x8x512xf32, #tpu.memory_space<vmem>> -> memref<1x8x512xf32, #tpu.memory_space<vmem>>
      %dma_wait3A_120 = tpu.memref_squeeze %dma_wait3A_119 : memref<1x8x512xf32, #tpu.memory_space<vmem>> -> memref<8x512xf32, #tpu.memory_space<vmem>>
      tpu.wait_dma2 semaphore(%dma_wait3A_114 : memref<!tpu.dma_semaphore, #tpu.memory_space<semaphore_mem>>) src(%dma_wait3A_120 : memref<8x512xf32, #tpu.memory_space<vmem>>) dst(%dma_wait3A_116 : memref<8x512xf32, #tpu.memory_space<hbm>>)
      "tpu.trace_stop"() : () -> ()
      tpu.yield
    }) : () -> ()
    return
  }
}

</mosaic_0001>

<sc_bundles>
// kernel: kernel.3.cloned.1.call-start
scs
__scs_entry_jumppad:
0x0: {  	(pc) =	sbr.rel $0x88, $3  }
0x1: {  	(tag) =	ssettag $0x0;
	lr =	simm.s32 $0x1  }
0x2: {  	[smem:$0x3F9F] =	sst lr;
	_ =	strace $0xD0000000  }
0x3: {  	_ = 	snop  }
0x4: {  	_ = 	snop  }
0x5: {  	_ = 	snop  }
0x6: {  	_ = 	snop  }
0x7: {  	_ = 	snop  }
__scs_overlays_trampoline_lowered:
0x8: {  	[smem:$0x3FAE] =	sst s0  }
0x9: {  	[smem:$0x3FAF] =	sst s1  }
0xa: {  	[smem:$0x3FB0] =	sst s2  }
0xb: {  	[smem:$0x3FB1] =	sst s3  }
0xc: {  	[smem:$0x3FB2] =	sst s4  }
0xd: {  	[smem:$0x3FB3] =	sst s5  }
0xe: {  	[smem:$0x3FB4] =	sst s6  }
0xf: {  	[smem:$0x3FB5] =	sst s7  }
0x10: {  	[smem:$0x3FB6] =	sst s8  }
0x11: {  	[smem:$0x3FB7] =	sst s9;
	s0 =	simm.s32 @!p0 $0x0  }
0x12: {  	s1 =	sld [smem:$0x3F9D];
	s0 =	simm.s32 @p0 $0x1  }
0x13: {  	[smem:$0x3FB8] =	sst s0;
	s0 =	simm.s32 @!p1 $0x0  }
0x14: {  	s2 =	sld [smem:$0x3F9C];
	s0 =	simm.s32 @p1 $0x1  }
0x15: {  	[smem:$0x3FB9] =	sst s0;
	s0 =	simm.s32 @!p2 $0x0  }
0x16: {  	s3 =	sld [smem:$0x3FDB];
	s0 =	simm.s32 @p2 $0x1  }
0x17: {  	s4 =	simm.s32 $0x1BF5;
	[smem:$0x3FBB] =	sst s0  }
0x18: {  	s0 =	sld [smem:$0x3F9E];
	_ =	swait.ge [sflag:s4], $0x0  }
0x19: {  	s7 =	sld [smem:$0x3F9F]  }
0x1a: {  	s8 =	sadd.s32 $0xFFFFE003, lr  }
0x1b: {  	s9 =	sadd.s32 $0xFFFFFEF7, lr;
	s5 =	simm.s32 $0xFFFFFFFF;
	p2 =	slt.u32 s8, $0xFFFFF086  }
0x1c: {  	p1 =	slt.u32 s9, $0xF7A;
	s5 =	simm.s32 @!p2 $0x0  }
0x1d: {  	s5 =	simm.s32 @p1 $0x1;
	p0 =	seq.s32 s7, s2  }
0x1e: {  	s7 =	smul.u32 @!p0 $0xF7A, s2;
	p2 =	seq.s32 @!p0 s5, $0x0  }
0x1f: {  	s9 =	smul.u32 $0xF7A, s1;
	s8 =	simm.s32 @!p0 $0x1BF5;
	p2 =	por !p2, p0  }
0x20: {  	[sflag:s8] =	ssyncset.s32 @!p0 $0xFFFFF086;
	s6 =	sadd.s32 @!p0 s3, s7;
	s7 =	simm.s32 @!p0 $0x108  }
0x21: {  	s3 =	sadd.s32 s3, s9;
	s6 =	sadd.s32 @!p0 $0x88, s6;
	s7 =	simm.s32 @p2 $0x1082  }
0x22: {  	[simem:s7], [sflag:s8] =	dma.local @!p0 [hbm:s6], $0xF7A  }
0x23: {  	s9 =	sor.u32 $0xD0000000, s2;
	s6 =	simm.s32 $0x108;
	_ =	swait.ge @!p0 [sflag:s8], $0x0  }
0x24: {  	s3 =	sadd.s32 $0x88, s3;
	s6 =	simm.s32 @!p1 $0x1082;
	[sflag:s4] =	ssyncset.s32 $0xFFFFF086  }
0x25: {  	[simem:s6], [sflag:s4] =	dma.local [hbm:s3], $0xF7A  }
0x26: {  	[smem:$0x3F9F] =	sst s1;
	(tag) =	ssettag s2;
	_ =	strace s9  }
0x27: {  	s1 =	sld [smem:$0x3FAF]  }
0x28: {  	s2 =	sld [smem:$0x3FB0]  }
0x29: {  	s4 =	sld [smem:$0x3FB2]  }
0x2a: {  	p0 =	seq.s32 s5, $0x0;
	s5 =	sld [smem:$0x3FB3]  }
0x2b: {  	s6 =	sld [smem:$0x3FB4]  }
0x2c: {  	s7 =	sld [smem:$0x3FB5]  }
0x2d: {  	s3 =	simm.s32 $0x108;
	s8 =	sld [smem:$0x3FB6]  }
0x2e: {  	s3 =	simm.s32 @!p0 $0x1082;
	s9 =	sld [smem:$0x3FB7]  }
0x2f: {  	lr =	sadd.s32 s0, s3;
	s0 =	sld [smem:$0x3FAE]  }
0x30: {  	s3 =	sld [smem:$0x3FB1]  }
0x31: {  	[smem:$0x3FBA] =	sst s10  }
0x32: {  	s10 =	sld [smem:$0x3FB8];
	_ =	sdelay $0x3  }
0x33: {  	p0 =	seq.s32 s10, $0x1;
	s10 =	sld [smem:$0x3FBA];
	_ =	sdelay $0x3  }
0x34: {  	[smem:$0x3FBA] =	sst s10  }
0x35: {  	s10 =	sld [smem:$0x3FB9];
	_ =	sdelay $0x3  }
0x36: {  	p1 =	seq.s32 s10, $0x1;
	s10 =	sld [smem:$0x3FBA];
	_ =	sdelay $0x3  }
0x37: {  	[smem:$0x3FBA] =	sst s10  }
0x38: {  	s10 =	sld [smem:$0x3FBB]  }
0x39: {  	_ = 	snop;
	(pc) =	sbr.ind lr, $3  }
0x3a: {  	_ = 	snop  }
0x3b: {  	_ = 	snop  }
0x3c: {  	p2 =	seq.s32 s10, $0x1;
	s10 =	sld [smem:$0x3FBA]  }
0x3d: {  	_ =	shalt  }
0x3e: {  	_ =	shalt  }
0x3f: {  	_ =	shalt  }
0x40: {  	_ =	shalt  }
0x41: {  	_ =	shalt  }
0x42: {  	_ =	shalt  }
0x43: {  	_ =	shalt  }
0x44: {  	_ =	shalt  }
0x45: {  	_ =	shalt  }
0x46: {  	_ =	shalt  }
0x47: {  	_ =	shalt  }
0x48: {  	_ =	shalt  }
0x49: {  	_ =	shalt  }
0x4a: {  	_ =	shalt  }
0x4b: {  	_ =	shalt  }
0x4c: {  	_ =	shalt  }
0x4d: {  	_ =	shalt  }
0x4e: {  	_ =	shalt  }
0x4f: {  	_ =	shalt  }
0x50: {  	_ =	shalt  }
0x51: {  	_ =	shalt  }
0x52: {  	_ =	shalt  }
0x53: {  	_ =	shalt  }
0x54: {  	_ =	shalt  }
0x55: {  	_ =	shalt  }
0x56: {  	_ =	shalt  }
0x57: {  	_ =	shalt  }
0x58: {  	_ =	shalt  }
0x59: {  	_ =	shalt  }
0x5a: {  	_ =	shalt  }
0x5b: {  	_ =	shalt  }
0x5c: {  	_ =	shalt  }
0x5d: {  	_ =	shalt  }
0x5e: {  	_ =	shalt  }
0x5f: {  	_ =	shalt  }
0x60: {  	_ =	shalt  }
0x61: {  	_ =	shalt  }
0x62: {  	_ =	shalt  }
0x63: {  	_ =	shalt  }
0x64: {  	_ =	shalt  }
0x65: {  	_ =	shalt  }
0x66: {  	_ =	shalt  }
0x67: {  	_ =	shalt  }
0x68: {  	_ =	shalt  }
0x69: {  	_ =	shalt  }
0x6a: {  	_ =	shalt  }
0x6b: {  	_ =	shalt  }
0x6c: {  	_ =	shalt  }
0x6d: {  	_ =	shalt  }
0x6e: {  	_ =	shalt  }
0x6f: {  	_ =	shalt  }
0x70: {  	_ =	shalt  }
0x71: {  	_ =	shalt  }
0x72: {  	_ =	shalt  }
0x73: {  	_ =	shalt  }
0x74: {  	_ =	shalt  }
0x75: {  	_ =	shalt  }
0x76: {  	_ =	shalt  }
0x77: {  	_ =	shalt  }
0x78: {  	_ =	shalt  }
0x79: {  	_ =	shalt  }
0x7a: {  	_ =	shalt  }
0x7b: {  	_ =	shalt  }
0x7c: {  	_ =	shalt  }
0x7d: {  	_ =	shalt  }
0x7e: {  	_ =	shalt  }
0x7f: {  	_ =	shalt  }
0x80: {  	_ =	shalt  }
0x81: {  	_ =	shalt  }
0x82: {  	_ =	shalt  }
0x83: {  	_ =	shalt  }
0x84: {  	_ =	shalt  }
0x85: {  	_ =	shalt  }
0x86: {  	_ =	shalt  }
0x87: {  	_ =	shalt  }
.Lfunc_end0:
.L_simem_size_0:
called_computation_lowered:
.L_overlay_start_0:
0x88: {  	s2 =	sld [smem:$0x3FD9]  }
0x89: {  	s3 =	sld [smem:$0x3FFE];
	_ =	sdelay $0x1  }
0x8a: {  	s1 =	srdreg.scid  }
0x8b: {  	s0 =	sand.u32 $0x1, s1  }
0x8c: {  	s17 =	sshll.u32 s0, $0xA;
	s2 =	sadd.s32 s3, s2  }
0x8d: {  	s2 =	sadd.s32 s2, s17  }
0x8e: {  	[smem:$0x3FC6] =	sst s2  }
0x8f: {  	_ = 	snop  }
0x90: {  	s2 =	sld [smem:$0x3FC9]  }
0x91: {  	s18 =	sld [smem:$0x3FD0];
	(tm) =	ssettm $0x1  }
0x92: {  	s4 =	sld [smem:$0x3FFB];
	_ =	sdelay $0x3  }
0x93: {  	_ =	strace s4  }
0x94: {  	s4 =	sld [smem:$0x3FFC];
	_ =	sdelay $0x3  }
0x95: {  	_ =	strace s4  }
0x96: {  	s4 =	sld [smem:$0x3FFD];
	_ =	sdelay $0x3  }
0x97: {  	_ =	strace s4  }
0x98: {  	_ =	strace $0x8FFFFFFF  }
0x99: {  	s19 =	sld [smem:$0x3FDB];
	_ =	sdelay $0x1  }
0x9a: {  	s5 =	simm.s32 $_scs_section_size  }
0x9b: {  	s6 =	simm.s32 $_size__tile_overlayer_lowered;
	s7 =	simm.s32 $_tile_overlayer_lowered  }
0x9c: {  	s22 =	simm.s32 $0x1BFF;
	s21 =	sshll.u32 s7, $0x1;
	s4 =	sadd.s32 s5, s19  }
0x9d: {  	s8 =	simm.s32 $0x0;
	s20 =	sshll.u32 s6, $0x1;
	s6 =	sadd.s32 s21, s4  }
0x9e: {  	[timem:s8], [sflag:s22] =	dma.local [hbm:s6], s20  }
0x9f: {  	_ =	swait.ge [sflag:s22], s20  }
0xa0: {  	s5 =	ssub.s32 $0x0, s20;
	[sflag:s22] =	ssyncset.done $0x0  }
0xa1: {  	[sflag:s22] =	ssyncadd.s32 s5;
	_ =	sdelay $0x1  }
0xa2: {  	s23 =	simm.s32 $0x1B8B  }
0xa3: {  	_ =	swait.ge [sflag:s23], $0x1  }
0xa4: {  	[sflag:s23] =	ssyncset.done $0x0  }
0xa5: {  	s25 =	simm.s32 $0x1B8E;
	s24 =	sld [smem:$0x3FFE];
	[sflag:s23] =	ssyncadd.s32 $0xFFFFFFFF  }
0xa6: {  	s26 =	simm.s32 $execute0_lowered;
	[smem:$0x3FD2] =	sst s25  }
0xa7: {  	s6 =	sshll.u32 s26, $0x1;
	_ =	strace $0x80000046;
	[dreg:$0x1] =	wrdreg $0xFFFFFFFF  }
0xa8: {  	s28 =	simm.s32 $_size_execute0_lowered;
	s4 =	sadd.s32 s4, s6;
	[dreg:$0x0] =	wrdreg $0x0  }
0xa9: {  	s6 =	sshll.u32 s28, $0x1;
	[dreg:$0x2] =	wrdreg s4  }
0xaa: {  	[dreg:$0x3] =	wrdreg s6  }
0xab: {  	[dreg:$0x4] =	wrdreg $0xC0  }
0xac: {  	_ =	task [dreg:s8], $0x5FFFF  }
0xad: {  	[dreg:$0x1] =	wrdreg $0xFFFFFFFF  }
0xae: {  	[dreg:$0x0] =	wrdreg $0x60  }
0xaf: {  	[dreg:$0x2] =	wrdreg s2  }
0xb0: {  	[dreg:$0x3] =	wrdreg s24  }
0xb1: {  	[dreg:$0x4] =	wrdreg s18  }
0xb2: {  	[dreg:$0x5] =	wrdreg $0x9  }
0xb3: {  	_ =	task.clear_ibuf [dreg:s8], $0x6FFFF;
	_ =	strace $0x90000046  }
0xb4: {  	s29 =	simm.s32 $0x9;
	_ =	strace $0x8000004F  }
0xb5: {  	_ =	swait.ge [sflag:s29], $0x1  }
0xb6: {  	[sflag:s29] =	ssyncadd.s32 $0xFFFFFFFF  }
0xb7: {  	_ =	strace $0x9000004F  }
0xb8: {  	_ =	sfence  }
0xb9: {  	s30 =	sld [smem:$0x0];
	_ =	sdelay $0x2  }
0xba: {  	s31 =	sshll.u32 s1, $0xD;
	s1 =	sshrl.u32 s1, $0x2  }
0xbb: {  	s3 =	sand.u32 $0x4000, s31;
	s1 =	sadd.s32 s1, s30  }
0xbc: {  	s0 =	sor.u32 s3, s0;
	s1 =	sshll.u32 s1, $0x11  }
0xbd: {  	s0 =	sor.u32 s1, s0  }
0xbe: {  	s0 =	sadd.s32 $0x8F2B, s0  }
0xbf: {  	[sflag:s0] =	ssyncadd.remote.s32 $0x1  }
0xc0: {  	_ =	sfence.sel $0xFFFF  }
0xc1: {  	[dreg:$0x0] =	wrdreg $0xFFFFFFFF;
	(pc) =	sbr.abs _section_cstart, $3  }
0xc2: {  	[dreg:$0x1] =	wrdreg $0xFFFFFFFF  }
0xc3: {  	_ =	task.clear_ibuf [dreg:s8], $0x2FFFF;
	_ =	strace $0x9FFFFFFF  }
0xc4: {  	(tm) =	ssettm $0x7FFFFFFF  }
0xc5: {  	_ =	shalt  }
tec
execute0_lowered:
.L_overlay_start_1:
0x0: {  	(tag) =	ssettag $0x1  }
0x1: {  	s1 =	rddreg [dreg:$0x0]  }
0x2: {  	s4 =	rddreg [dreg:$0x1]  }
0x3: {  	s0 =	rddreg [dreg:$0x2];
	s2 =	simm.s32 $0x0  }
0x4: {  	s3 =	srdreg.scid;
	s9 =	simm.s32 $0x1;
	[dreg:$0x4] =	wrdreg s0  }
0x5: {  	s10 =	simm.s32 $0x4;
	s11 =	simm.s32 $0x0;
	s0 =	rddreg [dreg:$0x3]  }
0x6: {  	[smem:$0x7FF] =	sst s2;
	s5 =	sand.u32 $0x1, s3;
	s3 =	stileid.u32  }
0x7: {  	s4 =	sadd.s32 $0x400, s4;
	s6 =	ssub.s32 $0x2, s5;
	s5 =	sshll.u32 s5, $0x4  }
0x8: {  	_ =	strace $0x80000047;
	s7 =	sshrl.u32 s6, $0x1;
	s8 =	sor.u32 s3, s5  }
0x9: {  	s7 =	ssub.s32 s6, s7;
	s5 =	sshll.u32 s8, $0x5;
	s31 =	sshll.u32 s8, $0x10  }
0xa: {  	s8 =	simm.s32 $0x200;
	s6 =	sadd.s32 s1, s31;
	s7 =	smax.u32 s7, $0x1  }
.LBB2_1:
0xb: {  	[tilespmem:s2], [sflag:$0x1] =	stream.linear.gather [hbm4b:s4+s2], $0x200, $0x38;
	[tilespmem:$0xA200] =	vst v63  }
0xc: {  	_ =	swait.ge [sflag:s9], $0x200  }
0xd: {  	[sflag:s9] =	ssyncset.done $0x0  }
0xe: {  	s12 =	simm.s32 $0x20;
	s13 =	simm.s32 $0x0;
	[sflag:s9] =	ssyncadd.s32 $0xFFFFFE00  }
0xf: {  	s14 =	simm.s32 $0x0;
	s15 =	simm.s32 $0x0;
	_ =	strace $0x80000048  }
0x10: {  	[tilespmem:s8], [sflag:$0x1] =	stream.linear.gather [hbm4b:s6+s2], $0x4000, $0x200038;
	[tilespmem:$0xA200] =	vst v63  }
0x11: {  	s16 =	simm.s32 $0x0;
	s17 =	simm.s32 $0x1;
	_ =	strace $0x90000048  }
.LBB2_2:
0x12: {  	s18 =	smov.u32 s13;
	s13 =	sadd.s32 $0x1, s13  }
0x13: {  	p0 =	seq.s32 s13, $0x20  }
0x14: {  	s13 =	simm.s32 @p0 $0x0  }
0x15: {  	p6 =	sne.s32 s12, $0x1;
	p1 =	sne.s32 s18, s13  }
0x16: {  	p0 =	por !p6, !p1  }
0x17: {  	p0 =	por !p0, !p0  }
0x18: {  	s20 =	sadd.s32 @p0 s5, s13  }
0x19: {  	s19 =	sand.u32 @p0 $0x1, s17;
	_ =	strace @p0 $0x80000049;
	s20 =	sshll.u32 @p0 s20, $0xB  }
0x1a: {  	s22 =	simm.s32 @p0 $0x0;
	s21 =	sshll.u32 @p0 s19, $0xE;
	s20 =	sand.u32 @p0 $0x1FFFF800, s20  }
0x1b: {  	s19 =	sadd.s32 @p0 $0x1, s19;
	s21 =	sor.u32 @p0 $0x200, s21;
	s20 =	sadd.s32 @p0 s1, s20  }
0x1c: {  	[tilespmem:s21], [sflag:s19] =	stream.linear.gather @p0 [hbm4b:s20+s22], $0x4000, $0x200038;
	[tilespmem:$0xA200] =	vst v63  }
0x1d: {  	s28 =	sand.u32 $0x1, s16;
	_ =	strace @p0 $0x90000049  }
0x1e: {  	s19 =	sadd.s32 $0x1, s28;
	_ =	strace $0x8000004A  }
0x1f: {  	_ =	swait.ge [sflag:s19], $0x4000  }
0x20: {  	[sflag:s19] =	ssyncset.done $0x0  }
0x21: {  	[sflag:s19] =	ssyncadd.s32 $0xFFFFC000  }
0x22: {  	_ =	strace $0x9000004A  }
0x23: {  	_ =	strace $0x8000004B  }
0x24: {  	v0 =	vld [tilespmem:$0x0];
	_ =	sdelay $0x4  }
0x25: {  	v1 =	vshll.u32 v0, $0x3  }
0x26: {  	v0 =	vand.u32 $0x7F, v0;
	v1 =	vand.u32 $0xFFFFFC00, v1  }
0x27: {  	v0 =	vor.u32 v0, v1;
	_ =	sdelay $0x1  }
0x28: {  	s29 =	sshll.u32 s16, $0xE  }
0x29: {  	s19 =	sand.u32 $0x4000, s29  }
0x2a: {  	s30 =	sor.u32 $0x200, s19  }
0x2b: {  	v1 =	vld.idx.msk [tilespmem:v0+s30+$0x0], $0xffff  }
0x2c: {  	v2 =	vor.u32 $0x80, v0;
	_ =	sdelay $0x1  }
0x2d: {  	s19 =	sand.u32 $0x1, s15  }
0x2e: {  	s31 =	sshll.u32 s19, $0xC  }
0x2f: {  	[tilespmem:s31+$0x8200] =	vst v1  }
0x30: {  	v1 =	vld.idx.msk [tilespmem:v2+s30+$0x0], $0xffff  }
0x31: {  	v22 =	vor.u32 $0x100, v0;
	_ =	sdelay $0x3  }
0x32: {  	[tilespmem:s31+$0x8280] =	vst v1  }
0x33: {  	v1 =	vld.idx.msk [tilespmem:v22+s30+$0x0], $0xffff  }
0x34: {  	v23 =	vor.u32 $0x180, v0;
	_ =	sdelay $0x3  }
0x35: {  	[tilespmem:s31+$0x8300] =	vst v1  }
0x36: {  	v1 =	vld.idx.msk [tilespmem:v23+s30+$0x0], $0xffff  }
0x37: {  	v24 =	vor.u32 $0x200, v0;
	_ =	sdelay $0x3  }
0x38: {  	[tilespmem:s31+$0x8380] =	vst v1  }
0x39: {  	v1 =	vld.idx.msk [tilespmem:v24+s30+$0x0], $0xffff  }
0x3a: {  	v25 =	vor.u32 $0x280, v0;
	_ =	sdelay $0x3  }
0x3b: {  	[tilespmem:s31+$0x8400] =	vst v1  }
0x3c: {  	v1 =	vld.idx.msk [tilespmem:v25+s30+$0x0], $0xffff  }
0x3d: {  	v26 =	vor.u32 $0x300, v0;
	_ =	sdelay $0x3  }
0x3e: {  	[tilespmem:s31+$0x8480] =	vst v1  }
0x3f: {  	v1 =	vld.idx.msk [tilespmem:v26+s30+$0x0], $0xffff  }
0x40: {  	v0 =	vor.u32 $0x380, v0;
	_ =	sdelay $0x3  }
0x41: {  	[tilespmem:s31+$0x8500] =	vst v1  }
0x42: {  	v0 =	vld.idx.msk [tilespmem:v0+s30+$0x0], $0xffff;
	_ =	sdelay $0x4  }
0x43: {  	[tilespmem:s31+$0x8580] =	vst v0  }
0x44: {  	v0 =	vld [tilespmem:$0x10];
	_ =	sdelay $0x4  }
0x45: {  	v27 =	vshll.u32 v0, $0x3  }
0x46: {  	v0 =	vand.u32 $0x7F, v0;
	v1 =	vand.u32 $0xFFFFFC00, v27  }
0x47: {  	v0 =	vor.u32 v0, v1;
	_ =	sdelay $0x4  }
0x48: {  	v1 =	vld.idx.msk [tilespmem:v0+s30+$0x0], $0xffff  }
0x49: {  	v28 =	vor.u32 $0x80, v0;
	_ =	sdelay $0x3  }
0x4a: {  	[tilespmem:s31+$0x8210] =	vst v1  }
0x4b: {  	v1 =	vld.idx.msk [tilespmem:v28+s30+$0x0], $0xffff  }
0x4c: {  	v29 =	vor.u32 $0x100, v0;
	_ =	sdelay $0x3  }
0x4d: {  	[tilespmem:s31+$0x8290] =	vst v1  }
0x4e: {  	v1 =	vld.idx.msk [tilespmem:v29+s30+$0x0], $0xffff  }
0x4f: {  	v30 =	vor.u32 $0x180, v0;
	_ =	sdelay $0x3  }
0x50: {  	[tilespmem:s31+$0x8310] =	vst v1  }
0x51: {  	v1 =	vld.idx.msk [tilespmem:v30+s30+$0x0], $0xffff  }
0x52: {  	v31 =	vor.u32 $0x200, v0;
	_ =	sdelay $0x3  }
0x53: {  	[tilespmem:s31+$0x8390] =	vst v1  }
0x54: {  	v1 =	vld.idx.msk [tilespmem:v31+s30+$0x0], $0xffff  }
0x55: {  	v32 =	vor.u32 $0x280, v0;
	_ =	sdelay $0x3  }
0x56: {  	[tilespmem:s31+$0x8410] =	vst v1  }
0x57: {  	v1 =	vld.idx.msk [tilespmem:v32+s30+$0x0], $0xffff  }
0x58: {  	v33 =	vor.u32 $0x300, v0;
	_ =	sdelay $0x3  }
0x59: {  	[tilespmem:s31+$0x8490] =	vst v1  }
0x5a: {  	v1 =	vld.idx.msk [tilespmem:v33+s30+$0x0], $0xffff  }
0x5b: {  	v0 =	vor.u32 $0x380, v0;
	_ =	sdelay $0x3  }
0x5c: {  	[tilespmem:s31+$0x8510] =	vst v1  }
0x5d: {  	v0 =	vld.idx.msk [tilespmem:v0+s30+$0x0], $0xffff;
	_ =	sdelay $0x4  }
0x5e: {  	[tilespmem:s31+$0x8590] =	vst v0  }
0x5f: {  	v0 =	vld [tilespmem:$0x20];
	_ =	sdelay $0x4  }
0x60: {  	v34 =	vshll.u32 v0, $0x3  }
0x61: {  	v0 =	vand.u32 $0x7F, v0;
	v1 =	vand.u32 $0xFFFFFC00, v34  }
0x62: {  	v0 =	vor.u32 v0, v1;
	_ =	sdelay $0x4  }
0x63: {  	v1 =	vld.idx.msk [tilespmem:v0+s30+$0x0], $0xffff  }
0x64: {  	v35 =	vor.u32 $0x80, v0;
	_ =	sdelay $0x3  }
0x65: {  	[tilespmem:s31+$0x8220] =	vst v1  }
0x66: {  	v1 =	vld.idx.msk [tilespmem:v35+s30+$0x0], $0xffff  }
0x67: {  	v36 =	vor.u32 $0x100, v0;
	_ =	sdelay $0x3  }
0x68: {  	[tilespmem:s31+$0x82A0] =	vst v1  }
0x69: {  	v1 =	vld.idx.msk [tilespmem:v36+s30+$0x0], $0xffff  }
0x6a: {  	v37 =	vor.u32 $0x180, v0;
	_ =	sdelay $0x3  }
0x6b: {  	[tilespmem:s31+$0x8320] =	vst v1  }
0x6c: {  	v1 =	vld.idx.msk [tilespmem:v37+s30+$0x0], $0xffff  }
0x6d: {  	v38 =	vor.u32 $0x200, v0;
	_ =	sdelay $0x3  }
0x6e: {  	[tilespmem:s31+$0x83A0] =	vst v1  }
0x6f: {  	v1 =	vld.idx.msk [tilespmem:v38+s30+$0x0], $0xffff  }
0x70: {  	v39 =	vor.u32 $0x280, v0;
	_ =	sdelay $0x3  }
0x71: {  	[tilespmem:s31+$0x8420] =	vst v1  }
0x72: {  	v1 =	vld.idx.msk [tilespmem:v39+s30+$0x0], $0xffff  }
0x73: {  	v40 =	vor.u32 $0x300, v0;
	_ =	sdelay $0x3  }
0x74: {  	[tilespmem:s31+$0x84A0] =	vst v1  }
0x75: {  	v1 =	vld.idx.msk [tilespmem:v40+s30+$0x0], $0xffff  }
0x76: {  	v0 =	vor.u32 $0x380, v0;
	_ =	sdelay $0x3  }
0x77: {  	[tilespmem:s31+$0x8520] =	vst v1  }
0x78: {  	v0 =	vld.idx.msk [tilespmem:v0+s30+$0x0], $0xffff;
	_ =	sdelay $0x4  }
0x79: {  	[tilespmem:s31+$0x85A0] =	vst v0  }
0x7a: {  	v0 =	vld [tilespmem:$0x30];
	_ =	sdelay $0x4  }
0x7b: {  	v41 =	vshll.u32 v0, $0x3  }
0x7c: {  	v0 =	vand.u32 $0x7F, v0;
	v1 =	vand.u32 $0xFFFFFC00, v41  }
0x7d: {  	v0 =	vor.u32 v0, v1;
	_ =	sdelay $0x4  }
0x7e: {  	v1 =	vld.idx.msk [tilespmem:v0+s30+$0x0], $0xffff  }
0x7f: {  	v42 =	vor.u32 $0x80, v0;
	_ =	sdelay $0x3  }
0x80: {  	[tilespmem:s31+$0x8230] =	vst v1  }
0x81: {  	v1 =	vld.idx.msk [tilespmem:v42+s30+$0x0], $0xffff  }
0x82: {  	v43 =	vor.u32 $0x100, v0;
	_ =	sdelay $0x3  }
0x83: {  	[tilespmem:s31+$0x82B0] =	vst v1  }
0x84: {  	v1 =	vld.idx.msk [tilespmem:v43+s30+$0x0], $0xffff  }
0x85: {  	v44 =	vor.u32 $0x180, v0;
	_ =	sdelay $0x3  }
0x86: {  	[tilespmem:s31+$0x8330] =	vst v1  }
0x87: {  	v1 =	vld.idx.msk [tilespmem:v44+s30+$0x0], $0xffff  }
0x88: {  	v45 =	vor.u32 $0x200, v0;
	_ =	sdelay $0x3  }
0x89: {  	[tilespmem:s31+$0x83B0] =	vst v1  }
0x8a: {  	v1 =	vld.idx.msk [tilespmem:v45+s30+$0x0], $0xffff  }
0x8b: {  	v46 =	vor.u32 $0x280, v0;
	_ =	sdelay $0x3  }
0x8c: {  	[tilespmem:s31+$0x8430] =	vst v1  }
0x8d: {  	v1 =	vld.idx.msk [tilespmem:v46+s30+$0x0], $0xffff  }
0x8e: {  	v47 =	vor.u32 $0x300, v0;
	_ =	sdelay $0x3  }
0x8f: {  	[tilespmem:s31+$0x84B0] =	vst v1  }
0x90: {  	v1 =	vld.idx.msk [tilespmem:v47+s30+$0x0], $0xffff  }
0x91: {  	v0 =	vor.u32 $0x380, v0;
	_ =	sdelay $0x3  }
0x92: {  	[tilespmem:s31+$0x8530] =	vst v1  }
0x93: {  	v0 =	vld.idx.msk [tilespmem:v0+s30+$0x0], $0xffff;
	_ =	sdelay $0x4  }
0x94: {  	[tilespmem:s31+$0x85B0] =	vst v0  }
0x95: {  	v0 =	vld [tilespmem:$0x40];
	_ =	sdelay $0x4  }
0x96: {  	v48 =	vshll.u32 v0, $0x3  }
0x97: {  	v0 =	vand.u32 $0x7F, v0;
	v1 =	vand.u32 $0xFFFFFC00, v48  }
0x98: {  	v0 =	vor.u32 v0, v1;
	_ =	sdelay $0x4  }
0x99: {  	v1 =	vld.idx.msk [tilespmem:v0+s30+$0x0], $0xffff  }
0x9a: {  	v49 =	vor.u32 $0x80, v0;
	_ =	sdelay $0x3  }
0x9b: {  	[tilespmem:s31+$0x8240] =	vst v1  }
0x9c: {  	v1 =	vld.idx.msk [tilespmem:v49+s30+$0x0], $0xffff  }
0x9d: {  	v50 =	vor.u32 $0x100, v0;
	_ =	sdelay $0x3  }
0x9e: {  	[tilespmem:s31+$0x82C0] =	vst v1  }
0x9f: {  	v1 =	vld.idx.msk [tilespmem:v50+s30+$0x0], $0xffff  }
0xa0: {  	v51 =	vor.u32 $0x180, v0;
	_ =	sdelay $0x3  }
0xa1: {  	[tilespmem:s31+$0x8340] =	vst v1  }
0xa2: {  	v1 =	vld.idx.msk [tilespmem:v51+s30+$0x0], $0xffff  }
0xa3: {  	v52 =	vor.u32 $0x200, v0;
	_ =	sdelay $0x3  }
0xa4: {  	[tilespmem:s31+$0x83C0] =	vst v1  }
0xa5: {  	v1 =	vld.idx.msk [tilespmem:v52+s30+$0x0], $0xffff  }
0xa6: {  	v53 =	vor.u32 $0x280, v0;
	_ =	sdelay $0x3  }
0xa7: {  	[tilespmem:s31+$0x8440] =	vst v1  }
0xa8: {  	v1 =	vld.idx.msk [tilespmem:v53+s30+$0x0], $0xffff  }
0xa9: {  	v54 =	vor.u32 $0x300, v0;
	_ =	sdelay $0x3  }
0xaa: {  	[tilespmem:s31+$0x84C0] =	vst v1  }
0xab: {  	v1 =	vld.idx.msk [tilespmem:v54+s30+$0x0], $0xffff  }
0xac: {  	v0 =	vor.u32 $0x380, v0;
	_ =	sdelay $0x3  }
0xad: {  	[tilespmem:s31+$0x8540] =	vst v1  }
0xae: {  	v0 =	vld.idx.msk [tilespmem:v0+s30+$0x0], $0xffff;
	_ =	sdelay $0x4  }
0xaf: {  	[tilespmem:s31+$0x85C0] =	vst v0  }
0xb0: {  	v0 =	vld [tilespmem:$0x50];
	_ =	sdelay $0x4  }
0xb1: {  	v55 =	vshll.u32 v0, $0x3  }
0xb2: {  	v0 =	vand.u32 $0x7F, v0;
	v1 =	vand.u32 $0xFFFFFC00, v55  }
0xb3: {  	v0 =	vor.u32 v0, v1;
	_ =	sdelay $0x4  }
0xb4: {  	v1 =	vld.idx.msk [tilespmem:v0+s30+$0x0], $0xffff  }
0xb5: {  	v56 =	vor.u32 $0x80, v0;
	_ =	sdelay $0x3  }
0xb6: {  	[tilespmem:s31+$0x8250] =	vst v1  }
0xb7: {  	v1 =	vld.idx.msk [tilespmem:v56+s30+$0x0], $0xffff  }
0xb8: {  	v57 =	vor.u32 $0x100, v0;
	_ =	sdelay $0x3  }
0xb9: {  	[tilespmem:s31+$0x82D0] =	vst v1  }
0xba: {  	v1 =	vld.idx.msk [tilespmem:v57+s30+$0x0], $0xffff  }
0xbb: {  	v58 =	vor.u32 $0x180, v0;
	_ =	sdelay $0x3  }
0xbc: {  	[tilespmem:s31+$0x8350] =	vst v1  }
0xbd: {  	v1 =	vld.idx.msk [tilespmem:v58+s30+$0x0], $0xffff  }
0xbe: {  	v59 =	vor.u32 $0x200, v0;
	_ =	sdelay $0x3  }
0xbf: {  	[tilespmem:s31+$0x83D0] =	vst v1  }
0xc0: {  	v1 =	vld.idx.msk [tilespmem:v59+s30+$0x0], $0xffff  }
0xc1: {  	v60 =	vor.u32 $0x280, v0;
	_ =	sdelay $0x3  }
0xc2: {  	[tilespmem:s31+$0x8450] =	vst v1  }
0xc3: {  	v1 =	vld.idx.msk [tilespmem:v60+s30+$0x0], $0xffff  }
0xc4: {  	v61 =	vor.u32 $0x300, v0;
	_ =	sdelay $0x3  }
0xc5: {  	[tilespmem:s31+$0x84D0] =	vst v1  }
0xc6: {  	v1 =	vld.idx.msk [tilespmem:v61+s30+$0x0], $0xffff  }
0xc7: {  	v0 =	vor.u32 $0x380, v0;
	_ =	sdelay $0x3  }
0xc8: {  	[tilespmem:s31+$0x8550] =	vst v1  }
0xc9: {  	v0 =	vld.idx.msk [tilespmem:v0+s30+$0x0], $0xffff;
	_ =	sdelay $0x4  }
0xca: {  	[tilespmem:s31+$0x85D0] =	vst v0  }
0xcb: {  	v0 =	vld [tilespmem:$0x60];
	_ =	sdelay $0x4  }
0xcc: {  	v62 =	vshll.u32 v0, $0x3  }
0xcd: {  	v0 =	vand.u32 $0x7F, v0;
	v1 =	vand.u32 $0xFFFFFC00, v62  }
0xce: {  	v0 =	vor.u32 v0, v1;
	_ =	sdelay $0x4  }
0xcf: {  	v1 =	vld.idx.msk [tilespmem:v0+s30+$0x0], $0xffff  }
0xd0: {  	v63 =	vor.u32 $0x80, v0;
	_ =	sdelay $0x3  }
0xd1: {  	[tilespmem:s31+$0x8260] =	vst v1  }
0xd2: {  	v1 =	vld.idx.msk [tilespmem:v63+s30+$0x0], $0xffff  }
0xd3: {  	v4 =	vor.u32 $0x100, v0;
	_ =	sdelay $0x3  }
0xd4: {  	[tilespmem:s31+$0x82E0] =	vst v1  }
0xd5: {  	v1 =	vld.idx.msk [tilespmem:v4+s30+$0x0], $0xffff  }
0xd6: {  	v5 =	vor.u32 $0x180, v0;
	_ =	sdelay $0x3  }
0xd7: {  	[tilespmem:s31+$0x8360] =	vst v1  }
0xd8: {  	v1 =	vld.idx.msk [tilespmem:v5+s30+$0x0], $0xffff  }
0xd9: {  	v6 =	vor.u32 $0x200, v0;
	_ =	sdelay $0x3  }
0xda: {  	[tilespmem:s31+$0x83E0] =	vst v1  }
0xdb: {  	v1 =	vld.idx.msk [tilespmem:v6+s30+$0x0], $0xffff  }
0xdc: {  	v7 =	vor.u32 $0x280, v0;
	_ =	sdelay $0x3  }
0xdd: {  	[tilespmem:s31+$0x8460] =	vst v1  }
0xde: {  	v1 =	vld.idx.msk [tilespmem:v7+s30+$0x0], $0xffff  }
0xdf: {  	v8 =	vor.u32 $0x300, v0;
	_ =	sdelay $0x3  }
0xe0: {  	[tilespmem:s31+$0x84E0] =	vst v1  }
0xe1: {  	v1 =	vld.idx.msk [tilespmem:v8+s30+$0x0], $0xffff  }
0xe2: {  	v0 =	vor.u32 $0x380, v0;
	_ =	sdelay $0x3  }
0xe3: {  	[tilespmem:s31+$0x8560] =	vst v1  }
0xe4: {  	v0 =	vld.idx.msk [tilespmem:v0+s30+$0x0], $0xffff;
	_ =	sdelay $0x4  }
0xe5: {  	[tilespmem:s31+$0x85E0] =	vst v0  }
0xe6: {  	v0 =	vld [tilespmem:$0x70];
	_ =	sdelay $0x4  }
0xe7: {  	v9 =	vshll.u32 v0, $0x3  }
0xe8: {  	v0 =	vand.u32 $0x7F, v0;
	v1 =	vand.u32 $0xFFFFFC00, v9  }
0xe9: {  	v0 =	vor.u32 v0, v1;
	_ =	sdelay $0x4  }
0xea: {  	v1 =	vld.idx.msk [tilespmem:v0+s30+$0x0], $0xffff  }
0xeb: {  	v10 =	vor.u32 $0x80, v0;
	_ =	sdelay $0x3  }
0xec: {  	[tilespmem:s31+$0x8270] =	vst v1  }
0xed: {  	v1 =	vld.idx.msk [tilespmem:v10+s30+$0x0], $0xffff  }
0xee: {  	v11 =	vor.u32 $0x100, v0;
	_ =	sdelay $0x3  }
0xef: {  	[tilespmem:s31+$0x82F0] =	vst v1  }
0xf0: {  	v1 =	vld.idx.msk [tilespmem:v11+s30+$0x0], $0xffff  }
0xf1: {  	v12 =	vor.u32 $0x180, v0;
	_ =	sdelay $0x3  }
0xf2: {  	[tilespmem:s31+$0x8370] =	vst v1  }
0xf3: {  	v1 =	vld.idx.msk [tilespmem:v12+s30+$0x0], $0xffff  }
0xf4: {  	v13 =	vor.u32 $0x200, v0;
	_ =	sdelay $0x3  }
0xf5: {  	[tilespmem:s31+$0x83F0] =	vst v1  }
0xf6: {  	v1 =	vld.idx.msk [tilespmem:v13+s30+$0x0], $0xffff  }
0xf7: {  	v14 =	vor.u32 $0x280, v0;
	_ =	sdelay $0x3  }
0xf8: {  	[tilespmem:s31+$0x8470] =	vst v1  }
0xf9: {  	v1 =	vld.idx.msk [tilespmem:v14+s30+$0x0], $0xffff  }
0xfa: {  	v15 =	vor.u32 $0x300, v0;
	_ =	sdelay $0x3  }
0xfb: {  	[tilespmem:s31+$0x84F0] =	vst v1  }
0xfc: {  	v1 =	vld.idx.msk [tilespmem:v15+s30+$0x0], $0xffff  }
0xfd: {  	v0 =	vor.u32 $0x380, v0;
	_ =	sdelay $0x3  }
0xfe: {  	[tilespmem:s31+$0x8570] =	vst v1  }
0xff: {  	v0 =	vld.idx.msk [tilespmem:v0+s30+$0x0], $0xffff;
	_ =	sdelay $0x4  }
0x100: {  	[tilespmem:s31+$0x85F0] =	vst v0  }
0x101: {  	v0 =	vld [tilespmem:$0x80];
	_ =	sdelay $0x4  }
0x102: {  	v16 =	vshll.u32 v0, $0x3  }
0x103: {  	v0 =	vand.u32 $0x7F, v0;
	v1 =	vand.u32 $0xFFFFFC00, v16  }
0x104: {  	v0 =	vor.u32 v0, v1;
	_ =	sdelay $0x4  }
0x105: {  	v1 =	vld.idx.msk [tilespmem:v0+s30+$0x0], $0xffff  }
0x106: {  	v17 =	vor.u32 $0x80, v0;
	_ =	sdelay $0x3  }
0x107: {  	[tilespmem:s31+$0x8600] =	vst v1  }
0x108: {  	v1 =	vld.idx.msk [tilespmem:v17+s30+$0x0], $0xffff  }
0x109: {  	v18 =	vor.u32 $0x100, v0;
	_ =	sdelay $0x3  }
0x10a: {  	[tilespmem:s31+$0x8680] =	vst v1  }
0x10b: {  	v1 =	vld.idx.msk [tilespmem:v18+s30+$0x0], $0xffff  }
0x10c: {  	v19 =	vor.u32 $0x180, v0;
	_ =	sdelay $0x3  }
0x10d: {  	[tilespmem:s31+$0x8700] =	vst v1  }
0x10e: {  	v1 =	vld.idx.msk [tilespmem:v19+s30+$0x0], $0xffff  }
0x10f: {  	v20 =	vor.u32 $0x200, v0;
	_ =	sdelay $0x3  }
0x110: {  	[tilespmem:s31+$0x8780] =	vst v1  }
0x111: {  	v1 =	vld.idx.msk [tilespmem:v20+s30+$0x0], $0xffff  }
0x112: {  	v21 =	vor.u32 $0x280, v0;
	_ =	sdelay $0x3  }
0x113: {  	[tilespmem:s31+$0x8800] =	vst v1  }
0x114: {  	v1 =	vld.idx.msk [tilespmem:v21+s30+$0x0], $0xffff  }
0x115: {  	v22 =	vor.u32 $0x300, v0;
	_ =	sdelay $0x3  }
0x116: {  	[tilespmem:s31+$0x8880] =	vst v1  }
0x117: {  	v1 =	vld.idx.msk [tilespmem:v22+s30+$0x0], $0xffff  }
0x118: {  	v0 =	vor.u32 $0x380, v0;
	_ =	sdelay $0x3  }
0x119: {  	[tilespmem:s31+$0x8900] =	vst v1  }
0x11a: {  	v0 =	vld.idx.msk [tilespmem:v0+s30+$0x0], $0xffff;
	_ =	sdelay $0x4  }
0x11b: {  	[tilespmem:s31+$0x8980] =	vst v0  }
0x11c: {  	v0 =	vld [tilespmem:$0x90];
	_ =	sdelay $0x4  }
0x11d: {  	v23 =	vshll.u32 v0, $0x3  }
0x11e: {  	v0 =	vand.u32 $0x7F, v0;
	v1 =	vand.u32 $0xFFFFFC00, v23  }
0x11f: {  	v0 =	vor.u32 v0, v1;
	_ =	sdelay $0x4  }
0x120: {  	v1 =	vld.idx.msk [tilespmem:v0+s30+$0x0], $0xffff  }
0x121: {  	v24 =	vor.u32 $0x80, v0;
	_ =	sdelay $0x3  }
0x122: {  	[tilespmem:s31+$0x8610] =	vst v1  }
0x123: {  	v1 =	vld.idx.msk [tilespmem:v24+s30+$0x0], $0xffff  }
0x124: {  	v25 =	vor.u32 $0x100, v0;
	_ =	sdelay $0x3  }
0x125: {  	[tilespmem:s31+$0x8690] =	vst v1  }
0x126: {  	v1 =	vld.idx.msk [tilespmem:v25+s30+$0x0], $0xffff  }
0x127: {  	v26 =	vor.u32 $0x180, v0;
	_ =	sdelay $0x3  }
0x128: {  	[tilespmem:s31+$0x8710] =	vst v1  }
0x129: {  	v1 =	vld.idx.msk [tilespmem:v26+s30+$0x0], $0xffff  }
0x12a: {  	v27 =	vor.u32 $0x200, v0;
	_ =	sdelay $0x3  }
0x12b: {  	[tilespmem:s31+$0x8790] =	vst v1  }
0x12c: {  	v1 =	vld.idx.msk [tilespmem:v27+s30+$0x0], $0xffff  }
0x12d: {  	v28 =	vor.u32 $0x280, v0;
	_ =	sdelay $0x3  }
0x12e: {  	[tilespmem:s31+$0x8810] =	vst v1  }
0x12f: {  	v1 =	vld.idx.msk [tilespmem:v28+s30+$0x0], $0xffff  }
0x130: {  	v29 =	vor.u32 $0x300, v0;
	_ =	sdelay $0x3  }
0x131: {  	[tilespmem:s31+$0x8890] =	vst v1  }
0x132: {  	v1 =	vld.idx.msk [tilespmem:v29+s30+$0x0], $0xffff  }
0x133: {  	v0 =	vor.u32 $0x380, v0;
	_ =	sdelay $0x3  }
0x134: {  	[tilespmem:s31+$0x8910] =	vst v1  }
0x135: {  	v0 =	vld.idx.msk [tilespmem:v0+s30+$0x0], $0xffff;
	_ =	sdelay $0x4  }
0x136: {  	[tilespmem:s31+$0x8990] =	vst v0  }
0x137: {  	v0 =	vld [tilespmem:$0xA0];
	_ =	sdelay $0x4  }
0x138: {  	v30 =	vshll.u32 v0, $0x3  }
0x139: {  	v0 =	vand.u32 $0x7F, v0;
	v1 =	vand.u32 $0xFFFFFC00, v30  }
0x13a: {  	v0 =	vor.u32 v0, v1;
	_ =	sdelay $0x4  }
0x13b: {  	v1 =	vld.idx.msk [tilespmem:v0+s30+$0x0], $0xffff  }
0x13c: {  	v31 =	vor.u32 $0x80, v0;
	_ =	sdelay $0x3  }
0x13d: {  	[tilespmem:s31+$0x8620] =	vst v1  }
0x13e: {  	v1 =	vld.idx.msk [tilespmem:v31+s30+$0x0], $0xffff  }
0x13f: {  	v32 =	vor.u32 $0x100, v0;
	_ =	sdelay $0x3  }
0x140: {  	[tilespmem:s31+$0x86A0] =	vst v1  }
0x141: {  	v1 =	vld.idx.msk [tilespmem:v32+s30+$0x0], $0xffff  }
0x142: {  	v33 =	vor.u32 $0x180, v0;
	_ =	sdelay $0x3  }
0x143: {  	[tilespmem:s31+$0x8720] =	vst v1  }
0x144: {  	v1 =	vld.idx.msk [tilespmem:v33+s30+$0x0], $0xffff  }
0x145: {  	v34 =	vor.u32 $0x200, v0;
	_ =	sdelay $0x3  }
0x146: {  	[tilespmem:s31+$0x87A0] =	vst v1  }
0x147: {  	v1 =	vld.idx.msk [tilespmem:v34+s30+$0x0], $0xffff  }
0x148: {  	v35 =	vor.u32 $0x280, v0;
	_ =	sdelay $0x3  }
0x149: {  	[tilespmem:s31+$0x8820] =	vst v1  }
0x14a: {  	v1 =	vld.idx.msk [tilespmem:v35+s30+$0x0], $0xffff  }
0x14b: {  	v36 =	vor.u32 $0x300, v0;
	_ =	sdelay $0x3  }
0x14c: {  	[tilespmem:s31+$0x88A0] =	vst v1  }
0x14d: {  	v1 =	vld.idx.msk [tilespmem:v36+s30+$0x0], $0xffff  }
0x14e: {  	v0 =	vor.u32 $0x380, v0;
	_ =	sdelay $0x3  }
0x14f: {  	[tilespmem:s31+$0x8920] =	vst v1  }
0x150: {  	v0 =	vld.idx.msk [tilespmem:v0+s30+$0x0], $0xffff;
	_ =	sdelay $0x4  }
0x151: {  	[tilespmem:s31+$0x89A0] =	vst v0  }
0x152: {  	v0 =	vld [tilespmem:$0xB0];
	_ =	sdelay $0x4  }
0x153: {  	v37 =	vshll.u32 v0, $0x3  }
0x154: {  	v0 =	vand.u32 $0x7F, v0;
	v1 =	vand.u32 $0xFFFFFC00, v37  }
0x155: {  	v0 =	vor.u32 v0, v1;
	_ =	sdelay $0x4  }
0x156: {  	v1 =	vld.idx.msk [tilespmem:v0+s30+$0x0], $0xffff  }
0x157: {  	v38 =	vor.u32 $0x80, v0;
	_ =	sdelay $0x3  }
0x158: {  	[tilespmem:s31+$0x8630] =	vst v1  }
0x159: {  	v1 =	vld.idx.msk [tilespmem:v38+s30+$0x0], $0xffff  }
0x15a: {  	v39 =	vor.u32 $0x100, v0;
	_ =	sdelay $0x3  }
0x15b: {  	[tilespmem:s31+$0x86B0] =	vst v1  }
0x15c: {  	v1 =	vld.idx.msk [tilespmem:v39+s30+$0x0], $0xffff  }
0x15d: {  	v40 =	vor.u32 $0x180, v0;
	_ =	sdelay $0x3  }
0x15e: {  	[tilespmem:s31+$0x8730] =	vst v1  }
0x15f: {  	v1 =	vld.idx.msk [tilespmem:v40+s30+$0x0], $0xffff  }
0x160: {  	v41 =	vor.u32 $0x200, v0;
	_ =	sdelay $0x3  }
0x161: {  	[tilespmem:s31+$0x87B0] =	vst v1  }
0x162: {  	v1 =	vld.idx.msk [tilespmem:v41+s30+$0x0], $0xffff  }
0x163: {  	v42 =	vor.u32 $0x280, v0;
	_ =	sdelay $0x3  }
0x164: {  	[tilespmem:s31+$0x8830] =	vst v1  }
0x165: {  	v1 =	vld.idx.msk [tilespmem:v42+s30+$0x0], $0xffff  }
0x166: {  	v43 =	vor.u32 $0x300, v0;
	_ =	sdelay $0x3  }
0x167: {  	[tilespmem:s31+$0x88B0] =	vst v1  }
0x168: {  	v1 =	vld.idx.msk [tilespmem:v43+s30+$0x0], $0xffff  }
0x169: {  	v0 =	vor.u32 $0x380, v0;
	_ =	sdelay $0x3  }
0x16a: {  	[tilespmem:s31+$0x8930] =	vst v1  }
0x16b: {  	v0 =	vld.idx.msk [tilespmem:v0+s30+$0x0], $0xffff;
	_ =	sdelay $0x4  }
0x16c: {  	[tilespmem:s31+$0x89B0] =	vst v0  }
0x16d: {  	v0 =	vld [tilespmem:$0xC0];
	_ =	sdelay $0x4  }
0x16e: {  	v44 =	vshll.u32 v0, $0x3  }
0x16f: {  	v0 =	vand.u32 $0x7F, v0;
	v1 =	vand.u32 $0xFFFFFC00, v44  }
0x170: {  	v0 =	vor.u32 v0, v1;
	_ =	sdelay $0x4  }
0x171: {  	v1 =	vld.idx.msk [tilespmem:v0+s30+$0x0], $0xffff  }
0x172: {  	v45 =	vor.u32 $0x80, v0;
	_ =	sdelay $0x3  }
0x173: {  	[tilespmem:s31+$0x8640] =	vst v1  }
0x174: {  	v1 =	vld.idx.msk [tilespmem:v45+s30+$0x0], $0xffff  }
0x175: {  	v46 =	vor.u32 $0x100, v0;
	_ =	sdelay $0x3  }
0x176: {  	[tilespmem:s31+$0x86C0] =	vst v1  }
0x177: {  	v1 =	vld.idx.msk [tilespmem:v46+s30+$0x0], $0xffff  }
0x178: {  	v47 =	vor.u32 $0x180, v0;
	_ =	sdelay $0x3  }
0x179: {  	[tilespmem:s31+$0x8740] =	vst v1  }
0x17a: {  	v1 =	vld.idx.msk [tilespmem:v47+s30+$0x0], $0xffff  }
0x17b: {  	v48 =	vor.u32 $0x200, v0;
	_ =	sdelay $0x3  }
0x17c: {  	[tilespmem:s31+$0x87C0] =	vst v1  }
0x17d: {  	v1 =	vld.idx.msk [tilespmem:v48+s30+$0x0], $0xffff  }
0x17e: {  	v49 =	vor.u32 $0x280, v0;
	_ =	sdelay $0x3  }
0x17f: {  	[tilespmem:s31+$0x8840] =	vst v1  }
0x180: {  	v1 =	vld.idx.msk [tilespmem:v49+s30+$0x0], $0xffff  }
0x181: {  	v50 =	vor.u32 $0x300, v0;
	_ =	sdelay $0x3  }
0x182: {  	[tilespmem:s31+$0x88C0] =	vst v1  }
0x183: {  	v1 =	vld.idx.msk [tilespmem:v50+s30+$0x0], $0xffff  }
0x184: {  	v0 =	vor.u32 $0x380, v0;
	_ =	sdelay $0x3  }
0x185: {  	[tilespmem:s31+$0x8940] =	vst v1  }
0x186: {  	v0 =	vld.idx.msk [tilespmem:v0+s30+$0x0], $0xffff;
	_ =	sdelay $0x4  }
0x187: {  	[tilespmem:s31+$0x89C0] =	vst v0  }
0x188: {  	v0 =	vld [tilespmem:$0xD0];
	_ =	sdelay $0x4  }
0x189: {  	v51 =	vshll.u32 v0, $0x3  }
0x18a: {  	v0 =	vand.u32 $0x7F, v0;
	v1 =	vand.u32 $0xFFFFFC00, v51  }
0x18b: {  	v0 =	vor.u32 v0, v1;
	_ =	sdelay $0x4  }
0x18c: {  	v1 =	vld.idx.msk [tilespmem:v0+s30+$0x0], $0xffff  }
0x18d: {  	v52 =	vor.u32 $0x80, v0;
	_ =	sdelay $0x3  }
0x18e: {  	[tilespmem:s31+$0x8650] =	vst v1  }
0x18f: {  	v1 =	vld.idx.msk [tilespmem:v52+s30+$0x0], $0xffff  }
0x190: {  	v53 =	vor.u32 $0x100, v0;
	_ =	sdelay $0x3  }
0x191: {  	[tilespmem:s31+$0x86D0] =	vst v1  }
0x192: {  	v1 =	vld.idx.msk [tilespmem:v53+s30+$0x0], $0xffff  }
0x193: {  	v54 =	vor.u32 $0x180, v0;
	_ =	sdelay $0x3  }
0x194: {  	[tilespmem:s31+$0x8750] =	vst v1  }
0x195: {  	v1 =	vld.idx.msk [tilespmem:v54+s30+$0x0], $0xffff  }
0x196: {  	v55 =	vor.u32 $0x200, v0;
	_ =	sdelay $0x3  }
0x197: {  	[tilespmem:s31+$0x87D0] =	vst v1  }
0x198: {  	v1 =	vld.idx.msk [tilespmem:v55+s30+$0x0], $0xffff  }
0x199: {  	v56 =	vor.u32 $0x280, v0;
	_ =	sdelay $0x3  }
0x19a: {  	[tilespmem:s31+$0x8850] =	vst v1  }
0x19b: {  	v1 =	vld.idx.msk [tilespmem:v56+s30+$0x0], $0xffff  }
0x19c: {  	v57 =	vor.u32 $0x300, v0;
	_ =	sdelay $0x3  }
0x19d: {  	[tilespmem:s31+$0x88D0] =	vst v1  }
0x19e: {  	v1 =	vld.idx.msk [tilespmem:v57+s30+$0x0], $0xffff  }
0x19f: {  	v0 =	vor.u32 $0x380, v0;
	_ =	sdelay $0x3  }
0x1a0: {  	[tilespmem:s31+$0x8950] =	vst v1  }
0x1a1: {  	v0 =	vld.idx.msk [tilespmem:v0+s30+$0x0], $0xffff;
	_ =	sdelay $0x4  }
0x1a2: {  	[tilespmem:s31+$0x89D0] =	vst v0  }
0x1a3: {  	v0 =	vld [tilespmem:$0xE0];
	_ =	sdelay $0x4  }
0x1a4: {  	v58 =	vshll.u32 v0, $0x3  }
0x1a5: {  	v0 =	vand.u32 $0x7F, v0;
	v1 =	vand.u32 $0xFFFFFC00, v58  }
0x1a6: {  	v0 =	vor.u32 v0, v1;
	_ =	sdelay $0x4  }
0x1a7: {  	v1 =	vld.idx.msk [tilespmem:v0+s30+$0x0], $0xffff  }
0x1a8: {  	v59 =	vor.u32 $0x80, v0;
	_ =	sdelay $0x3  }
0x1a9: {  	[tilespmem:s31+$0x8660] =	vst v1  }
0x1aa: {  	v1 =	vld.idx.msk [tilespmem:v59+s30+$0x0], $0xffff  }
0x1ab: {  	v60 =	vor.u32 $0x100, v0;
	_ =	sdelay $0x3  }
0x1ac: {  	[tilespmem:s31+$0x86E0] =	vst v1  }
0x1ad: {  	v1 =	vld.idx.msk [tilespmem:v60+s30+$0x0], $0xffff  }
0x1ae: {  	v61 =	vor.u32 $0x180, v0;
	_ =	sdelay $0x3  }
0x1af: {  	[tilespmem:s31+$0x8760] =	vst v1  }
0x1b0: {  	v1 =	vld.idx.msk [tilespmem:v61+s30+$0x0], $0xffff  }
0x1b1: {  	v62 =	vor.u32 $0x200, v0;
	_ =	sdelay $0x3  }
0x1b2: {  	[tilespmem:s31+$0x87E0] =	vst v1  }
0x1b3: {  	v1 =	vld.idx.msk [tilespmem:v62+s30+$0x0], $0xffff  }
0x1b4: {  	v63 =	vor.u32 $0x280, v0;
	_ =	sdelay $0x3  }
0x1b5: {  	[tilespmem:s31+$0x8860] =	vst v1  }
0x1b6: {  	v1 =	vld.idx.msk [tilespmem:v63+s30+$0x0], $0xffff  }
0x1b7: {  	v4 =	vor.u32 $0x300, v0;
	_ =	sdelay $0x3  }
0x1b8: {  	[tilespmem:s31+$0x88E0] =	vst v1  }
0x1b9: {  	v1 =	vld.idx.msk [tilespmem:v4+s30+$0x0], $0xffff  }
0x1ba: {  	v0 =	vor.u32 $0x380, v0;
	_ =	sdelay $0x3  }
0x1bb: {  	[tilespmem:s31+$0x8960] =	vst v1  }
0x1bc: {  	v0 =	vld.idx.msk [tilespmem:v0+s30+$0x0], $0xffff;
	_ =	sdelay $0x4  }
0x1bd: {  	[tilespmem:s31+$0x89E0] =	vst v0  }
0x1be: {  	v0 =	vld [tilespmem:$0xF0];
	_ =	sdelay $0x4  }
0x1bf: {  	v5 =	vshll.u32 v0, $0x3  }
0x1c0: {  	v0 =	vand.u32 $0x7F, v0;
	v1 =	vand.u32 $0xFFFFFC00, v5  }
0x1c1: {  	v0 =	vor.u32 v0, v1;
	_ =	sdelay $0x4  }
0x1c2: {  	v1 =	vld.idx.msk [tilespmem:v0+s30+$0x0], $0xffff  }
0x1c3: {  	v6 =	vor.u32 $0x80, v0;
	_ =	sdelay $0x3  }
0x1c4: {  	[tilespmem:s31+$0x8670] =	vst v1  }
0x1c5: {  	v1 =	vld.idx.msk [tilespmem:v6+s30+$0x0], $0xffff  }
0x1c6: {  	v7 =	vor.u32 $0x100, v0;
	_ =	sdelay $0x3  }
0x1c7: {  	[tilespmem:s31+$0x86F0] =	vst v1  }
0x1c8: {  	v1 =	vld.idx.msk [tilespmem:v7+s30+$0x0], $0xffff  }
0x1c9: {  	v8 =	vor.u32 $0x180, v0;
	_ =	sdelay $0x3  }
0x1ca: {  	[tilespmem:s31+$0x8770] =	vst v1  }
0x1cb: {  	v1 =	vld.idx.msk [tilespmem:v8+s30+$0x0], $0xffff  }
0x1cc: {  	v9 =	vor.u32 $0x200, v0;
	_ =	sdelay $0x3  }
0x1cd: {  	[tilespmem:s31+$0x87F0] =	vst v1  }
0x1ce: {  	v1 =	vld.idx.msk [tilespmem:v9+s30+$0x0], $0xffff  }
0x1cf: {  	v10 =	vor.u32 $0x280, v0;
	_ =	sdelay $0x3  }
0x1d0: {  	[tilespmem:s31+$0x8870] =	vst v1  }
0x1d1: {  	v1 =	vld.idx.msk [tilespmem:v10+s30+$0x0], $0xffff  }
0x1d2: {  	v11 =	vor.u32 $0x300, v0;
	_ =	sdelay $0x3  }
0x1d3: {  	[tilespmem:s31+$0x88F0] =	vst v1  }
0x1d4: {  	v1 =	vld.idx.msk [tilespmem:v11+s30+$0x0], $0xffff  }
0x1d5: {  	v0 =	vor.u32 $0x380, v0;
	_ =	sdelay $0x3  }
0x1d6: {  	[tilespmem:s31+$0x8970] =	vst v1  }
0x1d7: {  	v0 =	vld.idx.msk [tilespmem:v0+s30+$0x0], $0xffff;
	_ =	sdelay $0x4  }
0x1d8: {  	[tilespmem:s31+$0x89F0] =	vst v0  }
0x1d9: {  	v0 =	vld [tilespmem:$0x100];
	_ =	sdelay $0x4  }
0x1da: {  	v12 =	vshll.u32 v0, $0x3  }
0x1db: {  	v0 =	vand.u32 $0x7F, v0;
	v1 =	vand.u32 $0xFFFFFC00, v12  }
0x1dc: {  	v0 =	vor.u32 v0, v1;
	_ =	sdelay $0x4  }
0x1dd: {  	v1 =	vld.idx.msk [tilespmem:v0+s30+$0x0], $0xffff  }
0x1de: {  	v13 =	vor.u32 $0x80, v0;
	_ =	sdelay $0x3  }
0x1df: {  	[tilespmem:s31+$0x8A00] =	vst v1  }
0x1e0: {  	v1 =	vld.idx.msk [tilespmem:v13+s30+$0x0], $0xffff  }
0x1e1: {  	v14 =	vor.u32 $0x100, v0;
	_ =	sdelay $0x3  }
0x1e2: {  	[tilespmem:s31+$0x8A80] =	vst v1  }
0x1e3: {  	v1 =	vld.idx.msk [tilespmem:v14+s30+$0x0], $0xffff  }
0x1e4: {  	v15 =	vor.u32 $0x180, v0;
	_ =	sdelay $0x3  }
0x1e5: {  	[tilespmem:s31+$0x8B00] =	vst v1  }
0x1e6: {  	v1 =	vld.idx.msk [tilespmem:v15+s30+$0x0], $0xffff  }
0x1e7: {  	v16 =	vor.u32 $0x200, v0;
	_ =	sdelay $0x3  }
0x1e8: {  	[tilespmem:s31+$0x8B80] =	vst v1  }
0x1e9: {  	v1 =	vld.idx.msk [tilespmem:v16+s30+$0x0], $0xffff  }
0x1ea: {  	v17 =	vor.u32 $0x280, v0;
	_ =	sdelay $0x3  }
0x1eb: {  	[tilespmem:s31+$0x8C00] =	vst v1  }
0x1ec: {  	v1 =	vld.idx.msk [tilespmem:v17+s30+$0x0], $0xffff  }
0x1ed: {  	v18 =	vor.u32 $0x300, v0;
	_ =	sdelay $0x3  }
0x1ee: {  	[tilespmem:s31+$0x8C80] =	vst v1  }
0x1ef: {  	v1 =	vld.idx.msk [tilespmem:v18+s30+$0x0], $0xffff  }
0x1f0: {  	v0 =	vor.u32 $0x380, v0;
	_ =	sdelay $0x3  }
0x1f1: {  	[tilespmem:s31+$0x8D00] =	vst v1  }
0x1f2: {  	v0 =	vld.idx.msk [tilespmem:v0+s30+$0x0], $0xffff;
	_ =	sdelay $0x4  }
0x1f3: {  	[tilespmem:s31+$0x8D80] =	vst v0  }
0x1f4: {  	v0 =	vld [tilespmem:$0x110];
	_ =	sdelay $0x4  }
0x1f5: {  	v19 =	vshll.u32 v0, $0x3  }
0x1f6: {  	v0 =	vand.u32 $0x7F, v0;
	v1 =	vand.u32 $0xFFFFFC00, v19  }
0x1f7: {  	v0 =	vor.u32 v0, v1;
	_ =	sdelay $0x4  }
0x1f8: {  	v1 =	vld.idx.msk [tilespmem:v0+s30+$0x0], $0xffff  }
0x1f9: {  	v20 =	vor.u32 $0x80, v0;
	_ =	sdelay $0x3  }
0x1fa: {  	[tilespmem:s31+$0x8A10] =	vst v1  }
0x1fb: {  	v1 =	vld.idx.msk [tilespmem:v20+s30+$0x0], $0xffff  }
0x1fc: {  	v21 =	vor.u32 $0x100, v0;
	_ =	sdelay $0x3  }
0x1fd: {  	[tilespmem:s31+$0x8A90] =	vst v1  }
0x1fe: {  	v1 =	vld.idx.msk [tilespmem:v21+s30+$0x0], $0xffff  }
0x1ff: {  	v22 =	vor.u32 $0x180, v0;
	_ =	sdelay $0x3  }
0x200: {  	[tilespmem:s31+$0x8B10] =	vst v1  }
0x201: {  	v1 =	vld.idx.msk [tilespmem:v22+s30+$0x0], $0xffff  }
0x202: {  	v23 =	vor.u32 $0x200, v0;
	_ =	sdelay $0x3  }
0x203: {  	[tilespmem:s31+$0x8B90] =	vst v1  }
0x204: {  	v1 =	vld.idx.msk [tilespmem:v23+s30+$0x0], $0xffff  }
0x205: {  	v24 =	vor.u32 $0x280, v0;
	_ =	sdelay $0x3  }
0x206: {  	[tilespmem:s31+$0x8C10] =	vst v1  }
0x207: {  	v1 =	vld.idx.msk [tilespmem:v24+s30+$0x0], $0xffff  }
0x208: {  	v25 =	vor.u32 $0x300, v0;
	_ =	sdelay $0x3  }
0x209: {  	[tilespmem:s31+$0x8C90] =	vst v1  }
0x20a: {  	v1 =	vld.idx.msk [tilespmem:v25+s30+$0x0], $0xffff  }
0x20b: {  	v0 =	vor.u32 $0x380, v0;
	_ =	sdelay $0x3  }
0x20c: {  	[tilespmem:s31+$0x8D10] =	vst v1  }
0x20d: {  	v0 =	vld.idx.msk [tilespmem:v0+s30+$0x0], $0xffff;
	_ =	sdelay $0x4  }
0x20e: {  	[tilespmem:s31+$0x8D90] =	vst v0  }
0x20f: {  	v0 =	vld [tilespmem:$0x120];
	_ =	sdelay $0x4  }
0x210: {  	v26 =	vshll.u32 v0, $0x3  }
0x211: {  	v0 =	vand.u32 $0x7F, v0;
	v1 =	vand.u32 $0xFFFFFC00, v26  }
0x212: {  	v0 =	vor.u32 v0, v1;
	_ =	sdelay $0x4  }
0x213: {  	v1 =	vld.idx.msk [tilespmem:v0+s30+$0x0], $0xffff  }
0x214: {  	v27 =	vor.u32 $0x80, v0;
	_ =	sdelay $0x3  }
0x215: {  	[tilespmem:s31+$0x8A20] =	vst v1  }
0x216: {  	v1 =	vld.idx.msk [tilespmem:v27+s30+$0x0], $0xffff  }
0x217: {  	v28 =	vor.u32 $0x100, v0;
	_ =	sdelay $0x3  }
0x218: {  	[tilespmem:s31+$0x8AA0] =	vst v1  }
0x219: {  	v1 =	vld.idx.msk [tilespmem:v28+s30+$0x0], $0xffff  }
0x21a: {  	v29 =	vor.u32 $0x180, v0;
	_ =	sdelay $0x3  }
0x21b: {  	[tilespmem:s31+$0x8B20] =	vst v1  }
0x21c: {  	v1 =	vld.idx.msk [tilespmem:v29+s30+$0x0], $0xffff  }
0x21d: {  	v30 =	vor.u32 $0x200, v0;
	_ =	sdelay $0x3  }
0x21e: {  	[tilespmem:s31+$0x8BA0] =	vst v1  }
0x21f: {  	v1 =	vld.idx.msk [tilespmem:v30+s30+$0x0], $0xffff  }
0x220: {  	v31 =	vor.u32 $0x280, v0;
	_ =	sdelay $0x3  }
0x221: {  	[tilespmem:s31+$0x8C20] =	vst v1  }
0x222: {  	v1 =	vld.idx.msk [tilespmem:v31+s30+$0x0], $0xffff  }
0x223: {  	v32 =	vor.u32 $0x300, v0;
	_ =	sdelay $0x3  }
0x224: {  	[tilespmem:s31+$0x8CA0] =	vst v1  }
0x225: {  	v1 =	vld.idx.msk [tilespmem:v32+s30+$0x0], $0xffff  }
0x226: {  	v0 =	vor.u32 $0x380, v0;
	_ =	sdelay $0x3  }
0x227: {  	[tilespmem:s31+$0x8D20] =	vst v1  }
0x228: {  	v0 =	vld.idx.msk [tilespmem:v0+s30+$0x0], $0xffff;
	_ =	sdelay $0x4  }
0x229: {  	[tilespmem:s31+$0x8DA0] =	vst v0  }
0x22a: {  	v0 =	vld [tilespmem:$0x130];
	_ =	sdelay $0x4  }
0x22b: {  	v33 =	vshll.u32 v0, $0x3  }
0x22c: {  	v0 =	vand.u32 $0x7F, v0;
	v1 =	vand.u32 $0xFFFFFC00, v33  }
0x22d: {  	v0 =	vor.u32 v0, v1;
	_ =	sdelay $0x4  }
0x22e: {  	v1 =	vld.idx.msk [tilespmem:v0+s30+$0x0], $0xffff  }
0x22f: {  	v34 =	vor.u32 $0x80, v0;
	_ =	sdelay $0x3  }
0x230: {  	[tilespmem:s31+$0x8A30] =	vst v1  }
0x231: {  	v1 =	vld.idx.msk [tilespmem:v34+s30+$0x0], $0xffff  }
0x232: {  	v35 =	vor.u32 $0x100, v0;
	_ =	sdelay $0x3  }
0x233: {  	[tilespmem:s31+$0x8AB0] =	vst v1  }
0x234: {  	v1 =	vld.idx.msk [tilespmem:v35+s30+$0x0], $0xffff  }
0x235: {  	v36 =	vor.u32 $0x180, v0;
	_ =	sdelay $0x3  }
0x236: {  	[tilespmem:s31+$0x8B30] =	vst v1  }
0x237: {  	v1 =	vld.idx.msk [tilespmem:v36+s30+$0x0], $0xffff  }
0x238: {  	v37 =	vor.u32 $0x200, v0;
	_ =	sdelay $0x3  }
0x239: {  	[tilespmem:s31+$0x8BB0] =	vst v1  }
0x23a: {  	v1 =	vld.idx.msk [tilespmem:v37+s30+$0x0], $0xffff  }
0x23b: {  	v38 =	vor.u32 $0x280, v0;
	_ =	sdelay $0x3  }
0x23c: {  	[tilespmem:s31+$0x8C30] =	vst v1  }
0x23d: {  	v1 =	vld.idx.msk [tilespmem:v38+s30+$0x0], $0xffff  }
0x23e: {  	v39 =	vor.u32 $0x300, v0;
	_ =	sdelay $0x3  }
0x23f: {  	[tilespmem:s31+$0x8CB0] =	vst v1  }
0x240: {  	v1 =	vld.idx.msk [tilespmem:v39+s30+$0x0], $0xffff  }
0x241: {  	v0 =	vor.u32 $0x380, v0;
	_ =	sdelay $0x3  }
0x242: {  	[tilespmem:s31+$0x8D30] =	vst v1  }
0x243: {  	v0 =	vld.idx.msk [tilespmem:v0+s30+$0x0], $0xffff;
	_ =	sdelay $0x4  }
0x244: {  	[tilespmem:s31+$0x8DB0] =	vst v0  }
0x245: {  	v0 =	vld [tilespmem:$0x140];
	_ =	sdelay $0x4  }
0x246: {  	v40 =	vshll.u32 v0, $0x3  }
0x247: {  	v0 =	vand.u32 $0x7F, v0;
	v1 =	vand.u32 $0xFFFFFC00, v40  }
0x248: {  	v0 =	vor.u32 v0, v1;
	_ =	sdelay $0x4  }
0x249: {  	v1 =	vld.idx.msk [tilespmem:v0+s30+$0x0], $0xffff  }
0x24a: {  	v41 =	vor.u32 $0x80, v0;
	_ =	sdelay $0x3  }
0x24b: {  	[tilespmem:s31+$0x8A40] =	vst v1  }
0x24c: {  	v1 =	vld.idx.msk [tilespmem:v41+s30+$0x0], $0xffff  }
0x24d: {  	v42 =	vor.u32 $0x100, v0;
	_ =	sdelay $0x3  }
0x24e: {  	[tilespmem:s31+$0x8AC0] =	vst v1  }
0x24f: {  	v1 =	vld.idx.msk [tilespmem:v42+s30+$0x0], $0xffff  }
0x250: {  	v43 =	vor.u32 $0x180, v0;
	_ =	sdelay $0x3  }
0x251: {  	[tilespmem:s31+$0x8B40] =	vst v1  }
0x252: {  	v1 =	vld.idx.msk [tilespmem:v43+s30+$0x0], $0xffff  }
0x253: {  	v44 =	vor.u32 $0x200, v0;
	_ =	sdelay $0x3  }
0x254: {  	[tilespmem:s31+$0x8BC0] =	vst v1  }
0x255: {  	v1 =	vld.idx.msk [tilespmem:v44+s30+$0x0], $0xffff  }
0x256: {  	v45 =	vor.u32 $0x280, v0;
	_ =	sdelay $0x3  }
0x257: {  	[tilespmem:s31+$0x8C40] =	vst v1  }
0x258: {  	v1 =	vld.idx.msk [tilespmem:v45+s30+$0x0], $0xffff  }
0x259: {  	v46 =	vor.u32 $0x300, v0;
	_ =	sdelay $0x3  }
0x25a: {  	[tilespmem:s31+$0x8CC0] =	vst v1  }
0x25b: {  	v1 =	vld.idx.msk [tilespmem:v46+s30+$0x0], $0xffff  }
0x25c: {  	v0 =	vor.u32 $0x380, v0;
	_ =	sdelay $0x3  }
0x25d: {  	[tilespmem:s31+$0x8D40] =	vst v1  }
0x25e: {  	v0 =	vld.idx.msk [tilespmem:v0+s30+$0x0], $0xffff;
	_ =	sdelay $0x4  }
0x25f: {  	[tilespmem:s31+$0x8DC0] =	vst v0  }
0x260: {  	v0 =	vld [tilespmem:$0x150];
	_ =	sdelay $0x4  }
0x261: {  	v47 =	vshll.u32 v0, $0x3  }
0x262: {  	v0 =	vand.u32 $0x7F, v0;
	v1 =	vand.u32 $0xFFFFFC00, v47  }
0x263: {  	v0 =	vor.u32 v0, v1;
	_ =	sdelay $0x4  }
0x264: {  	v1 =	vld.idx.msk [tilespmem:v0+s30+$0x0], $0xffff  }
0x265: {  	v48 =	vor.u32 $0x80, v0;
	_ =	sdelay $0x3  }
0x266: {  	[tilespmem:s31+$0x8A50] =	vst v1  }
0x267: {  	v1 =	vld.idx.msk [tilespmem:v48+s30+$0x0], $0xffff  }
0x268: {  	v49 =	vor.u32 $0x100, v0;
	_ =	sdelay $0x3  }
0x269: {  	[tilespmem:s31+$0x8AD0] =	vst v1  }
0x26a: {  	v1 =	vld.idx.msk [tilespmem:v49+s30+$0x0], $0xffff  }
0x26b: {  	v50 =	vor.u32 $0x180, v0;
	_ =	sdelay $0x3  }
0x26c: {  	[tilespmem:s31+$0x8B50] =	vst v1  }
0x26d: {  	v1 =	vld.idx.msk [tilespmem:v50+s30+$0x0], $0xffff  }
0x26e: {  	v51 =	vor.u32 $0x200, v0;
	_ =	sdelay $0x3  }
0x26f: {  	[tilespmem:s31+$0x8BD0] =	vst v1  }
0x270: {  	v1 =	vld.idx.msk [tilespmem:v51+s30+$0x0], $0xffff  }
0x271: {  	v52 =	vor.u32 $0x280, v0;
	_ =	sdelay $0x3  }
0x272: {  	[tilespmem:s31+$0x8C50] =	vst v1  }
0x273: {  	v1 =	vld.idx.msk [tilespmem:v52+s30+$0x0], $0xffff  }
0x274: {  	v53 =	vor.u32 $0x300, v0;
	_ =	sdelay $0x3  }
0x275: {  	[tilespmem:s31+$0x8CD0] =	vst v1  }
0x276: {  	v1 =	vld.idx.msk [tilespmem:v53+s30+$0x0], $0xffff  }
0x277: {  	v0 =	vor.u32 $0x380, v0;
	_ =	sdelay $0x3  }
0x278: {  	[tilespmem:s31+$0x8D50] =	vst v1  }
0x279: {  	v0 =	vld.idx.msk [tilespmem:v0+s30+$0x0], $0xffff;
	_ =	sdelay $0x4  }
0x27a: {  	[tilespmem:s31+$0x8DD0] =	vst v0  }
0x27b: {  	v0 =	vld [tilespmem:$0x160];
	_ =	sdelay $0x4  }
0x27c: {  	v54 =	vshll.u32 v0, $0x3  }
0x27d: {  	v0 =	vand.u32 $0x7F, v0;
	v1 =	vand.u32 $0xFFFFFC00, v54  }
0x27e: {  	v0 =	vor.u32 v0, v1;
	_ =	sdelay $0x4  }
0x27f: {  	v1 =	vld.idx.msk [tilespmem:v0+s30+$0x0], $0xffff  }
0x280: {  	v55 =	vor.u32 $0x80, v0;
	_ =	sdelay $0x3  }
0x281: {  	[tilespmem:s31+$0x8A60] =	vst v1  }
0x282: {  	v1 =	vld.idx.msk [tilespmem:v55+s30+$0x0], $0xffff  }
0x283: {  	v56 =	vor.u32 $0x100, v0;
	_ =	sdelay $0x3  }
0x284: {  	[tilespmem:s31+$0x8AE0] =	vst v1  }
0x285: {  	v1 =	vld.idx.msk [tilespmem:v56+s30+$0x0], $0xffff  }
0x286: {  	v57 =	vor.u32 $0x180, v0;
	_ =	sdelay $0x3  }
0x287: {  	[tilespmem:s31+$0x8B60] =	vst v1  }
0x288: {  	v1 =	vld.idx.msk [tilespmem:v57+s30+$0x0], $0xffff  }
0x289: {  	v58 =	vor.u32 $0x200, v0;
	_ =	sdelay $0x3  }
0x28a: {  	[tilespmem:s31+$0x8BE0] =	vst v1  }
0x28b: {  	v1 =	vld.idx.msk [tilespmem:v58+s30+$0x0], $0xffff  }
0x28c: {  	v59 =	vor.u32 $0x280, v0;
	_ =	sdelay $0x3  }
0x28d: {  	[tilespmem:s31+$0x8C60] =	vst v1  }
0x28e: {  	v1 =	vld.idx.msk [tilespmem:v59+s30+$0x0], $0xffff  }
0x28f: {  	v60 =	vor.u32 $0x300, v0;
	_ =	sdelay $0x3  }
0x290: {  	[tilespmem:s31+$0x8CE0] =	vst v1  }
0x291: {  	v1 =	vld.idx.msk [tilespmem:v60+s30+$0x0], $0xffff  }
0x292: {  	v0 =	vor.u32 $0x380, v0;
	_ =	sdelay $0x3  }
0x293: {  	[tilespmem:s31+$0x8D60] =	vst v1  }
0x294: {  	v0 =	vld.idx.msk [tilespmem:v0+s30+$0x0], $0xffff;
	_ =	sdelay $0x4  }
0x295: {  	[tilespmem:s31+$0x8DE0] =	vst v0  }
0x296: {  	v0 =	vld [tilespmem:$0x170];
	_ =	sdelay $0x4  }
0x297: {  	v61 =	vshll.u32 v0, $0x3  }
0x298: {  	v0 =	vand.u32 $0x7F, v0;
	v1 =	vand.u32 $0xFFFFFC00, v61  }
0x299: {  	v0 =	vor.u32 v0, v1;
	_ =	sdelay $0x4  }
0x29a: {  	v1 =	vld.idx.msk [tilespmem:v0+s30+$0x0], $0xffff  }
0x29b: {  	v62 =	vor.u32 $0x80, v0;
	_ =	sdelay $0x3  }
0x29c: {  	[tilespmem:s31+$0x8A70] =	vst v1  }
0x29d: {  	v1 =	vld.idx.msk [tilespmem:v62+s30+$0x0], $0xffff  }
0x29e: {  	v63 =	vor.u32 $0x100, v0;
	_ =	sdelay $0x3  }
0x29f: {  	[tilespmem:s31+$0x8AF0] =	vst v1  }
0x2a0: {  	v1 =	vld.idx.msk [tilespmem:v63+s30+$0x0], $0xffff  }
0x2a1: {  	v4 =	vor.u32 $0x180, v0;
	_ =	sdelay $0x3  }
0x2a2: {  	[tilespmem:s31+$0x8B70] =	vst v1  }
0x2a3: {  	v1 =	vld.idx.msk [tilespmem:v4+s30+$0x0], $0xffff  }
0x2a4: {  	v5 =	vor.u32 $0x200, v0;
	_ =	sdelay $0x3  }
0x2a5: {  	[tilespmem:s31+$0x8BF0] =	vst v1  }
0x2a6: {  	v1 =	vld.idx.msk [tilespmem:v5+s30+$0x0], $0xffff  }
0x2a7: {  	v6 =	vor.u32 $0x280, v0;
	_ =	sdelay $0x3  }
0x2a8: {  	[tilespmem:s31+$0x8C70] =	vst v1  }
0x2a9: {  	v1 =	vld.idx.msk [tilespmem:v6+s30+$0x0], $0xffff  }
0x2aa: {  	v7 =	vor.u32 $0x300, v0;
	_ =	sdelay $0x3  }
0x2ab: {  	[tilespmem:s31+$0x8CF0] =	vst v1  }
0x2ac: {  	v1 =	vld.idx.msk [tilespmem:v7+s30+$0x0], $0xffff  }
0x2ad: {  	v0 =	vor.u32 $0x380, v0;
	_ =	sdelay $0x3  }
0x2ae: {  	[tilespmem:s31+$0x8D70] =	vst v1  }
0x2af: {  	v0 =	vld.idx.msk [tilespmem:v0+s30+$0x0], $0xffff;
	_ =	sdelay $0x4  }
0x2b0: {  	[tilespmem:s31+$0x8DF0] =	vst v0  }
0x2b1: {  	v0 =	vld [tilespmem:$0x180];
	_ =	sdelay $0x4  }
0x2b2: {  	v8 =	vshll.u32 v0, $0x3  }
0x2b3: {  	v0 =	vand.u32 $0x7F, v0;
	v1 =	vand.u32 $0xFFFFFC00, v8  }
0x2b4: {  	v0 =	vor.u32 v0, v1;
	_ =	sdelay $0x4  }
0x2b5: {  	v1 =	vld.idx.msk [tilespmem:v0+s30+$0x0], $0xffff  }
0x2b6: {  	v9 =	vor.u32 $0x80, v0;
	_ =	sdelay $0x3  }
0x2b7: {  	[tilespmem:s31+$0x8E00] =	vst v1  }
0x2b8: {  	v1 =	vld.idx.msk [tilespmem:v9+s30+$0x0], $0xffff  }
0x2b9: {  	v10 =	vor.u32 $0x100, v0;
	_ =	sdelay $0x3  }
0x2ba: {  	[tilespmem:s31+$0x8E80] =	vst v1  }
0x2bb: {  	v1 =	vld.idx.msk [tilespmem:v10+s30+$0x0], $0xffff  }
0x2bc: {  	v11 =	vor.u32 $0x180, v0;
	_ =	sdelay $0x3  }
0x2bd: {  	[tilespmem:s31+$0x8F00] =	vst v1  }
0x2be: {  	v1 =	vld.idx.msk [tilespmem:v11+s30+$0x0], $0xffff  }
0x2bf: {  	v12 =	vor.u32 $0x200, v0;
	_ =	sdelay $0x3  }
0x2c0: {  	[tilespmem:s31+$0x8F80] =	vst v1  }
0x2c1: {  	v1 =	vld.idx.msk [tilespmem:v12+s30+$0x0], $0xffff  }
0x2c2: {  	v13 =	vor.u32 $0x280, v0;
	_ =	sdelay $0x3  }
0x2c3: {  	[tilespmem:s31+$0x9000] =	vst v1  }
0x2c4: {  	v1 =	vld.idx.msk [tilespmem:v13+s30+$0x0], $0xffff  }
0x2c5: {  	v14 =	vor.u32 $0x300, v0;
	_ =	sdelay $0x3  }
0x2c6: {  	[tilespmem:s31+$0x9080] =	vst v1  }
0x2c7: {  	v1 =	vld.idx.msk [tilespmem:v14+s30+$0x0], $0xffff  }
0x2c8: {  	v0 =	vor.u32 $0x380, v0;
	_ =	sdelay $0x3  }
0x2c9: {  	[tilespmem:s31+$0x9100] =	vst v1  }
0x2ca: {  	v0 =	vld.idx.msk [tilespmem:v0+s30+$0x0], $0xffff;
	_ =	sdelay $0x4  }
0x2cb: {  	[tilespmem:s31+$0x9180] =	vst v0  }
0x2cc: {  	v0 =	vld [tilespmem:$0x190];
	_ =	sdelay $0x4  }
0x2cd: {  	v15 =	vshll.u32 v0, $0x3  }
0x2ce: {  	v0 =	vand.u32 $0x7F, v0;
	v1 =	vand.u32 $0xFFFFFC00, v15  }
0x2cf: {  	v0 =	vor.u32 v0, v1;
	_ =	sdelay $0x4  }
0x2d0: {  	v1 =	vld.idx.msk [tilespmem:v0+s30+$0x0], $0xffff  }
0x2d1: {  	v16 =	vor.u32 $0x80, v0;
	_ =	sdelay $0x3  }
0x2d2: {  	[tilespmem:s31+$0x8E10] =	vst v1  }
0x2d3: {  	v1 =	vld.idx.msk [tilespmem:v16+s30+$0x0], $0xffff  }
0x2d4: {  	v17 =	vor.u32 $0x100, v0;
	_ =	sdelay $0x3  }
0x2d5: {  	[tilespmem:s31+$0x8E90] =	vst v1  }
0x2d6: {  	v1 =	vld.idx.msk [tilespmem:v17+s30+$0x0], $0xffff  }
0x2d7: {  	v18 =	vor.u32 $0x180, v0;
	_ =	sdelay $0x3  }
0x2d8: {  	[tilespmem:s31+$0x8F10] =	vst v1  }
0x2d9: {  	v1 =	vld.idx.msk [tilespmem:v18+s30+$0x0], $0xffff  }
0x2da: {  	v19 =	vor.u32 $0x200, v0;
	_ =	sdelay $0x3  }
0x2db: {  	[tilespmem:s31+$0x8F90] =	vst v1  }
0x2dc: {  	v1 =	vld.idx.msk [tilespmem:v19+s30+$0x0], $0xffff  }
0x2dd: {  	v20 =	vor.u32 $0x280, v0;
	_ =	sdelay $0x3  }
0x2de: {  	[tilespmem:s31+$0x9010] =	vst v1  }
0x2df: {  	v1 =	vld.idx.msk [tilespmem:v20+s30+$0x0], $0xffff  }
0x2e0: {  	v21 =	vor.u32 $0x300, v0;
	_ =	sdelay $0x3  }
0x2e1: {  	[tilespmem:s31+$0x9090] =	vst v1  }
0x2e2: {  	v1 =	vld.idx.msk [tilespmem:v21+s30+$0x0], $0xffff  }
0x2e3: {  	v0 =	vor.u32 $0x380, v0;
	_ =	sdelay $0x3  }
0x2e4: {  	[tilespmem:s31+$0x9110] =	vst v1  }
0x2e5: {  	v0 =	vld.idx.msk [tilespmem:v0+s30+$0x0], $0xffff;
	_ =	sdelay $0x4  }
0x2e6: {  	[tilespmem:s31+$0x9190] =	vst v0  }
0x2e7: {  	v0 =	vld [tilespmem:$0x1A0];
	_ =	sdelay $0x4  }
0x2e8: {  	v22 =	vshll.u32 v0, $0x3  }
0x2e9: {  	v0 =	vand.u32 $0x7F, v0;
	v1 =	vand.u32 $0xFFFFFC00, v22  }
0x2ea: {  	v0 =	vor.u32 v0, v1;
	_ =	sdelay $0x4  }
0x2eb: {  	v1 =	vld.idx.msk [tilespmem:v0+s30+$0x0], $0xffff  }
0x2ec: {  	v23 =	vor.u32 $0x80, v0;
	_ =	sdelay $0x3  }
0x2ed: {  	[tilespmem:s31+$0x8E20] =	vst v1  }
0x2ee: {  	v1 =	vld.idx.msk [tilespmem:v23+s30+$0x0], $0xffff  }
0x2ef: {  	v24 =	vor.u32 $0x100, v0;
	_ =	sdelay $0x3  }
0x2f0: {  	[tilespmem:s31+$0x8EA0] =	vst v1  }
0x2f1: {  	v1 =	vld.idx.msk [tilespmem:v24+s30+$0x0], $0xffff  }
0x2f2: {  	v25 =	vor.u32 $0x180, v0;
	_ =	sdelay $0x3  }
0x2f3: {  	[tilespmem:s31+$0x8F20] =	vst v1  }
0x2f4: {  	v1 =	vld.idx.msk [tilespmem:v25+s30+$0x0], $0xffff  }
0x2f5: {  	v26 =	vor.u32 $0x200, v0;
	_ =	sdelay $0x3  }
0x2f6: {  	[tilespmem:s31+$0x8FA0] =	vst v1  }
0x2f7: {  	v1 =	vld.idx.msk [tilespmem:v26+s30+$0x0], $0xffff  }
0x2f8: {  	v27 =	vor.u32 $0x280, v0;
	_ =	sdelay $0x3  }
0x2f9: {  	[tilespmem:s31+$0x9020] =	vst v1  }
0x2fa: {  	v1 =	vld.idx.msk [tilespmem:v27+s30+$0x0], $0xffff  }
0x2fb: {  	v28 =	vor.u32 $0x300, v0;
	_ =	sdelay $0x3  }
0x2fc: {  	[tilespmem:s31+$0x90A0] =	vst v1  }
0x2fd: {  	v1 =	vld.idx.msk [tilespmem:v28+s30+$0x0], $0xffff  }
0x2fe: {  	v0 =	vor.u32 $0x380, v0;
	_ =	sdelay $0x3  }
0x2ff: {  	[tilespmem:s31+$0x9120] =	vst v1  }
0x300: {  	v0 =	vld.idx.msk [tilespmem:v0+s30+$0x0], $0xffff;
	_ =	sdelay $0x4  }
0x301: {  	[tilespmem:s31+$0x91A0] =	vst v0  }
0x302: {  	v0 =	vld [tilespmem:$0x1B0];
	_ =	sdelay $0x4  }
0x303: {  	v29 =	vshll.u32 v0, $0x3  }
0x304: {  	v0 =	vand.u32 $0x7F, v0;
	v1 =	vand.u32 $0xFFFFFC00, v29  }
0x305: {  	v0 =	vor.u32 v0, v1;
	_ =	sdelay $0x4  }
0x306: {  	v1 =	vld.idx.msk [tilespmem:v0+s30+$0x0], $0xffff  }
0x307: {  	v30 =	vor.u32 $0x80, v0;
	_ =	sdelay $0x3  }
0x308: {  	[tilespmem:s31+$0x8E30] =	vst v1  }
0x309: {  	v1 =	vld.idx.msk [tilespmem:v30+s30+$0x0], $0xffff  }
0x30a: {  	v31 =	vor.u32 $0x100, v0;
	_ =	sdelay $0x3  }
0x30b: {  	[tilespmem:s31+$0x8EB0] =	vst v1  }
0x30c: {  	v1 =	vld.idx.msk [tilespmem:v31+s30+$0x0], $0xffff  }
0x30d: {  	v32 =	vor.u32 $0x180, v0;
	_ =	sdelay $0x3  }
0x30e: {  	[tilespmem:s31+$0x8F30] =	vst v1  }
0x30f: {  	v1 =	vld.idx.msk [tilespmem:v32+s30+$0x0], $0xffff  }
0x310: {  	v33 =	vor.u32 $0x200, v0;
	_ =	sdelay $0x3  }
0x311: {  	[tilespmem:s31+$0x8FB0] =	vst v1  }
0x312: {  	v1 =	vld.idx.msk [tilespmem:v33+s30+$0x0], $0xffff  }
0x313: {  	v34 =	vor.u32 $0x280, v0;
	_ =	sdelay $0x3  }
0x314: {  	[tilespmem:s31+$0x9030] =	vst v1  }
0x315: {  	v1 =	vld.idx.msk [tilespmem:v34+s30+$0x0], $0xffff  }
0x316: {  	v35 =	vor.u32 $0x300, v0;
	_ =	sdelay $0x3  }
0x317: {  	[tilespmem:s31+$0x90B0] =	vst v1  }
0x318: {  	v1 =	vld.idx.msk [tilespmem:v35+s30+$0x0], $0xffff  }
0x319: {  	v0 =	vor.u32 $0x380, v0;
	_ =	sdelay $0x3  }
0x31a: {  	[tilespmem:s31+$0x9130] =	vst v1  }
0x31b: {  	v0 =	vld.idx.msk [tilespmem:v0+s30+$0x0], $0xffff;
	_ =	sdelay $0x4  }
0x31c: {  	[tilespmem:s31+$0x91B0] =	vst v0  }
0x31d: {  	v0 =	vld [tilespmem:$0x1C0];
	_ =	sdelay $0x4  }
0x31e: {  	v36 =	vshll.u32 v0, $0x3  }
0x31f: {  	v0 =	vand.u32 $0x7F, v0;
	v1 =	vand.u32 $0xFFFFFC00, v36  }
0x320: {  	v0 =	vor.u32 v0, v1;
	_ =	sdelay $0x4  }
0x321: {  	v1 =	vld.idx.msk [tilespmem:v0+s30+$0x0], $0xffff  }
0x322: {  	v37 =	vor.u32 $0x80, v0;
	_ =	sdelay $0x3  }
0x323: {  	[tilespmem:s31+$0x8E40] =	vst v1  }
0x324: {  	v1 =	vld.idx.msk [tilespmem:v37+s30+$0x0], $0xffff  }
0x325: {  	v38 =	vor.u32 $0x100, v0;
	_ =	sdelay $0x3  }
0x326: {  	[tilespmem:s31+$0x8EC0] =	vst v1  }
0x327: {  	v1 =	vld.idx.msk [tilespmem:v38+s30+$0x0], $0xffff  }
0x328: {  	v39 =	vor.u32 $0x180, v0;
	_ =	sdelay $0x3  }
0x329: {  	[tilespmem:s31+$0x8F40] =	vst v1  }
0x32a: {  	v1 =	vld.idx.msk [tilespmem:v39+s30+$0x0], $0xffff  }
0x32b: {  	v40 =	vor.u32 $0x200, v0;
	_ =	sdelay $0x3  }
0x32c: {  	[tilespmem:s31+$0x8FC0] =	vst v1  }
0x32d: {  	v1 =	vld.idx.msk [tilespmem:v40+s30+$0x0], $0xffff  }
0x32e: {  	v41 =	vor.u32 $0x280, v0;
	_ =	sdelay $0x3  }
0x32f: {  	[tilespmem:s31+$0x9040] =	vst v1  }
0x330: {  	v1 =	vld.idx.msk [tilespmem:v41+s30+$0x0], $0xffff  }
0x331: {  	v42 =	vor.u32 $0x300, v0;
	_ =	sdelay $0x3  }
0x332: {  	[tilespmem:s31+$0x90C0] =	vst v1  }
0x333: {  	v1 =	vld.idx.msk [tilespmem:v42+s30+$0x0], $0xffff  }
0x334: {  	v0 =	vor.u32 $0x380, v0;
	_ =	sdelay $0x3  }
0x335: {  	[tilespmem:s31+$0x9140] =	vst v1  }
0x336: {  	v0 =	vld.idx.msk [tilespmem:v0+s30+$0x0], $0xffff;
	_ =	sdelay $0x4  }
0x337: {  	[tilespmem:s31+$0x91C0] =	vst v0  }
0x338: {  	v0 =	vld [tilespmem:$0x1D0];
	_ =	sdelay $0x4  }
0x339: {  	v43 =	vshll.u32 v0, $0x3  }
0x33a: {  	v0 =	vand.u32 $0x7F, v0;
	v1 =	vand.u32 $0xFFFFFC00, v43  }
0x33b: {  	v0 =	vor.u32 v0, v1;
	_ =	sdelay $0x4  }
0x33c: {  	v1 =	vld.idx.msk [tilespmem:v0+s30+$0x0], $0xffff  }
0x33d: {  	v44 =	vor.u32 $0x80, v0;
	_ =	sdelay $0x3  }
0x33e: {  	[tilespmem:s31+$0x8E50] =	vst v1  }
0x33f: {  	v1 =	vld.idx.msk [tilespmem:v44+s30+$0x0], $0xffff  }
0x340: {  	v45 =	vor.u32 $0x100, v0;
	_ =	sdelay $0x3  }
0x341: {  	[tilespmem:s31+$0x8ED0] =	vst v1  }
0x342: {  	v1 =	vld.idx.msk [tilespmem:v45+s30+$0x0], $0xffff  }
0x343: {  	v46 =	vor.u32 $0x180, v0;
	_ =	sdelay $0x3  }
0x344: {  	[tilespmem:s31+$0x8F50] =	vst v1  }
0x345: {  	v1 =	vld.idx.msk [tilespmem:v46+s30+$0x0], $0xffff  }
0x346: {  	v47 =	vor.u32 $0x200, v0;
	_ =	sdelay $0x3  }
0x347: {  	[tilespmem:s31+$0x8FD0] =	vst v1  }
0x348: {  	v1 =	vld.idx.msk [tilespmem:v47+s30+$0x0], $0xffff  }
0x349: {  	v48 =	vor.u32 $0x280, v0;
	_ =	sdelay $0x3  }
0x34a: {  	[tilespmem:s31+$0x9050] =	vst v1  }
0x34b: {  	v1 =	vld.idx.msk [tilespmem:v48+s30+$0x0], $0xffff  }
0x34c: {  	v49 =	vor.u32 $0x300, v0;
	_ =	sdelay $0x3  }
0x34d: {  	[tilespmem:s31+$0x90D0] =	vst v1  }
0x34e: {  	v1 =	vld.idx.msk [tilespmem:v49+s30+$0x0], $0xffff  }
0x34f: {  	v0 =	vor.u32 $0x380, v0;
	_ =	sdelay $0x3  }
0x350: {  	[tilespmem:s31+$0x9150] =	vst v1  }
0x351: {  	v0 =	vld.idx.msk [tilespmem:v0+s30+$0x0], $0xffff;
	_ =	sdelay $0x4  }
0x352: {  	[tilespmem:s31+$0x91D0] =	vst v0  }
0x353: {  	v0 =	vld [tilespmem:$0x1E0];
	_ =	sdelay $0x4  }
0x354: {  	v50 =	vshll.u32 v0, $0x3  }
0x355: {  	v0 =	vand.u32 $0x7F, v0;
	v1 =	vand.u32 $0xFFFFFC00, v50  }
0x356: {  	v0 =	vor.u32 v0, v1;
	_ =	sdelay $0x4  }
0x357: {  	v1 =	vld.idx.msk [tilespmem:v0+s30+$0x0], $0xffff  }
0x358: {  	v51 =	vor.u32 $0x80, v0;
	_ =	sdelay $0x3  }
0x359: {  	[tilespmem:s31+$0x8E60] =	vst v1  }
0x35a: {  	v1 =	vld.idx.msk [tilespmem:v51+s30+$0x0], $0xffff  }
0x35b: {  	v52 =	vor.u32 $0x100, v0;
	_ =	sdelay $0x3  }
0x35c: {  	[tilespmem:s31+$0x8EE0] =	vst v1  }
0x35d: {  	v1 =	vld.idx.msk [tilespmem:v52+s30+$0x0], $0xffff  }
0x35e: {  	v53 =	vor.u32 $0x180, v0;
	_ =	sdelay $0x3  }
0x35f: {  	[tilespmem:s31+$0x8F60] =	vst v1  }
0x360: {  	v1 =	vld.idx.msk [tilespmem:v53+s30+$0x0], $0xffff  }
0x361: {  	v54 =	vor.u32 $0x200, v0;
	_ =	sdelay $0x3  }
0x362: {  	[tilespmem:s31+$0x8FE0] =	vst v1  }
0x363: {  	v1 =	vld.idx.msk [tilespmem:v54+s30+$0x0], $0xffff  }
0x364: {  	v55 =	vor.u32 $0x280, v0;
	_ =	sdelay $0x3  }
0x365: {  	[tilespmem:s31+$0x9060] =	vst v1  }
0x366: {  	v1 =	vld.idx.msk [tilespmem:v55+s30+$0x0], $0xffff  }
0x367: {  	v56 =	vor.u32 $0x300, v0;
	_ =	sdelay $0x3  }
0x368: {  	[tilespmem:s31+$0x90E0] =	vst v1  }
0x369: {  	v1 =	vld.idx.msk [tilespmem:v56+s30+$0x0], $0xffff  }
0x36a: {  	v0 =	vor.u32 $0x380, v0;
	_ =	sdelay $0x3  }
0x36b: {  	[tilespmem:s31+$0x9160] =	vst v1  }
0x36c: {  	v0 =	vld.idx.msk [tilespmem:v0+s30+$0x0], $0xffff;
	_ =	sdelay $0x4  }
0x36d: {  	[tilespmem:s31+$0x91E0] =	vst v0  }
0x36e: {  	v0 =	vld [tilespmem:$0x1F0];
	_ =	sdelay $0x4  }
0x36f: {  	v57 =	vshll.u32 v0, $0x3  }
0x370: {  	v0 =	vand.u32 $0x7F, v0;
	v1 =	vand.u32 $0xFFFFFC00, v57  }
0x371: {  	v0 =	vor.u32 v0, v1;
	_ =	sdelay $0x4  }
0x372: {  	v1 =	vld.idx.msk [tilespmem:v0+s30+$0x0], $0xffff  }
0x373: {  	v58 =	vor.u32 $0x80, v0;
	_ =	sdelay $0x3  }
0x374: {  	[tilespmem:s31+$0x8E70] =	vst v1  }
0x375: {  	v1 =	vld.idx.msk [tilespmem:v58+s30+$0x0], $0xffff  }
0x376: {  	v59 =	vor.u32 $0x100, v0;
	_ =	sdelay $0x3  }
0x377: {  	[tilespmem:s31+$0x8EF0] =	vst v1  }
0x378: {  	v1 =	vld.idx.msk [tilespmem:v59+s30+$0x0], $0xffff  }
0x379: {  	v60 =	vor.u32 $0x180, v0;
	_ =	sdelay $0x3  }
0x37a: {  	[tilespmem:s31+$0x8F70] =	vst v1  }
0x37b: {  	v1 =	vld.idx.msk [tilespmem:v60+s30+$0x0], $0xffff  }
0x37c: {  	v61 =	vor.u32 $0x200, v0;
	_ =	sdelay $0x3  }
0x37d: {  	[tilespmem:s31+$0x8FF0] =	vst v1  }
0x37e: {  	v1 =	vld.idx.msk [tilespmem:v61+s30+$0x0], $0xffff  }
0x37f: {  	v62 =	vor.u32 $0x280, v0;
	_ =	sdelay $0x3  }
0x380: {  	[tilespmem:s31+$0x9070] =	vst v1  }
0x381: {  	v1 =	vld.idx.msk [tilespmem:v62+s30+$0x0], $0xffff  }
0x382: {  	v63 =	vor.u32 $0x300, v0;
	_ =	sdelay $0x3  }
0x383: {  	[tilespmem:s31+$0x90F0] =	vst v1  }
0x384: {  	v1 =	vld.idx.msk [tilespmem:v63+s30+$0x0], $0xffff  }
0x385: {  	v0 =	vor.u32 $0x380, v0;
	_ =	sdelay $0x3  }
0x386: {  	[tilespmem:s31+$0x9170] =	vst v1  }
0x387: {  	v0 =	vld.idx.msk [tilespmem:v0+s30+$0x0], $0xffff;
	_ =	sdelay $0x3  }
0x388: {  	p2 =	seq.s32 s12, $0x1  }
0x389: {  	s18 =	sadd.s32 s5, s18;
	p1 =	por p2, p1;
	[tilespmem:s31+$0x91F0] =	vst v0  }
0x38a: {  	s18 =	sshll.u32 @p1 s18, $0x9;
	s22 =	simm.s32 $0x1;
	_ =	strace $0x9000004B  }
0x38b: {  	s18 =	sand.u32 @p1 $0x1FFFFE00, s18;
	s22 =	simm.s32 @!p0 $0x0;
	_ =	strace @p1 $0x8000004C  }
0x38c: {  	p0 =	seq.s32 s12, $0x20;
	s19 =	sadd.s32 @p1 $0x3, s19;
	s21 =	rddreg [dreg:$0x4]  }
0x38d: {  	s20 =	sor.u32 $0x8200, s31;
	s18 =	sadd.s32 @p1 s21, s18;
	s21 =	simm.s32 @p1 $0x0  }
0x38e: {  	[hbm4b:s18+s21] =	stream.linear.scatter @p1 [tilespmem:s20], [sflag:s19], $0x1000, $0x200038;
	[tilespmem:$0xA200] =	vst v63  }
0x38f: {  	s18 =	simm.s32 $0x1;
	s20 =	simm.s32 $0x1;
	_ =	strace @p1 $0x9000004C  }
0x390: {  	s18 =	simm.s32 @!p1 $0x0;
	p1 =	sne.s32 s12, $0x20;
	s12 =	sadd.s32 $0xFFFFFFFF, s12  }
0x391: {  	s19 =	sand.u32 @!p0 $0x1, s14;
	s20 =	simm.s32 @!p1 $0x0;
	p1 =	sne.s32 s12, $0x0  }
.Ltmp0:
0x392: {  	s19 =	sadd.s32 @!p0 $0x3, s19;
	_ =	strace @!p0 $0x8000004D;
	(pc) =	sbr.rel @p1 .LBB2_2-.Ltmp0, $4  }
0x393: {  	_ =	swait.ge @!p0 [sflag:s19], $0x1000  }
0x394: {  	[sflag:s19] =	ssyncset.done @!p0 $0x0  }
0x395: {  	s17 =	sadd.s32 s22, s17;
	s15 =	sadd.s32 s18, s15;
	[sflag:s19] =	ssyncadd.s32 @!p0 $0xFFFFF000  }
0x396: {  	s16 =	sadd.s32 s18, s16;
	s14 =	sadd.s32 s20, s14;
	_ =	strace @!p0 $0x9000004D  }
0x397: {  	s11 =	sadd.s32 $0x1, s11  }
0x398: {  	p0 =	sne.s32 s11, s7  }
.Ltmp1:
0x399: {  	_ =	strace $0x8000004E;
	(pc) =	sbr.rel @p0 .LBB2_1-.Ltmp1, $4  }
0x39a: {  	_ =	swait.ge [sflag:s10], $0x1000  }
0x39b: {  	[sflag:s10] =	ssyncset.done $0x0  }
0x39c: {  	[sflag:s10] =	ssyncadd.s32 $0xFFFFF000  }
0x39d: {  	_ =	strace $0x9000004E  }
0x39e: {  	_ =	sfence.sel $0x180000  }
0x39f: {  	[bflag:$0x0] =	sbarrier.arrive $0xFFFF  }
0x3a0: {  	p0 =	sne.s32 s3, $0x0;
	_ =	strace $0x90000047  }
0x3a1: {  	s0 =	sadd.s32 @!p0 $0x100000, s0;
	[bflag:$0x2] =	sbarrier.arrive $0xFFFF  }
0x3a2: {  	[sflag:s0] =	ssyncadd.tile.s32 @!p0 $0x1;
	_ =	shalt  }
.Lfunc_end2:
_tile_overlayer_lowered:
.L_overlay_start_2:
0x3a3: {  	(tag) =	ssettag $0x2  }
0x3a4: {  	s0 =	rddreg [dreg:$0x0];
	s2 =	stileid.u32  }
0x3a5: {  	s1 =	rddreg [dreg:$0x1];
	p0 =	sne.s32 s2, $0x0  }
0x3a6: {  	s3 =	rddreg [dreg:$0x2];
	[bflag:$0x3] =	sbarrier.arrive $0xFFFF;
	s2 =	simm.s32 @!p0 $0x1C01  }
0x3a7: {  	[timem:s3], [sflag:s2] =	dma.local @!p0 [hbm:s0], s1  }
0x3a8: {  	s0 =	simm.s32 @!p0 $0x1  }
0x3a9: {  	_ =	swait.ge @!p0 [sflag:s0], s1  }
0x3aa: {  	s1 =	ssub.s32 @!p0 $0x0, s1;
	[sflag:s0] =	ssyncset.done @!p0 $0x0  }
0x3ab: {  	[sflag:s0] =	ssyncadd.s32 @!p0 s1  }
0x3ac: {  	[bflag:$0x3] =	sbarrier.arrive $0xFFFF  }
0x3ad: {  	_ =	shalt  }

</sc_bundles>
